<compile_context>
chip_gen: v7x
topology: tpu7x:2x2x1
jax: 0.10.2.dev20260603
libtpu: 0.0.44.dev20260713+nightly
codegen_flags: <defaults>
</compile_context>

<pallas_src>
import jax
import jax.numpy as jnp
from jax import lax
from jax.experimental import pallas as pl
from jax.experimental.pallas import tpu as pltpu
from jax.experimental.pallas import tpu_sc as plsc

B = 16384
D = 32
NC = 2
NS = 16
L = 16
NW = NC * NS
BPW = B // NW
CHUNK = 128
NCHUNK = BPW // CHUNK
NGROUP = BPW // L
NSLOT = 8
NROUND = BPW // NSLOT
Y_LO, Y_HI = 1.0, 5.0


def _dot_kernel(users_hbm, items_hbm, uet_hbm, iet_hbm, dot_hbm,
                us_v, is_v, acc_v, *slots_and_sems):
    slots_u = slots_and_sems[0:NSLOT]
    slots_i = slots_and_sems[NSLOT:2 * NSLOT]
    sems_u = slots_and_sems[2 * NSLOT:3 * NSLOT]
    sems_i = slots_and_sems[3 * NSLOT:4 * NSLOT]

    wid = lax.axis_index("s") * NC + lax.axis_index("c")
    base_b = wid * BPW

    pltpu.sync_copy(users_hbm.at[pl.ds(base_b, BPW)], us_v)
    pltpu.sync_copy(items_hbm.at[pl.ds(base_b, BPW)], is_v)

    def zero_body(g, carry):
        acc_v[pl.ds(pl.multiple_of(g * L, L), L)] = jnp.zeros((L,), jnp.float32)
        return carry

    lax.fori_loop(0, NGROUP, zero_body, 0)

    iota = lax.iota(jnp.int32, L)

    def read_idx(ref, b):
        grp = pl.multiple_of((b // L) * L, L)
        v = ref[pl.ds(grp, L)]
        mask = iota == jnp.full((L,), b % L, jnp.int32)
        return jnp.sum(jnp.where(mask, v, 0))

    def issue(b, k):
        cu = pl.multiple_of((read_idx(us_v, b) >> 7) * 128, 128)
        ci = pl.multiple_of((read_idx(is_v, b) >> 7) * 128, 128)
        pltpu.make_async_copy(
            uet_hbm.at[:, pl.ds(cu, CHUNK)], slots_u[k], sems_u[k]).start()
        pltpu.make_async_copy(
            iet_hbm.at[:, pl.ds(ci, CHUNK)], slots_i[k], sems_i[k]).start()

    def consume(b, k):
        pltpu.make_async_copy(
            uet_hbm.at[:, pl.ds(0, CHUNK)], slots_u[k], sems_u[k]).wait()
        pltpu.make_async_copy(
            iet_hbm.at[:, pl.ds(0, CHUNK)], slots_i[k], sems_i[k]).wait()
        lu = jnp.full((L,), read_idx(us_v, b) & 127, jnp.int32)
        li = jnp.full((L,), read_idx(is_v, b) & 127, jnp.int32)
        gu_lo = plsc.load_gather(slots_u[k], [iota, lu])
        gu_hi = plsc.load_gather(slots_u[k], [iota + L, lu])
        gi_lo = plsc.load_gather(slots_i[k], [iota, li])
        gi_hi = plsc.load_gather(slots_i[k], [iota + L, li])
        part = gu_lo * gi_lo + gu_hi * gi_hi
        plsc.addupdate_scatter(acc_v, [jnp.full((L,), b, jnp.int32)], part)

    for k in range(NSLOT):
        issue(k, k)

    def round_body(r, carry):
        for k in range(NSLOT):
            b = r * NSLOT + k
            consume(b, k)
            issue(b + NSLOT, k)
        return carry

    lax.fori_loop(0, NROUND - 1, round_body, 0)
    for k in range(NSLOT):
        consume((NROUND - 1) * NSLOT + k, k)

    pltpu.sync_copy(acc_v, dot_hbm.at[pl.ds(base_b, BPW)])


def _bias_kernel(users_hbm, items_hbm, ub_hbm, ib_hbm, dot_hbm,
                 out_hbm, idx_u, idx_i, ub_v, ib_v, dot_v, sem):
    wid = lax.axis_index("s") * NC + lax.axis_index("c")

    pltpu.sync_copy(users_hbm.at[wid], idx_u)
    pltpu.sync_copy(items_hbm.at[wid], idx_i)
    pltpu.sync_copy(dot_hbm.at[pl.ds(wid * BPW, BPW)], dot_v)

    copies = []
    for j in range(NCHUNK):
        rows = pl.ds(j * CHUNK, CHUNK)
        copies.append(pltpu.make_async_copy(
            ub_hbm.at[idx_u.at[j]], ub_v.at[rows], sem))
        copies.append(pltpu.make_async_copy(
            ib_hbm.at[idx_i.at[j]], ib_v.at[rows], sem))
    for c in copies:
        c.start()
    for c in copies:
        c.wait()

    def body(g, carry):
        s = pl.ds(pl.multiple_of(g * L, L), L)
        acc = dot_v[s] + ub_v[s] + ib_v[s]
        y = 1.0 / (1.0 + jnp.exp(-acc))
        dot_v[s] = y * (Y_HI - Y_LO) + Y_LO
        return carry

    lax.fori_loop(0, NGROUP, body, 0)
    pltpu.sync_copy(dot_v, out_hbm.at[pl.ds(wid * BPW, BPW)])


@jax.jit
def kernel(users, items, user_emb, item_emb, user_bias, item_bias):
    users = users.astype(jnp.int32)
    items = items.astype(jnp.int32)
    users_3d = users.reshape(NW, NCHUNK, CHUNK)
    items_3d = items.reshape(NW, NCHUNK, CHUNK)
    ub = user_bias.reshape(-1)
    ib = item_bias.reshape(-1)
    uet = user_emb.T
    iet = item_emb.T

    mesh = plsc.VectorSubcoreMesh(core_axis_name="c", subcore_axis_name="s")

    dot_run = pl.kernel(
        _dot_kernel,
        out_type=jax.ShapeDtypeStruct((B,), jnp.float32),
        mesh=mesh,
        compiler_params=pltpu.CompilerParams(
            needs_layout_passes=False, use_tc_tiling_on_sc=True),
        scratch_types=(
            [pltpu.VMEM((BPW,), jnp.int32)] * 2
            + [pltpu.VMEM((BPW,), jnp.float32)]
            + [pltpu.VMEM((D, CHUNK), jnp.float32)] * (2 * NSLOT)
            + [pltpu.SemaphoreType.DMA] * (2 * NSLOT)
        ),
    )
    dots = dot_run(users, items, uet, iet)

    bias_run = pl.kernel(
        _bias_kernel,
        out_type=jax.ShapeDtypeStruct((B,), jnp.float32),
        mesh=mesh,
        compiler_params=pltpu.CompilerParams(
            needs_layout_passes=False, use_tc_tiling_on_sc=False),
        scratch_types=[
            pltpu.VMEM((NCHUNK, CHUNK), jnp.int32),
            pltpu.VMEM((NCHUNK, CHUNK), jnp.int32),
            pltpu.VMEM((BPW,), jnp.float32),
            pltpu.VMEM((BPW,), jnp.float32),
            pltpu.VMEM((BPW,), jnp.float32),
            pltpu.SemaphoreType.DMA,
        ],
    )
    return bias_run(users_3d, items_3d, ub, ib, dots)

# --- scband reference (transcript-rebuilt; emitter-appended) ---
"""Pipeline reference for scband-mf-dot-bias-6493990551807 (READ-ONLY COPY).

The authoritative reference and input builder live on the scoring server;
editing this copy changes nothing except your own understanding.
"""

import jax, jax.numpy as jnp
import numpy as np

B = 16384
N_USERS = 1000000
N_ITEMS = 1000000
D = 32
Y_LO, Y_HI = 1.0, 5.0


def setup_inputs(seed: int = 0) -> dict:
    key = jax.random.key(seed)
    ku, ki, k1, k2, k3, k4 = jax.random.split(key, 6)
    users = jax.random.randint(ku, (B,), 0, N_USERS + 1)
    items = jax.random.randint(ki, (B,), 0, N_ITEMS + 1)
    user_emb = jax.random.normal(k1, (N_USERS + 1, D), dtype=jnp.float32) * 0.01
    item_emb = jax.random.normal(k2, (N_ITEMS + 1, D), dtype=jnp.float32) * 0.01
    user_bias = jax.random.normal(k3, (N_USERS + 1, 1), dtype=jnp.float32) * 0.01
    item_bias = jax.random.normal(k4, (N_ITEMS + 1, 1), dtype=jnp.float32) * 0.01
    # emulate nn.Embedding(padding_idx=0): row 0 initialized to zeros
    user_emb = user_emb.at[0].set(0.0)
    item_emb = item_emb.at[0].set(0.0)
    user_bias = user_bias.at[0].set(0.0)
    item_bias = item_bias.at[0].set(0.0)
    return {"users": users, "items": items, "user_emb": user_emb, "item_emb": item_emb, "user_bias": user_bias, "item_bias": item_bias}


def reference(users, items, user_emb, item_emb, user_bias, item_bias):
    dot = jnp.take(user_emb, users, axis=0) * jnp.take(item_emb, items, axis=0)
    result = jnp.sum(dot, axis=1)
    result = result + jnp.take(user_bias, users, axis=0).squeeze() + jnp.take(item_bias, items, axis=0).squeeze()
    return jax.nn.sigmoid(result) * (Y_HI - Y_LO) + Y_LO

if __name__ == "__main__":
    import jax
    _d = setup_inputs()
    print(jax.jit(kernel)(*tuple(_d.values())))

</pallas_src>

<mosaic_0001>
#map = affine_map<(d0, d1) -> (0, 0, 0)>
#map1 = affine_map<(d0, d1) -> (0)>
module attributes {stable_mosaic.version = 14 : i64} {
  func.func @_bias_kernel(%arg0: i32, %arg1: i32, %arg2: memref<32x4x128xi32, #tpu.memory_space<hbm>>, %arg3: memref<32x4x128xi32, #tpu.memory_space<hbm>>, %arg4: memref<1000001xf32, #tpu.memory_space<hbm>>, %arg5: memref<1000001xf32, #tpu.memory_space<hbm>>, %arg6: memref<16384xf32, #tpu.memory_space<hbm>>, %arg7: memref<16384xf32, #tpu.memory_space<hbm>>, %arg8: memref<4x128xi32, #tpu.memory_space<vmem>>, %arg9: memref<4x128xi32, #tpu.memory_space<vmem>>, %arg10: memref<512xf32, #tpu.memory_space<vmem>>, %arg11: memref<512xf32, #tpu.memory_space<vmem>>, %arg12: memref<512xf32, #tpu.memory_space<vmem>>, %arg13: memref<!tpu.dma_semaphore, #tpu.memory_space<semaphore_mem>>) attributes {dimension_semantics = [#tpu.dimension_semantics<core_parallel>, #tpu.dimension_semantics<subcore_parallel>], iteration_bounds = array<i64: 2, 16>, scalar_prefetch = 0 : i64, scratch_operands = 6 : i64, tpu.core_type = #tpu.core_type<sc_vector_subcore>, window_params = [{transform_indices = #map}, {transform_indices = #map}, {transform_indices = #map1}, {transform_indices = #map1}, {transform_indices = #map1}, {transform_indices = #map1}]} {
    %mul3A = arith.constant 2 : i32
    %mul3A_0 = arith.muli %arg1, %mul3A : i32
    %add3A = arith.addi %mul3A_0, %arg0 : i32
    "tpu.region"() ({
      %run_scoped3A = tpu.sem_alloc : memref<!tpu.dma_semaphore, #tpu.memory_space<semaphore_mem>>
      %dma_start3A_136 = arith.constant 0 : i32
      %dma_start3A_137 = arith.constant 0 : i32
      %dma_start3A_138 = tpu.memref_slice %arg2[%add3A, %dma_start3A_136, %dma_start3A_137] : memref<32x4x128xi32, #tpu.memory_space<hbm>> -> memref<1x4x128xi32, #tpu.memory_space<hbm>>
      %dma_start3A_139 = tpu.memref_squeeze %dma_start3A_138 : memref<1x4x128xi32, #tpu.memory_space<hbm>> -> memref<4x128xi32, #tpu.memory_space<hbm>>
      %dma_start3A_140 = arith.constant 0 : i32
      %dma_start3A_141 = arith.constant 0 : i32
      %dma_start3A_142 = tpu.memref_slice %arg2[%add3A, %dma_start3A_140, %dma_start3A_141] : memref<32x4x128xi32, #tpu.memory_space<hbm>> -> memref<1x4x128xi32, #tpu.memory_space<hbm>>
      %dma_start3A_143 = tpu.memref_squeeze %dma_start3A_142 : memref<1x4x128xi32, #tpu.memory_space<hbm>> -> memref<4x128xi32, #tpu.memory_space<hbm>>
      tpu.enqueue_dma source(%dma_start3A_143 : memref<4x128xi32, #tpu.memory_space<hbm>>) target(%arg8 : memref<4x128xi32, #tpu.memory_space<vmem>>) target_semaphore(%run_scoped3A : memref<!tpu.dma_semaphore, #tpu.memory_space<semaphore_mem>>)
      %dma_wait3A_144 = arith.constant 0 : i32
      %dma_wait3A_145 = arith.constant 0 : i32
      %dma_wait3A_146 = tpu.memref_slice %arg2[%add3A, %dma_wait3A_144, %dma_wait3A_145] : memref<32x4x128xi32, #tpu.memory_space<hbm>> -> memref<1x4x128xi32, #tpu.memory_space<hbm>>
      %dma_wait3A_147 = tpu.memref_squeeze %dma_wait3A_146 : memref<1x4x128xi32, #tpu.memory_space<hbm>> -> memref<4x128xi32, #tpu.memory_space<hbm>>
      %dma_wait3A_148 = arith.constant 0 : i32
      %dma_wait3A_149 = arith.constant 0 : i32
      %dma_wait3A_150 = tpu.memref_slice %arg2[%add3A, %dma_wait3A_148, %dma_wait3A_149] : memref<32x4x128xi32, #tpu.memory_space<hbm>> -> memref<1x4x128xi32, #tpu.memory_space<hbm>>
      %dma_wait3A_151 = tpu.memref_squeeze %dma_wait3A_150 : memref<1x4x128xi32, #tpu.memory_space<hbm>> -> memref<4x128xi32, #tpu.memory_space<hbm>>
      tpu.wait_dma2 semaphore(%run_scoped3A : memref<!tpu.dma_semaphore, #tpu.memory_space<semaphore_mem>>) src(%dma_wait3A_151 : memref<4x128xi32, #tpu.memory_space<hbm>>) dst(%arg8 : memref<4x128xi32, #tpu.memory_space<vmem>>)
      tpu.yield
    }) : () -> ()
    "tpu.region"() ({
      %run_scoped3A = tpu.sem_alloc : memref<!tpu.dma_semaphore, #tpu.memory_space<semaphore_mem>>
      %dma_start3A_136 = arith.constant 0 : i32
      %dma_start3A_137 = arith.constant 0 : i32
      %dma_start3A_138 = tpu.memref_slice %arg3[%add3A, %dma_start3A_136, %dma_start3A_137] : memref<32x4x128xi32, #tpu.memory_space<hbm>> -> memref<1x4x128xi32, #tpu.memory_space<hbm>>
      %dma_start3A_139 = tpu.memref_squeeze %dma_start3A_138 : memref<1x4x128xi32, #tpu.memory_space<hbm>> -> memref<4x128xi32, #tpu.memory_space<hbm>>
      %dma_start3A_140 = arith.constant 0 : i32
      %dma_start3A_141 = arith.constant 0 : i32
      %dma_start3A_142 = tpu.memref_slice %arg3[%add3A, %dma_start3A_140, %dma_start3A_141] : memref<32x4x128xi32, #tpu.memory_space<hbm>> -> memref<1x4x128xi32, #tpu.memory_space<hbm>>
      %dma_start3A_143 = tpu.memref_squeeze %dma_start3A_142 : memref<1x4x128xi32, #tpu.memory_space<hbm>> -> memref<4x128xi32, #tpu.memory_space<hbm>>
      tpu.enqueue_dma source(%dma_start3A_143 : memref<4x128xi32, #tpu.memory_space<hbm>>) target(%arg9 : memref<4x128xi32, #tpu.memory_space<vmem>>) target_semaphore(%run_scoped3A : memref<!tpu.dma_semaphore, #tpu.memory_space<semaphore_mem>>)
      %dma_wait3A_144 = arith.constant 0 : i32
      %dma_wait3A_145 = arith.constant 0 : i32
      %dma_wait3A_146 = tpu.memref_slice %arg3[%add3A, %dma_wait3A_144, %dma_wait3A_145] : memref<32x4x128xi32, #tpu.memory_space<hbm>> -> memref<1x4x128xi32, #tpu.memory_space<hbm>>
      %dma_wait3A_147 = tpu.memref_squeeze %dma_wait3A_146 : memref<1x4x128xi32, #tpu.memory_space<hbm>> -> memref<4x128xi32, #tpu.memory_space<hbm>>
      %dma_wait3A_148 = arith.constant 0 : i32
      %dma_wait3A_149 = arith.constant 0 : i32
      %dma_wait3A_150 = tpu.memref_slice %arg3[%add3A, %dma_wait3A_148, %dma_wait3A_149] : memref<32x4x128xi32, #tpu.memory_space<hbm>> -> memref<1x4x128xi32, #tpu.memory_space<hbm>>
      %dma_wait3A_151 = tpu.memref_squeeze %dma_wait3A_150 : memref<1x4x128xi32, #tpu.memory_space<hbm>> -> memref<4x128xi32, #tpu.memory_space<hbm>>
      tpu.wait_dma2 semaphore(%run_scoped3A : memref<!tpu.dma_semaphore, #tpu.memory_space<semaphore_mem>>) src(%dma_wait3A_151 : memref<4x128xi32, #tpu.memory_space<hbm>>) dst(%arg9 : memref<4x128xi32, #tpu.memory_space<vmem>>)
      tpu.yield
    }) : () -> ()
    %mul3A_1 = arith.constant 512 : i32
    %mul3A_2 = arith.muli %add3A, %mul3A_1 : i32
    "tpu.region"() ({
      %run_scoped3A = tpu.sem_alloc : memref<!tpu.dma_semaphore, #tpu.memory_space<semaphore_mem>>
      %dma_start3A_136 = tpu.memref_slice %arg6[%mul3A_2] : memref<16384xf32, #tpu.memory_space<hbm>> -> memref<512xf32, #tpu.memory_space<hbm>>
      %dma_start3A_137 = tpu.memref_slice %arg6[%mul3A_2] : memref<16384xf32, #tpu.memory_space<hbm>> -> memref<512xf32, #tpu.memory_space<hbm>>
      tpu.enqueue_dma source(%dma_start3A_137 : memref<512xf32, #tpu.memory_space<hbm>>) target(%arg12 : memref<512xf32, #tpu.memory_space<vmem>>) target_semaphore(%run_scoped3A : memref<!tpu.dma_semaphore, #tpu.memory_space<semaphore_mem>>)
      %dma_wait3A_138 = tpu.memref_slice %arg6[%mul3A_2] : memref<16384xf32, #tpu.memory_space<hbm>> -> memref<512xf32, #tpu.memory_space<hbm>>
      %dma_wait3A_139 = tpu.memref_slice %arg6[%mul3A_2] : memref<16384xf32, #tpu.memory_space<hbm>> -> memref<512xf32, #tpu.memory_space<hbm>>
      tpu.wait_dma2 semaphore(%run_scoped3A : memref<!tpu.dma_semaphore, #tpu.memory_space<semaphore_mem>>) src(%dma_wait3A_139 : memref<512xf32, #tpu.memory_space<hbm>>) dst(%arg12 : memref<512xf32, #tpu.memory_space<vmem>>)
      tpu.yield
    }) : () -> ()
    %dma_start3A = arith.constant 0 : i32
    %dma_start3A_3 = arith.constant 0 : i32
    %dma_start3A_4 = tpu.memref_slice %arg10[%dma_start3A_3] : memref<512xf32, #tpu.memory_space<vmem>> -> memref<128xf32, #tpu.memory_space<vmem>>
    %dma_start3A_5 = arith.constant 0 : i32
    %dma_start3A_6 = tpu.memref_slice %arg8[%dma_start3A, %dma_start3A_5] : memref<4x128xi32, #tpu.memory_space<vmem>> -> memref<1x128xi32, #tpu.memory_space<vmem>>
    %dma_start3A_7 = tpu.memref_squeeze %dma_start3A_6 : memref<1x128xi32, #tpu.memory_space<vmem>> -> memref<128xi32, #tpu.memory_space<vmem>>
    %dma_start3A_8 = arith.constant 0 : i32
    %dma_start3A_9 = tpu.memref_slice %arg4[%dma_start3A_8] : memref<1000001xf32, #tpu.memory_space<hbm>> -> memref<1000001xf32, #tpu.memory_space<hbm>>
    tpu.enqueue_indirect_dma source(%dma_start3A_9 : memref<1000001xf32, #tpu.memory_space<hbm>>) target(%dma_start3A_4 : memref<128xf32, #tpu.memory_space<vmem>>) offsets(%dma_start3A_7 : memref<128xi32, #tpu.memory_space<vmem>>) semaphore(%arg13 : memref<!tpu.dma_semaphore, #tpu.memory_space<semaphore_mem>>)
    %dma_start3A_10 = arith.constant 0 : i32
    %dma_start3A_11 = arith.constant 0 : i32
    %dma_start3A_12 = tpu.memref_slice %arg11[%dma_start3A_11] : memref<512xf32, #tpu.memory_space<vmem>> -> memref<128xf32, #tpu.memory_space<vmem>>
    %dma_start3A_13 = arith.constant 0 : i32
    %dma_start3A_14 = tpu.memref_slice %arg9[%dma_start3A_10, %dma_start3A_13] : memref<4x128xi32, #tpu.memory_space<vmem>> -> memref<1x128xi32, #tpu.memory_space<vmem>>
    %dma_start3A_15 = tpu.memref_squeeze %dma_start3A_14 : memref<1x128xi32, #tpu.memory_space<vmem>> -> memref<128xi32, #tpu.memory_space<vmem>>
    %dma_start3A_16 = arith.constant 0 : i32
    %dma_start3A_17 = tpu.memref_slice %arg5[%dma_start3A_16] : memref<1000001xf32, #tpu.memory_space<hbm>> -> memref<1000001xf32, #tpu.memory_space<hbm>>
    tpu.enqueue_indirect_dma source(%dma_start3A_17 : memref<1000001xf32, #tpu.memory_space<hbm>>) target(%dma_start3A_12 : memref<128xf32, #tpu.memory_space<vmem>>) offsets(%dma_start3A_15 : memref<128xi32, #tpu.memory_space<vmem>>) semaphore(%arg13 : memref<!tpu.dma_semaphore, #tpu.memory_space<semaphore_mem>>)
    %dma_start3A_18 = arith.constant 1 : i32
    %dma_start3A_19 = arith.constant 128 : i32
    %dma_start3A_20 = tpu.memref_slice %arg10[%dma_start3A_19] : memref<512xf32, #tpu.memory_space<vmem>> -> memref<128xf32, #tpu.memory_space<vmem>>
    %dma_start3A_21 = arith.constant 0 : i32
    %dma_start3A_22 = tpu.memref_slice %arg8[%dma_start3A_18, %dma_start3A_21] : memref<4x128xi32, #tpu.memory_space<vmem>> -> memref<1x128xi32, #tpu.memory_space<vmem>>
    %dma_start3A_23 = tpu.memref_squeeze %dma_start3A_22 : memref<1x128xi32, #tpu.memory_space<vmem>> -> memref<128xi32, #tpu.memory_space<vmem>>
    %dma_start3A_24 = arith.constant 0 : i32
    %dma_start3A_25 = tpu.memref_slice %arg4[%dma_start3A_24] : memref<1000001xf32, #tpu.memory_space<hbm>> -> memref<1000001xf32, #tpu.memory_space<hbm>>
    tpu.enqueue_indirect_dma source(%dma_start3A_25 : memref<1000001xf32, #tpu.memory_space<hbm>>) target(%dma_start3A_20 : memref<128xf32, #tpu.memory_space<vmem>>) offsets(%dma_start3A_23 : memref<128xi32, #tpu.memory_space<vmem>>) semaphore(%arg13 : memref<!tpu.dma_semaphore, #tpu.memory_space<semaphore_mem>>)
    %dma_start3A_26 = arith.constant 1 : i32
    %dma_start3A_27 = arith.constant 128 : i32
    %dma_start3A_28 = tpu.memref_slice %arg11[%dma_start3A_27] : memref<512xf32, #tpu.memory_space<vmem>> -> memref<128xf32, #tpu.memory_space<vmem>>
    %dma_start3A_29 = arith.constant 0 : i32
    %dma_start3A_30 = tpu.memref_slice %arg9[%dma_start3A_26, %dma_start3A_29] : memref<4x128xi32, #tpu.memory_space<vmem>> -> memref<1x128xi32, #tpu.memory_space<vmem>>
    %dma_start3A_31 = tpu.memref_squeeze %dma_start3A_30 : memref<1x128xi32, #tpu.memory_space<vmem>> -> memref<128xi32, #tpu.memory_space<vmem>>
    %dma_start3A_32 = arith.constant 0 : i32
    %dma_start3A_33 = tpu.memref_slice %arg5[%dma_start3A_32] : memref<1000001xf32, #tpu.memory_space<hbm>> -> memref<1000001xf32, #tpu.memory_space<hbm>>
    tpu.enqueue_indirect_dma source(%dma_start3A_33 : memref<1000001xf32, #tpu.memory_space<hbm>>) target(%dma_start3A_28 : memref<128xf32, #tpu.memory_space<vmem>>) offsets(%dma_start3A_31 : memref<128xi32, #tpu.memory_space<vmem>>) semaphore(%arg13 : memref<!tpu.dma_semaphore, #tpu.memory_space<semaphore_mem>>)
    %dma_start3A_34 = arith.constant 2 : i32
    %dma_start3A_35 = arith.constant 256 : i32
    %dma_start3A_36 = tpu.memref_slice %arg10[%dma_start3A_35] : memref<512xf32, #tpu.memory_space<vmem>> -> memref<128xf32, #tpu.memory_space<vmem>>
    %dma_start3A_37 = arith.constant 0 : i32
    %dma_start3A_38 = tpu.memref_slice %arg8[%dma_start3A_34, %dma_start3A_37] : memref<4x128xi32, #tpu.memory_space<vmem>> -> memref<1x128xi32, #tpu.memory_space<vmem>>
    %dma_start3A_39 = tpu.memref_squeeze %dma_start3A_38 : memref<1x128xi32, #tpu.memory_space<vmem>> -> memref<128xi32, #tpu.memory_space<vmem>>
    %dma_start3A_40 = arith.constant 0 : i32
    %dma_start3A_41 = tpu.memref_slice %arg4[%dma_start3A_40] : memref<1000001xf32, #tpu.memory_space<hbm>> -> memref<1000001xf32, #tpu.memory_space<hbm>>
    tpu.enqueue_indirect_dma source(%dma_start3A_41 : memref<1000001xf32, #tpu.memory_space<hbm>>) target(%dma_start3A_36 : memref<128xf32, #tpu.memory_space<vmem>>) offsets(%dma_start3A_39 : memref<128xi32, #tpu.memory_space<vmem>>) semaphore(%arg13 : memref<!tpu.dma_semaphore, #tpu.memory_space<semaphore_mem>>)
    %dma_start3A_42 = arith.constant 2 : i32
    %dma_start3A_43 = arith.constant 256 : i32
    %dma_start3A_44 = tpu.memref_slice %arg11[%dma_start3A_43] : memref<512xf32, #tpu.memory_space<vmem>> -> memref<128xf32, #tpu.memory_space<vmem>>
    %dma_start3A_45 = arith.constant 0 : i32
    %dma_start3A_46 = tpu.memref_slice %arg9[%dma_start3A_42, %dma_start3A_45] : memref<4x128xi32, #tpu.memory_space<vmem>> -> memref<1x128xi32, #tpu.memory_space<vmem>>
    %dma_start3A_47 = tpu.memref_squeeze %dma_start3A_46 : memref<1x128xi32, #tpu.memory_space<vmem>> -> memref<128xi32, #tpu.memory_space<vmem>>
    %dma_start3A_48 = arith.constant 0 : i32
    %dma_start3A_49 = tpu.memref_slice %arg5[%dma_start3A_48] : memref<1000001xf32, #tpu.memory_space<hbm>> -> memref<1000001xf32, #tpu.memory_space<hbm>>
    tpu.enqueue_indirect_dma source(%dma_start3A_49 : memref<1000001xf32, #tpu.memory_space<hbm>>) target(%dma_start3A_44 : memref<128xf32, #tpu.memory_space<vmem>>) offsets(%dma_start3A_47 : memref<128xi32, #tpu.memory_space<vmem>>) semaphore(%arg13 : memref<!tpu.dma_semaphore, #tpu.memory_space<semaphore_mem>>)
    %dma_start3A_50 = arith.constant 3 : i32
    %dma_start3A_51 = arith.constant 384 : i32
    %dma_start3A_52 = tpu.memref_slice %arg10[%dma_start3A_51] : memref<512xf32, #tpu.memory_space<vmem>> -> memref<128xf32, #tpu.memory_space<vmem>>
    %dma_start3A_53 = arith.constant 0 : i32
    %dma_start3A_54 = tpu.memref_slice %arg8[%dma_start3A_50, %dma_start3A_53] : memref<4x128xi32, #tpu.memory_space<vmem>> -> memref<1x128xi32, #tpu.memory_space<vmem>>
    %dma_start3A_55 = tpu.memref_squeeze %dma_start3A_54 : memref<1x128xi32, #tpu.memory_space<vmem>> -> memref<128xi32, #tpu.memory_space<vmem>>
    %dma_start3A_56 = arith.constant 0 : i32
    %dma_start3A_57 = tpu.memref_slice %arg4[%dma_start3A_56] : memref<1000001xf32, #tpu.memory_space<hbm>> -> memref<1000001xf32, #tpu.memory_space<hbm>>
    tpu.enqueue_indirect_dma source(%dma_start3A_57 : memref<1000001xf32, #tpu.memory_space<hbm>>) target(%dma_start3A_52 : memref<128xf32, #tpu.memory_space<vmem>>) offsets(%dma_start3A_55 : memref<128xi32, #tpu.memory_space<vmem>>) semaphore(%arg13 : memref<!tpu.dma_semaphore, #tpu.memory_space<semaphore_mem>>)
    %dma_start3A_58 = arith.constant 3 : i32
    %dma_start3A_59 = arith.constant 384 : i32
    %dma_start3A_60 = tpu.memref_slice %arg11[%dma_start3A_59] : memref<512xf32, #tpu.memory_space<vmem>> -> memref<128xf32, #tpu.memory_space<vmem>>
    %dma_start3A_61 = arith.constant 0 : i32
    %dma_start3A_62 = tpu.memref_slice %arg9[%dma_start3A_58, %dma_start3A_61] : memref<4x128xi32, #tpu.memory_space<vmem>> -> memref<1x128xi32, #tpu.memory_space<vmem>>
    %dma_start3A_63 = tpu.memref_squeeze %dma_start3A_62 : memref<1x128xi32, #tpu.memory_space<vmem>> -> memref<128xi32, #tpu.memory_space<vmem>>
    %dma_start3A_64 = arith.constant 0 : i32
    %dma_start3A_65 = tpu.memref_slice %arg5[%dma_start3A_64] : memref<1000001xf32, #tpu.memory_space<hbm>> -> memref<1000001xf32, #tpu.memory_space<hbm>>
    tpu.enqueue_indirect_dma source(%dma_start3A_65 : memref<1000001xf32, #tpu.memory_space<hbm>>) target(%dma_start3A_60 : memref<128xf32, #tpu.memory_space<vmem>>) offsets(%dma_start3A_63 : memref<128xi32, #tpu.memory_space<vmem>>) semaphore(%arg13 : memref<!tpu.dma_semaphore, #tpu.memory_space<semaphore_mem>>)
    %dma_wait3A = arith.constant 0 : i32
    %dma_wait3A_66 = arith.constant 0 : i32
    %dma_wait3A_67 = tpu.memref_slice %arg10[%dma_wait3A_66] : memref<512xf32, #tpu.memory_space<vmem>> -> memref<128xf32, #tpu.memory_space<vmem>>
    %dma_wait3A_68 = arith.constant 0 : i32
    %dma_wait3A_69 = tpu.memref_slice %arg8[%dma_wait3A, %dma_wait3A_68] : memref<4x128xi32, #tpu.memory_space<vmem>> -> memref<1x128xi32, #tpu.memory_space<vmem>>
    %dma_wait3A_70 = tpu.memref_squeeze %dma_wait3A_69 : memref<1x128xi32, #tpu.memory_space<vmem>> -> memref<128xi32, #tpu.memory_space<vmem>>
    %dma_wait3A_71 = arith.constant 0 : i32
    %dma_wait3A_72 = tpu.memref_slice %arg4[%dma_wait3A_71] : memref<1000001xf32, #tpu.memory_space<hbm>> -> memref<1000001xf32, #tpu.memory_space<hbm>>
    tpu.wait_indirect_dma semaphore(%arg13 : memref<!tpu.dma_semaphore, #tpu.memory_space<semaphore_mem>>) src(%dma_wait3A_72 : memref<1000001xf32, #tpu.memory_space<hbm>>) dst(%dma_wait3A_67 : memref<128xf32, #tpu.memory_space<vmem>>)
    %dma_wait3A_73 = arith.constant 0 : i32
    %dma_wait3A_74 = arith.constant 0 : i32
    %dma_wait3A_75 = tpu.memref_slice %arg11[%dma_wait3A_74] : memref<512xf32, #tpu.memory_space<vmem>> -> memref<128xf32, #tpu.memory_space<vmem>>
    %dma_wait3A_76 = arith.constant 0 : i32
    %dma_wait3A_77 = tpu.memref_slice %arg9[%dma_wait3A_73, %dma_wait3A_76] : memref<4x128xi32, #tpu.memory_space<vmem>> -> memref<1x128xi32, #tpu.memory_space<vmem>>
    %dma_wait3A_78 = tpu.memref_squeeze %dma_wait3A_77 : memref<1x128xi32, #tpu.memory_space<vmem>> -> memref<128xi32, #tpu.memory_space<vmem>>
    %dma_wait3A_79 = arith.constant 0 : i32
    %dma_wait3A_80 = tpu.memref_slice %arg5[%dma_wait3A_79] : memref<1000001xf32, #tpu.memory_space<hbm>> -> memref<1000001xf32, #tpu.memory_space<hbm>>
    tpu.wait_indirect_dma semaphore(%arg13 : memref<!tpu.dma_semaphore, #tpu.memory_space<semaphore_mem>>) src(%dma_wait3A_80 : memref<1000001xf32, #tpu.memory_space<hbm>>) dst(%dma_wait3A_75 : memref<128xf32, #tpu.memory_space<vmem>>)
    %dma_wait3A_81 = arith.constant 1 : i32
    %dma_wait3A_82 = arith.constant 128 : i32
    %dma_wait3A_83 = tpu.memref_slice %arg10[%dma_wait3A_82] : memref<512xf32, #tpu.memory_space<vmem>> -> memref<128xf32, #tpu.memory_space<vmem>>
    %dma_wait3A_84 = arith.constant 0 : i32
    %dma_wait3A_85 = tpu.memref_slice %arg8[%dma_wait3A_81, %dma_wait3A_84] : memref<4x128xi32, #tpu.memory_space<vmem>> -> memref<1x128xi32, #tpu.memory_space<vmem>>
    %dma_wait3A_86 = tpu.memref_squeeze %dma_wait3A_85 : memref<1x128xi32, #tpu.memory_space<vmem>> -> memref<128xi32, #tpu.memory_space<vmem>>
    %dma_wait3A_87 = arith.constant 0 : i32
    %dma_wait3A_88 = tpu.memref_slice %arg4[%dma_wait3A_87] : memref<1000001xf32, #tpu.memory_space<hbm>> -> memref<1000001xf32, #tpu.memory_space<hbm>>
    tpu.wait_indirect_dma semaphore(%arg13 : memref<!tpu.dma_semaphore, #tpu.memory_space<semaphore_mem>>) src(%dma_wait3A_88 : memref<1000001xf32, #tpu.memory_space<hbm>>) dst(%dma_wait3A_83 : memref<128xf32, #tpu.memory_space<vmem>>)
    %dma_wait3A_89 = arith.constant 1 : i32
    %dma_wait3A_90 = arith.constant 128 : i32
    %dma_wait3A_91 = tpu.memref_slice %arg11[%dma_wait3A_90] : memref<512xf32, #tpu.memory_space<vmem>> -> memref<128xf32, #tpu.memory_space<vmem>>
    %dma_wait3A_92 = arith.constant 0 : i32
    %dma_wait3A_93 = tpu.memref_slice %arg9[%dma_wait3A_89, %dma_wait3A_92] : memref<4x128xi32, #tpu.memory_space<vmem>> -> memref<1x128xi32, #tpu.memory_space<vmem>>
    %dma_wait3A_94 = tpu.memref_squeeze %dma_wait3A_93 : memref<1x128xi32, #tpu.memory_space<vmem>> -> memref<128xi32, #tpu.memory_space<vmem>>
    %dma_wait3A_95 = arith.constant 0 : i32
    %dma_wait3A_96 = tpu.memref_slice %arg5[%dma_wait3A_95] : memref<1000001xf32, #tpu.memory_space<hbm>> -> memref<1000001xf32, #tpu.memory_space<hbm>>
    tpu.wait_indirect_dma semaphore(%arg13 : memref<!tpu.dma_semaphore, #tpu.memory_space<semaphore_mem>>) src(%dma_wait3A_96 : memref<1000001xf32, #tpu.memory_space<hbm>>) dst(%dma_wait3A_91 : memref<128xf32, #tpu.memory_space<vmem>>)
    %dma_wait3A_97 = arith.constant 2 : i32
    %dma_wait3A_98 = arith.constant 256 : i32
    %dma_wait3A_99 = tpu.memref_slice %arg10[%dma_wait3A_98] : memref<512xf32, #tpu.memory_space<vmem>> -> memref<128xf32, #tpu.memory_space<vmem>>
    %dma_wait3A_100 = arith.constant 0 : i32
    %dma_wait3A_101 = tpu.memref_slice %arg8[%dma_wait3A_97, %dma_wait3A_100] : memref<4x128xi32, #tpu.memory_space<vmem>> -> memref<1x128xi32, #tpu.memory_space<vmem>>
    %dma_wait3A_102 = tpu.memref_squeeze %dma_wait3A_101 : memref<1x128xi32, #tpu.memory_space<vmem>> -> memref<128xi32, #tpu.memory_space<vmem>>
    %dma_wait3A_103 = arith.constant 0 : i32
    %dma_wait3A_104 = tpu.memref_slice %arg4[%dma_wait3A_103] : memref<1000001xf32, #tpu.memory_space<hbm>> -> memref<1000001xf32, #tpu.memory_space<hbm>>
    tpu.wait_indirect_dma semaphore(%arg13 : memref<!tpu.dma_semaphore, #tpu.memory_space<semaphore_mem>>) src(%dma_wait3A_104 : memref<1000001xf32, #tpu.memory_space<hbm>>) dst(%dma_wait3A_99 : memref<128xf32, #tpu.memory_space<vmem>>)
    %dma_wait3A_105 = arith.constant 2 : i32
    %dma_wait3A_106 = arith.constant 256 : i32
    %dma_wait3A_107 = tpu.memref_slice %arg11[%dma_wait3A_106] : memref<512xf32, #tpu.memory_space<vmem>> -> memref<128xf32, #tpu.memory_space<vmem>>
    %dma_wait3A_108 = arith.constant 0 : i32
    %dma_wait3A_109 = tpu.memref_slice %arg9[%dma_wait3A_105, %dma_wait3A_108] : memref<4x128xi32, #tpu.memory_space<vmem>> -> memref<1x128xi32, #tpu.memory_space<vmem>>
    %dma_wait3A_110 = tpu.memref_squeeze %dma_wait3A_109 : memref<1x128xi32, #tpu.memory_space<vmem>> -> memref<128xi32, #tpu.memory_space<vmem>>
    %dma_wait3A_111 = arith.constant 0 : i32
    %dma_wait3A_112 = tpu.memref_slice %arg5[%dma_wait3A_111] : memref<1000001xf32, #tpu.memory_space<hbm>> -> memref<1000001xf32, #tpu.memory_space<hbm>>
    tpu.wait_indirect_dma semaphore(%arg13 : memref<!tpu.dma_semaphore, #tpu.memory_space<semaphore_mem>>) src(%dma_wait3A_112 : memref<1000001xf32, #tpu.memory_space<hbm>>) dst(%dma_wait3A_107 : memref<128xf32, #tpu.memory_space<vmem>>)
    %dma_wait3A_113 = arith.constant 3 : i32
    %dma_wait3A_114 = arith.constant 384 : i32
    %dma_wait3A_115 = tpu.memref_slice %arg10[%dma_wait3A_114] : memref<512xf32, #tpu.memory_space<vmem>> -> memref<128xf32, #tpu.memory_space<vmem>>
    %dma_wait3A_116 = arith.constant 0 : i32
    %dma_wait3A_117 = tpu.memref_slice %arg8[%dma_wait3A_113, %dma_wait3A_116] : memref<4x128xi32, #tpu.memory_space<vmem>> -> memref<1x128xi32, #tpu.memory_space<vmem>>
    %dma_wait3A_118 = tpu.memref_squeeze %dma_wait3A_117 : memref<1x128xi32, #tpu.memory_space<vmem>> -> memref<128xi32, #tpu.memory_space<vmem>>
    %dma_wait3A_119 = arith.constant 0 : i32
    %dma_wait3A_120 = tpu.memref_slice %arg4[%dma_wait3A_119] : memref<1000001xf32, #tpu.memory_space<hbm>> -> memref<1000001xf32, #tpu.memory_space<hbm>>
    tpu.wait_indirect_dma semaphore(%arg13 : memref<!tpu.dma_semaphore, #tpu.memory_space<semaphore_mem>>) src(%dma_wait3A_120 : memref<1000001xf32, #tpu.memory_space<hbm>>) dst(%dma_wait3A_115 : memref<128xf32, #tpu.memory_space<vmem>>)
    %dma_wait3A_121 = arith.constant 3 : i32
    %dma_wait3A_122 = arith.constant 384 : i32
    %dma_wait3A_123 = tpu.memref_slice %arg11[%dma_wait3A_122] : memref<512xf32, #tpu.memory_space<vmem>> -> memref<128xf32, #tpu.memory_space<vmem>>
    %dma_wait3A_124 = arith.constant 0 : i32
    %dma_wait3A_125 = tpu.memref_slice %arg9[%dma_wait3A_121, %dma_wait3A_124] : memref<4x128xi32, #tpu.memory_space<vmem>> -> memref<1x128xi32, #tpu.memory_space<vmem>>
    %dma_wait3A_126 = tpu.memref_squeeze %dma_wait3A_125 : memref<1x128xi32, #tpu.memory_space<vmem>> -> memref<128xi32, #tpu.memory_space<vmem>>
    %dma_wait3A_127 = arith.constant 0 : i32
    %dma_wait3A_128 = tpu.memref_slice %arg5[%dma_wait3A_127] : memref<1000001xf32, #tpu.memory_space<hbm>> -> memref<1000001xf32, #tpu.memory_space<hbm>>
    tpu.wait_indirect_dma semaphore(%arg13 : memref<!tpu.dma_semaphore, #tpu.memory_space<semaphore_mem>>) src(%dma_wait3A_128 : memref<1000001xf32, #tpu.memory_space<hbm>>) dst(%dma_wait3A_123 : memref<128xf32, #tpu.memory_space<vmem>>)
    %scan3A = arith.constant 0 : i32
    %scan3A_129 = arith.constant 0 : i32
    %scan3A_130 = arith.constant 32 : i32
    %scan3A_131 = arith.addi %scan3A_129, %scan3A_130 : i32
    %scan3A_132 = arith.constant 1 : i32
    scf.for %scan3A_136 = %scan3A_129 to %scan3A_131 step %scan3A_132  : i32 {
      %mul3A_137 = arith.constant 16 : i32
      %mul3A_138 = arith.muli %scan3A_136, %mul3A_137 : i32
      %multiple_of3A = tpu.assume_multiple %mul3A_138, 16 : i32
      %get3A = arith.index_cast %multiple_of3A : i32 to index
      %get3A_139 = tpu.vector_load %arg12[%get3A] {strides = array<i32>} : memref<512xf32, #tpu.memory_space<vmem>>, vector<16xf32>,
      %get3A_140 = arith.index_cast %multiple_of3A : i32 to index
      %get3A_141 = tpu.vector_load %arg10[%get3A_140] {strides = array<i32>} : memref<512xf32, #tpu.memory_space<vmem>>, vector<16xf32>,
      %add3A_142 = arith.addf %get3A_139, %get3A_141 : vector<16xf32>
      %get3A_143 = arith.index_cast %multiple_of3A : i32 to index
      %get3A_144 = tpu.vector_load %arg11[%get3A_143] {strides = array<i32>} : memref<512xf32, #tpu.memory_space<vmem>>, vector<16xf32>,
      %add3A_145 = arith.addf %add3A_142, %get3A_144 : vector<16xf32>
      %neg3A = arith.constant 0.000000e+00 : f32
      %neg3A_146 = vector.broadcast %neg3A : f32 to vector<16xf32>
      %neg3A_147 = arith.subf %neg3A_146, %add3A_145 : vector<16xf32>
      %exp3A = math.exp %neg3A_147 : vector<16xf32>
      %add3A_148 = arith.constant 1.000000e+00 : f32
      %add3A_149 = vector.broadcast %add3A_148 : f32 to vector<16xf32>
      %add3A_150 = arith.addf %add3A_149, %exp3A : vector<16xf32>
      %div3A = arith.constant 1.000000e+00 : f32
      %div3A_151 = vector.broadcast %div3A : f32 to vector<16xf32>
      %div3A_152 = arith.divf %div3A_151, %add3A_150 : vector<16xf32>
      %mul3A_153 = arith.constant 4.000000e+00 : f32
      %mul3A_154 = vector.broadcast %mul3A_153 : f32 to vector<16xf32>
      %mul3A_155 = arith.mulf %div3A_152, %mul3A_154 : vector<16xf32>
      %add3A_156 = arith.constant 1.000000e+00 : f32
      %add3A_157 = vector.broadcast %add3A_156 : f32 to vector<16xf32>
      %add3A_158 = arith.addf %mul3A_155, %add3A_157 : vector<16xf32>
      %swap3A = arith.index_cast %multiple_of3A : i32 to index
      %swap3A_159 = tpu.vector_load %arg12[%swap3A] {strides = array<i32>} : memref<512xf32, #tpu.memory_space<vmem>>, vector<16xf32>,
      tpu.vector_store %arg12[%swap3A], %add3A_158 {strides = array<i32>} : memref<512xf32, #tpu.memory_space<vmem>>, vector<16xf32>,
    }
    %scan3A_133 = arith.constant 32 : i32
    %mul3A_134 = arith.constant 512 : i32
    %mul3A_135 = arith.muli %add3A, %mul3A_134 : i32
    "tpu.region"() ({
      %run_scoped3A = tpu.sem_alloc : memref<!tpu.dma_semaphore, #tpu.memory_space<semaphore_mem>>
      %dma_start3A_136 = tpu.memref_slice %arg7[%mul3A_135] : memref<16384xf32, #tpu.memory_space<hbm>> -> memref<512xf32, #tpu.memory_space<hbm>>
      %dma_start3A_137 = tpu.memref_slice %arg7[%mul3A_135] : memref<16384xf32, #tpu.memory_space<hbm>> -> memref<512xf32, #tpu.memory_space<hbm>>
      tpu.enqueue_dma source(%arg12 : memref<512xf32, #tpu.memory_space<vmem>>) target(%dma_start3A_137 : memref<512xf32, #tpu.memory_space<hbm>>) target_semaphore(%run_scoped3A : memref<!tpu.dma_semaphore, #tpu.memory_space<semaphore_mem>>)
      %dma_wait3A_138 = tpu.memref_slice %arg7[%mul3A_135] : memref<16384xf32, #tpu.memory_space<hbm>> -> memref<512xf32, #tpu.memory_space<hbm>>
      %dma_wait3A_139 = tpu.memref_slice %arg7[%mul3A_135] : memref<16384xf32, #tpu.memory_space<hbm>> -> memref<512xf32, #tpu.memory_space<hbm>>
      tpu.wait_dma2 semaphore(%run_scoped3A : memref<!tpu.dma_semaphore, #tpu.memory_space<semaphore_mem>>) src(%arg12 : memref<512xf32, #tpu.memory_space<vmem>>) dst(%dma_wait3A_139 : memref<512xf32, #tpu.memory_space<hbm>>)
      tpu.yield
    }) : () -> ()
    return
  }
}

#map = affine_map<(d0, d1) -> (0)>
#map1 = affine_map<(d0, d1) -> (0, 0)>
module attributes {stable_mosaic.version = 14 : i64} {
  func.func @_dot_kernel(%arg0: i32, %arg1: i32, %arg2: memref<16384xi32, #tpu.memory_space<hbm>>, %arg3: memref<16384xi32, #tpu.memory_space<hbm>>, %arg4: memref<32x1000001xf32, #tpu.memory_space<hbm>>, %arg5: memref<32x1000001xf32, #tpu.memory_space<hbm>>, %arg6: memref<16384xf32, #tpu.memory_space<hbm>>, %arg7: memref<512xi32, #tpu.memory_space<vmem>>, %arg8: memref<512xi32, #tpu.memory_space<vmem>>, %arg9: memref<512xf32, #tpu.memory_space<vmem>>, %arg10: memref<32x128xf32, #tpu.memory_space<vmem>>, %arg11: memref<32x128xf32, #tpu.memory_space<vmem>>, %arg12: memref<32x128xf32, #tpu.memory_space<vmem>>, %arg13: memref<32x128xf32, #tpu.memory_space<vmem>>, %arg14: memref<32x128xf32, #tpu.memory_space<vmem>>, %arg15: memref<32x128xf32, #tpu.memory_space<vmem>>, %arg16: memref<32x128xf32, #tpu.memory_space<vmem>>, %arg17: memref<32x128xf32, #tpu.memory_space<vmem>>, %arg18: memref<32x128xf32, #tpu.memory_space<vmem>>, %arg19: memref<32x128xf32, #tpu.memory_space<vmem>>, %arg20: memref<32x128xf32, #tpu.memory_space<vmem>>, %arg21: memref<32x128xf32, #tpu.memory_space<vmem>>, %arg22: memref<32x128xf32, #tpu.memory_space<vmem>>, %arg23: memref<32x128xf32, #tpu.memory_space<vmem>>, %arg24: memref<32x128xf32, #tpu.memory_space<vmem>>, %arg25: memref<32x128xf32, #tpu.memory_space<vmem>>, %arg26: memref<!tpu.dma_semaphore, #tpu.memory_space<semaphore_mem>>, %arg27: memref<!tpu.dma_semaphore, #tpu.memory_space<semaphore_mem>>, %arg28: memref<!tpu.dma_semaphore, #tpu.memory_space<semaphore_mem>>, %arg29: memref<!tpu.dma_semaphore, #tpu.memory_space<semaphore_mem>>, %arg30: memref<!tpu.dma_semaphore, #tpu.memory_space<semaphore_mem>>, %arg31: memref<!tpu.dma_semaphore, #tpu.memory_space<semaphore_mem>>, %arg32: memref<!tpu.dma_semaphore, #tpu.memory_space<semaphore_mem>>, %arg33: memref<!tpu.dma_semaphore, #tpu.memory_space<semaphore_mem>>, %arg34: memref<!tpu.dma_semaphore, #tpu.memory_space<semaphore_mem>>, %arg35: memref<!tpu.dma_semaphore, #tpu.memory_space<semaphore_mem>>, %arg36: memref<!tpu.dma_semaphore, #tpu.memory_space<semaphore_mem>>, %arg37: memref<!tpu.dma_semaphore, #tpu.memory_space<semaphore_mem>>, %arg38: memref<!tpu.dma_semaphore, #tpu.memory_space<semaphore_mem>>, %arg39: memref<!tpu.dma_semaphore, #tpu.memory_space<semaphore_mem>>, %arg40: memref<!tpu.dma_semaphore, #tpu.memory_space<semaphore_mem>>, %arg41: memref<!tpu.dma_semaphore, #tpu.memory_space<semaphore_mem>>) attributes {dimension_semantics = [#tpu.dimension_semantics<core_parallel>, #tpu.dimension_semantics<subcore_parallel>], iteration_bounds = array<i64: 2, 16>, scalar_prefetch = 0 : i64, scratch_operands = 35 : i64, tpu.core_type = #tpu.core_type<sc_vector_subcore>, window_params = [{transform_indices = #map}, {transform_indices = #map}, {transform_indices = #map1}, {transform_indices = #map1}, {transform_indices = #map}]} {
    %mul3A = arith.constant 2 : i32
    %mul3A_0 = arith.muli %arg1, %mul3A : i32
    %add3A = arith.addi %mul3A_0, %arg0 : i32
    %mul3A_1 = arith.constant 512 : i32
    %mul3A_2 = arith.muli %add3A, %mul3A_1 : i32
    "tpu.region"() ({
      %run_scoped3A = tpu.sem_alloc : memref<!tpu.dma_semaphore, #tpu.memory_space<semaphore_mem>>
      %dma_start3A_858 = tpu.memref_slice %arg2[%mul3A_2] : memref<16384xi32, #tpu.memory_space<hbm>> -> memref<512xi32, #tpu.memory_space<hbm>>
      %dma_start3A_859 = tpu.memref_slice %arg2[%mul3A_2] : memref<16384xi32, #tpu.memory_space<hbm>> -> memref<512xi32, #tpu.memory_space<hbm>>
      tpu.enqueue_dma source(%dma_start3A_859 : memref<512xi32, #tpu.memory_space<hbm>>) target(%arg7 : memref<512xi32, #tpu.memory_space<vmem>>) target_semaphore(%run_scoped3A : memref<!tpu.dma_semaphore, #tpu.memory_space<semaphore_mem>>)
      %dma_wait3A_860 = tpu.memref_slice %arg2[%mul3A_2] : memref<16384xi32, #tpu.memory_space<hbm>> -> memref<512xi32, #tpu.memory_space<hbm>>
      %dma_wait3A_861 = tpu.memref_slice %arg2[%mul3A_2] : memref<16384xi32, #tpu.memory_space<hbm>> -> memref<512xi32, #tpu.memory_space<hbm>>
      tpu.wait_dma2 semaphore(%run_scoped3A : memref<!tpu.dma_semaphore, #tpu.memory_space<semaphore_mem>>) src(%dma_wait3A_861 : memref<512xi32, #tpu.memory_space<hbm>>) dst(%arg7 : memref<512xi32, #tpu.memory_space<vmem>>)
      tpu.yield
    }) : () -> ()
    "tpu.region"() ({
      %run_scoped3A = tpu.sem_alloc : memref<!tpu.dma_semaphore, #tpu.memory_space<semaphore_mem>>
      %dma_start3A_858 = tpu.memref_slice %arg3[%mul3A_2] : memref<16384xi32, #tpu.memory_space<hbm>> -> memref<512xi32, #tpu.memory_space<hbm>>
      %dma_start3A_859 = tpu.memref_slice %arg3[%mul3A_2] : memref<16384xi32, #tpu.memory_space<hbm>> -> memref<512xi32, #tpu.memory_space<hbm>>
      tpu.enqueue_dma source(%dma_start3A_859 : memref<512xi32, #tpu.memory_space<hbm>>) target(%arg8 : memref<512xi32, #tpu.memory_space<vmem>>) target_semaphore(%run_scoped3A : memref<!tpu.dma_semaphore, #tpu.memory_space<semaphore_mem>>)
      %dma_wait3A_860 = tpu.memref_slice %arg3[%mul3A_2] : memref<16384xi32, #tpu.memory_space<hbm>> -> memref<512xi32, #tpu.memory_space<hbm>>
      %dma_wait3A_861 = tpu.memref_slice %arg3[%mul3A_2] : memref<16384xi32, #tpu.memory_space<hbm>> -> memref<512xi32, #tpu.memory_space<hbm>>
      tpu.wait_dma2 semaphore(%run_scoped3A : memref<!tpu.dma_semaphore, #tpu.memory_space<semaphore_mem>>) src(%dma_wait3A_861 : memref<512xi32, #tpu.memory_space<hbm>>) dst(%arg8 : memref<512xi32, #tpu.memory_space<vmem>>)
      tpu.yield
    }) : () -> ()
    %scan3A = arith.constant 0 : i32
    %scan3A_3 = arith.constant 0 : i32
    %scan3A_4 = arith.constant 32 : i32
    %scan3A_5 = arith.addi %scan3A_3, %scan3A_4 : i32
    %scan3A_6 = arith.constant 1 : i32
    scf.for %scan3A_858 = %scan3A_3 to %scan3A_5 step %scan3A_6  : i32 {
      %broadcast_in_dim3A_859 = arith.constant 0.000000e+00 : f32
      %broadcast_in_dim3A_860 = vector.broadcast %broadcast_in_dim3A_859 : f32 to vector<16xf32>
      %mul3A_861 = arith.constant 16 : i32
      %mul3A_862 = arith.muli %scan3A_858, %mul3A_861 : i32
      %multiple_of3A_863 = tpu.assume_multiple %mul3A_862, 16 : i32
      %swap3A = arith.index_cast %multiple_of3A_863 : i32 to index
      %swap3A_864 = tpu.vector_load %arg9[%swap3A] {strides = array<i32>} : memref<512xf32, #tpu.memory_space<vmem>>, vector<16xf32>,
      tpu.vector_store %arg9[%swap3A], %broadcast_in_dim3A_860 {strides = array<i32>} : memref<512xf32, #tpu.memory_space<vmem>>, vector<16xf32>,
    }
    %scan3A_7 = arith.constant 32 : i32
    %iota3A = tpu.iota {dimensions = array<i32: 0>} : vector<16xi32>
    %multiple_of3A = arith.constant 0 : i32
    %multiple_of3A_8 = tpu.assume_multiple %multiple_of3A, 16 : i32
    %get3A = arith.index_cast %multiple_of3A_8 : i32 to index
    %get3A_9 = tpu.vector_load %arg7[%get3A] {strides = array<i32>} : memref<512xi32, #tpu.memory_space<vmem>>, vector<16xi32>,
    %broadcast_in_dim3A = arith.constant 0 : i32
    %broadcast_in_dim3A_10 = vector.broadcast %broadcast_in_dim3A : i32 to vector<16xi32>
    %eq3A = arith.cmpi eq, %iota3A, %broadcast_in_dim3A_10 : vector<16xi32>
    %jit3A = arith.constant 0 : i32
    %broadcast_in_dim3A_11 = vector.broadcast %jit3A : i32 to vector<16xi32>
    %select_n3A = arith.select %eq3A, %get3A_9, %broadcast_in_dim3A_11 : vector<16xi1>, vector<16xi32>
    %reduce_sum3A = arith.constant true
    %reduce_sum3A_12 = vector.broadcast %reduce_sum3A : i1 to vector<16xi1>
    %reduce_sum3A_13 = tpu.scan <sum>, %select_n3A masked %reduce_sum3A_12 : vector<16xi32>, vector<16xi1> -> vector<16xi32>
    %reduce_sum3A_14 = vector.extract %reduce_sum3A_13[15] : i32 from vector<16xi32>
    %shift_right_arithmetic3A = arith.constant 7 : i32
    %shift_right_arithmetic3A_15 = arith.shrsi %reduce_sum3A_14, %shift_right_arithmetic3A : i32
    %mul3A_16 = arith.constant 128 : i32
    %mul3A_17 = arith.muli %shift_right_arithmetic3A_15, %mul3A_16 : i32
    %multiple_of3A_18 = tpu.assume_multiple %mul3A_17, 128 : i32
    %multiple_of3A_19 = arith.constant 0 : i32
    %multiple_of3A_20 = tpu.assume_multiple %multiple_of3A_19, 16 : i32
    %get3A_21 = arith.index_cast %multiple_of3A_20 : i32 to index
    %get3A_22 = tpu.vector_load %arg8[%get3A_21] {strides = array<i32>} : memref<512xi32, #tpu.memory_space<vmem>>, vector<16xi32>,
    %broadcast_in_dim3A_23 = arith.constant 0 : i32
    %broadcast_in_dim3A_24 = vector.broadcast %broadcast_in_dim3A_23 : i32 to vector<16xi32>
    %eq3A_25 = arith.cmpi eq, %iota3A, %broadcast_in_dim3A_24 : vector<16xi32>
    %jit3A_26 = arith.constant 0 : i32
    %broadcast_in_dim3A_27 = vector.broadcast %jit3A_26 : i32 to vector<16xi32>
    %select_n3A_28 = arith.select %eq3A_25, %get3A_22, %broadcast_in_dim3A_27 : vector<16xi1>, vector<16xi32>
    %reduce_sum3A_29 = arith.constant true
    %reduce_sum3A_30 = vector.broadcast %reduce_sum3A_29 : i1 to vector<16xi1>
    %reduce_sum3A_31 = tpu.scan <sum>, %select_n3A_28 masked %reduce_sum3A_30 : vector<16xi32>, vector<16xi1> -> vector<16xi32>
    %reduce_sum3A_32 = vector.extract %reduce_sum3A_31[15] : i32 from vector<16xi32>
    %shift_right_arithmetic3A_33 = arith.constant 7 : i32
    %shift_right_arithmetic3A_34 = arith.shrsi %reduce_sum3A_32, %shift_right_arithmetic3A_33 : i32
    %mul3A_35 = arith.constant 128 : i32
    %mul3A_36 = arith.muli %shift_right_arithmetic3A_34, %mul3A_35 : i32
    %multiple_of3A_37 = tpu.assume_multiple %mul3A_36, 128 : i32
    %dma_start3A = arith.constant 0 : i32
    %dma_start3A_38 = tpu.memref_slice %arg4[%dma_start3A, %multiple_of3A_18] : memref<32x1000001xf32, #tpu.memory_space<hbm>> -> memref<32x128xf32, #tpu.memory_space<hbm>>
    %dma_start3A_39 = arith.constant 0 : i32
    %dma_start3A_40 = tpu.memref_slice %arg4[%dma_start3A_39, %multiple_of3A_18] : memref<32x1000001xf32, #tpu.memory_space<hbm>> -> memref<32x128xf32, #tpu.memory_space<hbm>>
    tpu.enqueue_dma source(%dma_start3A_40 : memref<32x128xf32, #tpu.memory_space<hbm>>) target(%arg10 : memref<32x128xf32, #tpu.memory_space<vmem>>) target_semaphore(%arg26 : memref<!tpu.dma_semaphore, #tpu.memory_space<semaphore_mem>>)
    %dma_start3A_41 = arith.constant 0 : i32
    %dma_start3A_42 = tpu.memref_slice %arg5[%dma_start3A_41, %multiple_of3A_37] : memref<32x1000001xf32, #tpu.memory_space<hbm>> -> memref<32x128xf32, #tpu.memory_space<hbm>>
    %dma_start3A_43 = arith.constant 0 : i32
    %dma_start3A_44 = tpu.memref_slice %arg5[%dma_start3A_43, %multiple_of3A_37] : memref<32x1000001xf32, #tpu.memory_space<hbm>> -> memref<32x128xf32, #tpu.memory_space<hbm>>
    tpu.enqueue_dma source(%dma_start3A_44 : memref<32x128xf32, #tpu.memory_space<hbm>>) target(%arg18 : memref<32x128xf32, #tpu.memory_space<vmem>>) target_semaphore(%arg34 : memref<!tpu.dma_semaphore, #tpu.memory_space<semaphore_mem>>)
    %multiple_of3A_45 = arith.constant 0 : i32
    %multiple_of3A_46 = tpu.assume_multiple %multiple_of3A_45, 16 : i32
    %get3A_47 = arith.index_cast %multiple_of3A_46 : i32 to index
    %get3A_48 = tpu.vector_load %arg7[%get3A_47] {strides = array<i32>} : memref<512xi32, #tpu.memory_space<vmem>>, vector<16xi32>,
    %broadcast_in_dim3A_49 = arith.constant 1 : i32
    %broadcast_in_dim3A_50 = vector.broadcast %broadcast_in_dim3A_49 : i32 to vector<16xi32>
    %eq3A_51 = arith.cmpi eq, %iota3A, %broadcast_in_dim3A_50 : vector<16xi32>
    %jit3A_52 = arith.constant 0 : i32
    %broadcast_in_dim3A_53 = vector.broadcast %jit3A_52 : i32 to vector<16xi32>
    %select_n3A_54 = arith.select %eq3A_51, %get3A_48, %broadcast_in_dim3A_53 : vector<16xi1>, vector<16xi32>
    %reduce_sum3A_55 = arith.constant true
    %reduce_sum3A_56 = vector.broadcast %reduce_sum3A_55 : i1 to vector<16xi1>
    %reduce_sum3A_57 = tpu.scan <sum>, %select_n3A_54 masked %reduce_sum3A_56 : vector<16xi32>, vector<16xi1> -> vector<16xi32>
    %reduce_sum3A_58 = vector.extract %reduce_sum3A_57[15] : i32 from vector<16xi32>
    %shift_right_arithmetic3A_59 = arith.constant 7 : i32
    %shift_right_arithmetic3A_60 = arith.shrsi %reduce_sum3A_58, %shift_right_arithmetic3A_59 : i32
    %mul3A_61 = arith.constant 128 : i32
    %mul3A_62 = arith.muli %shift_right_arithmetic3A_60, %mul3A_61 : i32
    %multiple_of3A_63 = tpu.assume_multiple %mul3A_62, 128 : i32
    %multiple_of3A_64 = arith.constant 0 : i32
    %multiple_of3A_65 = tpu.assume_multiple %multiple_of3A_64, 16 : i32
    %get3A_66 = arith.index_cast %multiple_of3A_65 : i32 to index
    %get3A_67 = tpu.vector_load %arg8[%get3A_66] {strides = array<i32>} : memref<512xi32, #tpu.memory_space<vmem>>, vector<16xi32>,
    %broadcast_in_dim3A_68 = arith.constant 1 : i32
    %broadcast_in_dim3A_69 = vector.broadcast %broadcast_in_dim3A_68 : i32 to vector<16xi32>
    %eq3A_70 = arith.cmpi eq, %iota3A, %broadcast_in_dim3A_69 : vector<16xi32>
    %jit3A_71 = arith.constant 0 : i32
    %broadcast_in_dim3A_72 = vector.broadcast %jit3A_71 : i32 to vector<16xi32>
    %select_n3A_73 = arith.select %eq3A_70, %get3A_67, %broadcast_in_dim3A_72 : vector<16xi1>, vector<16xi32>
    %reduce_sum3A_74 = arith.constant true
    %reduce_sum3A_75 = vector.broadcast %reduce_sum3A_74 : i1 to vector<16xi1>
    %reduce_sum3A_76 = tpu.scan <sum>, %select_n3A_73 masked %reduce_sum3A_75 : vector<16xi32>, vector<16xi1> -> vector<16xi32>
    %reduce_sum3A_77 = vector.extract %reduce_sum3A_76[15] : i32 from vector<16xi32>
    %shift_right_arithmetic3A_78 = arith.constant 7 : i32
    %shift_right_arithmetic3A_79 = arith.shrsi %reduce_sum3A_77, %shift_right_arithmetic3A_78 : i32
    %mul3A_80 = arith.constant 128 : i32
    %mul3A_81 = arith.muli %shift_right_arithmetic3A_79, %mul3A_80 : i32
    %multiple_of3A_82 = tpu.assume_multiple %mul3A_81, 128 : i32
    %dma_start3A_83 = arith.constant 0 : i32
    %dma_start3A_84 = tpu.memref_slice %arg4[%dma_start3A_83, %multiple_of3A_63] : memref<32x1000001xf32, #tpu.memory_space<hbm>> -> memref<32x128xf32, #tpu.memory_space<hbm>>
    %dma_start3A_85 = arith.constant 0 : i32
    %dma_start3A_86 = tpu.memref_slice %arg4[%dma_start3A_85, %multiple_of3A_63] : memref<32x1000001xf32, #tpu.memory_space<hbm>> -> memref<32x128xf32, #tpu.memory_space<hbm>>
    tpu.enqueue_dma source(%dma_start3A_86 : memref<32x128xf32, #tpu.memory_space<hbm>>) target(%arg11 : memref<32x128xf32, #tpu.memory_space<vmem>>) target_semaphore(%arg27 : memref<!tpu.dma_semaphore, #tpu.memory_space<semaphore_mem>>)
    %dma_start3A_87 = arith.constant 0 : i32
    %dma_start3A_88 = tpu.memref_slice %arg5[%dma_start3A_87, %multiple_of3A_82] : memref<32x1000001xf32, #tpu.memory_space<hbm>> -> memref<32x128xf32, #tpu.memory_space<hbm>>
    %dma_start3A_89 = arith.constant 0 : i32
    %dma_start3A_90 = tpu.memref_slice %arg5[%dma_start3A_89, %multiple_of3A_82] : memref<32x1000001xf32, #tpu.memory_space<hbm>> -> memref<32x128xf32, #tpu.memory_space<hbm>>
    tpu.enqueue_dma source(%dma_start3A_90 : memref<32x128xf32, #tpu.memory_space<hbm>>) target(%arg19 : memref<32x128xf32, #tpu.memory_space<vmem>>) target_semaphore(%arg35 : memref<!tpu.dma_semaphore, #tpu.memory_space<semaphore_mem>>)
    %multiple_of3A_91 = arith.constant 0 : i32
    %multiple_of3A_92 = tpu.assume_multiple %multiple_of3A_91, 16 : i32
    %get3A_93 = arith.index_cast %multiple_of3A_92 : i32 to index
    %get3A_94 = tpu.vector_load %arg7[%get3A_93] {strides = array<i32>} : memref<512xi32, #tpu.memory_space<vmem>>, vector<16xi32>,
    %broadcast_in_dim3A_95 = arith.constant 2 : i32
    %broadcast_in_dim3A_96 = vector.broadcast %broadcast_in_dim3A_95 : i32 to vector<16xi32>
    %eq3A_97 = arith.cmpi eq, %iota3A, %broadcast_in_dim3A_96 : vector<16xi32>
    %jit3A_98 = arith.constant 0 : i32
    %broadcast_in_dim3A_99 = vector.broadcast %jit3A_98 : i32 to vector<16xi32>
    %select_n3A_100 = arith.select %eq3A_97, %get3A_94, %broadcast_in_dim3A_99 : vector<16xi1>, vector<16xi32>
    %reduce_sum3A_101 = arith.constant true
    %reduce_sum3A_102 = vector.broadcast %reduce_sum3A_101 : i1 to vector<16xi1>
    %reduce_sum3A_103 = tpu.scan <sum>, %select_n3A_100 masked %reduce_sum3A_102 : vector<16xi32>, vector<16xi1> -> vector<16xi32>
    %reduce_sum3A_104 = vector.extract %reduce_sum3A_103[15] : i32 from vector<16xi32>
    %shift_right_arithmetic3A_105 = arith.constant 7 : i32
    %shift_right_arithmetic3A_106 = arith.shrsi %reduce_sum3A_104, %shift_right_arithmetic3A_105 : i32
    %mul3A_107 = arith.constant 128 : i32
    %mul3A_108 = arith.muli %shift_right_arithmetic3A_106, %mul3A_107 : i32
    %multiple_of3A_109 = tpu.assume_multiple %mul3A_108, 128 : i32
    %multiple_of3A_110 = arith.constant 0 : i32
    %multiple_of3A_111 = tpu.assume_multiple %multiple_of3A_110, 16 : i32
    %get3A_112 = arith.index_cast %multiple_of3A_111 : i32 to index
    %get3A_113 = tpu.vector_load %arg8[%get3A_112] {strides = array<i32>} : memref<512xi32, #tpu.memory_space<vmem>>, vector<16xi32>,
    %broadcast_in_dim3A_114 = arith.constant 2 : i32
    %broadcast_in_dim3A_115 = vector.broadcast %broadcast_in_dim3A_114 : i32 to vector<16xi32>
    %eq3A_116 = arith.cmpi eq, %iota3A, %broadcast_in_dim3A_115 : vector<16xi32>
    %jit3A_117 = arith.constant 0 : i32
    %broadcast_in_dim3A_118 = vector.broadcast %jit3A_117 : i32 to vector<16xi32>
    %select_n3A_119 = arith.select %eq3A_116, %get3A_113, %broadcast_in_dim3A_118 : vector<16xi1>, vector<16xi32>
    %reduce_sum3A_120 = arith.constant true
    %reduce_sum3A_121 = vector.broadcast %reduce_sum3A_120 : i1 to vector<16xi1>
    %reduce_sum3A_122 = tpu.scan <sum>, %select_n3A_119 masked %reduce_sum3A_121 : vector<16xi32>, vector<16xi1> -> vector<16xi32>
    %reduce_sum3A_123 = vector.extract %reduce_sum3A_122[15] : i32 from vector<16xi32>
    %shift_right_arithmetic3A_124 = arith.constant 7 : i32
    %shift_right_arithmetic3A_125 = arith.shrsi %reduce_sum3A_123, %shift_right_arithmetic3A_124 : i32
    %mul3A_126 = arith.constant 128 : i32
    %mul3A_127 = arith.muli %shift_right_arithmetic3A_125, %mul3A_126 : i32
    %multiple_of3A_128 = tpu.assume_multiple %mul3A_127, 128 : i32
    %dma_start3A_129 = arith.constant 0 : i32
    %dma_start3A_130 = tpu.memref_slice %arg4[%dma_start3A_129, %multiple_of3A_109] : memref<32x1000001xf32, #tpu.memory_space<hbm>> -> memref<32x128xf32, #tpu.memory_space<hbm>>
    %dma_start3A_131 = arith.constant 0 : i32
    %dma_start3A_132 = tpu.memref_slice %arg4[%dma_start3A_131, %multiple_of3A_109] : memref<32x1000001xf32, #tpu.memory_space<hbm>> -> memref<32x128xf32, #tpu.memory_space<hbm>>
    tpu.enqueue_dma source(%dma_start3A_132 : memref<32x128xf32, #tpu.memory_space<hbm>>) target(%arg12 : memref<32x128xf32, #tpu.memory_space<vmem>>) target_semaphore(%arg28 : memref<!tpu.dma_semaphore, #tpu.memory_space<semaphore_mem>>)
    %dma_start3A_133 = arith.constant 0 : i32
    %dma_start3A_134 = tpu.memref_slice %arg5[%dma_start3A_133, %multiple_of3A_128] : memref<32x1000001xf32, #tpu.memory_space<hbm>> -> memref<32x128xf32, #tpu.memory_space<hbm>>
    %dma_start3A_135 = arith.constant 0 : i32
    %dma_start3A_136 = tpu.memref_slice %arg5[%dma_start3A_135, %multiple_of3A_128] : memref<32x1000001xf32, #tpu.memory_space<hbm>> -> memref<32x128xf32, #tpu.memory_space<hbm>>
    tpu.enqueue_dma source(%dma_start3A_136 : memref<32x128xf32, #tpu.memory_space<hbm>>) target(%arg20 : memref<32x128xf32, #tpu.memory_space<vmem>>) target_semaphore(%arg36 : memref<!tpu.dma_semaphore, #tpu.memory_space<semaphore_mem>>)
    %multiple_of3A_137 = arith.constant 0 : i32
    %multiple_of3A_138 = tpu.assume_multiple %multiple_of3A_137, 16 : i32
    %get3A_139 = arith.index_cast %multiple_of3A_138 : i32 to index
    %get3A_140 = tpu.vector_load %arg7[%get3A_139] {strides = array<i32>} : memref<512xi32, #tpu.memory_space<vmem>>, vector<16xi32>,
    %broadcast_in_dim3A_141 = arith.constant 3 : i32
    %broadcast_in_dim3A_142 = vector.broadcast %broadcast_in_dim3A_141 : i32 to vector<16xi32>
    %eq3A_143 = arith.cmpi eq, %iota3A, %broadcast_in_dim3A_142 : vector<16xi32>
    %jit3A_144 = arith.constant 0 : i32
    %broadcast_in_dim3A_145 = vector.broadcast %jit3A_144 : i32 to vector<16xi32>
    %select_n3A_146 = arith.select %eq3A_143, %get3A_140, %broadcast_in_dim3A_145 : vector<16xi1>, vector<16xi32>
    %reduce_sum3A_147 = arith.constant true
    %reduce_sum3A_148 = vector.broadcast %reduce_sum3A_147 : i1 to vector<16xi1>
    %reduce_sum3A_149 = tpu.scan <sum>, %select_n3A_146 masked %reduce_sum3A_148 : vector<16xi32>, vector<16xi1> -> vector<16xi32>
    %reduce_sum3A_150 = vector.extract %reduce_sum3A_149[15] : i32 from vector<16xi32>
    %shift_right_arithmetic3A_151 = arith.constant 7 : i32
    %shift_right_arithmetic3A_152 = arith.shrsi %reduce_sum3A_150, %shift_right_arithmetic3A_151 : i32
    %mul3A_153 = arith.constant 128 : i32
    %mul3A_154 = arith.muli %shift_right_arithmetic3A_152, %mul3A_153 : i32
    %multiple_of3A_155 = tpu.assume_multiple %mul3A_154, 128 : i32
    %multiple_of3A_156 = arith.constant 0 : i32
    %multiple_of3A_157 = tpu.assume_multiple %multiple_of3A_156, 16 : i32
    %get3A_158 = arith.index_cast %multiple_of3A_157 : i32 to index
    %get3A_159 = tpu.vector_load %arg8[%get3A_158] {strides = array<i32>} : memref<512xi32, #tpu.memory_space<vmem>>, vector<16xi32>,
    %broadcast_in_dim3A_160 = arith.constant 3 : i32
    %broadcast_in_dim3A_161 = vector.broadcast %broadcast_in_dim3A_160 : i32 to vector<16xi32>
    %eq3A_162 = arith.cmpi eq, %iota3A, %broadcast_in_dim3A_161 : vector<16xi32>
    %jit3A_163 = arith.constant 0 : i32
    %broadcast_in_dim3A_164 = vector.broadcast %jit3A_163 : i32 to vector<16xi32>
    %select_n3A_165 = arith.select %eq3A_162, %get3A_159, %broadcast_in_dim3A_164 : vector<16xi1>, vector<16xi32>
    %reduce_sum3A_166 = arith.constant true
    %reduce_sum3A_167 = vector.broadcast %reduce_sum3A_166 : i1 to vector<16xi1>
    %reduce_sum3A_168 = tpu.scan <sum>, %select_n3A_165 masked %reduce_sum3A_167 : vector<16xi32>, vector<16xi1> -> vector<16xi32>
    %reduce_sum3A_169 = vector.extract %reduce_sum3A_168[15] : i32 from vector<16xi32>
    %shift_right_arithmetic3A_170 = arith.constant 7 : i32
    %shift_right_arithmetic3A_171 = arith.shrsi %reduce_sum3A_169, %shift_right_arithmetic3A_170 : i32
    %mul3A_172 = arith.constant 128 : i32
    %mul3A_173 = arith.muli %shift_right_arithmetic3A_171, %mul3A_172 : i32
    %multiple_of3A_174 = tpu.assume_multiple %mul3A_173, 128 : i32
    %dma_start3A_175 = arith.constant 0 : i32
    %dma_start3A_176 = tpu.memref_slice %arg4[%dma_start3A_175, %multiple_of3A_155] : memref<32x1000001xf32, #tpu.memory_space<hbm>> -> memref<32x128xf32, #tpu.memory_space<hbm>>
    %dma_start3A_177 = arith.constant 0 : i32
    %dma_start3A_178 = tpu.memref_slice %arg4[%dma_start3A_177, %multiple_of3A_155] : memref<32x1000001xf32, #tpu.memory_space<hbm>> -> memref<32x128xf32, #tpu.memory_space<hbm>>
    tpu.enqueue_dma source(%dma_start3A_178 : memref<32x128xf32, #tpu.memory_space<hbm>>) target(%arg13 : memref<32x128xf32, #tpu.memory_space<vmem>>) target_semaphore(%arg29 : memref<!tpu.dma_semaphore, #tpu.memory_space<semaphore_mem>>)
    %dma_start3A_179 = arith.constant 0 : i32
    %dma_start3A_180 = tpu.memref_slice %arg5[%dma_start3A_179, %multiple_of3A_174] : memref<32x1000001xf32, #tpu.memory_space<hbm>> -> memref<32x128xf32, #tpu.memory_space<hbm>>
    %dma_start3A_181 = arith.constant 0 : i32
    %dma_start3A_182 = tpu.memref_slice %arg5[%dma_start3A_181, %multiple_of3A_174] : memref<32x1000001xf32, #tpu.memory_space<hbm>> -> memref<32x128xf32, #tpu.memory_space<hbm>>
    tpu.enqueue_dma source(%dma_start3A_182 : memref<32x128xf32, #tpu.memory_space<hbm>>) target(%arg21 : memref<32x128xf32, #tpu.memory_space<vmem>>) target_semaphore(%arg37 : memref<!tpu.dma_semaphore, #tpu.memory_space<semaphore_mem>>)
    %multiple_of3A_183 = arith.constant 0 : i32
    %multiple_of3A_184 = tpu.assume_multiple %multiple_of3A_183, 16 : i32
    %get3A_185 = arith.index_cast %multiple_of3A_184 : i32 to index
    %get3A_186 = tpu.vector_load %arg7[%get3A_185] {strides = array<i32>} : memref<512xi32, #tpu.memory_space<vmem>>, vector<16xi32>,
    %broadcast_in_dim3A_187 = arith.constant 4 : i32
    %broadcast_in_dim3A_188 = vector.broadcast %broadcast_in_dim3A_187 : i32 to vector<16xi32>
    %eq3A_189 = arith.cmpi eq, %iota3A, %broadcast_in_dim3A_188 : vector<16xi32>
    %jit3A_190 = arith.constant 0 : i32
    %broadcast_in_dim3A_191 = vector.broadcast %jit3A_190 : i32 to vector<16xi32>
    %select_n3A_192 = arith.select %eq3A_189, %get3A_186, %broadcast_in_dim3A_191 : vector<16xi1>, vector<16xi32>
    %reduce_sum3A_193 = arith.constant true
    %reduce_sum3A_194 = vector.broadcast %reduce_sum3A_193 : i1 to vector<16xi1>
    %reduce_sum3A_195 = tpu.scan <sum>, %select_n3A_192 masked %reduce_sum3A_194 : vector<16xi32>, vector<16xi1> -> vector<16xi32>
    %reduce_sum3A_196 = vector.extract %reduce_sum3A_195[15] : i32 from vector<16xi32>
    %shift_right_arithmetic3A_197 = arith.constant 7 : i32
    %shift_right_arithmetic3A_198 = arith.shrsi %reduce_sum3A_196, %shift_right_arithmetic3A_197 : i32
    %mul3A_199 = arith.constant 128 : i32
    %mul3A_200 = arith.muli %shift_right_arithmetic3A_198, %mul3A_199 : i32
    %multiple_of3A_201 = tpu.assume_multiple %mul3A_200, 128 : i32
    %multiple_of3A_202 = arith.constant 0 : i32
    %multiple_of3A_203 = tpu.assume_multiple %multiple_of3A_202, 16 : i32
    %get3A_204 = arith.index_cast %multiple_of3A_203 : i32 to index
    %get3A_205 = tpu.vector_load %arg8[%get3A_204] {strides = array<i32>} : memref<512xi32, #tpu.memory_space<vmem>>, vector<16xi32>,
    %broadcast_in_dim3A_206 = arith.constant 4 : i32
    %broadcast_in_dim3A_207 = vector.broadcast %broadcast_in_dim3A_206 : i32 to vector<16xi32>
    %eq3A_208 = arith.cmpi eq, %iota3A, %broadcast_in_dim3A_207 : vector<16xi32>
    %jit3A_209 = arith.constant 0 : i32
    %broadcast_in_dim3A_210 = vector.broadcast %jit3A_209 : i32 to vector<16xi32>
    %select_n3A_211 = arith.select %eq3A_208, %get3A_205, %broadcast_in_dim3A_210 : vector<16xi1>, vector<16xi32>
    %reduce_sum3A_212 = arith.constant true
    %reduce_sum3A_213 = vector.broadcast %reduce_sum3A_212 : i1 to vector<16xi1>
    %reduce_sum3A_214 = tpu.scan <sum>, %select_n3A_211 masked %reduce_sum3A_213 : vector<16xi32>, vector<16xi1> -> vector<16xi32>
    %reduce_sum3A_215 = vector.extract %reduce_sum3A_214[15] : i32 from vector<16xi32>
    %shift_right_arithmetic3A_216 = arith.constant 7 : i32
    %shift_right_arithmetic3A_217 = arith.shrsi %reduce_sum3A_215, %shift_right_arithmetic3A_216 : i32
    %mul3A_218 = arith.constant 128 : i32
    %mul3A_219 = arith.muli %shift_right_arithmetic3A_217, %mul3A_218 : i32
    %multiple_of3A_220 = tpu.assume_multiple %mul3A_219, 128 : i32
    %dma_start3A_221 = arith.constant 0 : i32
    %dma_start3A_222 = tpu.memref_slice %arg4[%dma_start3A_221, %multiple_of3A_201] : memref<32x1000001xf32, #tpu.memory_space<hbm>> -> memref<32x128xf32, #tpu.memory_space<hbm>>
    %dma_start3A_223 = arith.constant 0 : i32
    %dma_start3A_224 = tpu.memref_slice %arg4[%dma_start3A_223, %multiple_of3A_201] : memref<32x1000001xf32, #tpu.memory_space<hbm>> -> memref<32x128xf32, #tpu.memory_space<hbm>>
    tpu.enqueue_dma source(%dma_start3A_224 : memref<32x128xf32, #tpu.memory_space<hbm>>) target(%arg14 : memref<32x128xf32, #tpu.memory_space<vmem>>) target_semaphore(%arg30 : memref<!tpu.dma_semaphore, #tpu.memory_space<semaphore_mem>>)
    %dma_start3A_225 = arith.constant 0 : i32
    %dma_start3A_226 = tpu.memref_slice %arg5[%dma_start3A_225, %multiple_of3A_220] : memref<32x1000001xf32, #tpu.memory_space<hbm>> -> memref<32x128xf32, #tpu.memory_space<hbm>>
    %dma_start3A_227 = arith.constant 0 : i32
    %dma_start3A_228 = tpu.memref_slice %arg5[%dma_start3A_227, %multiple_of3A_220] : memref<32x1000001xf32, #tpu.memory_space<hbm>> -> memref<32x128xf32, #tpu.memory_space<hbm>>
    tpu.enqueue_dma source(%dma_start3A_228 : memref<32x128xf32, #tpu.memory_space<hbm>>) target(%arg22 : memref<32x128xf32, #tpu.memory_space<vmem>>) target_semaphore(%arg38 : memref<!tpu.dma_semaphore, #tpu.memory_space<semaphore_mem>>)
    %multiple_of3A_229 = arith.constant 0 : i32
    %multiple_of3A_230 = tpu.assume_multiple %multiple_of3A_229, 16 : i32
    %get3A_231 = arith.index_cast %multiple_of3A_230 : i32 to index
    %get3A_232 = tpu.vector_load %arg7[%get3A_231] {strides = array<i32>} : memref<512xi32, #tpu.memory_space<vmem>>, vector<16xi32>,
    %broadcast_in_dim3A_233 = arith.constant 5 : i32
    %broadcast_in_dim3A_234 = vector.broadcast %broadcast_in_dim3A_233 : i32 to vector<16xi32>
    %eq3A_235 = arith.cmpi eq, %iota3A, %broadcast_in_dim3A_234 : vector<16xi32>
    %jit3A_236 = arith.constant 0 : i32
    %broadcast_in_dim3A_237 = vector.broadcast %jit3A_236 : i32 to vector<16xi32>
    %select_n3A_238 = arith.select %eq3A_235, %get3A_232, %broadcast_in_dim3A_237 : vector<16xi1>, vector<16xi32>
    %reduce_sum3A_239 = arith.constant true
    %reduce_sum3A_240 = vector.broadcast %reduce_sum3A_239 : i1 to vector<16xi1>
    %reduce_sum3A_241 = tpu.scan <sum>, %select_n3A_238 masked %reduce_sum3A_240 : vector<16xi32>, vector<16xi1> -> vector<16xi32>
    %reduce_sum3A_242 = vector.extract %reduce_sum3A_241[15] : i32 from vector<16xi32>
    %shift_right_arithmetic3A_243 = arith.constant 7 : i32
    %shift_right_arithmetic3A_244 = arith.shrsi %reduce_sum3A_242, %shift_right_arithmetic3A_243 : i32
    %mul3A_245 = arith.constant 128 : i32
    %mul3A_246 = arith.muli %shift_right_arithmetic3A_244, %mul3A_245 : i32
    %multiple_of3A_247 = tpu.assume_multiple %mul3A_246, 128 : i32
    %multiple_of3A_248 = arith.constant 0 : i32
    %multiple_of3A_249 = tpu.assume_multiple %multiple_of3A_248, 16 : i32
    %get3A_250 = arith.index_cast %multiple_of3A_249 : i32 to index
    %get3A_251 = tpu.vector_load %arg8[%get3A_250] {strides = array<i32>} : memref<512xi32, #tpu.memory_space<vmem>>, vector<16xi32>,
    %broadcast_in_dim3A_252 = arith.constant 5 : i32
    %broadcast_in_dim3A_253 = vector.broadcast %broadcast_in_dim3A_252 : i32 to vector<16xi32>
    %eq3A_254 = arith.cmpi eq, %iota3A, %broadcast_in_dim3A_253 : vector<16xi32>
    %jit3A_255 = arith.constant 0 : i32
    %broadcast_in_dim3A_256 = vector.broadcast %jit3A_255 : i32 to vector<16xi32>
    %select_n3A_257 = arith.select %eq3A_254, %get3A_251, %broadcast_in_dim3A_256 : vector<16xi1>, vector<16xi32>
    %reduce_sum3A_258 = arith.constant true
    %reduce_sum3A_259 = vector.broadcast %reduce_sum3A_258 : i1 to vector<16xi1>
    %reduce_sum3A_260 = tpu.scan <sum>, %select_n3A_257 masked %reduce_sum3A_259 : vector<16xi32>, vector<16xi1> -> vector<16xi32>
    %reduce_sum3A_261 = vector.extract %reduce_sum3A_260[15] : i32 from vector<16xi32>
    %shift_right_arithmetic3A_262 = arith.constant 7 : i32
    %shift_right_arithmetic3A_263 = arith.shrsi %reduce_sum3A_261, %shift_right_arithmetic3A_262 : i32
    %mul3A_264 = arith.constant 128 : i32
    %mul3A_265 = arith.muli %shift_right_arithmetic3A_263, %mul3A_264 : i32
    %multiple_of3A_266 = tpu.assume_multiple %mul3A_265, 128 : i32
    %dma_start3A_267 = arith.constant 0 : i32
    %dma_start3A_268 = tpu.memref_slice %arg4[%dma_start3A_267, %multiple_of3A_247] : memref<32x1000001xf32, #tpu.memory_space<hbm>> -> memref<32x128xf32, #tpu.memory_space<hbm>>
    %dma_start3A_269 = arith.constant 0 : i32
    %dma_start3A_270 = tpu.memref_slice %arg4[%dma_start3A_269, %multiple_of3A_247] : memref<32x1000001xf32, #tpu.memory_space<hbm>> -> memref<32x128xf32, #tpu.memory_space<hbm>>
    tpu.enqueue_dma source(%dma_start3A_270 : memref<32x128xf32, #tpu.memory_space<hbm>>) target(%arg15 : memref<32x128xf32, #tpu.memory_space<vmem>>) target_semaphore(%arg31 : memref<!tpu.dma_semaphore, #tpu.memory_space<semaphore_mem>>)
    %dma_start3A_271 = arith.constant 0 : i32
    %dma_start3A_272 = tpu.memref_slice %arg5[%dma_start3A_271, %multiple_of3A_266] : memref<32x1000001xf32, #tpu.memory_space<hbm>> -> memref<32x128xf32, #tpu.memory_space<hbm>>
    %dma_start3A_273 = arith.constant 0 : i32
    %dma_start3A_274 = tpu.memref_slice %arg5[%dma_start3A_273, %multiple_of3A_266] : memref<32x1000001xf32, #tpu.memory_space<hbm>> -> memref<32x128xf32, #tpu.memory_space<hbm>>
    tpu.enqueue_dma source(%dma_start3A_274 : memref<32x128xf32, #tpu.memory_space<hbm>>) target(%arg23 : memref<32x128xf32, #tpu.memory_space<vmem>>) target_semaphore(%arg39 : memref<!tpu.dma_semaphore, #tpu.memory_space<semaphore_mem>>)
    %multiple_of3A_275 = arith.constant 0 : i32
    %multiple_of3A_276 = tpu.assume_multiple %multiple_of3A_275, 16 : i32
    %get3A_277 = arith.index_cast %multiple_of3A_276 : i32 to index
    %get3A_278 = tpu.vector_load %arg7[%get3A_277] {strides = array<i32>} : memref<512xi32, #tpu.memory_space<vmem>>, vector<16xi32>,
    %broadcast_in_dim3A_279 = arith.constant 6 : i32
    %broadcast_in_dim3A_280 = vector.broadcast %broadcast_in_dim3A_279 : i32 to vector<16xi32>
    %eq3A_281 = arith.cmpi eq, %iota3A, %broadcast_in_dim3A_280 : vector<16xi32>
    %jit3A_282 = arith.constant 0 : i32
    %broadcast_in_dim3A_283 = vector.broadcast %jit3A_282 : i32 to vector<16xi32>
    %select_n3A_284 = arith.select %eq3A_281, %get3A_278, %broadcast_in_dim3A_283 : vector<16xi1>, vector<16xi32>
    %reduce_sum3A_285 = arith.constant true
    %reduce_sum3A_286 = vector.broadcast %reduce_sum3A_285 : i1 to vector<16xi1>
    %reduce_sum3A_287 = tpu.scan <sum>, %select_n3A_284 masked %reduce_sum3A_286 : vector<16xi32>, vector<16xi1> -> vector<16xi32>
    %reduce_sum3A_288 = vector.extract %reduce_sum3A_287[15] : i32 from vector<16xi32>
    %shift_right_arithmetic3A_289 = arith.constant 7 : i32
    %shift_right_arithmetic3A_290 = arith.shrsi %reduce_sum3A_288, %shift_right_arithmetic3A_289 : i32
    %mul3A_291 = arith.constant 128 : i32
    %mul3A_292 = arith.muli %shift_right_arithmetic3A_290, %mul3A_291 : i32
    %multiple_of3A_293 = tpu.assume_multiple %mul3A_292, 128 : i32
    %multiple_of3A_294 = arith.constant 0 : i32
    %multiple_of3A_295 = tpu.assume_multiple %multiple_of3A_294, 16 : i32
    %get3A_296 = arith.index_cast %multiple_of3A_295 : i32 to index
    %get3A_297 = tpu.vector_load %arg8[%get3A_296] {strides = array<i32>} : memref<512xi32, #tpu.memory_space<vmem>>, vector<16xi32>,
    %broadcast_in_dim3A_298 = arith.constant 6 : i32
    %broadcast_in_dim3A_299 = vector.broadcast %broadcast_in_dim3A_298 : i32 to vector<16xi32>
    %eq3A_300 = arith.cmpi eq, %iota3A, %broadcast_in_dim3A_299 : vector<16xi32>
    %jit3A_301 = arith.constant 0 : i32
    %broadcast_in_dim3A_302 = vector.broadcast %jit3A_301 : i32 to vector<16xi32>
    %select_n3A_303 = arith.select %eq3A_300, %get3A_297, %broadcast_in_dim3A_302 : vector<16xi1>, vector<16xi32>
    %reduce_sum3A_304 = arith.constant true
    %reduce_sum3A_305 = vector.broadcast %reduce_sum3A_304 : i1 to vector<16xi1>
    %reduce_sum3A_306 = tpu.scan <sum>, %select_n3A_303 masked %reduce_sum3A_305 : vector<16xi32>, vector<16xi1> -> vector<16xi32>
    %reduce_sum3A_307 = vector.extract %reduce_sum3A_306[15] : i32 from vector<16xi32>
    %shift_right_arithmetic3A_308 = arith.constant 7 : i32
    %shift_right_arithmetic3A_309 = arith.shrsi %reduce_sum3A_307, %shift_right_arithmetic3A_308 : i32
    %mul3A_310 = arith.constant 128 : i32
    %mul3A_311 = arith.muli %shift_right_arithmetic3A_309, %mul3A_310 : i32
    %multiple_of3A_312 = tpu.assume_multiple %mul3A_311, 128 : i32
    %dma_start3A_313 = arith.constant 0 : i32
    %dma_start3A_314 = tpu.memref_slice %arg4[%dma_start3A_313, %multiple_of3A_293] : memref<32x1000001xf32, #tpu.memory_space<hbm>> -> memref<32x128xf32, #tpu.memory_space<hbm>>
    %dma_start3A_315 = arith.constant 0 : i32
    %dma_start3A_316 = tpu.memref_slice %arg4[%dma_start3A_315, %multiple_of3A_293] : memref<32x1000001xf32, #tpu.memory_space<hbm>> -> memref<32x128xf32, #tpu.memory_space<hbm>>
    tpu.enqueue_dma source(%dma_start3A_316 : memref<32x128xf32, #tpu.memory_space<hbm>>) target(%arg16 : memref<32x128xf32, #tpu.memory_space<vmem>>) target_semaphore(%arg32 : memref<!tpu.dma_semaphore, #tpu.memory_space<semaphore_mem>>)
    %dma_start3A_317 = arith.constant 0 : i32
    %dma_start3A_318 = tpu.memref_slice %arg5[%dma_start3A_317, %multiple_of3A_312] : memref<32x1000001xf32, #tpu.memory_space<hbm>> -> memref<32x128xf32, #tpu.memory_space<hbm>>
    %dma_start3A_319 = arith.constant 0 : i32
    %dma_start3A_320 = tpu.memref_slice %arg5[%dma_start3A_319, %multiple_of3A_312] : memref<32x1000001xf32, #tpu.memory_space<hbm>> -> memref<32x128xf32, #tpu.memory_space<hbm>>
    tpu.enqueue_dma source(%dma_start3A_320 : memref<32x128xf32, #tpu.memory_space<hbm>>) target(%arg24 : memref<32x128xf32, #tpu.memory_space<vmem>>) target_semaphore(%arg40 : memref<!tpu.dma_semaphore, #tpu.memory_space<semaphore_mem>>)
    %multiple_of3A_321 = arith.constant 0 : i32
    %multiple_of3A_322 = tpu.assume_multiple %multiple_of3A_321, 16 : i32
    %get3A_323 = arith.index_cast %multiple_of3A_322 : i32 to index
    %get3A_324 = tpu.vector_load %arg7[%get3A_323] {strides = array<i32>} : memref<512xi32, #tpu.memory_space<vmem>>, vector<16xi32>,
    %broadcast_in_dim3A_325 = arith.constant 7 : i32
    %broadcast_in_dim3A_326 = vector.broadcast %broadcast_in_dim3A_325 : i32 to vector<16xi32>
    %eq3A_327 = arith.cmpi eq, %iota3A, %broadcast_in_dim3A_326 : vector<16xi32>
    %jit3A_328 = arith.constant 0 : i32
    %broadcast_in_dim3A_329 = vector.broadcast %jit3A_328 : i32 to vector<16xi32>
    %select_n3A_330 = arith.select %eq3A_327, %get3A_324, %broadcast_in_dim3A_329 : vector<16xi1>, vector<16xi32>
    %reduce_sum3A_331 = arith.constant true
    %reduce_sum3A_332 = vector.broadcast %reduce_sum3A_331 : i1 to vector<16xi1>
    %reduce_sum3A_333 = tpu.scan <sum>, %select_n3A_330 masked %reduce_sum3A_332 : vector<16xi32>, vector<16xi1> -> vector<16xi32>
    %reduce_sum3A_334 = vector.extract %reduce_sum3A_333[15] : i32 from vector<16xi32>
    %shift_right_arithmetic3A_335 = arith.constant 7 : i32
    %shift_right_arithmetic3A_336 = arith.shrsi %reduce_sum3A_334, %shift_right_arithmetic3A_335 : i32
    %mul3A_337 = arith.constant 128 : i32
    %mul3A_338 = arith.muli %shift_right_arithmetic3A_336, %mul3A_337 : i32
    %multiple_of3A_339 = tpu.assume_multiple %mul3A_338, 128 : i32
    %multiple_of3A_340 = arith.constant 0 : i32
    %multiple_of3A_341 = tpu.assume_multiple %multiple_of3A_340, 16 : i32
    %get3A_342 = arith.index_cast %multiple_of3A_341 : i32 to index
    %get3A_343 = tpu.vector_load %arg8[%get3A_342] {strides = array<i32>} : memref<512xi32, #tpu.memory_space<vmem>>, vector<16xi32>,
    %broadcast_in_dim3A_344 = arith.constant 7 : i32
    %broadcast_in_dim3A_345 = vector.broadcast %broadcast_in_dim3A_344 : i32 to vector<16xi32>
    %eq3A_346 = arith.cmpi eq, %iota3A, %broadcast_in_dim3A_345 : vector<16xi32>
    %jit3A_347 = arith.constant 0 : i32
    %broadcast_in_dim3A_348 = vector.broadcast %jit3A_347 : i32 to vector<16xi32>
    %select_n3A_349 = arith.select %eq3A_346, %get3A_343, %broadcast_in_dim3A_348 : vector<16xi1>, vector<16xi32>
    %reduce_sum3A_350 = arith.constant true
    %reduce_sum3A_351 = vector.broadcast %reduce_sum3A_350 : i1 to vector<16xi1>
    %reduce_sum3A_352 = tpu.scan <sum>, %select_n3A_349 masked %reduce_sum3A_351 : vector<16xi32>, vector<16xi1> -> vector<16xi32>
    %reduce_sum3A_353 = vector.extract %reduce_sum3A_352[15] : i32 from vector<16xi32>
    %shift_right_arithmetic3A_354 = arith.constant 7 : i32
    %shift_right_arithmetic3A_355 = arith.shrsi %reduce_sum3A_353, %shift_right_arithmetic3A_354 : i32
    %mul3A_356 = arith.constant 128 : i32
    %mul3A_357 = arith.muli %shift_right_arithmetic3A_355, %mul3A_356 : i32
    %multiple_of3A_358 = tpu.assume_multiple %mul3A_357, 128 : i32
    %dma_start3A_359 = arith.constant 0 : i32
    %dma_start3A_360 = tpu.memref_slice %arg4[%dma_start3A_359, %multiple_of3A_339] : memref<32x1000001xf32, #tpu.memory_space<hbm>> -> memref<32x128xf32, #tpu.memory_space<hbm>>
    %dma_start3A_361 = arith.constant 0 : i32
    %dma_start3A_362 = tpu.memref_slice %arg4[%dma_start3A_361, %multiple_of3A_339] : memref<32x1000001xf32, #tpu.memory_space<hbm>> -> memref<32x128xf32, #tpu.memory_space<hbm>>
    tpu.enqueue_dma source(%dma_start3A_362 : memref<32x128xf32, #tpu.memory_space<hbm>>) target(%arg17 : memref<32x128xf32, #tpu.memory_space<vmem>>) target_semaphore(%arg33 : memref<!tpu.dma_semaphore, #tpu.memory_space<semaphore_mem>>)
    %dma_start3A_363 = arith.constant 0 : i32
    %dma_start3A_364 = tpu.memref_slice %arg5[%dma_start3A_363, %multiple_of3A_358] : memref<32x1000001xf32, #tpu.memory_space<hbm>> -> memref<32x128xf32, #tpu.memory_space<hbm>>
    %dma_start3A_365 = arith.constant 0 : i32
    %dma_start3A_366 = tpu.memref_slice %arg5[%dma_start3A_365, %multiple_of3A_358] : memref<32x1000001xf32, #tpu.memory_space<hbm>> -> memref<32x128xf32, #tpu.memory_space<hbm>>
    tpu.enqueue_dma source(%dma_start3A_366 : memref<32x128xf32, #tpu.memory_space<hbm>>) target(%arg25 : memref<32x128xf32, #tpu.memory_space<vmem>>) target_semaphore(%arg41 : memref<!tpu.dma_semaphore, #tpu.memory_space<semaphore_mem>>)
    %scan3A_367 = arith.constant 0 : i32
    %scan3A_368 = arith.constant 0 : i32
    %scan3A_369 = arith.constant 63 : i32
    %scan3A_370 = arith.addi %scan3A_368, %scan3A_369 : i32
    %scan3A_371 = arith.constant 1 : i32
    scf.for %scan3A_858 = %scan3A_368 to %scan3A_370 step %scan3A_371  : i32 {
      %mul3A_859 = arith.constant 8 : i32
      %mul3A_860 = arith.muli %scan3A_858, %mul3A_859 : i32
      %add3A_861 = arith.constant 0 : i32
      %add3A_862 = arith.addi %mul3A_860, %add3A_861 : i32
      %dma_wait3A_863 = arith.constant 0 : i32
      %dma_wait3A_864 = arith.constant 0 : i32
      %dma_wait3A_865 = tpu.memref_slice %arg4[%dma_wait3A_863, %dma_wait3A_864] : memref<32x1000001xf32, #tpu.memory_space<hbm>> -> memref<32x128xf32, #tpu.memory_space<hbm>>
      %dma_wait3A_866 = arith.constant 0 : i32
      %dma_wait3A_867 = arith.constant 0 : i32
      %dma_wait3A_868 = tpu.memref_slice %arg4[%dma_wait3A_866, %dma_wait3A_867] : memref<32x1000001xf32, #tpu.memory_space<hbm>> -> memref<32x128xf32, #tpu.memory_space<hbm>>
      tpu.wait_dma2 semaphore(%arg26 : memref<!tpu.dma_semaphore, #tpu.memory_space<semaphore_mem>>) src(%dma_wait3A_868 : memref<32x128xf32, #tpu.memory_space<hbm>>) dst(%arg10 : memref<32x128xf32, #tpu.memory_space<vmem>>)
      %dma_wait3A_869 = arith.constant 0 : i32
      %dma_wait3A_870 = arith.constant 0 : i32
      %dma_wait3A_871 = tpu.memref_slice %arg5[%dma_wait3A_869, %dma_wait3A_870] : memref<32x1000001xf32, #tpu.memory_space<hbm>> -> memref<32x128xf32, #tpu.memory_space<hbm>>
      %dma_wait3A_872 = arith.constant 0 : i32
      %dma_wait3A_873 = arith.constant 0 : i32
      %dma_wait3A_874 = tpu.memref_slice %arg5[%dma_wait3A_872, %dma_wait3A_873] : memref<32x1000001xf32, #tpu.memory_space<hbm>> -> memref<32x128xf32, #tpu.memory_space<hbm>>
      tpu.wait_dma2 semaphore(%arg34 : memref<!tpu.dma_semaphore, #tpu.memory_space<semaphore_mem>>) src(%dma_wait3A_874 : memref<32x128xf32, #tpu.memory_space<hbm>>) dst(%arg18 : memref<32x128xf32, #tpu.memory_space<vmem>>)
      %jit3A_875 = arith.constant 16 : i32
      %div3A = arith.divsi %add3A_862, %jit3A_875 : i32
      %sign3A = arith.constant 0 : i32
      %sign3A_876 = arith.cmpi sgt, %add3A_862, %sign3A : i32
      %sign3A_877 = arith.extui %sign3A_876 : i1 to i32
      %sign3A_878 = arith.constant 0 : i32
      %sign3A_879 = arith.cmpi slt, %add3A_862, %sign3A_878 : i32
      %sign3A_880 = arith.extui %sign3A_879 : i1 to i32
      %sign3A_881 = arith.subi %sign3A_877, %sign3A_880 : i32
      %sign3A_882 = arith.constant 0 : i32
      %sign3A_883 = arith.cmpi sgt, %jit3A_875, %sign3A_882 : i32
      %sign3A_884 = arith.extui %sign3A_883 : i1 to i32
      %sign3A_885 = arith.constant 0 : i32
      %sign3A_886 = arith.cmpi slt, %jit3A_875, %sign3A_885 : i32
      %sign3A_887 = arith.extui %sign3A_886 : i1 to i32
      %sign3A_888 = arith.subi %sign3A_884, %sign3A_887 : i32
      %ne3A = arith.cmpi ne, %sign3A_881, %sign3A_888 : i32
      %rem3A = arith.remsi %add3A_862, %jit3A_875 : i32
      %ne3A_889 = arith.constant 0 : i32
      %ne3A_890 = arith.cmpi ne, %rem3A, %ne3A_889 : i32
      %and3A_891 = arith.andi %ne3A, %ne3A_890 : i1
      %sub3A = arith.constant 1 : i32
      %sub3A_892 = arith.subi %div3A, %sub3A : i32
      %select_n3A_893 = arith.select %and3A_891, %sub3A_892, %div3A : i32
      %mul3A_894 = arith.constant 16 : i32
      %mul3A_895 = arith.muli %select_n3A_893, %mul3A_894 : i32
      %multiple_of3A_896 = tpu.assume_multiple %mul3A_895, 16 : i32
      %get3A_897 = arith.index_cast %multiple_of3A_896 : i32 to index
      %get3A_898 = tpu.vector_load %arg7[%get3A_897] {strides = array<i32>} : memref<512xi32, #tpu.memory_space<vmem>>, vector<16xi32>,
      %jit3A_899 = arith.constant 16 : i32
      %eq3A_900 = arith.constant 0 : i32
      %eq3A_901 = arith.cmpi eq, %jit3A_899, %eq3A_900 : i32
      %jit3A_902 = arith.constant 1 : i32
      %select_n3A_903 = arith.select %eq3A_901, %jit3A_902, %jit3A_899 : i32
      %rem3A_904 = arith.remsi %add3A_862, %select_n3A_903 : i32
      %ne3A_905 = arith.constant 0 : i32
      %ne3A_906 = arith.cmpi ne, %rem3A_904, %ne3A_905 : i32
      %lt3A = arith.constant 0 : i32
      %lt3A_907 = arith.cmpi slt, %rem3A_904, %lt3A : i32
      %lt3A_908 = arith.constant 0 : i32
      %lt3A_909 = arith.cmpi slt, %select_n3A_903, %lt3A_908 : i32
      %ne3A_910 = arith.xori %lt3A_907, %lt3A_909 : i1
      %and3A_911 = arith.andi %ne3A_910, %ne3A_906 : i1
      %add3A_912 = arith.addi %rem3A_904, %select_n3A_903 : i32
      %select_n3A_913 = arith.select %and3A_911, %add3A_912, %rem3A_904 : i32
      %broadcast_in_dim3A_914 = vector.broadcast %select_n3A_913 : i32 to vector<16xi32>
      %eq3A_915 = arith.cmpi eq, %iota3A, %broadcast_in_dim3A_914 : vector<16xi32>
      %jit3A_916 = arith.constant 0 : i32
      %broadcast_in_dim3A_917 = vector.broadcast %jit3A_916 : i32 to vector<16xi32>
      %select_n3A_918 = arith.select %eq3A_915, %get3A_898, %broadcast_in_dim3A_917 : vector<16xi1>, vector<16xi32>
      %reduce_sum3A_919 = arith.constant true
      %reduce_sum3A_920 = vector.broadcast %reduce_sum3A_919 : i1 to vector<16xi1>
      %reduce_sum3A_921 = tpu.scan <sum>, %select_n3A_918 masked %reduce_sum3A_920 : vector<16xi32>, vector<16xi1> -> vector<16xi32>
      %reduce_sum3A_922 = vector.extract %reduce_sum3A_921[15] : i32 from vector<16xi32>
      %and3A_923 = arith.constant 127 : i32
      %and3A_924 = arith.andi %reduce_sum3A_922, %and3A_923 : i32
      %broadcast_in_dim3A_925 = vector.broadcast %and3A_924 : i32 to vector<16xi32>
      %jit3A_926 = arith.constant 16 : i32
      %div3A_927 = arith.divsi %add3A_862, %jit3A_926 : i32
      %sign3A_928 = arith.constant 0 : i32
      %sign3A_929 = arith.cmpi sgt, %add3A_862, %sign3A_928 : i32
      %sign3A_930 = arith.extui %sign3A_929 : i1 to i32
      %sign3A_931 = arith.constant 0 : i32
      %sign3A_932 = arith.cmpi slt, %add3A_862, %sign3A_931 : i32
      %sign3A_933 = arith.extui %sign3A_932 : i1 to i32
      %sign3A_934 = arith.subi %sign3A_930, %sign3A_933 : i32
      %sign3A_935 = arith.constant 0 : i32
      %sign3A_936 = arith.cmpi sgt, %jit3A_926, %sign3A_935 : i32
      %sign3A_937 = arith.extui %sign3A_936 : i1 to i32
      %sign3A_938 = arith.constant 0 : i32
      %sign3A_939 = arith.cmpi slt, %jit3A_926, %sign3A_938 : i32
      %sign3A_940 = arith.extui %sign3A_939 : i1 to i32
      %sign3A_941 = arith.subi %sign3A_937, %sign3A_940 : i32
      %ne3A_942 = arith.cmpi ne, %sign3A_934, %sign3A_941 : i32
      %rem3A_943 = arith.remsi %add3A_862, %jit3A_926 : i32
      %ne3A_944 = arith.constant 0 : i32
      %ne3A_945 = arith.cmpi ne, %rem3A_943, %ne3A_944 : i32
      %and3A_946 = arith.andi %ne3A_942, %ne3A_945 : i1
      %sub3A_947 = arith.constant 1 : i32
      %sub3A_948 = arith.subi %div3A_927, %sub3A_947 : i32
      %select_n3A_949 = arith.select %and3A_946, %sub3A_948, %div3A_927 : i32
      %mul3A_950 = arith.constant 16 : i32
      %mul3A_951 = arith.muli %select_n3A_949, %mul3A_950 : i32
      %multiple_of3A_952 = tpu.assume_multiple %mul3A_951, 16 : i32
      %get3A_953 = arith.index_cast %multiple_of3A_952 : i32 to index
      %get3A_954 = tpu.vector_load %arg8[%get3A_953] {strides = array<i32>} : memref<512xi32, #tpu.memory_space<vmem>>, vector<16xi32>,
      %jit3A_955 = arith.constant 16 : i32
      %eq3A_956 = arith.constant 0 : i32
      %eq3A_957 = arith.cmpi eq, %jit3A_955, %eq3A_956 : i32
      %jit3A_958 = arith.constant 1 : i32
      %select_n3A_959 = arith.select %eq3A_957, %jit3A_958, %jit3A_955 : i32
      %rem3A_960 = arith.remsi %add3A_862, %select_n3A_959 : i32
      %ne3A_961 = arith.constant 0 : i32
      %ne3A_962 = arith.cmpi ne, %rem3A_960, %ne3A_961 : i32
      %lt3A_963 = arith.constant 0 : i32
      %lt3A_964 = arith.cmpi slt, %rem3A_960, %lt3A_963 : i32
      %lt3A_965 = arith.constant 0 : i32
      %lt3A_966 = arith.cmpi slt, %select_n3A_959, %lt3A_965 : i32
      %ne3A_967 = arith.xori %lt3A_964, %lt3A_966 : i1
      %and3A_968 = arith.andi %ne3A_967, %ne3A_962 : i1
      %add3A_969 = arith.addi %rem3A_960, %select_n3A_959 : i32
      %select_n3A_970 = arith.select %and3A_968, %add3A_969, %rem3A_960 : i32
      %broadcast_in_dim3A_971 = vector.broadcast %select_n3A_970 : i32 to vector<16xi32>
      %eq3A_972 = arith.cmpi eq, %iota3A, %broadcast_in_dim3A_971 : vector<16xi32>
      %jit3A_973 = arith.constant 0 : i32
      %broadcast_in_dim3A_974 = vector.broadcast %jit3A_973 : i32 to vector<16xi32>
      %select_n3A_975 = arith.select %eq3A_972, %get3A_954, %broadcast_in_dim3A_974 : vector<16xi1>, vector<16xi32>
      %reduce_sum3A_976 = arith.constant true
      %reduce_sum3A_977 = vector.broadcast %reduce_sum3A_976 : i1 to vector<16xi1>
      %reduce_sum3A_978 = tpu.scan <sum>, %select_n3A_975 masked %reduce_sum3A_977 : vector<16xi32>, vector<16xi1> -> vector<16xi32>
      %reduce_sum3A_979 = vector.extract %reduce_sum3A_978[15] : i32 from vector<16xi32>
      %and3A_980 = arith.constant 127 : i32
      %and3A_981 = arith.andi %reduce_sum3A_979, %and3A_980 : i32
      %broadcast_in_dim3A_982 = vector.broadcast %and3A_981 : i32 to vector<16xi32>
      %gather3A_983 = tpu.vector_load_idx %arg10[%iota3A, %broadcast_in_dim3A_925] : memref<32x128xf32, #tpu.memory_space<vmem>>[vector<16xi32>, vector<16xi32>], vector<16xf32>,
      %add3A_984 = arith.constant 16 : i32
      %add3A_985 = vector.broadcast %add3A_984 : i32 to vector<16xi32>
      %add3A_986 = arith.addi %iota3A, %add3A_985 : vector<16xi32>
      %gather3A_987 = tpu.vector_load_idx %arg10[%add3A_986, %broadcast_in_dim3A_925] : memref<32x128xf32, #tpu.memory_space<vmem>>[vector<16xi32>, vector<16xi32>], vector<16xf32>,
      %gather3A_988 = tpu.vector_load_idx %arg18[%iota3A, %broadcast_in_dim3A_982] : memref<32x128xf32, #tpu.memory_space<vmem>>[vector<16xi32>, vector<16xi32>], vector<16xf32>,
      %add3A_989 = arith.constant 16 : i32
      %add3A_990 = vector.broadcast %add3A_989 : i32 to vector<16xi32>
      %add3A_991 = arith.addi %iota3A, %add3A_990 : vector<16xi32>
      %gather3A_992 = tpu.vector_load_idx %arg18[%add3A_991, %broadcast_in_dim3A_982] : memref<32x128xf32, #tpu.memory_space<vmem>>[vector<16xi32>, vector<16xi32>], vector<16xf32>,
      %mul3A_993 = arith.mulf %gather3A_983, %gather3A_988 : vector<16xf32>
      %mul3A_994 = arith.mulf %gather3A_987, %gather3A_992 : vector<16xf32>
      %add3A_995 = arith.addf %mul3A_993, %mul3A_994 : vector<16xf32>
      %broadcast_in_dim3A_996 = vector.broadcast %add3A_862 : i32 to vector<16xi32>
      tpu.vector_store_idx %arg9[%broadcast_in_dim3A_996], %add3A_995 {add = true} : memref<512xf32, #tpu.memory_space<vmem>>[vector<16xi32>], vector<16xf32>,
      %add3A_997 = arith.constant 8 : i32
      %add3A_998 = arith.addi %add3A_862, %add3A_997 : i32
      %jit3A_999 = arith.constant 16 : i32
      %div3A_1000 = arith.divsi %add3A_998, %jit3A_999 : i32
      %sign3A_1001 = arith.constant 0 : i32
      %sign3A_1002 = arith.cmpi sgt, %add3A_998, %sign3A_1001 : i32
      %sign3A_1003 = arith.extui %sign3A_1002 : i1 to i32
      %sign3A_1004 = arith.constant 0 : i32
      %sign3A_1005 = arith.cmpi slt, %add3A_998, %sign3A_1004 : i32
      %sign3A_1006 = arith.extui %sign3A_1005 : i1 to i32
      %sign3A_1007 = arith.subi %sign3A_1003, %sign3A_1006 : i32
      %sign3A_1008 = arith.constant 0 : i32
      %sign3A_1009 = arith.cmpi sgt, %jit3A_999, %sign3A_1008 : i32
      %sign3A_1010 = arith.extui %sign3A_1009 : i1 to i32
      %sign3A_1011 = arith.constant 0 : i32
      %sign3A_1012 = arith.cmpi slt, %jit3A_999, %sign3A_1011 : i32
      %sign3A_1013 = arith.extui %sign3A_1012 : i1 to i32
      %sign3A_1014 = arith.subi %sign3A_1010, %sign3A_1013 : i32
      %ne3A_1015 = arith.cmpi ne, %sign3A_1007, %sign3A_1014 : i32
      %rem3A_1016 = arith.remsi %add3A_998, %jit3A_999 : i32
      %ne3A_1017 = arith.constant 0 : i32
      %ne3A_1018 = arith.cmpi ne, %rem3A_1016, %ne3A_1017 : i32
      %and3A_1019 = arith.andi %ne3A_1015, %ne3A_1018 : i1
      %sub3A_1020 = arith.constant 1 : i32
      %sub3A_1021 = arith.subi %div3A_1000, %sub3A_1020 : i32
      %select_n3A_1022 = arith.select %and3A_1019, %sub3A_1021, %div3A_1000 : i32
      %mul3A_1023 = arith.constant 16 : i32
      %mul3A_1024 = arith.muli %select_n3A_1022, %mul3A_1023 : i32
      %multiple_of3A_1025 = tpu.assume_multiple %mul3A_1024, 16 : i32
      %get3A_1026 = arith.index_cast %multiple_of3A_1025 : i32 to index
      %get3A_1027 = tpu.vector_load %arg7[%get3A_1026] {strides = array<i32>} : memref<512xi32, #tpu.memory_space<vmem>>, vector<16xi32>,
      %jit3A_1028 = arith.constant 16 : i32
      %eq3A_1029 = arith.constant 0 : i32
      %eq3A_1030 = arith.cmpi eq, %jit3A_1028, %eq3A_1029 : i32
      %jit3A_1031 = arith.constant 1 : i32
      %select_n3A_1032 = arith.select %eq3A_1030, %jit3A_1031, %jit3A_1028 : i32
      %rem3A_1033 = arith.remsi %add3A_998, %select_n3A_1032 : i32
      %ne3A_1034 = arith.constant 0 : i32
      %ne3A_1035 = arith.cmpi ne, %rem3A_1033, %ne3A_1034 : i32
      %lt3A_1036 = arith.constant 0 : i32
      %lt3A_1037 = arith.cmpi slt, %rem3A_1033, %lt3A_1036 : i32
      %lt3A_1038 = arith.constant 0 : i32
      %lt3A_1039 = arith.cmpi slt, %select_n3A_1032, %lt3A_1038 : i32
      %ne3A_1040 = arith.xori %lt3A_1037, %lt3A_1039 : i1
      %and3A_1041 = arith.andi %ne3A_1040, %ne3A_1035 : i1
      %add3A_1042 = arith.addi %rem3A_1033, %select_n3A_1032 : i32
      %select_n3A_1043 = arith.select %and3A_1041, %add3A_1042, %rem3A_1033 : i32
      %broadcast_in_dim3A_1044 = vector.broadcast %select_n3A_1043 : i32 to vector<16xi32>
      %eq3A_1045 = arith.cmpi eq, %iota3A, %broadcast_in_dim3A_1044 : vector<16xi32>
      %jit3A_1046 = arith.constant 0 : i32
      %broadcast_in_dim3A_1047 = vector.broadcast %jit3A_1046 : i32 to vector<16xi32>
      %select_n3A_1048 = arith.select %eq3A_1045, %get3A_1027, %broadcast_in_dim3A_1047 : vector<16xi1>, vector<16xi32>
      %reduce_sum3A_1049 = arith.constant true
      %reduce_sum3A_1050 = vector.broadcast %reduce_sum3A_1049 : i1 to vector<16xi1>
      %reduce_sum3A_1051 = tpu.scan <sum>, %select_n3A_1048 masked %reduce_sum3A_1050 : vector<16xi32>, vector<16xi1> -> vector<16xi32>
      %reduce_sum3A_1052 = vector.extract %reduce_sum3A_1051[15] : i32 from vector<16xi32>
      %shift_right_arithmetic3A_1053 = arith.constant 7 : i32
      %shift_right_arithmetic3A_1054 = arith.shrsi %reduce_sum3A_1052, %shift_right_arithmetic3A_1053 : i32
      %mul3A_1055 = arith.constant 128 : i32
      %mul3A_1056 = arith.muli %shift_right_arithmetic3A_1054, %mul3A_1055 : i32
      %multiple_of3A_1057 = tpu.assume_multiple %mul3A_1056, 128 : i32
      %jit3A_1058 = arith.constant 16 : i32
      %div3A_1059 = arith.divsi %add3A_998, %jit3A_1058 : i32
      %sign3A_1060 = arith.constant 0 : i32
      %sign3A_1061 = arith.cmpi sgt, %add3A_998, %sign3A_1060 : i32
      %sign3A_1062 = arith.extui %sign3A_1061 : i1 to i32
      %sign3A_1063 = arith.constant 0 : i32
      %sign3A_1064 = arith.cmpi slt, %add3A_998, %sign3A_1063 : i32
      %sign3A_1065 = arith.extui %sign3A_1064 : i1 to i32
      %sign3A_1066 = arith.subi %sign3A_1062, %sign3A_1065 : i32
      %sign3A_1067 = arith.constant 0 : i32
      %sign3A_1068 = arith.cmpi sgt, %jit3A_1058, %sign3A_1067 : i32
      %sign3A_1069 = arith.extui %sign3A_1068 : i1 to i32
      %sign3A_1070 = arith.constant 0 : i32
      %sign3A_1071 = arith.cmpi slt, %jit3A_1058, %sign3A_1070 : i32
      %sign3A_1072 = arith.extui %sign3A_1071 : i1 to i32
      %sign3A_1073 = arith.subi %sign3A_1069, %sign3A_1072 : i32
      %ne3A_1074 = arith.cmpi ne, %sign3A_1066, %sign3A_1073 : i32
      %rem3A_1075 = arith.remsi %add3A_998, %jit3A_1058 : i32
      %ne3A_1076 = arith.constant 0 : i32
      %ne3A_1077 = arith.cmpi ne, %rem3A_1075, %ne3A_1076 : i32
      %and3A_1078 = arith.andi %ne3A_1074, %ne3A_1077 : i1
      %sub3A_1079 = arith.constant 1 : i32
      %sub3A_1080 = arith.subi %div3A_1059, %sub3A_1079 : i32
      %select_n3A_1081 = arith.select %and3A_1078, %sub3A_1080, %div3A_1059 : i32
      %mul3A_1082 = arith.constant 16 : i32
      %mul3A_1083 = arith.muli %select_n3A_1081, %mul3A_1082 : i32
      %multiple_of3A_1084 = tpu.assume_multiple %mul3A_1083, 16 : i32
      %get3A_1085 = arith.index_cast %multiple_of3A_1084 : i32 to index
      %get3A_1086 = tpu.vector_load %arg8[%get3A_1085] {strides = array<i32>} : memref<512xi32, #tpu.memory_space<vmem>>, vector<16xi32>,
      %jit3A_1087 = arith.constant 16 : i32
      %eq3A_1088 = arith.constant 0 : i32
      %eq3A_1089 = arith.cmpi eq, %jit3A_1087, %eq3A_1088 : i32
      %jit3A_1090 = arith.constant 1 : i32
      %select_n3A_1091 = arith.select %eq3A_1089, %jit3A_1090, %jit3A_1087 : i32
      %rem3A_1092 = arith.remsi %add3A_998, %select_n3A_1091 : i32
      %ne3A_1093 = arith.constant 0 : i32
      %ne3A_1094 = arith.cmpi ne, %rem3A_1092, %ne3A_1093 : i32
      %lt3A_1095 = arith.constant 0 : i32
      %lt3A_1096 = arith.cmpi slt, %rem3A_1092, %lt3A_1095 : i32
      %lt3A_1097 = arith.constant 0 : i32
      %lt3A_1098 = arith.cmpi slt, %select_n3A_1091, %lt3A_1097 : i32
      %ne3A_1099 = arith.xori %lt3A_1096, %lt3A_1098 : i1
      %and3A_1100 = arith.andi %ne3A_1099, %ne3A_1094 : i1
      %add3A_1101 = arith.addi %rem3A_1092, %select_n3A_1091 : i32
      %select_n3A_1102 = arith.select %and3A_1100, %add3A_1101, %rem3A_1092 : i32
      %broadcast_in_dim3A_1103 = vector.broadcast %select_n3A_1102 : i32 to vector<16xi32>
      %eq3A_1104 = arith.cmpi eq, %iota3A, %broadcast_in_dim3A_1103 : vector<16xi32>
      %jit3A_1105 = arith.constant 0 : i32
      %broadcast_in_dim3A_1106 = vector.broadcast %jit3A_1105 : i32 to vector<16xi32>
      %select_n3A_1107 = arith.select %eq3A_1104, %get3A_1086, %broadcast_in_dim3A_1106 : vector<16xi1>, vector<16xi32>
      %reduce_sum3A_1108 = arith.constant true
      %reduce_sum3A_1109 = vector.broadcast %reduce_sum3A_1108 : i1 to vector<16xi1>
      %reduce_sum3A_1110 = tpu.scan <sum>, %select_n3A_1107 masked %reduce_sum3A_1109 : vector<16xi32>, vector<16xi1> -> vector<16xi32>
      %reduce_sum3A_1111 = vector.extract %reduce_sum3A_1110[15] : i32 from vector<16xi32>
      %shift_right_arithmetic3A_1112 = arith.constant 7 : i32
      %shift_right_arithmetic3A_1113 = arith.shrsi %reduce_sum3A_1111, %shift_right_arithmetic3A_1112 : i32
      %mul3A_1114 = arith.constant 128 : i32
      %mul3A_1115 = arith.muli %shift_right_arithmetic3A_1113, %mul3A_1114 : i32
      %multiple_of3A_1116 = tpu.assume_multiple %mul3A_1115, 128 : i32
      %dma_start3A_1117 = arith.constant 0 : i32
      %dma_start3A_1118 = tpu.memref_slice %arg4[%dma_start3A_1117, %multiple_of3A_1057] : memref<32x1000001xf32, #tpu.memory_space<hbm>> -> memref<32x128xf32, #tpu.memory_space<hbm>>
      %dma_start3A_1119 = arith.constant 0 : i32
      %dma_start3A_1120 = tpu.memref_slice %arg4[%dma_start3A_1119, %multiple_of3A_1057] : memref<32x1000001xf32, #tpu.memory_space<hbm>> -> memref<32x128xf32, #tpu.memory_space<hbm>>
      tpu.enqueue_dma source(%dma_start3A_1120 : memref<32x128xf32, #tpu.memory_space<hbm>>) target(%arg10 : memref<32x128xf32, #tpu.memory_space<vmem>>) target_semaphore(%arg26 : memref<!tpu.dma_semaphore, #tpu.memory_space<semaphore_mem>>)
      %dma_start3A_1121 = arith.constant 0 : i32
      %dma_start3A_1122 = tpu.memref_slice %arg5[%dma_start3A_1121, %multiple_of3A_1116] : memref<32x1000001xf32, #tpu.memory_space<hbm>> -> memref<32x128xf32, #tpu.memory_space<hbm>>
      %dma_start3A_1123 = arith.constant 0 : i32
      %dma_start3A_1124 = tpu.memref_slice %arg5[%dma_start3A_1123, %multiple_of3A_1116] : memref<32x1000001xf32, #tpu.memory_space<hbm>> -> memref<32x128xf32, #tpu.memory_space<hbm>>
      tpu.enqueue_dma source(%dma_start3A_1124 : memref<32x128xf32, #tpu.memory_space<hbm>>) target(%arg18 : memref<32x128xf32, #tpu.memory_space<vmem>>) target_semaphore(%arg34 : memref<!tpu.dma_semaphore, #tpu.memory_space<semaphore_mem>>)
      %mul3A_1125 = arith.constant 8 : i32
      %mul3A_1126 = arith.muli %scan3A_858, %mul3A_1125 : i32
      %add3A_1127 = arith.constant 1 : i32
      %add3A_1128 = arith.addi %mul3A_1126, %add3A_1127 : i32
      %dma_wait3A_1129 = arith.constant 0 : i32
      %dma_wait3A_1130 = arith.constant 0 : i32
      %dma_wait3A_1131 = tpu.memref_slice %arg4[%dma_wait3A_1129, %dma_wait3A_1130] : memref<32x1000001xf32, #tpu.memory_space<hbm>> -> memref<32x128xf32, #tpu.memory_space<hbm>>
      %dma_wait3A_1132 = arith.constant 0 : i32
      %dma_wait3A_1133 = arith.constant 0 : i32
      %dma_wait3A_1134 = tpu.memref_slice %arg4[%dma_wait3A_1132, %dma_wait3A_1133] : memref<32x1000001xf32, #tpu.memory_space<hbm>> -> memref<32x128xf32, #tpu.memory_space<hbm>>
      tpu.wait_dma2 semaphore(%arg27 : memref<!tpu.dma_semaphore, #tpu.memory_space<semaphore_mem>>) src(%dma_wait3A_1134 : memref<32x128xf32, #tpu.memory_space<hbm>>) dst(%arg11 : memref<32x128xf32, #tpu.memory_space<vmem>>)
      %dma_wait3A_1135 = arith.constant 0 : i32
      %dma_wait3A_1136 = arith.constant 0 : i32
      %dma_wait3A_1137 = tpu.memref_slice %arg5[%dma_wait3A_1135, %dma_wait3A_1136] : memref<32x1000001xf32, #tpu.memory_space<hbm>> -> memref<32x128xf32, #tpu.memory_space<hbm>>
      %dma_wait3A_1138 = arith.constant 0 : i32
      %dma_wait3A_1139 = arith.constant 0 : i32
      %dma_wait3A_1140 = tpu.memref_slice %arg5[%dma_wait3A_1138, %dma_wait3A_1139] : memref<32x1000001xf32, #tpu.memory_space<hbm>> -> memref<32x128xf32, #tpu.memory_space<hbm>>
      tpu.wait_dma2 semaphore(%arg35 : memref<!tpu.dma_semaphore, #tpu.memory_space<semaphore_mem>>) src(%dma_wait3A_1140 : memref<32x128xf32, #tpu.memory_space<hbm>>) dst(%arg19 : memref<32x128xf32, #tpu.memory_space<vmem>>)
      %jit3A_1141 = arith.constant 16 : i32
      %div3A_1142 = arith.divsi %add3A_1128, %jit3A_1141 : i32
      %sign3A_1143 = arith.constant 0 : i32
      %sign3A_1144 = arith.cmpi sgt, %add3A_1128, %sign3A_1143 : i32
      %sign3A_1145 = arith.extui %sign3A_1144 : i1 to i32
      %sign3A_1146 = arith.constant 0 : i32
      %sign3A_1147 = arith.cmpi slt, %add3A_1128, %sign3A_1146 : i32
      %sign3A_1148 = arith.extui %sign3A_1147 : i1 to i32
      %sign3A_1149 = arith.subi %sign3A_1145, %sign3A_1148 : i32
      %sign3A_1150 = arith.constant 0 : i32
      %sign3A_1151 = arith.cmpi sgt, %jit3A_1141, %sign3A_1150 : i32
      %sign3A_1152 = arith.extui %sign3A_1151 : i1 to i32
      %sign3A_1153 = arith.constant 0 : i32
      %sign3A_1154 = arith.cmpi slt, %jit3A_1141, %sign3A_1153 : i32
      %sign3A_1155 = arith.extui %sign3A_1154 : i1 to i32
      %sign3A_1156 = arith.subi %sign3A_1152, %sign3A_1155 : i32
      %ne3A_1157 = arith.cmpi ne, %sign3A_1149, %sign3A_1156 : i32
      %rem3A_1158 = arith.remsi %add3A_1128, %jit3A_1141 : i32
      %ne3A_1159 = arith.constant 0 : i32
      %ne3A_1160 = arith.cmpi ne, %rem3A_1158, %ne3A_1159 : i32
      %and3A_1161 = arith.andi %ne3A_1157, %ne3A_1160 : i1
      %sub3A_1162 = arith.constant 1 : i32
      %sub3A_1163 = arith.subi %div3A_1142, %sub3A_1162 : i32
      %select_n3A_1164 = arith.select %and3A_1161, %sub3A_1163, %div3A_1142 : i32
      %mul3A_1165 = arith.constant 16 : i32
      %mul3A_1166 = arith.muli %select_n3A_1164, %mul3A_1165 : i32
      %multiple_of3A_1167 = tpu.assume_multiple %mul3A_1166, 16 : i32
      %get3A_1168 = arith.index_cast %multiple_of3A_1167 : i32 to index
      %get3A_1169 = tpu.vector_load %arg7[%get3A_1168] {strides = array<i32>} : memref<512xi32, #tpu.memory_space<vmem>>, vector<16xi32>,
      %jit3A_1170 = arith.constant 16 : i32
      %eq3A_1171 = arith.constant 0 : i32
      %eq3A_1172 = arith.cmpi eq, %jit3A_1170, %eq3A_1171 : i32
      %jit3A_1173 = arith.constant 1 : i32
      %select_n3A_1174 = arith.select %eq3A_1172, %jit3A_1173, %jit3A_1170 : i32
      %rem3A_1175 = arith.remsi %add3A_1128, %select_n3A_1174 : i32
      %ne3A_1176 = arith.constant 0 : i32
      %ne3A_1177 = arith.cmpi ne, %rem3A_1175, %ne3A_1176 : i32
      %lt3A_1178 = arith.constant 0 : i32
      %lt3A_1179 = arith.cmpi slt, %rem3A_1175, %lt3A_1178 : i32
      %lt3A_1180 = arith.constant 0 : i32
      %lt3A_1181 = arith.cmpi slt, %select_n3A_1174, %lt3A_1180 : i32
      %ne3A_1182 = arith.xori %lt3A_1179, %lt3A_1181 : i1
      %and3A_1183 = arith.andi %ne3A_1182, %ne3A_1177 : i1
      %add3A_1184 = arith.addi %rem3A_1175, %select_n3A_1174 : i32
      %select_n3A_1185 = arith.select %and3A_1183, %add3A_1184, %rem3A_1175 : i32
      %broadcast_in_dim3A_1186 = vector.broadcast %select_n3A_1185 : i32 to vector<16xi32>
      %eq3A_1187 = arith.cmpi eq, %iota3A, %broadcast_in_dim3A_1186 : vector<16xi32>
      %jit3A_1188 = arith.constant 0 : i32
      %broadcast_in_dim3A_1189 = vector.broadcast %jit3A_1188 : i32 to vector<16xi32>
      %select_n3A_1190 = arith.select %eq3A_1187, %get3A_1169, %broadcast_in_dim3A_1189 : vector<16xi1>, vector<16xi32>
      %reduce_sum3A_1191 = arith.constant true
      %reduce_sum3A_1192 = vector.broadcast %reduce_sum3A_1191 : i1 to vector<16xi1>
      %reduce_sum3A_1193 = tpu.scan <sum>, %select_n3A_1190 masked %reduce_sum3A_1192 : vector<16xi32>, vector<16xi1> -> vector<16xi32>
      %reduce_sum3A_1194 = vector.extract %reduce_sum3A_1193[15] : i32 from vector<16xi32>
      %and3A_1195 = arith.constant 127 : i32
      %and3A_1196 = arith.andi %reduce_sum3A_1194, %and3A_1195 : i32
      %broadcast_in_dim3A_1197 = vector.broadcast %and3A_1196 : i32 to vector<16xi32>
      %jit3A_1198 = arith.constant 16 : i32
      %div3A_1199 = arith.divsi %add3A_1128, %jit3A_1198 : i32
      %sign3A_1200 = arith.constant 0 : i32
      %sign3A_1201 = arith.cmpi sgt, %add3A_1128, %sign3A_1200 : i32
      %sign3A_1202 = arith.extui %sign3A_1201 : i1 to i32
      %sign3A_1203 = arith.constant 0 : i32
      %sign3A_1204 = arith.cmpi slt, %add3A_1128, %sign3A_1203 : i32
      %sign3A_1205 = arith.extui %sign3A_1204 : i1 to i32
      %sign3A_1206 = arith.subi %sign3A_1202, %sign3A_1205 : i32
      %sign3A_1207 = arith.constant 0 : i32
      %sign3A_1208 = arith.cmpi sgt, %jit3A_1198, %sign3A_1207 : i32
      %sign3A_1209 = arith.extui %sign3A_1208 : i1 to i32
      %sign3A_1210 = arith.constant 0 : i32
      %sign3A_1211 = arith.cmpi slt, %jit3A_1198, %sign3A_1210 : i32
      %sign3A_1212 = arith.extui %sign3A_1211 : i1 to i32
      %sign3A_1213 = arith.subi %sign3A_1209, %sign3A_1212 : i32
      %ne3A_1214 = arith.cmpi ne, %sign3A_1206, %sign3A_1213 : i32
      %rem3A_1215 = arith.remsi %add3A_1128, %jit3A_1198 : i32
      %ne3A_1216 = arith.constant 0 : i32
      %ne3A_1217 = arith.cmpi ne, %rem3A_1215, %ne3A_1216 : i32
      %and3A_1218 = arith.andi %ne3A_1214, %ne3A_1217 : i1
      %sub3A_1219 = arith.constant 1 : i32
      %sub3A_1220 = arith.subi %div3A_1199, %sub3A_1219 : i32
      %select_n3A_1221 = arith.select %and3A_1218, %sub3A_1220, %div3A_1199 : i32
      %mul3A_1222 = arith.constant 16 : i32
      %mul3A_1223 = arith.muli %select_n3A_1221, %mul3A_1222 : i32
      %multiple_of3A_1224 = tpu.assume_multiple %mul3A_1223, 16 : i32
      %get3A_1225 = arith.index_cast %multiple_of3A_1224 : i32 to index
      %get3A_1226 = tpu.vector_load %arg8[%get3A_1225] {strides = array<i32>} : memref<512xi32, #tpu.memory_space<vmem>>, vector<16xi32>,
      %jit3A_1227 = arith.constant 16 : i32
      %eq3A_1228 = arith.constant 0 : i32
      %eq3A_1229 = arith.cmpi eq, %jit3A_1227, %eq3A_1228 : i32
      %jit3A_1230 = arith.constant 1 : i32
      %select_n3A_1231 = arith.select %eq3A_1229, %jit3A_1230, %jit3A_1227 : i32
      %rem3A_1232 = arith.remsi %add3A_1128, %select_n3A_1231 : i32
      %ne3A_1233 = arith.constant 0 : i32
      %ne3A_1234 = arith.cmpi ne, %rem3A_1232, %ne3A_1233 : i32
      %lt3A_1235 = arith.constant 0 : i32
      %lt3A_1236 = arith.cmpi slt, %rem3A_1232, %lt3A_1235 : i32
      %lt3A_1237 = arith.constant 0 : i32
      %lt3A_1238 = arith.cmpi slt, %select_n3A_1231, %lt3A_1237 : i32
      %ne3A_1239 = arith.xori %lt3A_1236, %lt3A_1238 : i1
      %and3A_1240 = arith.andi %ne3A_1239, %ne3A_1234 : i1
      %add3A_1241 = arith.addi %rem3A_1232, %select_n3A_1231 : i32
      %select_n3A_1242 = arith.select %and3A_1240, %add3A_1241, %rem3A_1232 : i32
      %broadcast_in_dim3A_1243 = vector.broadcast %select_n3A_1242 : i32 to vector<16xi32>
      %eq3A_1244 = arith.cmpi eq, %iota3A, %broadcast_in_dim3A_1243 : vector<16xi32>
      %jit3A_1245 = arith.constant 0 : i32
      %broadcast_in_dim3A_1246 = vector.broadcast %jit3A_1245 : i32 to vector<16xi32>
      %select_n3A_1247 = arith.select %eq3A_1244, %get3A_1226, %broadcast_in_dim3A_1246 : vector<16xi1>, vector<16xi32>
      %reduce_sum3A_1248 = arith.constant true
      %reduce_sum3A_1249 = vector.broadcast %reduce_sum3A_1248 : i1 to vector<16xi1>
      %reduce_sum3A_1250 = tpu.scan <sum>, %select_n3A_1247 masked %reduce_sum3A_1249 : vector<16xi32>, vector<16xi1> -> vector<16xi32>
      %reduce_sum3A_1251 = vector.extract %reduce_sum3A_1250[15] : i32 from vector<16xi32>
      %and3A_1252 = arith.constant 127 : i32
      %and3A_1253 = arith.andi %reduce_sum3A_1251, %and3A_1252 : i32
      %broadcast_in_dim3A_1254 = vector.broadcast %and3A_1253 : i32 to vector<16xi32>
      %gather3A_1255 = tpu.vector_load_idx %arg11[%iota3A, %broadcast_in_dim3A_1197] : memref<32x128xf32, #tpu.memory_space<vmem>>[vector<16xi32>, vector<16xi32>], vector<16xf32>,
      %add3A_1256 = arith.constant 16 : i32
      %add3A_1257 = vector.broadcast %add3A_1256 : i32 to vector<16xi32>
      %add3A_1258 = arith.addi %iota3A, %add3A_1257 : vector<16xi32>
      %gather3A_1259 = tpu.vector_load_idx %arg11[%add3A_1258, %broadcast_in_dim3A_1197] : memref<32x128xf32, #tpu.memory_space<vmem>>[vector<16xi32>, vector<16xi32>], vector<16xf32>,
      %gather3A_1260 = tpu.vector_load_idx %arg19[%iota3A, %broadcast_in_dim3A_1254] : memref<32x128xf32, #tpu.memory_space<vmem>>[vector<16xi32>, vector<16xi32>], vector<16xf32>,
      %add3A_1261 = arith.constant 16 : i32
      %add3A_1262 = vector.broadcast %add3A_1261 : i32 to vector<16xi32>
      %add3A_1263 = arith.addi %iota3A, %add3A_1262 : vector<16xi32>
      %gather3A_1264 = tpu.vector_load_idx %arg19[%add3A_1263, %broadcast_in_dim3A_1254] : memref<32x128xf32, #tpu.memory_space<vmem>>[vector<16xi32>, vector<16xi32>], vector<16xf32>,
      %mul3A_1265 = arith.mulf %gather3A_1255, %gather3A_1260 : vector<16xf32>
      %mul3A_1266 = arith.mulf %gather3A_1259, %gather3A_1264 : vector<16xf32>
      %add3A_1267 = arith.addf %mul3A_1265, %mul3A_1266 : vector<16xf32>
      %broadcast_in_dim3A_1268 = vector.broadcast %add3A_1128 : i32 to vector<16xi32>
      tpu.vector_store_idx %arg9[%broadcast_in_dim3A_1268], %add3A_1267 {add = true} : memref<512xf32, #tpu.memory_space<vmem>>[vector<16xi32>], vector<16xf32>,
      %add3A_1269 = arith.constant 8 : i32
      %add3A_1270 = arith.addi %add3A_1128, %add3A_1269 : i32
      %jit3A_1271 = arith.constant 16 : i32
      %div3A_1272 = arith.divsi %add3A_1270, %jit3A_1271 : i32
      %sign3A_1273 = arith.constant 0 : i32
      %sign3A_1274 = arith.cmpi sgt, %add3A_1270, %sign3A_1273 : i32
      %sign3A_1275 = arith.extui %sign3A_1274 : i1 to i32
      %sign3A_1276 = arith.constant 0 : i32
      %sign3A_1277 = arith.cmpi slt, %add3A_1270, %sign3A_1276 : i32
      %sign3A_1278 = arith.extui %sign3A_1277 : i1 to i32
      %sign3A_1279 = arith.subi %sign3A_1275, %sign3A_1278 : i32
      %sign3A_1280 = arith.constant 0 : i32
      %sign3A_1281 = arith.cmpi sgt, %jit3A_1271, %sign3A_1280 : i32
      %sign3A_1282 = arith.extui %sign3A_1281 : i1 to i32
      %sign3A_1283 = arith.constant 0 : i32
      %sign3A_1284 = arith.cmpi slt, %jit3A_1271, %sign3A_1283 : i32
      %sign3A_1285 = arith.extui %sign3A_1284 : i1 to i32
      %sign3A_1286 = arith.subi %sign3A_1282, %sign3A_1285 : i32
      %ne3A_1287 = arith.cmpi ne, %sign3A_1279, %sign3A_1286 : i32
      %rem3A_1288 = arith.remsi %add3A_1270, %jit3A_1271 : i32
      %ne3A_1289 = arith.constant 0 : i32
      %ne3A_1290 = arith.cmpi ne, %rem3A_1288, %ne3A_1289 : i32
      %and3A_1291 = arith.andi %ne3A_1287, %ne3A_1290 : i1
      %sub3A_1292 = arith.constant 1 : i32
      %sub3A_1293 = arith.subi %div3A_1272, %sub3A_1292 : i32
      %select_n3A_1294 = arith.select %and3A_1291, %sub3A_1293, %div3A_1272 : i32
      %mul3A_1295 = arith.constant 16 : i32
      %mul3A_1296 = arith.muli %select_n3A_1294, %mul3A_1295 : i32
      %multiple_of3A_1297 = tpu.assume_multiple %mul3A_1296, 16 : i32
      %get3A_1298 = arith.index_cast %multiple_of3A_1297 : i32 to index
      %get3A_1299 = tpu.vector_load %arg7[%get3A_1298] {strides = array<i32>} : memref<512xi32, #tpu.memory_space<vmem>>, vector<16xi32>,
      %jit3A_1300 = arith.constant 16 : i32
      %eq3A_1301 = arith.constant 0 : i32
      %eq3A_1302 = arith.cmpi eq, %jit3A_1300, %eq3A_1301 : i32
      %jit3A_1303 = arith.constant 1 : i32
      %select_n3A_1304 = arith.select %eq3A_1302, %jit3A_1303, %jit3A_1300 : i32
      %rem3A_1305 = arith.remsi %add3A_1270, %select_n3A_1304 : i32
      %ne3A_1306 = arith.constant 0 : i32
      %ne3A_1307 = arith.cmpi ne, %rem3A_1305, %ne3A_1306 : i32
      %lt3A_1308 = arith.constant 0 : i32
      %lt3A_1309 = arith.cmpi slt, %rem3A_1305, %lt3A_1308 : i32
      %lt3A_1310 = arith.constant 0 : i32
      %lt3A_1311 = arith.cmpi slt, %select_n3A_1304, %lt3A_1310 : i32
      %ne3A_1312 = arith.xori %lt3A_1309, %lt3A_1311 : i1
      %and3A_1313 = arith.andi %ne3A_1312, %ne3A_1307 : i1
      %add3A_1314 = arith.addi %rem3A_1305, %select_n3A_1304 : i32
      %select_n3A_1315 = arith.select %and3A_1313, %add3A_1314, %rem3A_1305 : i32
      %broadcast_in_dim3A_1316 = vector.broadcast %select_n3A_1315 : i32 to vector<16xi32>
      %eq3A_1317 = arith.cmpi eq, %iota3A, %broadcast_in_dim3A_1316 : vector<16xi32>
      %jit3A_1318 = arith.constant 0 : i32
      %broadcast_in_dim3A_1319 = vector.broadcast %jit3A_1318 : i32 to vector<16xi32>
      %select_n3A_1320 = arith.select %eq3A_1317, %get3A_1299, %broadcast_in_dim3A_1319 : vector<16xi1>, vector<16xi32>
      %reduce_sum3A_1321 = arith.constant true
      %reduce_sum3A_1322 = vector.broadcast %reduce_sum3A_1321 : i1 to vector<16xi1>
      %reduce_sum3A_1323 = tpu.scan <sum>, %select_n3A_1320 masked %reduce_sum3A_1322 : vector<16xi32>, vector<16xi1> -> vector<16xi32>
      %reduce_sum3A_1324 = vector.extract %reduce_sum3A_1323[15] : i32 from vector<16xi32>
      %shift_right_arithmetic3A_1325 = arith.constant 7 : i32
      %shift_right_arithmetic3A_1326 = arith.shrsi %reduce_sum3A_1324, %shift_right_arithmetic3A_1325 : i32
      %mul3A_1327 = arith.constant 128 : i32
      %mul3A_1328 = arith.muli %shift_right_arithmetic3A_1326, %mul3A_1327 : i32
      %multiple_of3A_1329 = tpu.assume_multiple %mul3A_1328, 128 : i32
      %jit3A_1330 = arith.constant 16 : i32
      %div3A_1331 = arith.divsi %add3A_1270, %jit3A_1330 : i32
      %sign3A_1332 = arith.constant 0 : i32
      %sign3A_1333 = arith.cmpi sgt, %add3A_1270, %sign3A_1332 : i32
      %sign3A_1334 = arith.extui %sign3A_1333 : i1 to i32
      %sign3A_1335 = arith.constant 0 : i32
      %sign3A_1336 = arith.cmpi slt, %add3A_1270, %sign3A_1335 : i32
      %sign3A_1337 = arith.extui %sign3A_1336 : i1 to i32
      %sign3A_1338 = arith.subi %sign3A_1334, %sign3A_1337 : i32
      %sign3A_1339 = arith.constant 0 : i32
      %sign3A_1340 = arith.cmpi sgt, %jit3A_1330, %sign3A_1339 : i32
      %sign3A_1341 = arith.extui %sign3A_1340 : i1 to i32
      %sign3A_1342 = arith.constant 0 : i32
      %sign3A_1343 = arith.cmpi slt, %jit3A_1330, %sign3A_1342 : i32
      %sign3A_1344 = arith.extui %sign3A_1343 : i1 to i32
      %sign3A_1345 = arith.subi %sign3A_1341, %sign3A_1344 : i32
      %ne3A_1346 = arith.cmpi ne, %sign3A_1338, %sign3A_1345 : i32
      %rem3A_1347 = arith.remsi %add3A_1270, %jit3A_1330 : i32
      %ne3A_1348 = arith.constant 0 : i32
      %ne3A_1349 = arith.cmpi ne, %rem3A_1347, %ne3A_1348 : i32
      %and3A_1350 = arith.andi %ne3A_1346, %ne3A_1349 : i1
      %sub3A_1351 = arith.constant 1 : i32
      %sub3A_1352 = arith.subi %div3A_1331, %sub3A_1351 : i32
      %select_n3A_1353 = arith.select %and3A_1350, %sub3A_1352, %div3A_1331 : i32
      %mul3A_1354 = arith.constant 16 : i32
      %mul3A_1355 = arith.muli %select_n3A_1353, %mul3A_1354 : i32
      %multiple_of3A_1356 = tpu.assume_multiple %mul3A_1355, 16 : i32
      %get3A_1357 = arith.index_cast %multiple_of3A_1356 : i32 to index
      %get3A_1358 = tpu.vector_load %arg8[%get3A_1357] {strides = array<i32>} : memref<512xi32, #tpu.memory_space<vmem>>, vector<16xi32>,
      %jit3A_1359 = arith.constant 16 : i32
      %eq3A_1360 = arith.constant 0 : i32
      %eq3A_1361 = arith.cmpi eq, %jit3A_1359, %eq3A_1360 : i32
      %jit3A_1362 = arith.constant 1 : i32
      %select_n3A_1363 = arith.select %eq3A_1361, %jit3A_1362, %jit3A_1359 : i32
      %rem3A_1364 = arith.remsi %add3A_1270, %select_n3A_1363 : i32
      %ne3A_1365 = arith.constant 0 : i32
      %ne3A_1366 = arith.cmpi ne, %rem3A_1364, %ne3A_1365 : i32
      %lt3A_1367 = arith.constant 0 : i32
      %lt3A_1368 = arith.cmpi slt, %rem3A_1364, %lt3A_1367 : i32
      %lt3A_1369 = arith.constant 0 : i32
      %lt3A_1370 = arith.cmpi slt, %select_n3A_1363, %lt3A_1369 : i32
      %ne3A_1371 = arith.xori %lt3A_1368, %lt3A_1370 : i1
      %and3A_1372 = arith.andi %ne3A_1371, %ne3A_1366 : i1
      %add3A_1373 = arith.addi %rem3A_1364, %select_n3A_1363 : i32
      %select_n3A_1374 = arith.select %and3A_1372, %add3A_1373, %rem3A_1364 : i32
      %broadcast_in_dim3A_1375 = vector.broadcast %select_n3A_1374 : i32 to vector<16xi32>
      %eq3A_1376 = arith.cmpi eq, %iota3A, %broadcast_in_dim3A_1375 : vector<16xi32>
      %jit3A_1377 = arith.constant 0 : i32
      %broadcast_in_dim3A_1378 = vector.broadcast %jit3A_1377 : i32 to vector<16xi32>
      %select_n3A_1379 = arith.select %eq3A_1376, %get3A_1358, %broadcast_in_dim3A_1378 : vector<16xi1>, vector<16xi32>
      %reduce_sum3A_1380 = arith.constant true
      %reduce_sum3A_1381 = vector.broadcast %reduce_sum3A_1380 : i1 to vector<16xi1>
      %reduce_sum3A_1382 = tpu.scan <sum>, %select_n3A_1379 masked %reduce_sum3A_1381 : vector<16xi32>, vector<16xi1> -> vector<16xi32>
      %reduce_sum3A_1383 = vector.extract %reduce_sum3A_1382[15] : i32 from vector<16xi32>
      %shift_right_arithmetic3A_1384 = arith.constant 7 : i32
      %shift_right_arithmetic3A_1385 = arith.shrsi %reduce_sum3A_1383, %shift_right_arithmetic3A_1384 : i32
      %mul3A_1386 = arith.constant 128 : i32
      %mul3A_1387 = arith.muli %shift_right_arithmetic3A_1385, %mul3A_1386 : i32
      %multiple_of3A_1388 = tpu.assume_multiple %mul3A_1387, 128 : i32
      %dma_start3A_1389 = arith.constant 0 : i32
      %dma_start3A_1390 = tpu.memref_slice %arg4[%dma_start3A_1389, %multiple_of3A_1329] : memref<32x1000001xf32, #tpu.memory_space<hbm>> -> memref<32x128xf32, #tpu.memory_space<hbm>>
      %dma_start3A_1391 = arith.constant 0 : i32
      %dma_start3A_1392 = tpu.memref_slice %arg4[%dma_start3A_1391, %multiple_of3A_1329] : memref<32x1000001xf32, #tpu.memory_space<hbm>> -> memref<32x128xf32, #tpu.memory_space<hbm>>
      tpu.enqueue_dma source(%dma_start3A_1392 : memref<32x128xf32, #tpu.memory_space<hbm>>) target(%arg11 : memref<32x128xf32, #tpu.memory_space<vmem>>) target_semaphore(%arg27 : memref<!tpu.dma_semaphore, #tpu.memory_space<semaphore_mem>>)
      %dma_start3A_1393 = arith.constant 0 : i32
      %dma_start3A_1394 = tpu.memref_slice %arg5[%dma_start3A_1393, %multiple_of3A_1388] : memref<32x1000001xf32, #tpu.memory_space<hbm>> -> memref<32x128xf32, #tpu.memory_space<hbm>>
      %dma_start3A_1395 = arith.constant 0 : i32
      %dma_start3A_1396 = tpu.memref_slice %arg5[%dma_start3A_1395, %multiple_of3A_1388] : memref<32x1000001xf32, #tpu.memory_space<hbm>> -> memref<32x128xf32, #tpu.memory_space<hbm>>
      tpu.enqueue_dma source(%dma_start3A_1396 : memref<32x128xf32, #tpu.memory_space<hbm>>) target(%arg19 : memref<32x128xf32, #tpu.memory_space<vmem>>) target_semaphore(%arg35 : memref<!tpu.dma_semaphore, #tpu.memory_space<semaphore_mem>>)
      %mul3A_1397 = arith.constant 8 : i32
      %mul3A_1398 = arith.muli %scan3A_858, %mul3A_1397 : i32
      %add3A_1399 = arith.constant 2 : i32
      %add3A_1400 = arith.addi %mul3A_1398, %add3A_1399 : i32
      %dma_wait3A_1401 = arith.constant 0 : i32
      %dma_wait3A_1402 = arith.constant 0 : i32
      %dma_wait3A_1403 = tpu.memref_slice %arg4[%dma_wait3A_1401, %dma_wait3A_1402] : memref<32x1000001xf32, #tpu.memory_space<hbm>> -> memref<32x128xf32, #tpu.memory_space<hbm>>
      %dma_wait3A_1404 = arith.constant 0 : i32
      %dma_wait3A_1405 = arith.constant 0 : i32
      %dma_wait3A_1406 = tpu.memref_slice %arg4[%dma_wait3A_1404, %dma_wait3A_1405] : memref<32x1000001xf32, #tpu.memory_space<hbm>> -> memref<32x128xf32, #tpu.memory_space<hbm>>
      tpu.wait_dma2 semaphore(%arg28 : memref<!tpu.dma_semaphore, #tpu.memory_space<semaphore_mem>>) src(%dma_wait3A_1406 : memref<32x128xf32, #tpu.memory_space<hbm>>) dst(%arg12 : memref<32x128xf32, #tpu.memory_space<vmem>>)
      %dma_wait3A_1407 = arith.constant 0 : i32
      %dma_wait3A_1408 = arith.constant 0 : i32
      %dma_wait3A_1409 = tpu.memref_slice %arg5[%dma_wait3A_1407, %dma_wait3A_1408] : memref<32x1000001xf32, #tpu.memory_space<hbm>> -> memref<32x128xf32, #tpu.memory_space<hbm>>
      %dma_wait3A_1410 = arith.constant 0 : i32
      %dma_wait3A_1411 = arith.constant 0 : i32
      %dma_wait3A_1412 = tpu.memref_slice %arg5[%dma_wait3A_1410, %dma_wait3A_1411] : memref<32x1000001xf32, #tpu.memory_space<hbm>> -> memref<32x128xf32, #tpu.memory_space<hbm>>
      tpu.wait_dma2 semaphore(%arg36 : memref<!tpu.dma_semaphore, #tpu.memory_space<semaphore_mem>>) src(%dma_wait3A_1412 : memref<32x128xf32, #tpu.memory_space<hbm>>) dst(%arg20 : memref<32x128xf32, #tpu.memory_space<vmem>>)
      %jit3A_1413 = arith.constant 16 : i32
      %div3A_1414 = arith.divsi %add3A_1400, %jit3A_1413 : i32
      %sign3A_1415 = arith.constant 0 : i32
      %sign3A_1416 = arith.cmpi sgt, %add3A_1400, %sign3A_1415 : i32
      %sign3A_1417 = arith.extui %sign3A_1416 : i1 to i32
      %sign3A_1418 = arith.constant 0 : i32
      %sign3A_1419 = arith.cmpi slt, %add3A_1400, %sign3A_1418 : i32
      %sign3A_1420 = arith.extui %sign3A_1419 : i1 to i32
      %sign3A_1421 = arith.subi %sign3A_1417, %sign3A_1420 : i32
      %sign3A_1422 = arith.constant 0 : i32
      %sign3A_1423 = arith.cmpi sgt, %jit3A_1413, %sign3A_1422 : i32
      %sign3A_1424 = arith.extui %sign3A_1423 : i1 to i32
      %sign3A_1425 = arith.constant 0 : i32
      %sign3A_1426 = arith.cmpi slt, %jit3A_1413, %sign3A_1425 : i32
      %sign3A_1427 = arith.extui %sign3A_1426 : i1 to i32
      %sign3A_1428 = arith.subi %sign3A_1424, %sign3A_1427 : i32
      %ne3A_1429 = arith.cmpi ne, %sign3A_1421, %sign3A_1428 : i32
      %rem3A_1430 = arith.remsi %add3A_1400, %jit3A_1413 : i32
      %ne3A_1431 = arith.constant 0 : i32
      %ne3A_1432 = arith.cmpi ne, %rem3A_1430, %ne3A_1431 : i32
      %and3A_1433 = arith.andi %ne3A_1429, %ne3A_1432 : i1
      %sub3A_1434 = arith.constant 1 : i32
      %sub3A_1435 = arith.subi %div3A_1414, %sub3A_1434 : i32
      %select_n3A_1436 = arith.select %and3A_1433, %sub3A_1435, %div3A_1414 : i32
      %mul3A_1437 = arith.constant 16 : i32
      %mul3A_1438 = arith.muli %select_n3A_1436, %mul3A_1437 : i32
      %multiple_of3A_1439 = tpu.assume_multiple %mul3A_1438, 16 : i32
      %get3A_1440 = arith.index_cast %multiple_of3A_1439 : i32 to index
      %get3A_1441 = tpu.vector_load %arg7[%get3A_1440] {strides = array<i32>} : memref<512xi32, #tpu.memory_space<vmem>>, vector<16xi32>,
      %jit3A_1442 = arith.constant 16 : i32
      %eq3A_1443 = arith.constant 0 : i32
      %eq3A_1444 = arith.cmpi eq, %jit3A_1442, %eq3A_1443 : i32
      %jit3A_1445 = arith.constant 1 : i32
      %select_n3A_1446 = arith.select %eq3A_1444, %jit3A_1445, %jit3A_1442 : i32
      %rem3A_1447 = arith.remsi %add3A_1400, %select_n3A_1446 : i32
      %ne3A_1448 = arith.constant 0 : i32
      %ne3A_1449 = arith.cmpi ne, %rem3A_1447, %ne3A_1448 : i32
      %lt3A_1450 = arith.constant 0 : i32
      %lt3A_1451 = arith.cmpi slt, %rem3A_1447, %lt3A_1450 : i32
      %lt3A_1452 = arith.constant 0 : i32
      %lt3A_1453 = arith.cmpi slt, %select_n3A_1446, %lt3A_1452 : i32
      %ne3A_1454 = arith.xori %lt3A_1451, %lt3A_1453 : i1
      %and3A_1455 = arith.andi %ne3A_1454, %ne3A_1449 : i1
      %add3A_1456 = arith.addi %rem3A_1447, %select_n3A_1446 : i32
      %select_n3A_1457 = arith.select %and3A_1455, %add3A_1456, %rem3A_1447 : i32
      %broadcast_in_dim3A_1458 = vector.broadcast %select_n3A_1457 : i32 to vector<16xi32>
      %eq3A_1459 = arith.cmpi eq, %iota3A, %broadcast_in_dim3A_1458 : vector<16xi32>
      %jit3A_1460 = arith.constant 0 : i32
      %broadcast_in_dim3A_1461 = vector.broadcast %jit3A_1460 : i32 to vector<16xi32>
      %select_n3A_1462 = arith.select %eq3A_1459, %get3A_1441, %broadcast_in_dim3A_1461 : vector<16xi1>, vector<16xi32>
      %reduce_sum3A_1463 = arith.constant true
      %reduce_sum3A_1464 = vector.broadcast %reduce_sum3A_1463 : i1 to vector<16xi1>
      %reduce_sum3A_1465 = tpu.scan <sum>, %select_n3A_1462 masked %reduce_sum3A_1464 : vector<16xi32>, vector<16xi1> -> vector<16xi32>
      %reduce_sum3A_1466 = vector.extract %reduce_sum3A_1465[15] : i32 from vector<16xi32>
      %and3A_1467 = arith.constant 127 : i32
      %and3A_1468 = arith.andi %reduce_sum3A_1466, %and3A_1467 : i32
      %broadcast_in_dim3A_1469 = vector.broadcast %and3A_1468 : i32 to vector<16xi32>
      %jit3A_1470 = arith.constant 16 : i32
      %div3A_1471 = arith.divsi %add3A_1400, %jit3A_1470 : i32
      %sign3A_1472 = arith.constant 0 : i32
      %sign3A_1473 = arith.cmpi sgt, %add3A_1400, %sign3A_1472 : i32
      %sign3A_1474 = arith.extui %sign3A_1473 : i1 to i32
      %sign3A_1475 = arith.constant 0 : i32
      %sign3A_1476 = arith.cmpi slt, %add3A_1400, %sign3A_1475 : i32
      %sign3A_1477 = arith.extui %sign3A_1476 : i1 to i32
      %sign3A_1478 = arith.subi %sign3A_1474, %sign3A_1477 : i32
      %sign3A_1479 = arith.constant 0 : i32
      %sign3A_1480 = arith.cmpi sgt, %jit3A_1470, %sign3A_1479 : i32
      %sign3A_1481 = arith.extui %sign3A_1480 : i1 to i32
      %sign3A_1482 = arith.constant 0 : i32
      %sign3A_1483 = arith.cmpi slt, %jit3A_1470, %sign3A_1482 : i32
      %sign3A_1484 = arith.extui %sign3A_1483 : i1 to i32
      %sign3A_1485 = arith.subi %sign3A_1481, %sign3A_1484 : i32
      %ne3A_1486 = arith.cmpi ne, %sign3A_1478, %sign3A_1485 : i32
      %rem3A_1487 = arith.remsi %add3A_1400, %jit3A_1470 : i32
      %ne3A_1488 = arith.constant 0 : i32
      %ne3A_1489 = arith.cmpi ne, %rem3A_1487, %ne3A_1488 : i32
      %and3A_1490 = arith.andi %ne3A_1486, %ne3A_1489 : i1
      %sub3A_1491 = arith.constant 1 : i32
      %sub3A_1492 = arith.subi %div3A_1471, %sub3A_1491 : i32
      %select_n3A_1493 = arith.select %and3A_1490, %sub3A_1492, %div3A_1471 : i32
      %mul3A_1494 = arith.constant 16 : i32
      %mul3A_1495 = arith.muli %select_n3A_1493, %mul3A_1494 : i32
      %multiple_of3A_1496 = tpu.assume_multiple %mul3A_1495, 16 : i32
      %get3A_1497 = arith.index_cast %multiple_of3A_1496 : i32 to index
      %get3A_1498 = tpu.vector_load %arg8[%get3A_1497] {strides = array<i32>} : memref<512xi32, #tpu.memory_space<vmem>>, vector<16xi32>,
      %jit3A_1499 = arith.constant 16 : i32
      %eq3A_1500 = arith.constant 0 : i32
      %eq3A_1501 = arith.cmpi eq, %jit3A_1499, %eq3A_1500 : i32
      %jit3A_1502 = arith.constant 1 : i32
      %select_n3A_1503 = arith.select %eq3A_1501, %jit3A_1502, %jit3A_1499 : i32
      %rem3A_1504 = arith.remsi %add3A_1400, %select_n3A_1503 : i32
      %ne3A_1505 = arith.constant 0 : i32
      %ne3A_1506 = arith.cmpi ne, %rem3A_1504, %ne3A_1505 : i32
      %lt3A_1507 = arith.constant 0 : i32
      %lt3A_1508 = arith.cmpi slt, %rem3A_1504, %lt3A_1507 : i32
      %lt3A_1509 = arith.constant 0 : i32
      %lt3A_1510 = arith.cmpi slt, %select_n3A_1503, %lt3A_1509 : i32
      %ne3A_1511 = arith.xori %lt3A_1508, %lt3A_1510 : i1
      %and3A_1512 = arith.andi %ne3A_1511, %ne3A_1506 : i1
      %add3A_1513 = arith.addi %rem3A_1504, %select_n3A_1503 : i32
      %select_n3A_1514 = arith.select %and3A_1512, %add3A_1513, %rem3A_1504 : i32
      %broadcast_in_dim3A_1515 = vector.broadcast %select_n3A_1514 : i32 to vector<16xi32>
      %eq3A_1516 = arith.cmpi eq, %iota3A, %broadcast_in_dim3A_1515 : vector<16xi32>
      %jit3A_1517 = arith.constant 0 : i32
      %broadcast_in_dim3A_1518 = vector.broadcast %jit3A_1517 : i32 to vector<16xi32>
      %select_n3A_1519 = arith.select %eq3A_1516, %get3A_1498, %broadcast_in_dim3A_1518 : vector<16xi1>, vector<16xi32>
      %reduce_sum3A_1520 = arith.constant true
      %reduce_sum3A_1521 = vector.broadcast %reduce_sum3A_1520 : i1 to vector<16xi1>
      %reduce_sum3A_1522 = tpu.scan <sum>, %select_n3A_1519 masked %reduce_sum3A_1521 : vector<16xi32>, vector<16xi1> -> vector<16xi32>
      %reduce_sum3A_1523 = vector.extract %reduce_sum3A_1522[15] : i32 from vector<16xi32>
      %and3A_1524 = arith.constant 127 : i32
      %and3A_1525 = arith.andi %reduce_sum3A_1523, %and3A_1524 : i32
      %broadcast_in_dim3A_1526 = vector.broadcast %and3A_1525 : i32 to vector<16xi32>
      %gather3A_1527 = tpu.vector_load_idx %arg12[%iota3A, %broadcast_in_dim3A_1469] : memref<32x128xf32, #tpu.memory_space<vmem>>[vector<16xi32>, vector<16xi32>], vector<16xf32>,
      %add3A_1528 = arith.constant 16 : i32
      %add3A_1529 = vector.broadcast %add3A_1528 : i32 to vector<16xi32>
      %add3A_1530 = arith.addi %iota3A, %add3A_1529 : vector<16xi32>
      %gather3A_1531 = tpu.vector_load_idx %arg12[%add3A_1530, %broadcast_in_dim3A_1469] : memref<32x128xf32, #tpu.memory_space<vmem>>[vector<16xi32>, vector<16xi32>], vector<16xf32>,
      %gather3A_1532 = tpu.vector_load_idx %arg20[%iota3A, %broadcast_in_dim3A_1526] : memref<32x128xf32, #tpu.memory_space<vmem>>[vector<16xi32>, vector<16xi32>], vector<16xf32>,
      %add3A_1533 = arith.constant 16 : i32
      %add3A_1534 = vector.broadcast %add3A_1533 : i32 to vector<16xi32>
      %add3A_1535 = arith.addi %iota3A, %add3A_1534 : vector<16xi32>
      %gather3A_1536 = tpu.vector_load_idx %arg20[%add3A_1535, %broadcast_in_dim3A_1526] : memref<32x128xf32, #tpu.memory_space<vmem>>[vector<16xi32>, vector<16xi32>], vector<16xf32>,
      %mul3A_1537 = arith.mulf %gather3A_1527, %gather3A_1532 : vector<16xf32>
      %mul3A_1538 = arith.mulf %gather3A_1531, %gather3A_1536 : vector<16xf32>
      %add3A_1539 = arith.addf %mul3A_1537, %mul3A_1538 : vector<16xf32>
      %broadcast_in_dim3A_1540 = vector.broadcast %add3A_1400 : i32 to vector<16xi32>
      tpu.vector_store_idx %arg9[%broadcast_in_dim3A_1540], %add3A_1539 {add = true} : memref<512xf32, #tpu.memory_space<vmem>>[vector<16xi32>], vector<16xf32>,
      %add3A_1541 = arith.constant 8 : i32
      %add3A_1542 = arith.addi %add3A_1400, %add3A_1541 : i32
      %jit3A_1543 = arith.constant 16 : i32
      %div3A_1544 = arith.divsi %add3A_1542, %jit3A_1543 : i32
      %sign3A_1545 = arith.constant 0 : i32
      %sign3A_1546 = arith.cmpi sgt, %add3A_1542, %sign3A_1545 : i32
      %sign3A_1547 = arith.extui %sign3A_1546 : i1 to i32
      %sign3A_1548 = arith.constant 0 : i32
      %sign3A_1549 = arith.cmpi slt, %add3A_1542, %sign3A_1548 : i32
      %sign3A_1550 = arith.extui %sign3A_1549 : i1 to i32
      %sign3A_1551 = arith.subi %sign3A_1547, %sign3A_1550 : i32
      %sign3A_1552 = arith.constant 0 : i32
      %sign3A_1553 = arith.cmpi sgt, %jit3A_1543, %sign3A_1552 : i32
      %sign3A_1554 = arith.extui %sign3A_1553 : i1 to i32
      %sign3A_1555 = arith.constant 0 : i32
      %sign3A_1556 = arith.cmpi slt, %jit3A_1543, %sign3A_1555 : i32
      %sign3A_1557 = arith.extui %sign3A_1556 : i1 to i32
      %sign3A_1558 = arith.subi %sign3A_1554, %sign3A_1557 : i32
      %ne3A_1559 = arith.cmpi ne, %sign3A_1551, %sign3A_1558 : i32
      %rem3A_1560 = arith.remsi %add3A_1542, %jit3A_1543 : i32
      %ne3A_1561 = arith.constant 0 : i32
      %ne3A_1562 = arith.cmpi ne, %rem3A_1560, %ne3A_1561 : i32
      %and3A_1563 = arith.andi %ne3A_1559, %ne3A_1562 : i1
      %sub3A_1564 = arith.constant 1 : i32
      %sub3A_1565 = arith.subi %div3A_1544, %sub3A_1564 : i32
      %select_n3A_1566 = arith.select %and3A_1563, %sub3A_1565, %div3A_1544 : i32
      %mul3A_1567 = arith.constant 16 : i32
      %mul3A_1568 = arith.muli %select_n3A_1566, %mul3A_1567 : i32
      %multiple_of3A_1569 = tpu.assume_multiple %mul3A_1568, 16 : i32
      %get3A_1570 = arith.index_cast %multiple_of3A_1569 : i32 to index
      %get3A_1571 = tpu.vector_load %arg7[%get3A_1570] {strides = array<i32>} : memref<512xi32, #tpu.memory_space<vmem>>, vector<16xi32>,
      %jit3A_1572 = arith.constant 16 : i32
      %eq3A_1573 = arith.constant 0 : i32
      %eq3A_1574 = arith.cmpi eq, %jit3A_1572, %eq3A_1573 : i32
      %jit3A_1575 = arith.constant 1 : i32
      %select_n3A_1576 = arith.select %eq3A_1574, %jit3A_1575, %jit3A_1572 : i32
      %rem3A_1577 = arith.remsi %add3A_1542, %select_n3A_1576 : i32
      %ne3A_1578 = arith.constant 0 : i32
      %ne3A_1579 = arith.cmpi ne, %rem3A_1577, %ne3A_1578 : i32
      %lt3A_1580 = arith.constant 0 : i32
      %lt3A_1581 = arith.cmpi slt, %rem3A_1577, %lt3A_1580 : i32
      %lt3A_1582 = arith.constant 0 : i32
      %lt3A_1583 = arith.cmpi slt, %select_n3A_1576, %lt3A_1582 : i32
      %ne3A_1584 = arith.xori %lt3A_1581, %lt3A_1583 : i1
      %and3A_1585 = arith.andi %ne3A_1584, %ne3A_1579 : i1
      %add3A_1586 = arith.addi %rem3A_1577, %select_n3A_1576 : i32
      %select_n3A_1587 = arith.select %and3A_1585, %add3A_1586, %rem3A_1577 : i32
      %broadcast_in_dim3A_1588 = vector.broadcast %select_n3A_1587 : i32 to vector<16xi32>
      %eq3A_1589 = arith.cmpi eq, %iota3A, %broadcast_in_dim3A_1588 : vector<16xi32>
      %jit3A_1590 = arith.constant 0 : i32
      %broadcast_in_dim3A_1591 = vector.broadcast %jit3A_1590 : i32 to vector<16xi32>
      %select_n3A_1592 = arith.select %eq3A_1589, %get3A_1571, %broadcast_in_dim3A_1591 : vector<16xi1>, vector<16xi32>
      %reduce_sum3A_1593 = arith.constant true
      %reduce_sum3A_1594 = vector.broadcast %reduce_sum3A_1593 : i1 to vector<16xi1>
      %reduce_sum3A_1595 = tpu.scan <sum>, %select_n3A_1592 masked %reduce_sum3A_1594 : vector<16xi32>, vector<16xi1> -> vector<16xi32>
      %reduce_sum3A_1596 = vector.extract %reduce_sum3A_1595[15] : i32 from vector<16xi32>
      %shift_right_arithmetic3A_1597 = arith.constant 7 : i32
      %shift_right_arithmetic3A_1598 = arith.shrsi %reduce_sum3A_1596, %shift_right_arithmetic3A_1597 : i32
      %mul3A_1599 = arith.constant 128 : i32
      %mul3A_1600 = arith.muli %shift_right_arithmetic3A_1598, %mul3A_1599 : i32
      %multiple_of3A_1601 = tpu.assume_multiple %mul3A_1600, 128 : i32
      %jit3A_1602 = arith.constant 16 : i32
      %div3A_1603 = arith.divsi %add3A_1542, %jit3A_1602 : i32
      %sign3A_1604 = arith.constant 0 : i32
      %sign3A_1605 = arith.cmpi sgt, %add3A_1542, %sign3A_1604 : i32
      %sign3A_1606 = arith.extui %sign3A_1605 : i1 to i32
      %sign3A_1607 = arith.constant 0 : i32
      %sign3A_1608 = arith.cmpi slt, %add3A_1542, %sign3A_1607 : i32
      %sign3A_1609 = arith.extui %sign3A_1608 : i1 to i32
      %sign3A_1610 = arith.subi %sign3A_1606, %sign3A_1609 : i32
      %sign3A_1611 = arith.constant 0 : i32
      %sign3A_1612 = arith.cmpi sgt, %jit3A_1602, %sign3A_1611 : i32
      %sign3A_1613 = arith.extui %sign3A_1612 : i1 to i32
      %sign3A_1614 = arith.constant 0 : i32
      %sign3A_1615 = arith.cmpi slt, %jit3A_1602, %sign3A_1614 : i32
      %sign3A_1616 = arith.extui %sign3A_1615 : i1 to i32
      %sign3A_1617 = arith.subi %sign3A_1613, %sign3A_1616 : i32
      %ne3A_1618 = arith.cmpi ne, %sign3A_1610, %sign3A_1617 : i32
      %rem3A_1619 = arith.remsi %add3A_1542, %jit3A_1602 : i32
      %ne3A_1620 = arith.constant 0 : i32
      %ne3A_1621 = arith.cmpi ne, %rem3A_1619, %ne3A_1620 : i32
      %and3A_1622 = arith.andi %ne3A_1618, %ne3A_1621 : i1
      %sub3A_1623 = arith.constant 1 : i32
      %sub3A_1624 = arith.subi %div3A_1603, %sub3A_1623 : i32
      %select_n3A_1625 = arith.select %and3A_1622, %sub3A_1624, %div3A_1603 : i32
      %mul3A_1626 = arith.constant 16 : i32
      %mul3A_1627 = arith.muli %select_n3A_1625, %mul3A_1626 : i32
      %multiple_of3A_1628 = tpu.assume_multiple %mul3A_1627, 16 : i32
      %get3A_1629 = arith.index_cast %multiple_of3A_1628 : i32 to index
      %get3A_1630 = tpu.vector_load %arg8[%get3A_1629] {strides = array<i32>} : memref<512xi32, #tpu.memory_space<vmem>>, vector<16xi32>,
      %jit3A_1631 = arith.constant 16 : i32
      %eq3A_1632 = arith.constant 0 : i32
      %eq3A_1633 = arith.cmpi eq, %jit3A_1631, %eq3A_1632 : i32
      %jit3A_1634 = arith.constant 1 : i32
      %select_n3A_1635 = arith.select %eq3A_1633, %jit3A_1634, %jit3A_1631 : i32
      %rem3A_1636 = arith.remsi %add3A_1542, %select_n3A_1635 : i32
      %ne3A_1637 = arith.constant 0 : i32
      %ne3A_1638 = arith.cmpi ne, %rem3A_1636, %ne3A_1637 : i32
      %lt3A_1639 = arith.constant 0 : i32
      %lt3A_1640 = arith.cmpi slt, %rem3A_1636, %lt3A_1639 : i32
      %lt3A_1641 = arith.constant 0 : i32
      %lt3A_1642 = arith.cmpi slt, %select_n3A_1635, %lt3A_1641 : i32
      %ne3A_1643 = arith.xori %lt3A_1640, %lt3A_1642 : i1
      %and3A_1644 = arith.andi %ne3A_1643, %ne3A_1638 : i1
      %add3A_1645 = arith.addi %rem3A_1636, %select_n3A_1635 : i32
      %select_n3A_1646 = arith.select %and3A_1644, %add3A_1645, %rem3A_1636 : i32
      %broadcast_in_dim3A_1647 = vector.broadcast %select_n3A_1646 : i32 to vector<16xi32>
      %eq3A_1648 = arith.cmpi eq, %iota3A, %broadcast_in_dim3A_1647 : vector<16xi32>
      %jit3A_1649 = arith.constant 0 : i32
      %broadcast_in_dim3A_1650 = vector.broadcast %jit3A_1649 : i32 to vector<16xi32>
      %select_n3A_1651 = arith.select %eq3A_1648, %get3A_1630, %broadcast_in_dim3A_1650 : vector<16xi1>, vector<16xi32>
      %reduce_sum3A_1652 = arith.constant true
      %reduce_sum3A_1653 = vector.broadcast %reduce_sum3A_1652 : i1 to vector<16xi1>
      %reduce_sum3A_1654 = tpu.scan <sum>, %select_n3A_1651 masked %reduce_sum3A_1653 : vector<16xi32>, vector<16xi1> -> vector<16xi32>
      %reduce_sum3A_1655 = vector.extract %reduce_sum3A_1654[15] : i32 from vector<16xi32>
      %shift_right_arithmetic3A_1656 = arith.constant 7 : i32
      %shift_right_arithmetic3A_1657 = arith.shrsi %reduce_sum3A_1655, %shift_right_arithmetic3A_1656 : i32
      %mul3A_1658 = arith.constant 128 : i32
      %mul3A_1659 = arith.muli %shift_right_arithmetic3A_1657, %mul3A_1658 : i32
      %multiple_of3A_1660 = tpu.assume_multiple %mul3A_1659, 128 : i32
      %dma_start3A_1661 = arith.constant 0 : i32
      %dma_start3A_1662 = tpu.memref_slice %arg4[%dma_start3A_1661, %multiple_of3A_1601] : memref<32x1000001xf32, #tpu.memory_space<hbm>> -> memref<32x128xf32, #tpu.memory_space<hbm>>
      %dma_start3A_1663 = arith.constant 0 : i32
      %dma_start3A_1664 = tpu.memref_slice %arg4[%dma_start3A_1663, %multiple_of3A_1601] : memref<32x1000001xf32, #tpu.memory_space<hbm>> -> memref<32x128xf32, #tpu.memory_space<hbm>>
      tpu.enqueue_dma source(%dma_start3A_1664 : memref<32x128xf32, #tpu.memory_space<hbm>>) target(%arg12 : memref<32x128xf32, #tpu.memory_space<vmem>>) target_semaphore(%arg28 : memref<!tpu.dma_semaphore, #tpu.memory_space<semaphore_mem>>)
      %dma_start3A_1665 = arith.constant 0 : i32
      %dma_start3A_1666 = tpu.memref_slice %arg5[%dma_start3A_1665, %multiple_of3A_1660] : memref<32x1000001xf32, #tpu.memory_space<hbm>> -> memref<32x128xf32, #tpu.memory_space<hbm>>
      %dma_start3A_1667 = arith.constant 0 : i32
      %dma_start3A_1668 = tpu.memref_slice %arg5[%dma_start3A_1667, %multiple_of3A_1660] : memref<32x1000001xf32, #tpu.memory_space<hbm>> -> memref<32x128xf32, #tpu.memory_space<hbm>>
      tpu.enqueue_dma source(%dma_start3A_1668 : memref<32x128xf32, #tpu.memory_space<hbm>>) target(%arg20 : memref<32x128xf32, #tpu.memory_space<vmem>>) target_semaphore(%arg36 : memref<!tpu.dma_semaphore, #tpu.memory_space<semaphore_mem>>)
      %mul3A_1669 = arith.constant 8 : i32
      %mul3A_1670 = arith.muli %scan3A_858, %mul3A_1669 : i32
      %add3A_1671 = arith.constant 3 : i32
      %add3A_1672 = arith.addi %mul3A_1670, %add3A_1671 : i32
      %dma_wait3A_1673 = arith.constant 0 : i32
      %dma_wait3A_1674 = arith.constant 0 : i32
      %dma_wait3A_1675 = tpu.memref_slice %arg4[%dma_wait3A_1673, %dma_wait3A_1674] : memref<32x1000001xf32, #tpu.memory_space<hbm>> -> memref<32x128xf32, #tpu.memory_space<hbm>>
      %dma_wait3A_1676 = arith.constant 0 : i32
      %dma_wait3A_1677 = arith.constant 0 : i32
      %dma_wait3A_1678 = tpu.memref_slice %arg4[%dma_wait3A_1676, %dma_wait3A_1677] : memref<32x1000001xf32, #tpu.memory_space<hbm>> -> memref<32x128xf32, #tpu.memory_space<hbm>>
      tpu.wait_dma2 semaphore(%arg29 : memref<!tpu.dma_semaphore, #tpu.memory_space<semaphore_mem>>) src(%dma_wait3A_1678 : memref<32x128xf32, #tpu.memory_space<hbm>>) dst(%arg13 : memref<32x128xf32, #tpu.memory_space<vmem>>)
      %dma_wait3A_1679 = arith.constant 0 : i32
      %dma_wait3A_1680 = arith.constant 0 : i32
      %dma_wait3A_1681 = tpu.memref_slice %arg5[%dma_wait3A_1679, %dma_wait3A_1680] : memref<32x1000001xf32, #tpu.memory_space<hbm>> -> memref<32x128xf32, #tpu.memory_space<hbm>>
      %dma_wait3A_1682 = arith.constant 0 : i32
      %dma_wait3A_1683 = arith.constant 0 : i32
      %dma_wait3A_1684 = tpu.memref_slice %arg5[%dma_wait3A_1682, %dma_wait3A_1683] : memref<32x1000001xf32, #tpu.memory_space<hbm>> -> memref<32x128xf32, #tpu.memory_space<hbm>>
      tpu.wait_dma2 semaphore(%arg37 : memref<!tpu.dma_semaphore, #tpu.memory_space<semaphore_mem>>) src(%dma_wait3A_1684 : memref<32x128xf32, #tpu.memory_space<hbm>>) dst(%arg21 : memref<32x128xf32, #tpu.memory_space<vmem>>)
      %jit3A_1685 = arith.constant 16 : i32
      %div3A_1686 = arith.divsi %add3A_1672, %jit3A_1685 : i32
      %sign3A_1687 = arith.constant 0 : i32
      %sign3A_1688 = arith.cmpi sgt, %add3A_1672, %sign3A_1687 : i32
      %sign3A_1689 = arith.extui %sign3A_1688 : i1 to i32
      %sign3A_1690 = arith.constant 0 : i32
      %sign3A_1691 = arith.cmpi slt, %add3A_1672, %sign3A_1690 : i32
      %sign3A_1692 = arith.extui %sign3A_1691 : i1 to i32
      %sign3A_1693 = arith.subi %sign3A_1689, %sign3A_1692 : i32
      %sign3A_1694 = arith.constant 0 : i32
      %sign3A_1695 = arith.cmpi sgt, %jit3A_1685, %sign3A_1694 : i32
      %sign3A_1696 = arith.extui %sign3A_1695 : i1 to i32
      %sign3A_1697 = arith.constant 0 : i32
      %sign3A_1698 = arith.cmpi slt, %jit3A_1685, %sign3A_1697 : i32
      %sign3A_1699 = arith.extui %sign3A_1698 : i1 to i32
      %sign3A_1700 = arith.subi %sign3A_1696, %sign3A_1699 : i32
      %ne3A_1701 = arith.cmpi ne, %sign3A_1693, %sign3A_1700 : i32
      %rem3A_1702 = arith.remsi %add3A_1672, %jit3A_1685 : i32
      %ne3A_1703 = arith.constant 0 : i32
      %ne3A_1704 = arith.cmpi ne, %rem3A_1702, %ne3A_1703 : i32
      %and3A_1705 = arith.andi %ne3A_1701, %ne3A_1704 : i1
      %sub3A_1706 = arith.constant 1 : i32
      %sub3A_1707 = arith.subi %div3A_1686, %sub3A_1706 : i32
      %select_n3A_1708 = arith.select %and3A_1705, %sub3A_1707, %div3A_1686 : i32
      %mul3A_1709 = arith.constant 16 : i32
      %mul3A_1710 = arith.muli %select_n3A_1708, %mul3A_1709 : i32
      %multiple_of3A_1711 = tpu.assume_multiple %mul3A_1710, 16 : i32
      %get3A_1712 = arith.index_cast %multiple_of3A_1711 : i32 to index
      %get3A_1713 = tpu.vector_load %arg7[%get3A_1712] {strides = array<i32>} : memref<512xi32, #tpu.memory_space<vmem>>, vector<16xi32>,
      %jit3A_1714 = arith.constant 16 : i32
      %eq3A_1715 = arith.constant 0 : i32
      %eq3A_1716 = arith.cmpi eq, %jit3A_1714, %eq3A_1715 : i32
      %jit3A_1717 = arith.constant 1 : i32
      %select_n3A_1718 = arith.select %eq3A_1716, %jit3A_1717, %jit3A_1714 : i32
      %rem3A_1719 = arith.remsi %add3A_1672, %select_n3A_1718 : i32
      %ne3A_1720 = arith.constant 0 : i32
      %ne3A_1721 = arith.cmpi ne, %rem3A_1719, %ne3A_1720 : i32
      %lt3A_1722 = arith.constant 0 : i32
      %lt3A_1723 = arith.cmpi slt, %rem3A_1719, %lt3A_1722 : i32
      %lt3A_1724 = arith.constant 0 : i32
      %lt3A_1725 = arith.cmpi slt, %select_n3A_1718, %lt3A_1724 : i32
      %ne3A_1726 = arith.xori %lt3A_1723, %lt3A_1725 : i1
      %and3A_1727 = arith.andi %ne3A_1726, %ne3A_1721 : i1
      %add3A_1728 = arith.addi %rem3A_1719, %select_n3A_1718 : i32
      %select_n3A_1729 = arith.select %and3A_1727, %add3A_1728, %rem3A_1719 : i32
      %broadcast_in_dim3A_1730 = vector.broadcast %select_n3A_1729 : i32 to vector<16xi32>
      %eq3A_1731 = arith.cmpi eq, %iota3A, %broadcast_in_dim3A_1730 : vector<16xi32>
      %jit3A_1732 = arith.constant 0 : i32
      %broadcast_in_dim3A_1733 = vector.broadcast %jit3A_1732 : i32 to vector<16xi32>
      %select_n3A_1734 = arith.select %eq3A_1731, %get3A_1713, %broadcast_in_dim3A_1733 : vector<16xi1>, vector<16xi32>
      %reduce_sum3A_1735 = arith.constant true
      %reduce_sum3A_1736 = vector.broadcast %reduce_sum3A_1735 : i1 to vector<16xi1>
      %reduce_sum3A_1737 = tpu.scan <sum>, %select_n3A_1734 masked %reduce_sum3A_1736 : vector<16xi32>, vector<16xi1> -> vector<16xi32>
      %reduce_sum3A_1738 = vector.extract %reduce_sum3A_1737[15] : i32 from vector<16xi32>
      %and3A_1739 = arith.constant 127 : i32
      %and3A_1740 = arith.andi %reduce_sum3A_1738, %and3A_1739 : i32
      %broadcast_in_dim3A_1741 = vector.broadcast %and3A_1740 : i32 to vector<16xi32>
      %jit3A_1742 = arith.constant 16 : i32
      %div3A_1743 = arith.divsi %add3A_1672, %jit3A_1742 : i32
      %sign3A_1744 = arith.constant 0 : i32
      %sign3A_1745 = arith.cmpi sgt, %add3A_1672, %sign3A_1744 : i32
      %sign3A_1746 = arith.extui %sign3A_1745 : i1 to i32
      %sign3A_1747 = arith.constant 0 : i32
      %sign3A_1748 = arith.cmpi slt, %add3A_1672, %sign3A_1747 : i32
      %sign3A_1749 = arith.extui %sign3A_1748 : i1 to i32
      %sign3A_1750 = arith.subi %sign3A_1746, %sign3A_1749 : i32
      %sign3A_1751 = arith.constant 0 : i32
      %sign3A_1752 = arith.cmpi sgt, %jit3A_1742, %sign3A_1751 : i32
      %sign3A_1753 = arith.extui %sign3A_1752 : i1 to i32
      %sign3A_1754 = arith.constant 0 : i32
      %sign3A_1755 = arith.cmpi slt, %jit3A_1742, %sign3A_1754 : i32
      %sign3A_1756 = arith.extui %sign3A_1755 : i1 to i32
      %sign3A_1757 = arith.subi %sign3A_1753, %sign3A_1756 : i32
      %ne3A_1758 = arith.cmpi ne, %sign3A_1750, %sign3A_1757 : i32
      %rem3A_1759 = arith.remsi %add3A_1672, %jit3A_1742 : i32
      %ne3A_1760 = arith.constant 0 : i32
      %ne3A_1761 = arith.cmpi ne, %rem3A_1759, %ne3A_1760 : i32
      %and3A_1762 = arith.andi %ne3A_1758, %ne3A_1761 : i1
      %sub3A_1763 = arith.constant 1 : i32
      %sub3A_1764 = arith.subi %div3A_1743, %sub3A_1763 : i32
      %select_n3A_1765 = arith.select %and3A_1762, %sub3A_1764, %div3A_1743 : i32
      %mul3A_1766 = arith.constant 16 : i32
      %mul3A_1767 = arith.muli %select_n3A_1765, %mul3A_1766 : i32
      %multiple_of3A_1768 = tpu.assume_multiple %mul3A_1767, 16 : i32
      %get3A_1769 = arith.index_cast %multiple_of3A_1768 : i32 to index
      %get3A_1770 = tpu.vector_load %arg8[%get3A_1769] {strides = array<i32>} : memref<512xi32, #tpu.memory_space<vmem>>, vector<16xi32>,
      %jit3A_1771 = arith.constant 16 : i32
      %eq3A_1772 = arith.constant 0 : i32
      %eq3A_1773 = arith.cmpi eq, %jit3A_1771, %eq3A_1772 : i32
      %jit3A_1774 = arith.constant 1 : i32
      %select_n3A_1775 = arith.select %eq3A_1773, %jit3A_1774, %jit3A_1771 : i32
      %rem3A_1776 = arith.remsi %add3A_1672, %select_n3A_1775 : i32
      %ne3A_1777 = arith.constant 0 : i32
      %ne3A_1778 = arith.cmpi ne, %rem3A_1776, %ne3A_1777 : i32
      %lt3A_1779 = arith.constant 0 : i32
      %lt3A_1780 = arith.cmpi slt, %rem3A_1776, %lt3A_1779 : i32
      %lt3A_1781 = arith.constant 0 : i32
      %lt3A_1782 = arith.cmpi slt, %select_n3A_1775, %lt3A_1781 : i32
      %ne3A_1783 = arith.xori %lt3A_1780, %lt3A_1782 : i1
      %and3A_1784 = arith.andi %ne3A_1783, %ne3A_1778 : i1
      %add3A_1785 = arith.addi %rem3A_1776, %select_n3A_1775 : i32
      %select_n3A_1786 = arith.select %and3A_1784, %add3A_1785, %rem3A_1776 : i32
      %broadcast_in_dim3A_1787 = vector.broadcast %select_n3A_1786 : i32 to vector<16xi32>
      %eq3A_1788 = arith.cmpi eq, %iota3A, %broadcast_in_dim3A_1787 : vector<16xi32>
      %jit3A_1789 = arith.constant 0 : i32
      %broadcast_in_dim3A_1790 = vector.broadcast %jit3A_1789 : i32 to vector<16xi32>
      %select_n3A_1791 = arith.select %eq3A_1788, %get3A_1770, %broadcast_in_dim3A_1790 : vector<16xi1>, vector<16xi32>
      %reduce_sum3A_1792 = arith.constant true
      %reduce_sum3A_1793 = vector.broadcast %reduce_sum3A_1792 : i1 to vector<16xi1>
      %reduce_sum3A_1794 = tpu.scan <sum>, %select_n3A_1791 masked %reduce_sum3A_1793 : vector<16xi32>, vector<16xi1> -> vector<16xi32>
      %reduce_sum3A_1795 = vector.extract %reduce_sum3A_1794[15] : i32 from vector<16xi32>
      %and3A_1796 = arith.constant 127 : i32
      %and3A_1797 = arith.andi %reduce_sum3A_1795, %and3A_1796 : i32
      %broadcast_in_dim3A_1798 = vector.broadcast %and3A_1797 : i32 to vector<16xi32>
      %gather3A_1799 = tpu.vector_load_idx %arg13[%iota3A, %broadcast_in_dim3A_1741] : memref<32x128xf32, #tpu.memory_space<vmem>>[vector<16xi32>, vector<16xi32>], vector<16xf32>,
      %add3A_1800 = arith.constant 16 : i32
      %add3A_1801 = vector.broadcast %add3A_1800 : i32 to vector<16xi32>
      %add3A_1802 = arith.addi %iota3A, %add3A_1801 : vector<16xi32>
      %gather3A_1803 = tpu.vector_load_idx %arg13[%add3A_1802, %broadcast_in_dim3A_1741] : memref<32x128xf32, #tpu.memory_space<vmem>>[vector<16xi32>, vector<16xi32>], vector<16xf32>,
      %gather3A_1804 = tpu.vector_load_idx %arg21[%iota3A, %broadcast_in_dim3A_1798] : memref<32x128xf32, #tpu.memory_space<vmem>>[vector<16xi32>, vector<16xi32>], vector<16xf32>,
      %add3A_1805 = arith.constant 16 : i32
      %add3A_1806 = vector.broadcast %add3A_1805 : i32 to vector<16xi32>
      %add3A_1807 = arith.addi %iota3A, %add3A_1806 : vector<16xi32>
      %gather3A_1808 = tpu.vector_load_idx %arg21[%add3A_1807, %broadcast_in_dim3A_1798] : memref<32x128xf32, #tpu.memory_space<vmem>>[vector<16xi32>, vector<16xi32>], vector<16xf32>,
      %mul3A_1809 = arith.mulf %gather3A_1799, %gather3A_1804 : vector<16xf32>
      %mul3A_1810 = arith.mulf %gather3A_1803, %gather3A_1808 : vector<16xf32>
      %add3A_1811 = arith.addf %mul3A_1809, %mul3A_1810 : vector<16xf32>
      %broadcast_in_dim3A_1812 = vector.broadcast %add3A_1672 : i32 to vector<16xi32>
      tpu.vector_store_idx %arg9[%broadcast_in_dim3A_1812], %add3A_1811 {add = true} : memref<512xf32, #tpu.memory_space<vmem>>[vector<16xi32>], vector<16xf32>,
      %add3A_1813 = arith.constant 8 : i32
      %add3A_1814 = arith.addi %add3A_1672, %add3A_1813 : i32
      %jit3A_1815 = arith.constant 16 : i32
      %div3A_1816 = arith.divsi %add3A_1814, %jit3A_1815 : i32
      %sign3A_1817 = arith.constant 0 : i32
      %sign3A_1818 = arith.cmpi sgt, %add3A_1814, %sign3A_1817 : i32
      %sign3A_1819 = arith.extui %sign3A_1818 : i1 to i32
      %sign3A_1820 = arith.constant 0 : i32
      %sign3A_1821 = arith.cmpi slt, %add3A_1814, %sign3A_1820 : i32
      %sign3A_1822 = arith.extui %sign3A_1821 : i1 to i32
      %sign3A_1823 = arith.subi %sign3A_1819, %sign3A_1822 : i32
      %sign3A_1824 = arith.constant 0 : i32
      %sign3A_1825 = arith.cmpi sgt, %jit3A_1815, %sign3A_1824 : i32
      %sign3A_1826 = arith.extui %sign3A_1825 : i1 to i32
      %sign3A_1827 = arith.constant 0 : i32
      %sign3A_1828 = arith.cmpi slt, %jit3A_1815, %sign3A_1827 : i32
      %sign3A_1829 = arith.extui %sign3A_1828 : i1 to i32
      %sign3A_1830 = arith.subi %sign3A_1826, %sign3A_1829 : i32
      %ne3A_1831 = arith.cmpi ne, %sign3A_1823, %sign3A_1830 : i32
      %rem3A_1832 = arith.remsi %add3A_1814, %jit3A_1815 : i32
      %ne3A_1833 = arith.constant 0 : i32
      %ne3A_1834 = arith.cmpi ne, %rem3A_1832, %ne3A_1833 : i32
      %and3A_1835 = arith.andi %ne3A_1831, %ne3A_1834 : i1
      %sub3A_1836 = arith.constant 1 : i32
      %sub3A_1837 = arith.subi %div3A_1816, %sub3A_1836 : i32
      %select_n3A_1838 = arith.select %and3A_1835, %sub3A_1837, %div3A_1816 : i32
      %mul3A_1839 = arith.constant 16 : i32
      %mul3A_1840 = arith.muli %select_n3A_1838, %mul3A_1839 : i32
      %multiple_of3A_1841 = tpu.assume_multiple %mul3A_1840, 16 : i32
      %get3A_1842 = arith.index_cast %multiple_of3A_1841 : i32 to index
      %get3A_1843 = tpu.vector_load %arg7[%get3A_1842] {strides = array<i32>} : memref<512xi32, #tpu.memory_space<vmem>>, vector<16xi32>,
      %jit3A_1844 = arith.constant 16 : i32
      %eq3A_1845 = arith.constant 0 : i32
      %eq3A_1846 = arith.cmpi eq, %jit3A_1844, %eq3A_1845 : i32
      %jit3A_1847 = arith.constant 1 : i32
      %select_n3A_1848 = arith.select %eq3A_1846, %jit3A_1847, %jit3A_1844 : i32
      %rem3A_1849 = arith.remsi %add3A_1814, %select_n3A_1848 : i32
      %ne3A_1850 = arith.constant 0 : i32
      %ne3A_1851 = arith.cmpi ne, %rem3A_1849, %ne3A_1850 : i32
      %lt3A_1852 = arith.constant 0 : i32
      %lt3A_1853 = arith.cmpi slt, %rem3A_1849, %lt3A_1852 : i32
      %lt3A_1854 = arith.constant 0 : i32
      %lt3A_1855 = arith.cmpi slt, %select_n3A_1848, %lt3A_1854 : i32
      %ne3A_1856 = arith.xori %lt3A_1853, %lt3A_1855 : i1
      %and3A_1857 = arith.andi %ne3A_1856, %ne3A_1851 : i1
      %add3A_1858 = arith.addi %rem3A_1849, %select_n3A_1848 : i32
      %select_n3A_1859 = arith.select %and3A_1857, %add3A_1858, %rem3A_1849 : i32
      %broadcast_in_dim3A_1860 = vector.broadcast %select_n3A_1859 : i32 to vector<16xi32>
      %eq3A_1861 = arith.cmpi eq, %iota3A, %broadcast_in_dim3A_1860 : vector<16xi32>
      %jit3A_1862 = arith.constant 0 : i32
      %broadcast_in_dim3A_1863 = vector.broadcast %jit3A_1862 : i32 to vector<16xi32>
      %select_n3A_1864 = arith.select %eq3A_1861, %get3A_1843, %broadcast_in_dim3A_1863 : vector<16xi1>, vector<16xi32>
      %reduce_sum3A_1865 = arith.constant true
      %reduce_sum3A_1866 = vector.broadcast %reduce_sum3A_1865 : i1 to vector<16xi1>
      %reduce_sum3A_1867 = tpu.scan <sum>, %select_n3A_1864 masked %reduce_sum3A_1866 : vector<16xi32>, vector<16xi1> -> vector<16xi32>
      %reduce_sum3A_1868 = vector.extract %reduce_sum3A_1867[15] : i32 from vector<16xi32>
      %shift_right_arithmetic3A_1869 = arith.constant 7 : i32
      %shift_right_arithmetic3A_1870 = arith.shrsi %reduce_sum3A_1868, %shift_right_arithmetic3A_1869 : i32
      %mul3A_1871 = arith.constant 128 : i32
      %mul3A_1872 = arith.muli %shift_right_arithmetic3A_1870, %mul3A_1871 : i32
      %multiple_of3A_1873 = tpu.assume_multiple %mul3A_1872, 128 : i32
      %jit3A_1874 = arith.constant 16 : i32
      %div3A_1875 = arith.divsi %add3A_1814, %jit3A_1874 : i32
      %sign3A_1876 = arith.constant 0 : i32
      %sign3A_1877 = arith.cmpi sgt, %add3A_1814, %sign3A_1876 : i32
      %sign3A_1878 = arith.extui %sign3A_1877 : i1 to i32
      %sign3A_1879 = arith.constant 0 : i32
      %sign3A_1880 = arith.cmpi slt, %add3A_1814, %sign3A_1879 : i32
      %sign3A_1881 = arith.extui %sign3A_1880 : i1 to i32
      %sign3A_1882 = arith.subi %sign3A_1878, %sign3A_1881 : i32
      %sign3A_1883 = arith.constant 0 : i32
      %sign3A_1884 = arith.cmpi sgt, %jit3A_1874, %sign3A_1883 : i32
      %sign3A_1885 = arith.extui %sign3A_1884 : i1 to i32
      %sign3A_1886 = arith.constant 0 : i32
      %sign3A_1887 = arith.cmpi slt, %jit3A_1874, %sign3A_1886 : i32
      %sign3A_1888 = arith.extui %sign3A_1887 : i1 to i32
      %sign3A_1889 = arith.subi %sign3A_1885, %sign3A_1888 : i32
      %ne3A_1890 = arith.cmpi ne, %sign3A_1882, %sign3A_1889 : i32
      %rem3A_1891 = arith.remsi %add3A_1814, %jit3A_1874 : i32
      %ne3A_1892 = arith.constant 0 : i32
      %ne3A_1893 = arith.cmpi ne, %rem3A_1891, %ne3A_1892 : i32
      %and3A_1894 = arith.andi %ne3A_1890, %ne3A_1893 : i1
      %sub3A_1895 = arith.constant 1 : i32
      %sub3A_1896 = arith.subi %div3A_1875, %sub3A_1895 : i32
      %select_n3A_1897 = arith.select %and3A_1894, %sub3A_1896, %div3A_1875 : i32
      %mul3A_1898 = arith.constant 16 : i32
      %mul3A_1899 = arith.muli %select_n3A_1897, %mul3A_1898 : i32
      %multiple_of3A_1900 = tpu.assume_multiple %mul3A_1899, 16 : i32
      %get3A_1901 = arith.index_cast %multiple_of3A_1900 : i32 to index
      %get3A_1902 = tpu.vector_load %arg8[%get3A_1901] {strides = array<i32>} : memref<512xi32, #tpu.memory_space<vmem>>, vector<16xi32>,
      %jit3A_1903 = arith.constant 16 : i32
      %eq3A_1904 = arith.constant 0 : i32
      %eq3A_1905 = arith.cmpi eq, %jit3A_1903, %eq3A_1904 : i32
      %jit3A_1906 = arith.constant 1 : i32
      %select_n3A_1907 = arith.select %eq3A_1905, %jit3A_1906, %jit3A_1903 : i32
      %rem3A_1908 = arith.remsi %add3A_1814, %select_n3A_1907 : i32
      %ne3A_1909 = arith.constant 0 : i32
      %ne3A_1910 = arith.cmpi ne, %rem3A_1908, %ne3A_1909 : i32
      %lt3A_1911 = arith.constant 0 : i32
      %lt3A_1912 = arith.cmpi slt, %rem3A_1908, %lt3A_1911 : i32
      %lt3A_1913 = arith.constant 0 : i32
      %lt3A_1914 = arith.cmpi slt, %select_n3A_1907, %lt3A_1913 : i32
      %ne3A_1915 = arith.xori %lt3A_1912, %lt3A_1914 : i1
      %and3A_1916 = arith.andi %ne3A_1915, %ne3A_1910 : i1
      %add3A_1917 = arith.addi %rem3A_1908, %select_n3A_1907 : i32
      %select_n3A_1918 = arith.select %and3A_1916, %add3A_1917, %rem3A_1908 : i32
      %broadcast_in_dim3A_1919 = vector.broadcast %select_n3A_1918 : i32 to vector<16xi32>
      %eq3A_1920 = arith.cmpi eq, %iota3A, %broadcast_in_dim3A_1919 : vector<16xi32>
      %jit3A_1921 = arith.constant 0 : i32
      %broadcast_in_dim3A_1922 = vector.broadcast %jit3A_1921 : i32 to vector<16xi32>
      %select_n3A_1923 = arith.select %eq3A_1920, %get3A_1902, %broadcast_in_dim3A_1922 : vector<16xi1>, vector<16xi32>
      %reduce_sum3A_1924 = arith.constant true
      %reduce_sum3A_1925 = vector.broadcast %reduce_sum3A_1924 : i1 to vector<16xi1>
      %reduce_sum3A_1926 = tpu.scan <sum>, %select_n3A_1923 masked %reduce_sum3A_1925 : vector<16xi32>, vector<16xi1> -> vector<16xi32>
      %reduce_sum3A_1927 = vector.extract %reduce_sum3A_1926[15] : i32 from vector<16xi32>
      %shift_right_arithmetic3A_1928 = arith.constant 7 : i32
      %shift_right_arithmetic3A_1929 = arith.shrsi %reduce_sum3A_1927, %shift_right_arithmetic3A_1928 : i32
      %mul3A_1930 = arith.constant 128 : i32
      %mul3A_1931 = arith.muli %shift_right_arithmetic3A_1929, %mul3A_1930 : i32
      %multiple_of3A_1932 = tpu.assume_multiple %mul3A_1931, 128 : i32
      %dma_start3A_1933 = arith.constant 0 : i32
      %dma_start3A_1934 = tpu.memref_slice %arg4[%dma_start3A_1933, %multiple_of3A_1873] : memref<32x1000001xf32, #tpu.memory_space<hbm>> -> memref<32x128xf32, #tpu.memory_space<hbm>>
      %dma_start3A_1935 = arith.constant 0 : i32
      %dma_start3A_1936 = tpu.memref_slice %arg4[%dma_start3A_1935, %multiple_of3A_1873] : memref<32x1000001xf32, #tpu.memory_space<hbm>> -> memref<32x128xf32, #tpu.memory_space<hbm>>
      tpu.enqueue_dma source(%dma_start3A_1936 : memref<32x128xf32, #tpu.memory_space<hbm>>) target(%arg13 : memref<32x128xf32, #tpu.memory_space<vmem>>) target_semaphore(%arg29 : memref<!tpu.dma_semaphore, #tpu.memory_space<semaphore_mem>>)
      %dma_start3A_1937 = arith.constant 0 : i32
      %dma_start3A_1938 = tpu.memref_slice %arg5[%dma_start3A_1937, %multiple_of3A_1932] : memref<32x1000001xf32, #tpu.memory_space<hbm>> -> memref<32x128xf32, #tpu.memory_space<hbm>>
      %dma_start3A_1939 = arith.constant 0 : i32
      %dma_start3A_1940 = tpu.memref_slice %arg5[%dma_start3A_1939, %multiple_of3A_1932] : memref<32x1000001xf32, #tpu.memory_space<hbm>> -> memref<32x128xf32, #tpu.memory_space<hbm>>
      tpu.enqueue_dma source(%dma_start3A_1940 : memref<32x128xf32, #tpu.memory_space<hbm>>) target(%arg21 : memref<32x128xf32, #tpu.memory_space<vmem>>) target_semaphore(%arg37 : memref<!tpu.dma_semaphore, #tpu.memory_space<semaphore_mem>>)
      %mul3A_1941 = arith.constant 8 : i32
      %mul3A_1942 = arith.muli %scan3A_858, %mul3A_1941 : i32
      %add3A_1943 = arith.constant 4 : i32
      %add3A_1944 = arith.addi %mul3A_1942, %add3A_1943 : i32
      %dma_wait3A_1945 = arith.constant 0 : i32
      %dma_wait3A_1946 = arith.constant 0 : i32
      %dma_wait3A_1947 = tpu.memref_slice %arg4[%dma_wait3A_1945, %dma_wait3A_1946] : memref<32x1000001xf32, #tpu.memory_space<hbm>> -> memref<32x128xf32, #tpu.memory_space<hbm>>
      %dma_wait3A_1948 = arith.constant 0 : i32
      %dma_wait3A_1949 = arith.constant 0 : i32
      %dma_wait3A_1950 = tpu.memref_slice %arg4[%dma_wait3A_1948, %dma_wait3A_1949] : memref<32x1000001xf32, #tpu.memory_space<hbm>> -> memref<32x128xf32, #tpu.memory_space<hbm>>
      tpu.wait_dma2 semaphore(%arg30 : memref<!tpu.dma_semaphore, #tpu.memory_space<semaphore_mem>>) src(%dma_wait3A_1950 : memref<32x128xf32, #tpu.memory_space<hbm>>) dst(%arg14 : memref<32x128xf32, #tpu.memory_space<vmem>>)
      %dma_wait3A_1951 = arith.constant 0 : i32
      %dma_wait3A_1952 = arith.constant 0 : i32
      %dma_wait3A_1953 = tpu.memref_slice %arg5[%dma_wait3A_1951, %dma_wait3A_1952] : memref<32x1000001xf32, #tpu.memory_space<hbm>> -> memref<32x128xf32, #tpu.memory_space<hbm>>
      %dma_wait3A_1954 = arith.constant 0 : i32
      %dma_wait3A_1955 = arith.constant 0 : i32
      %dma_wait3A_1956 = tpu.memref_slice %arg5[%dma_wait3A_1954, %dma_wait3A_1955] : memref<32x1000001xf32, #tpu.memory_space<hbm>> -> memref<32x128xf32, #tpu.memory_space<hbm>>
      tpu.wait_dma2 semaphore(%arg38 : memref<!tpu.dma_semaphore, #tpu.memory_space<semaphore_mem>>) src(%dma_wait3A_1956 : memref<32x128xf32, #tpu.memory_space<hbm>>) dst(%arg22 : memref<32x128xf32, #tpu.memory_space<vmem>>)
      %jit3A_1957 = arith.constant 16 : i32
      %div3A_1958 = arith.divsi %add3A_1944, %jit3A_1957 : i32
      %sign3A_1959 = arith.constant 0 : i32
      %sign3A_1960 = arith.cmpi sgt, %add3A_1944, %sign3A_1959 : i32
      %sign3A_1961 = arith.extui %sign3A_1960 : i1 to i32
      %sign3A_1962 = arith.constant 0 : i32
      %sign3A_1963 = arith.cmpi slt, %add3A_1944, %sign3A_1962 : i32
      %sign3A_1964 = arith.extui %sign3A_1963 : i1 to i32
      %sign3A_1965 = arith.subi %sign3A_1961, %sign3A_1964 : i32
      %sign3A_1966 = arith.constant 0 : i32
      %sign3A_1967 = arith.cmpi sgt, %jit3A_1957, %sign3A_1966 : i32
      %sign3A_1968 = arith.extui %sign3A_1967 : i1 to i32
      %sign3A_1969 = arith.constant 0 : i32
      %sign3A_1970 = arith.cmpi slt, %jit3A_1957, %sign3A_1969 : i32
      %sign3A_1971 = arith.extui %sign3A_1970 : i1 to i32
      %sign3A_1972 = arith.subi %sign3A_1968, %sign3A_1971 : i32
      %ne3A_1973 = arith.cmpi ne, %sign3A_1965, %sign3A_1972 : i32
      %rem3A_1974 = arith.remsi %add3A_1944, %jit3A_1957 : i32
      %ne3A_1975 = arith.constant 0 : i32
      %ne3A_1976 = arith.cmpi ne, %rem3A_1974, %ne3A_1975 : i32
      %and3A_1977 = arith.andi %ne3A_1973, %ne3A_1976 : i1
      %sub3A_1978 = arith.constant 1 : i32
      %sub3A_1979 = arith.subi %div3A_1958, %sub3A_1978 : i32
      %select_n3A_1980 = arith.select %and3A_1977, %sub3A_1979, %div3A_1958 : i32
      %mul3A_1981 = arith.constant 16 : i32
      %mul3A_1982 = arith.muli %select_n3A_1980, %mul3A_1981 : i32
      %multiple_of3A_1983 = tpu.assume_multiple %mul3A_1982, 16 : i32
      %get3A_1984 = arith.index_cast %multiple_of3A_1983 : i32 to index
      %get3A_1985 = tpu.vector_load %arg7[%get3A_1984] {strides = array<i32>} : memref<512xi32, #tpu.memory_space<vmem>>, vector<16xi32>,
      %jit3A_1986 = arith.constant 16 : i32
      %eq3A_1987 = arith.constant 0 : i32
      %eq3A_1988 = arith.cmpi eq, %jit3A_1986, %eq3A_1987 : i32
      %jit3A_1989 = arith.constant 1 : i32
      %select_n3A_1990 = arith.select %eq3A_1988, %jit3A_1989, %jit3A_1986 : i32
      %rem3A_1991 = arith.remsi %add3A_1944, %select_n3A_1990 : i32
      %ne3A_1992 = arith.constant 0 : i32
      %ne3A_1993 = arith.cmpi ne, %rem3A_1991, %ne3A_1992 : i32
      %lt3A_1994 = arith.constant 0 : i32
      %lt3A_1995 = arith.cmpi slt, %rem3A_1991, %lt3A_1994 : i32
      %lt3A_1996 = arith.constant 0 : i32
      %lt3A_1997 = arith.cmpi slt, %select_n3A_1990, %lt3A_1996 : i32
      %ne3A_1998 = arith.xori %lt3A_1995, %lt3A_1997 : i1
      %and3A_1999 = arith.andi %ne3A_1998, %ne3A_1993 : i1
      %add3A_2000 = arith.addi %rem3A_1991, %select_n3A_1990 : i32
      %select_n3A_2001 = arith.select %and3A_1999, %add3A_2000, %rem3A_1991 : i32
      %broadcast_in_dim3A_2002 = vector.broadcast %select_n3A_2001 : i32 to vector<16xi32>
      %eq3A_2003 = arith.cmpi eq, %iota3A, %broadcast_in_dim3A_2002 : vector<16xi32>
      %jit3A_2004 = arith.constant 0 : i32
      %broadcast_in_dim3A_2005 = vector.broadcast %jit3A_2004 : i32 to vector<16xi32>
      %select_n3A_2006 = arith.select %eq3A_2003, %get3A_1985, %broadcast_in_dim3A_2005 : vector<16xi1>, vector<16xi32>
      %reduce_sum3A_2007 = arith.constant true
      %reduce_sum3A_2008 = vector.broadcast %reduce_sum3A_2007 : i1 to vector<16xi1>
      %reduce_sum3A_2009 = tpu.scan <sum>, %select_n3A_2006 masked %reduce_sum3A_2008 : vector<16xi32>, vector<16xi1> -> vector<16xi32>
      %reduce_sum3A_2010 = vector.extract %reduce_sum3A_2009[15] : i32 from vector<16xi32>
      %and3A_2011 = arith.constant 127 : i32
      %and3A_2012 = arith.andi %reduce_sum3A_2010, %and3A_2011 : i32
      %broadcast_in_dim3A_2013 = vector.broadcast %and3A_2012 : i32 to vector<16xi32>
      %jit3A_2014 = arith.constant 16 : i32
      %div3A_2015 = arith.divsi %add3A_1944, %jit3A_2014 : i32
      %sign3A_2016 = arith.constant 0 : i32
      %sign3A_2017 = arith.cmpi sgt, %add3A_1944, %sign3A_2016 : i32
      %sign3A_2018 = arith.extui %sign3A_2017 : i1 to i32
      %sign3A_2019 = arith.constant 0 : i32
      %sign3A_2020 = arith.cmpi slt, %add3A_1944, %sign3A_2019 : i32
      %sign3A_2021 = arith.extui %sign3A_2020 : i1 to i32
      %sign3A_2022 = arith.subi %sign3A_2018, %sign3A_2021 : i32
      %sign3A_2023 = arith.constant 0 : i32
      %sign3A_2024 = arith.cmpi sgt, %jit3A_2014, %sign3A_2023 : i32
      %sign3A_2025 = arith.extui %sign3A_2024 : i1 to i32
      %sign3A_2026 = arith.constant 0 : i32
      %sign3A_2027 = arith.cmpi slt, %jit3A_2014, %sign3A_2026 : i32
      %sign3A_2028 = arith.extui %sign3A_2027 : i1 to i32
      %sign3A_2029 = arith.subi %sign3A_2025, %sign3A_2028 : i32
      %ne3A_2030 = arith.cmpi ne, %sign3A_2022, %sign3A_2029 : i32
      %rem3A_2031 = arith.remsi %add3A_1944, %jit3A_2014 : i32
      %ne3A_2032 = arith.constant 0 : i32
      %ne3A_2033 = arith.cmpi ne, %rem3A_2031, %ne3A_2032 : i32
      %and3A_2034 = arith.andi %ne3A_2030, %ne3A_2033 : i1
      %sub3A_2035 = arith.constant 1 : i32
      %sub3A_2036 = arith.subi %div3A_2015, %sub3A_2035 : i32
      %select_n3A_2037 = arith.select %and3A_2034, %sub3A_2036, %div3A_2015 : i32
      %mul3A_2038 = arith.constant 16 : i32
      %mul3A_2039 = arith.muli %select_n3A_2037, %mul3A_2038 : i32
      %multiple_of3A_2040 = tpu.assume_multiple %mul3A_2039, 16 : i32
      %get3A_2041 = arith.index_cast %multiple_of3A_2040 : i32 to index
      %get3A_2042 = tpu.vector_load %arg8[%get3A_2041] {strides = array<i32>} : memref<512xi32, #tpu.memory_space<vmem>>, vector<16xi32>,
      %jit3A_2043 = arith.constant 16 : i32
      %eq3A_2044 = arith.constant 0 : i32
      %eq3A_2045 = arith.cmpi eq, %jit3A_2043, %eq3A_2044 : i32
      %jit3A_2046 = arith.constant 1 : i32
      %select_n3A_2047 = arith.select %eq3A_2045, %jit3A_2046, %jit3A_2043 : i32
      %rem3A_2048 = arith.remsi %add3A_1944, %select_n3A_2047 : i32
      %ne3A_2049 = arith.constant 0 : i32
      %ne3A_2050 = arith.cmpi ne, %rem3A_2048, %ne3A_2049 : i32
      %lt3A_2051 = arith.constant 0 : i32
      %lt3A_2052 = arith.cmpi slt, %rem3A_2048, %lt3A_2051 : i32
      %lt3A_2053 = arith.constant 0 : i32
      %lt3A_2054 = arith.cmpi slt, %select_n3A_2047, %lt3A_2053 : i32
      %ne3A_2055 = arith.xori %lt3A_2052, %lt3A_2054 : i1
      %and3A_2056 = arith.andi %ne3A_2055, %ne3A_2050 : i1
      %add3A_2057 = arith.addi %rem3A_2048, %select_n3A_2047 : i32
      %select_n3A_2058 = arith.select %and3A_2056, %add3A_2057, %rem3A_2048 : i32
      %broadcast_in_dim3A_2059 = vector.broadcast %select_n3A_2058 : i32 to vector<16xi32>
      %eq3A_2060 = arith.cmpi eq, %iota3A, %broadcast_in_dim3A_2059 : vector<16xi32>
      %jit3A_2061 = arith.constant 0 : i32
      %broadcast_in_dim3A_2062 = vector.broadcast %jit3A_2061 : i32 to vector<16xi32>
      %select_n3A_2063 = arith.select %eq3A_2060, %get3A_2042, %broadcast_in_dim3A_2062 : vector<16xi1>, vector<16xi32>
      %reduce_sum3A_2064 = arith.constant true
      %reduce_sum3A_2065 = vector.broadcast %reduce_sum3A_2064 : i1 to vector<16xi1>
      %reduce_sum3A_2066 = tpu.scan <sum>, %select_n3A_2063 masked %reduce_sum3A_2065 : vector<16xi32>, vector<16xi1> -> vector<16xi32>
      %reduce_sum3A_2067 = vector.extract %reduce_sum3A_2066[15] : i32 from vector<16xi32>
      %and3A_2068 = arith.constant 127 : i32
      %and3A_2069 = arith.andi %reduce_sum3A_2067, %and3A_2068 : i32
      %broadcast_in_dim3A_2070 = vector.broadcast %and3A_2069 : i32 to vector<16xi32>
      %gather3A_2071 = tpu.vector_load_idx %arg14[%iota3A, %broadcast_in_dim3A_2013] : memref<32x128xf32, #tpu.memory_space<vmem>>[vector<16xi32>, vector<16xi32>], vector<16xf32>,
      %add3A_2072 = arith.constant 16 : i32
      %add3A_2073 = vector.broadcast %add3A_2072 : i32 to vector<16xi32>
      %add3A_2074 = arith.addi %iota3A, %add3A_2073 : vector<16xi32>
      %gather3A_2075 = tpu.vector_load_idx %arg14[%add3A_2074, %broadcast_in_dim3A_2013] : memref<32x128xf32, #tpu.memory_space<vmem>>[vector<16xi32>, vector<16xi32>], vector<16xf32>,
      %gather3A_2076 = tpu.vector_load_idx %arg22[%iota3A, %broadcast_in_dim3A_2070] : memref<32x128xf32, #tpu.memory_space<vmem>>[vector<16xi32>, vector<16xi32>], vector<16xf32>,
      %add3A_2077 = arith.constant 16 : i32
      %add3A_2078 = vector.broadcast %add3A_2077 : i32 to vector<16xi32>
      %add3A_2079 = arith.addi %iota3A, %add3A_2078 : vector<16xi32>
      %gather3A_2080 = tpu.vector_load_idx %arg22[%add3A_2079, %broadcast_in_dim3A_2070] : memref<32x128xf32, #tpu.memory_space<vmem>>[vector<16xi32>, vector<16xi32>], vector<16xf32>,
      %mul3A_2081 = arith.mulf %gather3A_2071, %gather3A_2076 : vector<16xf32>
      %mul3A_2082 = arith.mulf %gather3A_2075, %gather3A_2080 : vector<16xf32>
      %add3A_2083 = arith.addf %mul3A_2081, %mul3A_2082 : vector<16xf32>
      %broadcast_in_dim3A_2084 = vector.broadcast %add3A_1944 : i32 to vector<16xi32>
      tpu.vector_store_idx %arg9[%broadcast_in_dim3A_2084], %add3A_2083 {add = true} : memref<512xf32, #tpu.memory_space<vmem>>[vector<16xi32>], vector<16xf32>,
      %add3A_2085 = arith.constant 8 : i32
      %add3A_2086 = arith.addi %add3A_1944, %add3A_2085 : i32
      %jit3A_2087 = arith.constant 16 : i32
      %div3A_2088 = arith.divsi %add3A_2086, %jit3A_2087 : i32
      %sign3A_2089 = arith.constant 0 : i32
      %sign3A_2090 = arith.cmpi sgt, %add3A_2086, %sign3A_2089 : i32
      %sign3A_2091 = arith.extui %sign3A_2090 : i1 to i32
      %sign3A_2092 = arith.constant 0 : i32
      %sign3A_2093 = arith.cmpi slt, %add3A_2086, %sign3A_2092 : i32
      %sign3A_2094 = arith.extui %sign3A_2093 : i1 to i32
      %sign3A_2095 = arith.subi %sign3A_2091, %sign3A_2094 : i32
      %sign3A_2096 = arith.constant 0 : i32
      %sign3A_2097 = arith.cmpi sgt, %jit3A_2087, %sign3A_2096 : i32
      %sign3A_2098 = arith.extui %sign3A_2097 : i1 to i32
      %sign3A_2099 = arith.constant 0 : i32
      %sign3A_2100 = arith.cmpi slt, %jit3A_2087, %sign3A_2099 : i32
      %sign3A_2101 = arith.extui %sign3A_2100 : i1 to i32
      %sign3A_2102 = arith.subi %sign3A_2098, %sign3A_2101 : i32
      %ne3A_2103 = arith.cmpi ne, %sign3A_2095, %sign3A_2102 : i32
      %rem3A_2104 = arith.remsi %add3A_2086, %jit3A_2087 : i32
      %ne3A_2105 = arith.constant 0 : i32
      %ne3A_2106 = arith.cmpi ne, %rem3A_2104, %ne3A_2105 : i32
      %and3A_2107 = arith.andi %ne3A_2103, %ne3A_2106 : i1
      %sub3A_2108 = arith.constant 1 : i32
      %sub3A_2109 = arith.subi %div3A_2088, %sub3A_2108 : i32
      %select_n3A_2110 = arith.select %and3A_2107, %sub3A_2109, %div3A_2088 : i32
      %mul3A_2111 = arith.constant 16 : i32
      %mul3A_2112 = arith.muli %select_n3A_2110, %mul3A_2111 : i32
      %multiple_of3A_2113 = tpu.assume_multiple %mul3A_2112, 16 : i32
      %get3A_2114 = arith.index_cast %multiple_of3A_2113 : i32 to index
      %get3A_2115 = tpu.vector_load %arg7[%get3A_2114] {strides = array<i32>} : memref<512xi32, #tpu.memory_space<vmem>>, vector<16xi32>,
      %jit3A_2116 = arith.constant 16 : i32
      %eq3A_2117 = arith.constant 0 : i32
      %eq3A_2118 = arith.cmpi eq, %jit3A_2116, %eq3A_2117 : i32
      %jit3A_2119 = arith.constant 1 : i32
      %select_n3A_2120 = arith.select %eq3A_2118, %jit3A_2119, %jit3A_2116 : i32
      %rem3A_2121 = arith.remsi %add3A_2086, %select_n3A_2120 : i32
      %ne3A_2122 = arith.constant 0 : i32
      %ne3A_2123 = arith.cmpi ne, %rem3A_2121, %ne3A_2122 : i32
      %lt3A_2124 = arith.constant 0 : i32
      %lt3A_2125 = arith.cmpi slt, %rem3A_2121, %lt3A_2124 : i32
      %lt3A_2126 = arith.constant 0 : i32
      %lt3A_2127 = arith.cmpi slt, %select_n3A_2120, %lt3A_2126 : i32
      %ne3A_2128 = arith.xori %lt3A_2125, %lt3A_2127 : i1
      %and3A_2129 = arith.andi %ne3A_2128, %ne3A_2123 : i1
      %add3A_2130 = arith.addi %rem3A_2121, %select_n3A_2120 : i32
      %select_n3A_2131 = arith.select %and3A_2129, %add3A_2130, %rem3A_2121 : i32
      %broadcast_in_dim3A_2132 = vector.broadcast %select_n3A_2131 : i32 to vector<16xi32>
      %eq3A_2133 = arith.cmpi eq, %iota3A, %broadcast_in_dim3A_2132 : vector<16xi32>
      %jit3A_2134 = arith.constant 0 : i32
      %broadcast_in_dim3A_2135 = vector.broadcast %jit3A_2134 : i32 to vector<16xi32>
      %select_n3A_2136 = arith.select %eq3A_2133, %get3A_2115, %broadcast_in_dim3A_2135 : vector<16xi1>, vector<16xi32>
      %reduce_sum3A_2137 = arith.constant true
      %reduce_sum3A_2138 = vector.broadcast %reduce_sum3A_2137 : i1 to vector<16xi1>
      %reduce_sum3A_2139 = tpu.scan <sum>, %select_n3A_2136 masked %reduce_sum3A_2138 : vector<16xi32>, vector<16xi1> -> vector<16xi32>
      %reduce_sum3A_2140 = vector.extract %reduce_sum3A_2139[15] : i32 from vector<16xi32>
      %shift_right_arithmetic3A_2141 = arith.constant 7 : i32
      %shift_right_arithmetic3A_2142 = arith.shrsi %reduce_sum3A_2140, %shift_right_arithmetic3A_2141 : i32
      %mul3A_2143 = arith.constant 128 : i32
      %mul3A_2144 = arith.muli %shift_right_arithmetic3A_2142, %mul3A_2143 : i32
      %multiple_of3A_2145 = tpu.assume_multiple %mul3A_2144, 128 : i32
      %jit3A_2146 = arith.constant 16 : i32
      %div3A_2147 = arith.divsi %add3A_2086, %jit3A_2146 : i32
      %sign3A_2148 = arith.constant 0 : i32
      %sign3A_2149 = arith.cmpi sgt, %add3A_2086, %sign3A_2148 : i32
      %sign3A_2150 = arith.extui %sign3A_2149 : i1 to i32
      %sign3A_2151 = arith.constant 0 : i32
      %sign3A_2152 = arith.cmpi slt, %add3A_2086, %sign3A_2151 : i32
      %sign3A_2153 = arith.extui %sign3A_2152 : i1 to i32
      %sign3A_2154 = arith.subi %sign3A_2150, %sign3A_2153 : i32
      %sign3A_2155 = arith.constant 0 : i32
      %sign3A_2156 = arith.cmpi sgt, %jit3A_2146, %sign3A_2155 : i32
      %sign3A_2157 = arith.extui %sign3A_2156 : i1 to i32
      %sign3A_2158 = arith.constant 0 : i32
      %sign3A_2159 = arith.cmpi slt, %jit3A_2146, %sign3A_2158 : i32
      %sign3A_2160 = arith.extui %sign3A_2159 : i1 to i32
      %sign3A_2161 = arith.subi %sign3A_2157, %sign3A_2160 : i32
      %ne3A_2162 = arith.cmpi ne, %sign3A_2154, %sign3A_2161 : i32
      %rem3A_2163 = arith.remsi %add3A_2086, %jit3A_2146 : i32
      %ne3A_2164 = arith.constant 0 : i32
      %ne3A_2165 = arith.cmpi ne, %rem3A_2163, %ne3A_2164 : i32
      %and3A_2166 = arith.andi %ne3A_2162, %ne3A_2165 : i1
      %sub3A_2167 = arith.constant 1 : i32
      %sub3A_2168 = arith.subi %div3A_2147, %sub3A_2167 : i32
      %select_n3A_2169 = arith.select %and3A_2166, %sub3A_2168, %div3A_2147 : i32
      %mul3A_2170 = arith.constant 16 : i32
      %mul3A_2171 = arith.muli %select_n3A_2169, %mul3A_2170 : i32
      %multiple_of3A_2172 = tpu.assume_multiple %mul3A_2171, 16 : i32
      %get3A_2173 = arith.index_cast %multiple_of3A_2172 : i32 to index
      %get3A_2174 = tpu.vector_load %arg8[%get3A_2173] {strides = array<i32>} : memref<512xi32, #tpu.memory_space<vmem>>, vector<16xi32>,
      %jit3A_2175 = arith.constant 16 : i32
      %eq3A_2176 = arith.constant 0 : i32
      %eq3A_2177 = arith.cmpi eq, %jit3A_2175, %eq3A_2176 : i32
      %jit3A_2178 = arith.constant 1 : i32
      %select_n3A_2179 = arith.select %eq3A_2177, %jit3A_2178, %jit3A_2175 : i32
      %rem3A_2180 = arith.remsi %add3A_2086, %select_n3A_2179 : i32
      %ne3A_2181 = arith.constant 0 : i32
      %ne3A_2182 = arith.cmpi ne, %rem3A_2180, %ne3A_2181 : i32
      %lt3A_2183 = arith.constant 0 : i32
      %lt3A_2184 = arith.cmpi slt, %rem3A_2180, %lt3A_2183 : i32
      %lt3A_2185 = arith.constant 0 : i32
      %lt3A_2186 = arith.cmpi slt, %select_n3A_2179, %lt3A_2185 : i32
      %ne3A_2187 = arith.xori %lt3A_2184, %lt3A_2186 : i1
      %and3A_2188 = arith.andi %ne3A_2187, %ne3A_2182 : i1
      %add3A_2189 = arith.addi %rem3A_2180, %select_n3A_2179 : i32
      %select_n3A_2190 = arith.select %and3A_2188, %add3A_2189, %rem3A_2180 : i32
      %broadcast_in_dim3A_2191 = vector.broadcast %select_n3A_2190 : i32 to vector<16xi32>
      %eq3A_2192 = arith.cmpi eq, %iota3A, %broadcast_in_dim3A_2191 : vector<16xi32>
      %jit3A_2193 = arith.constant 0 : i32
      %broadcast_in_dim3A_2194 = vector.broadcast %jit3A_2193 : i32 to vector<16xi32>
      %select_n3A_2195 = arith.select %eq3A_2192, %get3A_2174, %broadcast_in_dim3A_2194 : vector<16xi1>, vector<16xi32>
      %reduce_sum3A_2196 = arith.constant true
      %reduce_sum3A_2197 = vector.broadcast %reduce_sum3A_2196 : i1 to vector<16xi1>
      %reduce_sum3A_2198 = tpu.scan <sum>, %select_n3A_2195 masked %reduce_sum3A_2197 : vector<16xi32>, vector<16xi1> -> vector<16xi32>
      %reduce_sum3A_2199 = vector.extract %reduce_sum3A_2198[15] : i32 from vector<16xi32>
      %shift_right_arithmetic3A_2200 = arith.constant 7 : i32
      %shift_right_arithmetic3A_2201 = arith.shrsi %reduce_sum3A_2199, %shift_right_arithmetic3A_2200 : i32
      %mul3A_2202 = arith.constant 128 : i32
      %mul3A_2203 = arith.muli %shift_right_arithmetic3A_2201, %mul3A_2202 : i32
      %multiple_of3A_2204 = tpu.assume_multiple %mul3A_2203, 128 : i32
      %dma_start3A_2205 = arith.constant 0 : i32
      %dma_start3A_2206 = tpu.memref_slice %arg4[%dma_start3A_2205, %multiple_of3A_2145] : memref<32x1000001xf32, #tpu.memory_space<hbm>> -> memref<32x128xf32, #tpu.memory_space<hbm>>
      %dma_start3A_2207 = arith.constant 0 : i32
      %dma_start3A_2208 = tpu.memref_slice %arg4[%dma_start3A_2207, %multiple_of3A_2145] : memref<32x1000001xf32, #tpu.memory_space<hbm>> -> memref<32x128xf32, #tpu.memory_space<hbm>>
      tpu.enqueue_dma source(%dma_start3A_2208 : memref<32x128xf32, #tpu.memory_space<hbm>>) target(%arg14 : memref<32x128xf32, #tpu.memory_space<vmem>>) target_semaphore(%arg30 : memref<!tpu.dma_semaphore, #tpu.memory_space<semaphore_mem>>)
      %dma_start3A_2209 = arith.constant 0 : i32
      %dma_start3A_2210 = tpu.memref_slice %arg5[%dma_start3A_2209, %multiple_of3A_2204] : memref<32x1000001xf32, #tpu.memory_space<hbm>> -> memref<32x128xf32, #tpu.memory_space<hbm>>
      %dma_start3A_2211 = arith.constant 0 : i32
      %dma_start3A_2212 = tpu.memref_slice %arg5[%dma_start3A_2211, %multiple_of3A_2204] : memref<32x1000001xf32, #tpu.memory_space<hbm>> -> memref<32x128xf32, #tpu.memory_space<hbm>>
      tpu.enqueue_dma source(%dma_start3A_2212 : memref<32x128xf32, #tpu.memory_space<hbm>>) target(%arg22 : memref<32x128xf32, #tpu.memory_space<vmem>>) target_semaphore(%arg38 : memref<!tpu.dma_semaphore, #tpu.memory_space<semaphore_mem>>)
      %mul3A_2213 = arith.constant 8 : i32
      %mul3A_2214 = arith.muli %scan3A_858, %mul3A_2213 : i32
      %add3A_2215 = arith.constant 5 : i32
      %add3A_2216 = arith.addi %mul3A_2214, %add3A_2215 : i32
      %dma_wait3A_2217 = arith.constant 0 : i32
      %dma_wait3A_2218 = arith.constant 0 : i32
      %dma_wait3A_2219 = tpu.memref_slice %arg4[%dma_wait3A_2217, %dma_wait3A_2218] : memref<32x1000001xf32, #tpu.memory_space<hbm>> -> memref<32x128xf32, #tpu.memory_space<hbm>>
      %dma_wait3A_2220 = arith.constant 0 : i32
      %dma_wait3A_2221 = arith.constant 0 : i32
      %dma_wait3A_2222 = tpu.memref_slice %arg4[%dma_wait3A_2220, %dma_wait3A_2221] : memref<32x1000001xf32, #tpu.memory_space<hbm>> -> memref<32x128xf32, #tpu.memory_space<hbm>>
      tpu.wait_dma2 semaphore(%arg31 : memref<!tpu.dma_semaphore, #tpu.memory_space<semaphore_mem>>) src(%dma_wait3A_2222 : memref<32x128xf32, #tpu.memory_space<hbm>>) dst(%arg15 : memref<32x128xf32, #tpu.memory_space<vmem>>)
      %dma_wait3A_2223 = arith.constant 0 : i32
      %dma_wait3A_2224 = arith.constant 0 : i32
      %dma_wait3A_2225 = tpu.memref_slice %arg5[%dma_wait3A_2223, %dma_wait3A_2224] : memref<32x1000001xf32, #tpu.memory_space<hbm>> -> memref<32x128xf32, #tpu.memory_space<hbm>>
      %dma_wait3A_2226 = arith.constant 0 : i32
      %dma_wait3A_2227 = arith.constant 0 : i32
      %dma_wait3A_2228 = tpu.memref_slice %arg5[%dma_wait3A_2226, %dma_wait3A_2227] : memref<32x1000001xf32, #tpu.memory_space<hbm>> -> memref<32x128xf32, #tpu.memory_space<hbm>>
      tpu.wait_dma2 semaphore(%arg39 : memref<!tpu.dma_semaphore, #tpu.memory_space<semaphore_mem>>) src(%dma_wait3A_2228 : memref<32x128xf32, #tpu.memory_space<hbm>>) dst(%arg23 : memref<32x128xf32, #tpu.memory_space<vmem>>)
      %jit3A_2229 = arith.constant 16 : i32
      %div3A_2230 = arith.divsi %add3A_2216, %jit3A_2229 : i32
      %sign3A_2231 = arith.constant 0 : i32
      %sign3A_2232 = arith.cmpi sgt, %add3A_2216, %sign3A_2231 : i32
      %sign3A_2233 = arith.extui %sign3A_2232 : i1 to i32
      %sign3A_2234 = arith.constant 0 : i32
      %sign3A_2235 = arith.cmpi slt, %add3A_2216, %sign3A_2234 : i32
      %sign3A_2236 = arith.extui %sign3A_2235 : i1 to i32
      %sign3A_2237 = arith.subi %sign3A_2233, %sign3A_2236 : i32
      %sign3A_2238 = arith.constant 0 : i32
      %sign3A_2239 = arith.cmpi sgt, %jit3A_2229, %sign3A_2238 : i32
      %sign3A_2240 = arith.extui %sign3A_2239 : i1 to i32
      %sign3A_2241 = arith.constant 0 : i32
      %sign3A_2242 = arith.cmpi slt, %jit3A_2229, %sign3A_2241 : i32
      %sign3A_2243 = arith.extui %sign3A_2242 : i1 to i32
      %sign3A_2244 = arith.subi %sign3A_2240, %sign3A_2243 : i32
      %ne3A_2245 = arith.cmpi ne, %sign3A_2237, %sign3A_2244 : i32
      %rem3A_2246 = arith.remsi %add3A_2216, %jit3A_2229 : i32
      %ne3A_2247 = arith.constant 0 : i32
      %ne3A_2248 = arith.cmpi ne, %rem3A_2246, %ne3A_2247 : i32
      %and3A_2249 = arith.andi %ne3A_2245, %ne3A_2248 : i1
      %sub3A_2250 = arith.constant 1 : i32
      %sub3A_2251 = arith.subi %div3A_2230, %sub3A_2250 : i32
      %select_n3A_2252 = arith.select %and3A_2249, %sub3A_2251, %div3A_2230 : i32
      %mul3A_2253 = arith.constant 16 : i32
      %mul3A_2254 = arith.muli %select_n3A_2252, %mul3A_2253 : i32
      %multiple_of3A_2255 = tpu.assume_multiple %mul3A_2254, 16 : i32
      %get3A_2256 = arith.index_cast %multiple_of3A_2255 : i32 to index
      %get3A_2257 = tpu.vector_load %arg7[%get3A_2256] {strides = array<i32>} : memref<512xi32, #tpu.memory_space<vmem>>, vector<16xi32>,
      %jit3A_2258 = arith.constant 16 : i32
      %eq3A_2259 = arith.constant 0 : i32
      %eq3A_2260 = arith.cmpi eq, %jit3A_2258, %eq3A_2259 : i32
      %jit3A_2261 = arith.constant 1 : i32
      %select_n3A_2262 = arith.select %eq3A_2260, %jit3A_2261, %jit3A_2258 : i32
      %rem3A_2263 = arith.remsi %add3A_2216, %select_n3A_2262 : i32
      %ne3A_2264 = arith.constant 0 : i32
      %ne3A_2265 = arith.cmpi ne, %rem3A_2263, %ne3A_2264 : i32
      %lt3A_2266 = arith.constant 0 : i32
      %lt3A_2267 = arith.cmpi slt, %rem3A_2263, %lt3A_2266 : i32
      %lt3A_2268 = arith.constant 0 : i32
      %lt3A_2269 = arith.cmpi slt, %select_n3A_2262, %lt3A_2268 : i32
      %ne3A_2270 = arith.xori %lt3A_2267, %lt3A_2269 : i1
      %and3A_2271 = arith.andi %ne3A_2270, %ne3A_2265 : i1
      %add3A_2272 = arith.addi %rem3A_2263, %select_n3A_2262 : i32
      %select_n3A_2273 = arith.select %and3A_2271, %add3A_2272, %rem3A_2263 : i32
      %broadcast_in_dim3A_2274 = vector.broadcast %select_n3A_2273 : i32 to vector<16xi32>
      %eq3A_2275 = arith.cmpi eq, %iota3A, %broadcast_in_dim3A_2274 : vector<16xi32>
      %jit3A_2276 = arith.constant 0 : i32
      %broadcast_in_dim3A_2277 = vector.broadcast %jit3A_2276 : i32 to vector<16xi32>
      %select_n3A_2278 = arith.select %eq3A_2275, %get3A_2257, %broadcast_in_dim3A_2277 : vector<16xi1>, vector<16xi32>
      %reduce_sum3A_2279 = arith.constant true
      %reduce_sum3A_2280 = vector.broadcast %reduce_sum3A_2279 : i1 to vector<16xi1>
      %reduce_sum3A_2281 = tpu.scan <sum>, %select_n3A_2278 masked %reduce_sum3A_2280 : vector<16xi32>, vector<16xi1> -> vector<16xi32>
      %reduce_sum3A_2282 = vector.extract %reduce_sum3A_2281[15] : i32 from vector<16xi32>
      %and3A_2283 = arith.constant 127 : i32
      %and3A_2284 = arith.andi %reduce_sum3A_2282, %and3A_2283 : i32
      %broadcast_in_dim3A_2285 = vector.broadcast %and3A_2284 : i32 to vector<16xi32>
      %jit3A_2286 = arith.constant 16 : i32
      %div3A_2287 = arith.divsi %add3A_2216, %jit3A_2286 : i32
      %sign3A_2288 = arith.constant 0 : i32
      %sign3A_2289 = arith.cmpi sgt, %add3A_2216, %sign3A_2288 : i32
      %sign3A_2290 = arith.extui %sign3A_2289 : i1 to i32
      %sign3A_2291 = arith.constant 0 : i32
      %sign3A_2292 = arith.cmpi slt, %add3A_2216, %sign3A_2291 : i32
      %sign3A_2293 = arith.extui %sign3A_2292 : i1 to i32
      %sign3A_2294 = arith.subi %sign3A_2290, %sign3A_2293 : i32
      %sign3A_2295 = arith.constant 0 : i32
      %sign3A_2296 = arith.cmpi sgt, %jit3A_2286, %sign3A_2295 : i32
      %sign3A_2297 = arith.extui %sign3A_2296 : i1 to i32
      %sign3A_2298 = arith.constant 0 : i32
      %sign3A_2299 = arith.cmpi slt, %jit3A_2286, %sign3A_2298 : i32
      %sign3A_2300 = arith.extui %sign3A_2299 : i1 to i32
      %sign3A_2301 = arith.subi %sign3A_2297, %sign3A_2300 : i32
      %ne3A_2302 = arith.cmpi ne, %sign3A_2294, %sign3A_2301 : i32
      %rem3A_2303 = arith.remsi %add3A_2216, %jit3A_2286 : i32
      %ne3A_2304 = arith.constant 0 : i32
      %ne3A_2305 = arith.cmpi ne, %rem3A_2303, %ne3A_2304 : i32
      %and3A_2306 = arith.andi %ne3A_2302, %ne3A_2305 : i1
      %sub3A_2307 = arith.constant 1 : i32
      %sub3A_2308 = arith.subi %div3A_2287, %sub3A_2307 : i32
      %select_n3A_2309 = arith.select %and3A_2306, %sub3A_2308, %div3A_2287 : i32
      %mul3A_2310 = arith.constant 16 : i32
      %mul3A_2311 = arith.muli %select_n3A_2309, %mul3A_2310 : i32
      %multiple_of3A_2312 = tpu.assume_multiple %mul3A_2311, 16 : i32
      %get3A_2313 = arith.index_cast %multiple_of3A_2312 : i32 to index
      %get3A_2314 = tpu.vector_load %arg8[%get3A_2313] {strides = array<i32>} : memref<512xi32, #tpu.memory_space<vmem>>, vector<16xi32>,
      %jit3A_2315 = arith.constant 16 : i32
      %eq3A_2316 = arith.constant 0 : i32
      %eq3A_2317 = arith.cmpi eq, %jit3A_2315, %eq3A_2316 : i32
      %jit3A_2318 = arith.constant 1 : i32
      %select_n3A_2319 = arith.select %eq3A_2317, %jit3A_2318, %jit3A_2315 : i32
      %rem3A_2320 = arith.remsi %add3A_2216, %select_n3A_2319 : i32
      %ne3A_2321 = arith.constant 0 : i32
      %ne3A_2322 = arith.cmpi ne, %rem3A_2320, %ne3A_2321 : i32
      %lt3A_2323 = arith.constant 0 : i32
      %lt3A_2324 = arith.cmpi slt, %rem3A_2320, %lt3A_2323 : i32
      %lt3A_2325 = arith.constant 0 : i32
      %lt3A_2326 = arith.cmpi slt, %select_n3A_2319, %lt3A_2325 : i32
      %ne3A_2327 = arith.xori %lt3A_2324, %lt3A_2326 : i1
      %and3A_2328 = arith.andi %ne3A_2327, %ne3A_2322 : i1
      %add3A_2329 = arith.addi %rem3A_2320, %select_n3A_2319 : i32
      %select_n3A_2330 = arith.select %and3A_2328, %add3A_2329, %rem3A_2320 : i32
      %broadcast_in_dim3A_2331 = vector.broadcast %select_n3A_2330 : i32 to vector<16xi32>
      %eq3A_2332 = arith.cmpi eq, %iota3A, %broadcast_in_dim3A_2331 : vector<16xi32>
      %jit3A_2333 = arith.constant 0 : i32
      %broadcast_in_dim3A_2334 = vector.broadcast %jit3A_2333 : i32 to vector<16xi32>
      %select_n3A_2335 = arith.select %eq3A_2332, %get3A_2314, %broadcast_in_dim3A_2334 : vector<16xi1>, vector<16xi32>
      %reduce_sum3A_2336 = arith.constant true
      %reduce_sum3A_2337 = vector.broadcast %reduce_sum3A_2336 : i1 to vector<16xi1>
      %reduce_sum3A_2338 = tpu.scan <sum>, %select_n3A_2335 masked %reduce_sum3A_2337 : vector<16xi32>, vector<16xi1> -> vector<16xi32>
      %reduce_sum3A_2339 = vector.extract %reduce_sum3A_2338[15] : i32 from vector<16xi32>
      %and3A_2340 = arith.constant 127 : i32
      %and3A_2341 = arith.andi %reduce_sum3A_2339, %and3A_2340 : i32
      %broadcast_in_dim3A_2342 = vector.broadcast %and3A_2341 : i32 to vector<16xi32>
      %gather3A_2343 = tpu.vector_load_idx %arg15[%iota3A, %broadcast_in_dim3A_2285] : memref<32x128xf32, #tpu.memory_space<vmem>>[vector<16xi32>, vector<16xi32>], vector<16xf32>,
      %add3A_2344 = arith.constant 16 : i32
      %add3A_2345 = vector.broadcast %add3A_2344 : i32 to vector<16xi32>
      %add3A_2346 = arith.addi %iota3A, %add3A_2345 : vector<16xi32>
      %gather3A_2347 = tpu.vector_load_idx %arg15[%add3A_2346, %broadcast_in_dim3A_2285] : memref<32x128xf32, #tpu.memory_space<vmem>>[vector<16xi32>, vector<16xi32>], vector<16xf32>,
      %gather3A_2348 = tpu.vector_load_idx %arg23[%iota3A, %broadcast_in_dim3A_2342] : memref<32x128xf32, #tpu.memory_space<vmem>>[vector<16xi32>, vector<16xi32>], vector<16xf32>,
      %add3A_2349 = arith.constant 16 : i32
      %add3A_2350 = vector.broadcast %add3A_2349 : i32 to vector<16xi32>
      %add3A_2351 = arith.addi %iota3A, %add3A_2350 : vector<16xi32>
      %gather3A_2352 = tpu.vector_load_idx %arg23[%add3A_2351, %broadcast_in_dim3A_2342] : memref<32x128xf32, #tpu.memory_space<vmem>>[vector<16xi32>, vector<16xi32>], vector<16xf32>,
      %mul3A_2353 = arith.mulf %gather3A_2343, %gather3A_2348 : vector<16xf32>
      %mul3A_2354 = arith.mulf %gather3A_2347, %gather3A_2352 : vector<16xf32>
      %add3A_2355 = arith.addf %mul3A_2353, %mul3A_2354 : vector<16xf32>
      %broadcast_in_dim3A_2356 = vector.broadcast %add3A_2216 : i32 to vector<16xi32>
      tpu.vector_store_idx %arg9[%broadcast_in_dim3A_2356], %add3A_2355 {add = true} : memref<512xf32, #tpu.memory_space<vmem>>[vector<16xi32>], vector<16xf32>,
      %add3A_2357 = arith.constant 8 : i32
      %add3A_2358 = arith.addi %add3A_2216, %add3A_2357 : i32
      %jit3A_2359 = arith.constant 16 : i32
      %div3A_2360 = arith.divsi %add3A_2358, %jit3A_2359 : i32
      %sign3A_2361 = arith.constant 0 : i32
      %sign3A_2362 = arith.cmpi sgt, %add3A_2358, %sign3A_2361 : i32
      %sign3A_2363 = arith.extui %sign3A_2362 : i1 to i32
      %sign3A_2364 = arith.constant 0 : i32
      %sign3A_2365 = arith.cmpi slt, %add3A_2358, %sign3A_2364 : i32
      %sign3A_2366 = arith.extui %sign3A_2365 : i1 to i32
      %sign3A_2367 = arith.subi %sign3A_2363, %sign3A_2366 : i32
      %sign3A_2368 = arith.constant 0 : i32
      %sign3A_2369 = arith.cmpi sgt, %jit3A_2359, %sign3A_2368 : i32
      %sign3A_2370 = arith.extui %sign3A_2369 : i1 to i32
      %sign3A_2371 = arith.constant 0 : i32
      %sign3A_2372 = arith.cmpi slt, %jit3A_2359, %sign3A_2371 : i32
      %sign3A_2373 = arith.extui %sign3A_2372 : i1 to i32
      %sign3A_2374 = arith.subi %sign3A_2370, %sign3A_2373 : i32
      %ne3A_2375 = arith.cmpi ne, %sign3A_2367, %sign3A_2374 : i32
      %rem3A_2376 = arith.remsi %add3A_2358, %jit3A_2359 : i32
      %ne3A_2377 = arith.constant 0 : i32
      %ne3A_2378 = arith.cmpi ne, %rem3A_2376, %ne3A_2377 : i32
      %and3A_2379 = arith.andi %ne3A_2375, %ne3A_2378 : i1
      %sub3A_2380 = arith.constant 1 : i32
      %sub3A_2381 = arith.subi %div3A_2360, %sub3A_2380 : i32
      %select_n3A_2382 = arith.select %and3A_2379, %sub3A_2381, %div3A_2360 : i32
      %mul3A_2383 = arith.constant 16 : i32
      %mul3A_2384 = arith.muli %select_n3A_2382, %mul3A_2383 : i32
      %multiple_of3A_2385 = tpu.assume_multiple %mul3A_2384, 16 : i32
      %get3A_2386 = arith.index_cast %multiple_of3A_2385 : i32 to index
      %get3A_2387 = tpu.vector_load %arg7[%get3A_2386] {strides = array<i32>} : memref<512xi32, #tpu.memory_space<vmem>>, vector<16xi32>,
      %jit3A_2388 = arith.constant 16 : i32
      %eq3A_2389 = arith.constant 0 : i32
      %eq3A_2390 = arith.cmpi eq, %jit3A_2388, %eq3A_2389 : i32
      %jit3A_2391 = arith.constant 1 : i32
      %select_n3A_2392 = arith.select %eq3A_2390, %jit3A_2391, %jit3A_2388 : i32
      %rem3A_2393 = arith.remsi %add3A_2358, %select_n3A_2392 : i32
      %ne3A_2394 = arith.constant 0 : i32
      %ne3A_2395 = arith.cmpi ne, %rem3A_2393, %ne3A_2394 : i32
      %lt3A_2396 = arith.constant 0 : i32
      %lt3A_2397 = arith.cmpi slt, %rem3A_2393, %lt3A_2396 : i32
      %lt3A_2398 = arith.constant 0 : i32
      %lt3A_2399 = arith.cmpi slt, %select_n3A_2392, %lt3A_2398 : i32
      %ne3A_2400 = arith.xori %lt3A_2397, %lt3A_2399 : i1
      %and3A_2401 = arith.andi %ne3A_2400, %ne3A_2395 : i1
      %add3A_2402 = arith.addi %rem3A_2393, %select_n3A_2392 : i32
      %select_n3A_2403 = arith.select %and3A_2401, %add3A_2402, %rem3A_2393 : i32
      %broadcast_in_dim3A_2404 = vector.broadcast %select_n3A_2403 : i32 to vector<16xi32>
      %eq3A_2405 = arith.cmpi eq, %iota3A, %broadcast_in_dim3A_2404 : vector<16xi32>
      %jit3A_2406 = arith.constant 0 : i32
      %broadcast_in_dim3A_2407 = vector.broadcast %jit3A_2406 : i32 to vector<16xi32>
      %select_n3A_2408 = arith.select %eq3A_2405, %get3A_2387, %broadcast_in_dim3A_2407 : vector<16xi1>, vector<16xi32>
      %reduce_sum3A_2409 = arith.constant true
      %reduce_sum3A_2410 = vector.broadcast %reduce_sum3A_2409 : i1 to vector<16xi1>
      %reduce_sum3A_2411 = tpu.scan <sum>, %select_n3A_2408 masked %reduce_sum3A_2410 : vector<16xi32>, vector<16xi1> -> vector<16xi32>
      %reduce_sum3A_2412 = vector.extract %reduce_sum3A_2411[15] : i32 from vector<16xi32>
      %shift_right_arithmetic3A_2413 = arith.constant 7 : i32
      %shift_right_arithmetic3A_2414 = arith.shrsi %reduce_sum3A_2412, %shift_right_arithmetic3A_2413 : i32
      %mul3A_2415 = arith.constant 128 : i32
      %mul3A_2416 = arith.muli %shift_right_arithmetic3A_2414, %mul3A_2415 : i32
      %multiple_of3A_2417 = tpu.assume_multiple %mul3A_2416, 128 : i32
      %jit3A_2418 = arith.constant 16 : i32
      %div3A_2419 = arith.divsi %add3A_2358, %jit3A_2418 : i32
      %sign3A_2420 = arith.constant 0 : i32
      %sign3A_2421 = arith.cmpi sgt, %add3A_2358, %sign3A_2420 : i32
      %sign3A_2422 = arith.extui %sign3A_2421 : i1 to i32
      %sign3A_2423 = arith.constant 0 : i32
      %sign3A_2424 = arith.cmpi slt, %add3A_2358, %sign3A_2423 : i32
      %sign3A_2425 = arith.extui %sign3A_2424 : i1 to i32
      %sign3A_2426 = arith.subi %sign3A_2422, %sign3A_2425 : i32
      %sign3A_2427 = arith.constant 0 : i32
      %sign3A_2428 = arith.cmpi sgt, %jit3A_2418, %sign3A_2427 : i32
      %sign3A_2429 = arith.extui %sign3A_2428 : i1 to i32
      %sign3A_2430 = arith.constant 0 : i32
      %sign3A_2431 = arith.cmpi slt, %jit3A_2418, %sign3A_2430 : i32
      %sign3A_2432 = arith.extui %sign3A_2431 : i1 to i32
      %sign3A_2433 = arith.subi %sign3A_2429, %sign3A_2432 : i32
      %ne3A_2434 = arith.cmpi ne, %sign3A_2426, %sign3A_2433 : i32
      %rem3A_2435 = arith.remsi %add3A_2358, %jit3A_2418 : i32
      %ne3A_2436 = arith.constant 0 : i32
      %ne3A_2437 = arith.cmpi ne, %rem3A_2435, %ne3A_2436 : i32
      %and3A_2438 = arith.andi %ne3A_2434, %ne3A_2437 : i1
      %sub3A_2439 = arith.constant 1 : i32
      %sub3A_2440 = arith.subi %div3A_2419, %sub3A_2439 : i32
      %select_n3A_2441 = arith.select %and3A_2438, %sub3A_2440, %div3A_2419 : i32
      %mul3A_2442 = arith.constant 16 : i32
      %mul3A_2443 = arith.muli %select_n3A_2441, %mul3A_2442 : i32
      %multiple_of3A_2444 = tpu.assume_multiple %mul3A_2443, 16 : i32
      %get3A_2445 = arith.index_cast %multiple_of3A_2444 : i32 to index
      %get3A_2446 = tpu.vector_load %arg8[%get3A_2445] {strides = array<i32>} : memref<512xi32, #tpu.memory_space<vmem>>, vector<16xi32>,
      %jit3A_2447 = arith.constant 16 : i32
      %eq3A_2448 = arith.constant 0 : i32
      %eq3A_2449 = arith.cmpi eq, %jit3A_2447, %eq3A_2448 : i32
      %jit3A_2450 = arith.constant 1 : i32
      %select_n3A_2451 = arith.select %eq3A_2449, %jit3A_2450, %jit3A_2447 : i32
      %rem3A_2452 = arith.remsi %add3A_2358, %select_n3A_2451 : i32
      %ne3A_2453 = arith.constant 0 : i32
      %ne3A_2454 = arith.cmpi ne, %rem3A_2452, %ne3A_2453 : i32
      %lt3A_2455 = arith.constant 0 : i32
      %lt3A_2456 = arith.cmpi slt, %rem3A_2452, %lt3A_2455 : i32
      %lt3A_2457 = arith.constant 0 : i32
      %lt3A_2458 = arith.cmpi slt, %select_n3A_2451, %lt3A_2457 : i32
      %ne3A_2459 = arith.xori %lt3A_2456, %lt3A_2458 : i1
      %and3A_2460 = arith.andi %ne3A_2459, %ne3A_2454 : i1
      %add3A_2461 = arith.addi %rem3A_2452, %select_n3A_2451 : i32
      %select_n3A_2462 = arith.select %and3A_2460, %add3A_2461, %rem3A_2452 : i32
      %broadcast_in_dim3A_2463 = vector.broadcast %select_n3A_2462 : i32 to vector<16xi32>
      %eq3A_2464 = arith.cmpi eq, %iota3A, %broadcast_in_dim3A_2463 : vector<16xi32>
      %jit3A_2465 = arith.constant 0 : i32
      %broadcast_in_dim3A_2466 = vector.broadcast %jit3A_2465 : i32 to vector<16xi32>
      %select_n3A_2467 = arith.select %eq3A_2464, %get3A_2446, %broadcast_in_dim3A_2466 : vector<16xi1>, vector<16xi32>
      %reduce_sum3A_2468 = arith.constant true
      %reduce_sum3A_2469 = vector.broadcast %reduce_sum3A_2468 : i1 to vector<16xi1>
      %reduce_sum3A_2470 = tpu.scan <sum>, %select_n3A_2467 masked %reduce_sum3A_2469 : vector<16xi32>, vector<16xi1> -> vector<16xi32>
      %reduce_sum3A_2471 = vector.extract %reduce_sum3A_2470[15] : i32 from vector<16xi32>
      %shift_right_arithmetic3A_2472 = arith.constant 7 : i32
      %shift_right_arithmetic3A_2473 = arith.shrsi %reduce_sum3A_2471, %shift_right_arithmetic3A_2472 : i32
      %mul3A_2474 = arith.constant 128 : i32
      %mul3A_2475 = arith.muli %shift_right_arithmetic3A_2473, %mul3A_2474 : i32
      %multiple_of3A_2476 = tpu.assume_multiple %mul3A_2475, 128 : i32
      %dma_start3A_2477 = arith.constant 0 : i32
      %dma_start3A_2478 = tpu.memref_slice %arg4[%dma_start3A_2477, %multiple_of3A_2417] : memref<32x1000001xf32, #tpu.memory_space<hbm>> -> memref<32x128xf32, #tpu.memory_space<hbm>>
      %dma_start3A_2479 = arith.constant 0 : i32
      %dma_start3A_2480 = tpu.memref_slice %arg4[%dma_start3A_2479, %multiple_of3A_2417] : memref<32x1000001xf32, #tpu.memory_space<hbm>> -> memref<32x128xf32, #tpu.memory_space<hbm>>
      tpu.enqueue_dma source(%dma_start3A_2480 : memref<32x128xf32, #tpu.memory_space<hbm>>) target(%arg15 : memref<32x128xf32, #tpu.memory_space<vmem>>) target_semaphore(%arg31 : memref<!tpu.dma_semaphore, #tpu.memory_space<semaphore_mem>>)
      %dma_start3A_2481 = arith.constant 0 : i32
      %dma_start3A_2482 = tpu.memref_slice %arg5[%dma_start3A_2481, %multiple_of3A_2476] : memref<32x1000001xf32, #tpu.memory_space<hbm>> -> memref<32x128xf32, #tpu.memory_space<hbm>>
      %dma_start3A_2483 = arith.constant 0 : i32
      %dma_start3A_2484 = tpu.memref_slice %arg5[%dma_start3A_2483, %multiple_of3A_2476] : memref<32x1000001xf32, #tpu.memory_space<hbm>> -> memref<32x128xf32, #tpu.memory_space<hbm>>
      tpu.enqueue_dma source(%dma_start3A_2484 : memref<32x128xf32, #tpu.memory_space<hbm>>) target(%arg23 : memref<32x128xf32, #tpu.memory_space<vmem>>) target_semaphore(%arg39 : memref<!tpu.dma_semaphore, #tpu.memory_space<semaphore_mem>>)
      %mul3A_2485 = arith.constant 8 : i32
      %mul3A_2486 = arith.muli %scan3A_858, %mul3A_2485 : i32
      %add3A_2487 = arith.constant 6 : i32
      %add3A_2488 = arith.addi %mul3A_2486, %add3A_2487 : i32
      %dma_wait3A_2489 = arith.constant 0 : i32
      %dma_wait3A_2490 = arith.constant 0 : i32
      %dma_wait3A_2491 = tpu.memref_slice %arg4[%dma_wait3A_2489, %dma_wait3A_2490] : memref<32x1000001xf32, #tpu.memory_space<hbm>> -> memref<32x128xf32, #tpu.memory_space<hbm>>
      %dma_wait3A_2492 = arith.constant 0 : i32
      %dma_wait3A_2493 = arith.constant 0 : i32
      %dma_wait3A_2494 = tpu.memref_slice %arg4[%dma_wait3A_2492, %dma_wait3A_2493] : memref<32x1000001xf32, #tpu.memory_space<hbm>> -> memref<32x128xf32, #tpu.memory_space<hbm>>
      tpu.wait_dma2 semaphore(%arg32 : memref<!tpu.dma_semaphore, #tpu.memory_space<semaphore_mem>>) src(%dma_wait3A_2494 : memref<32x128xf32, #tpu.memory_space<hbm>>) dst(%arg16 : memref<32x128xf32, #tpu.memory_space<vmem>>)
      %dma_wait3A_2495 = arith.constant 0 : i32
      %dma_wait3A_2496 = arith.constant 0 : i32
      %dma_wait3A_2497 = tpu.memref_slice %arg5[%dma_wait3A_2495, %dma_wait3A_2496] : memref<32x1000001xf32, #tpu.memory_space<hbm>> -> memref<32x128xf32, #tpu.memory_space<hbm>>
      %dma_wait3A_2498 = arith.constant 0 : i32
      %dma_wait3A_2499 = arith.constant 0 : i32
      %dma_wait3A_2500 = tpu.memref_slice %arg5[%dma_wait3A_2498, %dma_wait3A_2499] : memref<32x1000001xf32, #tpu.memory_space<hbm>> -> memref<32x128xf32, #tpu.memory_space<hbm>>
      tpu.wait_dma2 semaphore(%arg40 : memref<!tpu.dma_semaphore, #tpu.memory_space<semaphore_mem>>) src(%dma_wait3A_2500 : memref<32x128xf32, #tpu.memory_space<hbm>>) dst(%arg24 : memref<32x128xf32, #tpu.memory_space<vmem>>)
      %jit3A_2501 = arith.constant 16 : i32
      %div3A_2502 = arith.divsi %add3A_2488, %jit3A_2501 : i32
      %sign3A_2503 = arith.constant 0 : i32
      %sign3A_2504 = arith.cmpi sgt, %add3A_2488, %sign3A_2503 : i32
      %sign3A_2505 = arith.extui %sign3A_2504 : i1 to i32
      %sign3A_2506 = arith.constant 0 : i32
      %sign3A_2507 = arith.cmpi slt, %add3A_2488, %sign3A_2506 : i32
      %sign3A_2508 = arith.extui %sign3A_2507 : i1 to i32
      %sign3A_2509 = arith.subi %sign3A_2505, %sign3A_2508 : i32
      %sign3A_2510 = arith.constant 0 : i32
      %sign3A_2511 = arith.cmpi sgt, %jit3A_2501, %sign3A_2510 : i32
      %sign3A_2512 = arith.extui %sign3A_2511 : i1 to i32
      %sign3A_2513 = arith.constant 0 : i32
      %sign3A_2514 = arith.cmpi slt, %jit3A_2501, %sign3A_2513 : i32
      %sign3A_2515 = arith.extui %sign3A_2514 : i1 to i32
      %sign3A_2516 = arith.subi %sign3A_2512, %sign3A_2515 : i32
      %ne3A_2517 = arith.cmpi ne, %sign3A_2509, %sign3A_2516 : i32
      %rem3A_2518 = arith.remsi %add3A_2488, %jit3A_2501 : i32
      %ne3A_2519 = arith.constant 0 : i32
      %ne3A_2520 = arith.cmpi ne, %rem3A_2518, %ne3A_2519 : i32
      %and3A_2521 = arith.andi %ne3A_2517, %ne3A_2520 : i1
      %sub3A_2522 = arith.constant 1 : i32
      %sub3A_2523 = arith.subi %div3A_2502, %sub3A_2522 : i32
      %select_n3A_2524 = arith.select %and3A_2521, %sub3A_2523, %div3A_2502 : i32
      %mul3A_2525 = arith.constant 16 : i32
      %mul3A_2526 = arith.muli %select_n3A_2524, %mul3A_2525 : i32
      %multiple_of3A_2527 = tpu.assume_multiple %mul3A_2526, 16 : i32
      %get3A_2528 = arith.index_cast %multiple_of3A_2527 : i32 to index
      %get3A_2529 = tpu.vector_load %arg7[%get3A_2528] {strides = array<i32>} : memref<512xi32, #tpu.memory_space<vmem>>, vector<16xi32>,
      %jit3A_2530 = arith.constant 16 : i32
      %eq3A_2531 = arith.constant 0 : i32
      %eq3A_2532 = arith.cmpi eq, %jit3A_2530, %eq3A_2531 : i32
      %jit3A_2533 = arith.constant 1 : i32
      %select_n3A_2534 = arith.select %eq3A_2532, %jit3A_2533, %jit3A_2530 : i32
      %rem3A_2535 = arith.remsi %add3A_2488, %select_n3A_2534 : i32
      %ne3A_2536 = arith.constant 0 : i32
      %ne3A_2537 = arith.cmpi ne, %rem3A_2535, %ne3A_2536 : i32
      %lt3A_2538 = arith.constant 0 : i32
      %lt3A_2539 = arith.cmpi slt, %rem3A_2535, %lt3A_2538 : i32
      %lt3A_2540 = arith.constant 0 : i32
      %lt3A_2541 = arith.cmpi slt, %select_n3A_2534, %lt3A_2540 : i32
      %ne3A_2542 = arith.xori %lt3A_2539, %lt3A_2541 : i1
      %and3A_2543 = arith.andi %ne3A_2542, %ne3A_2537 : i1
      %add3A_2544 = arith.addi %rem3A_2535, %select_n3A_2534 : i32
      %select_n3A_2545 = arith.select %and3A_2543, %add3A_2544, %rem3A_2535 : i32
      %broadcast_in_dim3A_2546 = vector.broadcast %select_n3A_2545 : i32 to vector<16xi32>
      %eq3A_2547 = arith.cmpi eq, %iota3A, %broadcast_in_dim3A_2546 : vector<16xi32>
      %jit3A_2548 = arith.constant 0 : i32
      %broadcast_in_dim3A_2549 = vector.broadcast %jit3A_2548 : i32 to vector<16xi32>
      %select_n3A_2550 = arith.select %eq3A_2547, %get3A_2529, %broadcast_in_dim3A_2549 : vector<16xi1>, vector<16xi32>
      %reduce_sum3A_2551 = arith.constant true
      %reduce_sum3A_2552 = vector.broadcast %reduce_sum3A_2551 : i1 to vector<16xi1>
      %reduce_sum3A_2553 = tpu.scan <sum>, %select_n3A_2550 masked %reduce_sum3A_2552 : vector<16xi32>, vector<16xi1> -> vector<16xi32>
      %reduce_sum3A_2554 = vector.extract %reduce_sum3A_2553[15] : i32 from vector<16xi32>
      %and3A_2555 = arith.constant 127 : i32
      %and3A_2556 = arith.andi %reduce_sum3A_2554, %and3A_2555 : i32
      %broadcast_in_dim3A_2557 = vector.broadcast %and3A_2556 : i32 to vector<16xi32>
      %jit3A_2558 = arith.constant 16 : i32
      %div3A_2559 = arith.divsi %add3A_2488, %jit3A_2558 : i32
      %sign3A_2560 = arith.constant 0 : i32
      %sign3A_2561 = arith.cmpi sgt, %add3A_2488, %sign3A_2560 : i32
      %sign3A_2562 = arith.extui %sign3A_2561 : i1 to i32
      %sign3A_2563 = arith.constant 0 : i32
      %sign3A_2564 = arith.cmpi slt, %add3A_2488, %sign3A_2563 : i32
      %sign3A_2565 = arith.extui %sign3A_2564 : i1 to i32
      %sign3A_2566 = arith.subi %sign3A_2562, %sign3A_2565 : i32
      %sign3A_2567 = arith.constant 0 : i32
      %sign3A_2568 = arith.cmpi sgt, %jit3A_2558, %sign3A_2567 : i32
      %sign3A_2569 = arith.extui %sign3A_2568 : i1 to i32
      %sign3A_2570 = arith.constant 0 : i32
      %sign3A_2571 = arith.cmpi slt, %jit3A_2558, %sign3A_2570 : i32
      %sign3A_2572 = arith.extui %sign3A_2571 : i1 to i32
      %sign3A_2573 = arith.subi %sign3A_2569, %sign3A_2572 : i32
      %ne3A_2574 = arith.cmpi ne, %sign3A_2566, %sign3A_2573 : i32
      %rem3A_2575 = arith.remsi %add3A_2488, %jit3A_2558 : i32
      %ne3A_2576 = arith.constant 0 : i32
      %ne3A_2577 = arith.cmpi ne, %rem3A_2575, %ne3A_2576 : i32
      %and3A_2578 = arith.andi %ne3A_2574, %ne3A_2577 : i1
      %sub3A_2579 = arith.constant 1 : i32
      %sub3A_2580 = arith.subi %div3A_2559, %sub3A_2579 : i32
      %select_n3A_2581 = arith.select %and3A_2578, %sub3A_2580, %div3A_2559 : i32
      %mul3A_2582 = arith.constant 16 : i32
      %mul3A_2583 = arith.muli %select_n3A_2581, %mul3A_2582 : i32
      %multiple_of3A_2584 = tpu.assume_multiple %mul3A_2583, 16 : i32
      %get3A_2585 = arith.index_cast %multiple_of3A_2584 : i32 to index
      %get3A_2586 = tpu.vector_load %arg8[%get3A_2585] {strides = array<i32>} : memref<512xi32, #tpu.memory_space<vmem>>, vector<16xi32>,
      %jit3A_2587 = arith.constant 16 : i32
      %eq3A_2588 = arith.constant 0 : i32
      %eq3A_2589 = arith.cmpi eq, %jit3A_2587, %eq3A_2588 : i32
      %jit3A_2590 = arith.constant 1 : i32
      %select_n3A_2591 = arith.select %eq3A_2589, %jit3A_2590, %jit3A_2587 : i32
      %rem3A_2592 = arith.remsi %add3A_2488, %select_n3A_2591 : i32
      %ne3A_2593 = arith.constant 0 : i32
      %ne3A_2594 = arith.cmpi ne, %rem3A_2592, %ne3A_2593 : i32
      %lt3A_2595 = arith.constant 0 : i32
      %lt3A_2596 = arith.cmpi slt, %rem3A_2592, %lt3A_2595 : i32
      %lt3A_2597 = arith.constant 0 : i32
      %lt3A_2598 = arith.cmpi slt, %select_n3A_2591, %lt3A_2597 : i32
      %ne3A_2599 = arith.xori %lt3A_2596, %lt3A_2598 : i1
      %and3A_2600 = arith.andi %ne3A_2599, %ne3A_2594 : i1
      %add3A_2601 = arith.addi %rem3A_2592, %select_n3A_2591 : i32
      %select_n3A_2602 = arith.select %and3A_2600, %add3A_2601, %rem3A_2592 : i32
      %broadcast_in_dim3A_2603 = vector.broadcast %select_n3A_2602 : i32 to vector<16xi32>
      %eq3A_2604 = arith.cmpi eq, %iota3A, %broadcast_in_dim3A_2603 : vector<16xi32>
      %jit3A_2605 = arith.constant 0 : i32
      %broadcast_in_dim3A_2606 = vector.broadcast %jit3A_2605 : i32 to vector<16xi32>
      %select_n3A_2607 = arith.select %eq3A_2604, %get3A_2586, %broadcast_in_dim3A_2606 : vector<16xi1>, vector<16xi32>
      %reduce_sum3A_2608 = arith.constant true
      %reduce_sum3A_2609 = vector.broadcast %reduce_sum3A_2608 : i1 to vector<16xi1>
      %reduce_sum3A_2610 = tpu.scan <sum>, %select_n3A_2607 masked %reduce_sum3A_2609 : vector<16xi32>, vector<16xi1> -> vector<16xi32>
      %reduce_sum3A_2611 = vector.extract %reduce_sum3A_2610[15] : i32 from vector<16xi32>
      %and3A_2612 = arith.constant 127 : i32
      %and3A_2613 = arith.andi %reduce_sum3A_2611, %and3A_2612 : i32
      %broadcast_in_dim3A_2614 = vector.broadcast %and3A_2613 : i32 to vector<16xi32>
      %gather3A_2615 = tpu.vector_load_idx %arg16[%iota3A, %broadcast_in_dim3A_2557] : memref<32x128xf32, #tpu.memory_space<vmem>>[vector<16xi32>, vector<16xi32>], vector<16xf32>,
      %add3A_2616 = arith.constant 16 : i32
      %add3A_2617 = vector.broadcast %add3A_2616 : i32 to vector<16xi32>
      %add3A_2618 = arith.addi %iota3A, %add3A_2617 : vector<16xi32>
      %gather3A_2619 = tpu.vector_load_idx %arg16[%add3A_2618, %broadcast_in_dim3A_2557] : memref<32x128xf32, #tpu.memory_space<vmem>>[vector<16xi32>, vector<16xi32>], vector<16xf32>,
      %gather3A_2620 = tpu.vector_load_idx %arg24[%iota3A, %broadcast_in_dim3A_2614] : memref<32x128xf32, #tpu.memory_space<vmem>>[vector<16xi32>, vector<16xi32>], vector<16xf32>,
      %add3A_2621 = arith.constant 16 : i32
      %add3A_2622 = vector.broadcast %add3A_2621 : i32 to vector<16xi32>
      %add3A_2623 = arith.addi %iota3A, %add3A_2622 : vector<16xi32>
      %gather3A_2624 = tpu.vector_load_idx %arg24[%add3A_2623, %broadcast_in_dim3A_2614] : memref<32x128xf32, #tpu.memory_space<vmem>>[vector<16xi32>, vector<16xi32>], vector<16xf32>,
      %mul3A_2625 = arith.mulf %gather3A_2615, %gather3A_2620 : vector<16xf32>
      %mul3A_2626 = arith.mulf %gather3A_2619, %gather3A_2624 : vector<16xf32>
      %add3A_2627 = arith.addf %mul3A_2625, %mul3A_2626 : vector<16xf32>
      %broadcast_in_dim3A_2628 = vector.broadcast %add3A_2488 : i32 to vector<16xi32>
      tpu.vector_store_idx %arg9[%broadcast_in_dim3A_2628], %add3A_2627 {add = true} : memref<512xf32, #tpu.memory_space<vmem>>[vector<16xi32>], vector<16xf32>,
      %add3A_2629 = arith.constant 8 : i32
      %add3A_2630 = arith.addi %add3A_2488, %add3A_2629 : i32
      %jit3A_2631 = arith.constant 16 : i32
      %div3A_2632 = arith.divsi %add3A_2630, %jit3A_2631 : i32
      %sign3A_2633 = arith.constant 0 : i32
      %sign3A_2634 = arith.cmpi sgt, %add3A_2630, %sign3A_2633 : i32
      %sign3A_2635 = arith.extui %sign3A_2634 : i1 to i32
      %sign3A_2636 = arith.constant 0 : i32
      %sign3A_2637 = arith.cmpi slt, %add3A_2630, %sign3A_2636 : i32
      %sign3A_2638 = arith.extui %sign3A_2637 : i1 to i32
      %sign3A_2639 = arith.subi %sign3A_2635, %sign3A_2638 : i32
      %sign3A_2640 = arith.constant 0 : i32
      %sign3A_2641 = arith.cmpi sgt, %jit3A_2631, %sign3A_2640 : i32
      %sign3A_2642 = arith.extui %sign3A_2641 : i1 to i32
      %sign3A_2643 = arith.constant 0 : i32
      %sign3A_2644 = arith.cmpi slt, %jit3A_2631, %sign3A_2643 : i32
      %sign3A_2645 = arith.extui %sign3A_2644 : i1 to i32
      %sign3A_2646 = arith.subi %sign3A_2642, %sign3A_2645 : i32
      %ne3A_2647 = arith.cmpi ne, %sign3A_2639, %sign3A_2646 : i32
      %rem3A_2648 = arith.remsi %add3A_2630, %jit3A_2631 : i32
      %ne3A_2649 = arith.constant 0 : i32
      %ne3A_2650 = arith.cmpi ne, %rem3A_2648, %ne3A_2649 : i32
      %and3A_2651 = arith.andi %ne3A_2647, %ne3A_2650 : i1
      %sub3A_2652 = arith.constant 1 : i32
      %sub3A_2653 = arith.subi %div3A_2632, %sub3A_2652 : i32
      %select_n3A_2654 = arith.select %and3A_2651, %sub3A_2653, %div3A_2632 : i32
      %mul3A_2655 = arith.constant 16 : i32
      %mul3A_2656 = arith.muli %select_n3A_2654, %mul3A_2655 : i32
      %multiple_of3A_2657 = tpu.assume_multiple %mul3A_2656, 16 : i32
      %get3A_2658 = arith.index_cast %multiple_of3A_2657 : i32 to index
      %get3A_2659 = tpu.vector_load %arg7[%get3A_2658] {strides = array<i32>} : memref<512xi32, #tpu.memory_space<vmem>>, vector<16xi32>,
      %jit3A_2660 = arith.constant 16 : i32
      %eq3A_2661 = arith.constant 0 : i32
      %eq3A_2662 = arith.cmpi eq, %jit3A_2660, %eq3A_2661 : i32
      %jit3A_2663 = arith.constant 1 : i32
      %select_n3A_2664 = arith.select %eq3A_2662, %jit3A_2663, %jit3A_2660 : i32
      %rem3A_2665 = arith.remsi %add3A_2630, %select_n3A_2664 : i32
      %ne3A_2666 = arith.constant 0 : i32
      %ne3A_2667 = arith.cmpi ne, %rem3A_2665, %ne3A_2666 : i32
      %lt3A_2668 = arith.constant 0 : i32
      %lt3A_2669 = arith.cmpi slt, %rem3A_2665, %lt3A_2668 : i32
      %lt3A_2670 = arith.constant 0 : i32
      %lt3A_2671 = arith.cmpi slt, %select_n3A_2664, %lt3A_2670 : i32
      %ne3A_2672 = arith.xori %lt3A_2669, %lt3A_2671 : i1
      %and3A_2673 = arith.andi %ne3A_2672, %ne3A_2667 : i1
      %add3A_2674 = arith.addi %rem3A_2665, %select_n3A_2664 : i32
      %select_n3A_2675 = arith.select %and3A_2673, %add3A_2674, %rem3A_2665 : i32
      %broadcast_in_dim3A_2676 = vector.broadcast %select_n3A_2675 : i32 to vector<16xi32>
      %eq3A_2677 = arith.cmpi eq, %iota3A, %broadcast_in_dim3A_2676 : vector<16xi32>
      %jit3A_2678 = arith.constant 0 : i32
      %broadcast_in_dim3A_2679 = vector.broadcast %jit3A_2678 : i32 to vector<16xi32>
      %select_n3A_2680 = arith.select %eq3A_2677, %get3A_2659, %broadcast_in_dim3A_2679 : vector<16xi1>, vector<16xi32>
      %reduce_sum3A_2681 = arith.constant true
      %reduce_sum3A_2682 = vector.broadcast %reduce_sum3A_2681 : i1 to vector<16xi1>
      %reduce_sum3A_2683 = tpu.scan <sum>, %select_n3A_2680 masked %reduce_sum3A_2682 : vector<16xi32>, vector<16xi1> -> vector<16xi32>
      %reduce_sum3A_2684 = vector.extract %reduce_sum3A_2683[15] : i32 from vector<16xi32>
      %shift_right_arithmetic3A_2685 = arith.constant 7 : i32
      %shift_right_arithmetic3A_2686 = arith.shrsi %reduce_sum3A_2684, %shift_right_arithmetic3A_2685 : i32
      %mul3A_2687 = arith.constant 128 : i32
      %mul3A_2688 = arith.muli %shift_right_arithmetic3A_2686, %mul3A_2687 : i32
      %multiple_of3A_2689 = tpu.assume_multiple %mul3A_2688, 128 : i32
      %jit3A_2690 = arith.constant 16 : i32
      %div3A_2691 = arith.divsi %add3A_2630, %jit3A_2690 : i32
      %sign3A_2692 = arith.constant 0 : i32
      %sign3A_2693 = arith.cmpi sgt, %add3A_2630, %sign3A_2692 : i32
      %sign3A_2694 = arith.extui %sign3A_2693 : i1 to i32
      %sign3A_2695 = arith.constant 0 : i32
      %sign3A_2696 = arith.cmpi slt, %add3A_2630, %sign3A_2695 : i32
      %sign3A_2697 = arith.extui %sign3A_2696 : i1 to i32
      %sign3A_2698 = arith.subi %sign3A_2694, %sign3A_2697 : i32
      %sign3A_2699 = arith.constant 0 : i32
      %sign3A_2700 = arith.cmpi sgt, %jit3A_2690, %sign3A_2699 : i32
      %sign3A_2701 = arith.extui %sign3A_2700 : i1 to i32
      %sign3A_2702 = arith.constant 0 : i32
      %sign3A_2703 = arith.cmpi slt, %jit3A_2690, %sign3A_2702 : i32
      %sign3A_2704 = arith.extui %sign3A_2703 : i1 to i32
      %sign3A_2705 = arith.subi %sign3A_2701, %sign3A_2704 : i32
      %ne3A_2706 = arith.cmpi ne, %sign3A_2698, %sign3A_2705 : i32
      %rem3A_2707 = arith.remsi %add3A_2630, %jit3A_2690 : i32
      %ne3A_2708 = arith.constant 0 : i32
      %ne3A_2709 = arith.cmpi ne, %rem3A_2707, %ne3A_2708 : i32
      %and3A_2710 = arith.andi %ne3A_2706, %ne3A_2709 : i1
      %sub3A_2711 = arith.constant 1 : i32
      %sub3A_2712 = arith.subi %div3A_2691, %sub3A_2711 : i32
      %select_n3A_2713 = arith.select %and3A_2710, %sub3A_2712, %div3A_2691 : i32
      %mul3A_2714 = arith.constant 16 : i32
      %mul3A_2715 = arith.muli %select_n3A_2713, %mul3A_2714 : i32
      %multiple_of3A_2716 = tpu.assume_multiple %mul3A_2715, 16 : i32
      %get3A_2717 = arith.index_cast %multiple_of3A_2716 : i32 to index
      %get3A_2718 = tpu.vector_load %arg8[%get3A_2717] {strides = array<i32>} : memref<512xi32, #tpu.memory_space<vmem>>, vector<16xi32>,
      %jit3A_2719 = arith.constant 16 : i32
      %eq3A_2720 = arith.constant 0 : i32
      %eq3A_2721 = arith.cmpi eq, %jit3A_2719, %eq3A_2720 : i32
      %jit3A_2722 = arith.constant 1 : i32
      %select_n3A_2723 = arith.select %eq3A_2721, %jit3A_2722, %jit3A_2719 : i32
      %rem3A_2724 = arith.remsi %add3A_2630, %select_n3A_2723 : i32
      %ne3A_2725 = arith.constant 0 : i32
      %ne3A_2726 = arith.cmpi ne, %rem3A_2724, %ne3A_2725 : i32
      %lt3A_2727 = arith.constant 0 : i32
      %lt3A_2728 = arith.cmpi slt, %rem3A_2724, %lt3A_2727 : i32
      %lt3A_2729 = arith.constant 0 : i32
      %lt3A_2730 = arith.cmpi slt, %select_n3A_2723, %lt3A_2729 : i32
      %ne3A_2731 = arith.xori %lt3A_2728, %lt3A_2730 : i1
      %and3A_2732 = arith.andi %ne3A_2731, %ne3A_2726 : i1
      %add3A_2733 = arith.addi %rem3A_2724, %select_n3A_2723 : i32
      %select_n3A_2734 = arith.select %and3A_2732, %add3A_2733, %rem3A_2724 : i32
      %broadcast_in_dim3A_2735 = vector.broadcast %select_n3A_2734 : i32 to vector<16xi32>
      %eq3A_2736 = arith.cmpi eq, %iota3A, %broadcast_in_dim3A_2735 : vector<16xi32>
      %jit3A_2737 = arith.constant 0 : i32
      %broadcast_in_dim3A_2738 = vector.broadcast %jit3A_2737 : i32 to vector<16xi32>
      %select_n3A_2739 = arith.select %eq3A_2736, %get3A_2718, %broadcast_in_dim3A_2738 : vector<16xi1>, vector<16xi32>
      %reduce_sum3A_2740 = arith.constant true
      %reduce_sum3A_2741 = vector.broadcast %reduce_sum3A_2740 : i1 to vector<16xi1>
      %reduce_sum3A_2742 = tpu.scan <sum>, %select_n3A_2739 masked %reduce_sum3A_2741 : vector<16xi32>, vector<16xi1> -> vector<16xi32>
      %reduce_sum3A_2743 = vector.extract %reduce_sum3A_2742[15] : i32 from vector<16xi32>
      %shift_right_arithmetic3A_2744 = arith.constant 7 : i32
      %shift_right_arithmetic3A_2745 = arith.shrsi %reduce_sum3A_2743, %shift_right_arithmetic3A_2744 : i32
      %mul3A_2746 = arith.constant 128 : i32
      %mul3A_2747 = arith.muli %shift_right_arithmetic3A_2745, %mul3A_2746 : i32
      %multiple_of3A_2748 = tpu.assume_multiple %mul3A_2747, 128 : i32
      %dma_start3A_2749 = arith.constant 0 : i32
      %dma_start3A_2750 = tpu.memref_slice %arg4[%dma_start3A_2749, %multiple_of3A_2689] : memref<32x1000001xf32, #tpu.memory_space<hbm>> -> memref<32x128xf32, #tpu.memory_space<hbm>>
      %dma_start3A_2751 = arith.constant 0 : i32
      %dma_start3A_2752 = tpu.memref_slice %arg4[%dma_start3A_2751, %multiple_of3A_2689] : memref<32x1000001xf32, #tpu.memory_space<hbm>> -> memref<32x128xf32, #tpu.memory_space<hbm>>
      tpu.enqueue_dma source(%dma_start3A_2752 : memref<32x128xf32, #tpu.memory_space<hbm>>) target(%arg16 : memref<32x128xf32, #tpu.memory_space<vmem>>) target_semaphore(%arg32 : memref<!tpu.dma_semaphore, #tpu.memory_space<semaphore_mem>>)
      %dma_start3A_2753 = arith.constant 0 : i32
      %dma_start3A_2754 = tpu.memref_slice %arg5[%dma_start3A_2753, %multiple_of3A_2748] : memref<32x1000001xf32, #tpu.memory_space<hbm>> -> memref<32x128xf32, #tpu.memory_space<hbm>>
      %dma_start3A_2755 = arith.constant 0 : i32
      %dma_start3A_2756 = tpu.memref_slice %arg5[%dma_start3A_2755, %multiple_of3A_2748] : memref<32x1000001xf32, #tpu.memory_space<hbm>> -> memref<32x128xf32, #tpu.memory_space<hbm>>
      tpu.enqueue_dma source(%dma_start3A_2756 : memref<32x128xf32, #tpu.memory_space<hbm>>) target(%arg24 : memref<32x128xf32, #tpu.memory_space<vmem>>) target_semaphore(%arg40 : memref<!tpu.dma_semaphore, #tpu.memory_space<semaphore_mem>>)
      %mul3A_2757 = arith.constant 8 : i32
      %mul3A_2758 = arith.muli %scan3A_858, %mul3A_2757 : i32
      %add3A_2759 = arith.constant 7 : i32
      %add3A_2760 = arith.addi %mul3A_2758, %add3A_2759 : i32
      %dma_wait3A_2761 = arith.constant 0 : i32
      %dma_wait3A_2762 = arith.constant 0 : i32
      %dma_wait3A_2763 = tpu.memref_slice %arg4[%dma_wait3A_2761, %dma_wait3A_2762] : memref<32x1000001xf32, #tpu.memory_space<hbm>> -> memref<32x128xf32, #tpu.memory_space<hbm>>
      %dma_wait3A_2764 = arith.constant 0 : i32
      %dma_wait3A_2765 = arith.constant 0 : i32
      %dma_wait3A_2766 = tpu.memref_slice %arg4[%dma_wait3A_2764, %dma_wait3A_2765] : memref<32x1000001xf32, #tpu.memory_space<hbm>> -> memref<32x128xf32, #tpu.memory_space<hbm>>
      tpu.wait_dma2 semaphore(%arg33 : memref<!tpu.dma_semaphore, #tpu.memory_space<semaphore_mem>>) src(%dma_wait3A_2766 : memref<32x128xf32, #tpu.memory_space<hbm>>) dst(%arg17 : memref<32x128xf32, #tpu.memory_space<vmem>>)
      %dma_wait3A_2767 = arith.constant 0 : i32
      %dma_wait3A_2768 = arith.constant 0 : i32
      %dma_wait3A_2769 = tpu.memref_slice %arg5[%dma_wait3A_2767, %dma_wait3A_2768] : memref<32x1000001xf32, #tpu.memory_space<hbm>> -> memref<32x128xf32, #tpu.memory_space<hbm>>
      %dma_wait3A_2770 = arith.constant 0 : i32
      %dma_wait3A_2771 = arith.constant 0 : i32
      %dma_wait3A_2772 = tpu.memref_slice %arg5[%dma_wait3A_2770, %dma_wait3A_2771] : memref<32x1000001xf32, #tpu.memory_space<hbm>> -> memref<32x128xf32, #tpu.memory_space<hbm>>
      tpu.wait_dma2 semaphore(%arg41 : memref<!tpu.dma_semaphore, #tpu.memory_space<semaphore_mem>>) src(%dma_wait3A_2772 : memref<32x128xf32, #tpu.memory_space<hbm>>) dst(%arg25 : memref<32x128xf32, #tpu.memory_space<vmem>>)
      %jit3A_2773 = arith.constant 16 : i32
      %div3A_2774 = arith.divsi %add3A_2760, %jit3A_2773 : i32
      %sign3A_2775 = arith.constant 0 : i32
      %sign3A_2776 = arith.cmpi sgt, %add3A_2760, %sign3A_2775 : i32
      %sign3A_2777 = arith.extui %sign3A_2776 : i1 to i32
      %sign3A_2778 = arith.constant 0 : i32
      %sign3A_2779 = arith.cmpi slt, %add3A_2760, %sign3A_2778 : i32
      %sign3A_2780 = arith.extui %sign3A_2779 : i1 to i32
      %sign3A_2781 = arith.subi %sign3A_2777, %sign3A_2780 : i32
      %sign3A_2782 = arith.constant 0 : i32
      %sign3A_2783 = arith.cmpi sgt, %jit3A_2773, %sign3A_2782 : i32
      %sign3A_2784 = arith.extui %sign3A_2783 : i1 to i32
      %sign3A_2785 = arith.constant 0 : i32
      %sign3A_2786 = arith.cmpi slt, %jit3A_2773, %sign3A_2785 : i32
      %sign3A_2787 = arith.extui %sign3A_2786 : i1 to i32
      %sign3A_2788 = arith.subi %sign3A_2784, %sign3A_2787 : i32
      %ne3A_2789 = arith.cmpi ne, %sign3A_2781, %sign3A_2788 : i32
      %rem3A_2790 = arith.remsi %add3A_2760, %jit3A_2773 : i32
      %ne3A_2791 = arith.constant 0 : i32
      %ne3A_2792 = arith.cmpi ne, %rem3A_2790, %ne3A_2791 : i32
      %and3A_2793 = arith.andi %ne3A_2789, %ne3A_2792 : i1
      %sub3A_2794 = arith.constant 1 : i32
      %sub3A_2795 = arith.subi %div3A_2774, %sub3A_2794 : i32
      %select_n3A_2796 = arith.select %and3A_2793, %sub3A_2795, %div3A_2774 : i32
      %mul3A_2797 = arith.constant 16 : i32
      %mul3A_2798 = arith.muli %select_n3A_2796, %mul3A_2797 : i32
      %multiple_of3A_2799 = tpu.assume_multiple %mul3A_2798, 16 : i32
      %get3A_2800 = arith.index_cast %multiple_of3A_2799 : i32 to index
      %get3A_2801 = tpu.vector_load %arg7[%get3A_2800] {strides = array<i32>} : memref<512xi32, #tpu.memory_space<vmem>>, vector<16xi32>,
      %jit3A_2802 = arith.constant 16 : i32
      %eq3A_2803 = arith.constant 0 : i32
      %eq3A_2804 = arith.cmpi eq, %jit3A_2802, %eq3A_2803 : i32
      %jit3A_2805 = arith.constant 1 : i32
      %select_n3A_2806 = arith.select %eq3A_2804, %jit3A_2805, %jit3A_2802 : i32
      %rem3A_2807 = arith.remsi %add3A_2760, %select_n3A_2806 : i32
      %ne3A_2808 = arith.constant 0 : i32
      %ne3A_2809 = arith.cmpi ne, %rem3A_2807, %ne3A_2808 : i32
      %lt3A_2810 = arith.constant 0 : i32
      %lt3A_2811 = arith.cmpi slt, %rem3A_2807, %lt3A_2810 : i32
      %lt3A_2812 = arith.constant 0 : i32
      %lt3A_2813 = arith.cmpi slt, %select_n3A_2806, %lt3A_2812 : i32
      %ne3A_2814 = arith.xori %lt3A_2811, %lt3A_2813 : i1
      %and3A_2815 = arith.andi %ne3A_2814, %ne3A_2809 : i1
      %add3A_2816 = arith.addi %rem3A_2807, %select_n3A_2806 : i32
      %select_n3A_2817 = arith.select %and3A_2815, %add3A_2816, %rem3A_2807 : i32
      %broadcast_in_dim3A_2818 = vector.broadcast %select_n3A_2817 : i32 to vector<16xi32>
      %eq3A_2819 = arith.cmpi eq, %iota3A, %broadcast_in_dim3A_2818 : vector<16xi32>
      %jit3A_2820 = arith.constant 0 : i32
      %broadcast_in_dim3A_2821 = vector.broadcast %jit3A_2820 : i32 to vector<16xi32>
      %select_n3A_2822 = arith.select %eq3A_2819, %get3A_2801, %broadcast_in_dim3A_2821 : vector<16xi1>, vector<16xi32>
      %reduce_sum3A_2823 = arith.constant true
      %reduce_sum3A_2824 = vector.broadcast %reduce_sum3A_2823 : i1 to vector<16xi1>
      %reduce_sum3A_2825 = tpu.scan <sum>, %select_n3A_2822 masked %reduce_sum3A_2824 : vector<16xi32>, vector<16xi1> -> vector<16xi32>
      %reduce_sum3A_2826 = vector.extract %reduce_sum3A_2825[15] : i32 from vector<16xi32>
      %and3A_2827 = arith.constant 127 : i32
      %and3A_2828 = arith.andi %reduce_sum3A_2826, %and3A_2827 : i32
      %broadcast_in_dim3A_2829 = vector.broadcast %and3A_2828 : i32 to vector<16xi32>
      %jit3A_2830 = arith.constant 16 : i32
      %div3A_2831 = arith.divsi %add3A_2760, %jit3A_2830 : i32
      %sign3A_2832 = arith.constant 0 : i32
      %sign3A_2833 = arith.cmpi sgt, %add3A_2760, %sign3A_2832 : i32
      %sign3A_2834 = arith.extui %sign3A_2833 : i1 to i32
      %sign3A_2835 = arith.constant 0 : i32
      %sign3A_2836 = arith.cmpi slt, %add3A_2760, %sign3A_2835 : i32
      %sign3A_2837 = arith.extui %sign3A_2836 : i1 to i32
      %sign3A_2838 = arith.subi %sign3A_2834, %sign3A_2837 : i32
      %sign3A_2839 = arith.constant 0 : i32
      %sign3A_2840 = arith.cmpi sgt, %jit3A_2830, %sign3A_2839 : i32
      %sign3A_2841 = arith.extui %sign3A_2840 : i1 to i32
      %sign3A_2842 = arith.constant 0 : i32
      %sign3A_2843 = arith.cmpi slt, %jit3A_2830, %sign3A_2842 : i32
      %sign3A_2844 = arith.extui %sign3A_2843 : i1 to i32
      %sign3A_2845 = arith.subi %sign3A_2841, %sign3A_2844 : i32
      %ne3A_2846 = arith.cmpi ne, %sign3A_2838, %sign3A_2845 : i32
      %rem3A_2847 = arith.remsi %add3A_2760, %jit3A_2830 : i32
      %ne3A_2848 = arith.constant 0 : i32
      %ne3A_2849 = arith.cmpi ne, %rem3A_2847, %ne3A_2848 : i32
      %and3A_2850 = arith.andi %ne3A_2846, %ne3A_2849 : i1
      %sub3A_2851 = arith.constant 1 : i32
      %sub3A_2852 = arith.subi %div3A_2831, %sub3A_2851 : i32
      %select_n3A_2853 = arith.select %and3A_2850, %sub3A_2852, %div3A_2831 : i32
      %mul3A_2854 = arith.constant 16 : i32
      %mul3A_2855 = arith.muli %select_n3A_2853, %mul3A_2854 : i32
      %multiple_of3A_2856 = tpu.assume_multiple %mul3A_2855, 16 : i32
      %get3A_2857 = arith.index_cast %multiple_of3A_2856 : i32 to index
      %get3A_2858 = tpu.vector_load %arg8[%get3A_2857] {strides = array<i32>} : memref<512xi32, #tpu.memory_space<vmem>>, vector<16xi32>,
      %jit3A_2859 = arith.constant 16 : i32
      %eq3A_2860 = arith.constant 0 : i32
      %eq3A_2861 = arith.cmpi eq, %jit3A_2859, %eq3A_2860 : i32
      %jit3A_2862 = arith.constant 1 : i32
      %select_n3A_2863 = arith.select %eq3A_2861, %jit3A_2862, %jit3A_2859 : i32
      %rem3A_2864 = arith.remsi %add3A_2760, %select_n3A_2863 : i32
      %ne3A_2865 = arith.constant 0 : i32
      %ne3A_2866 = arith.cmpi ne, %rem3A_2864, %ne3A_2865 : i32
      %lt3A_2867 = arith.constant 0 : i32
      %lt3A_2868 = arith.cmpi slt, %rem3A_2864, %lt3A_2867 : i32
      %lt3A_2869 = arith.constant 0 : i32
      %lt3A_2870 = arith.cmpi slt, %select_n3A_2863, %lt3A_2869 : i32
      %ne3A_2871 = arith.xori %lt3A_2868, %lt3A_2870 : i1
      %and3A_2872 = arith.andi %ne3A_2871, %ne3A_2866 : i1
      %add3A_2873 = arith.addi %rem3A_2864, %select_n3A_2863 : i32
      %select_n3A_2874 = arith.select %and3A_2872, %add3A_2873, %rem3A_2864 : i32
      %broadcast_in_dim3A_2875 = vector.broadcast %select_n3A_2874 : i32 to vector<16xi32>
      %eq3A_2876 = arith.cmpi eq, %iota3A, %broadcast_in_dim3A_2875 : vector<16xi32>
      %jit3A_2877 = arith.constant 0 : i32
      %broadcast_in_dim3A_2878 = vector.broadcast %jit3A_2877 : i32 to vector<16xi32>
      %select_n3A_2879 = arith.select %eq3A_2876, %get3A_2858, %broadcast_in_dim3A_2878 : vector<16xi1>, vector<16xi32>
      %reduce_sum3A_2880 = arith.constant true
      %reduce_sum3A_2881 = vector.broadcast %reduce_sum3A_2880 : i1 to vector<16xi1>
      %reduce_sum3A_2882 = tpu.scan <sum>, %select_n3A_2879 masked %reduce_sum3A_2881 : vector<16xi32>, vector<16xi1> -> vector<16xi32>
      %reduce_sum3A_2883 = vector.extract %reduce_sum3A_2882[15] : i32 from vector<16xi32>
      %and3A_2884 = arith.constant 127 : i32
      %and3A_2885 = arith.andi %reduce_sum3A_2883, %and3A_2884 : i32
      %broadcast_in_dim3A_2886 = vector.broadcast %and3A_2885 : i32 to vector<16xi32>
      %gather3A_2887 = tpu.vector_load_idx %arg17[%iota3A, %broadcast_in_dim3A_2829] : memref<32x128xf32, #tpu.memory_space<vmem>>[vector<16xi32>, vector<16xi32>], vector<16xf32>,
      %add3A_2888 = arith.constant 16 : i32
      %add3A_2889 = vector.broadcast %add3A_2888 : i32 to vector<16xi32>
      %add3A_2890 = arith.addi %iota3A, %add3A_2889 : vector<16xi32>
      %gather3A_2891 = tpu.vector_load_idx %arg17[%add3A_2890, %broadcast_in_dim3A_2829] : memref<32x128xf32, #tpu.memory_space<vmem>>[vector<16xi32>, vector<16xi32>], vector<16xf32>,
      %gather3A_2892 = tpu.vector_load_idx %arg25[%iota3A, %broadcast_in_dim3A_2886] : memref<32x128xf32, #tpu.memory_space<vmem>>[vector<16xi32>, vector<16xi32>], vector<16xf32>,
      %add3A_2893 = arith.constant 16 : i32
      %add3A_2894 = vector.broadcast %add3A_2893 : i32 to vector<16xi32>
      %add3A_2895 = arith.addi %iota3A, %add3A_2894 : vector<16xi32>
      %gather3A_2896 = tpu.vector_load_idx %arg25[%add3A_2895, %broadcast_in_dim3A_2886] : memref<32x128xf32, #tpu.memory_space<vmem>>[vector<16xi32>, vector<16xi32>], vector<16xf32>,
      %mul3A_2897 = arith.mulf %gather3A_2887, %gather3A_2892 : vector<16xf32>
      %mul3A_2898 = arith.mulf %gather3A_2891, %gather3A_2896 : vector<16xf32>
      %add3A_2899 = arith.addf %mul3A_2897, %mul3A_2898 : vector<16xf32>
      %broadcast_in_dim3A_2900 = vector.broadcast %add3A_2760 : i32 to vector<16xi32>
      tpu.vector_store_idx %arg9[%broadcast_in_dim3A_2900], %add3A_2899 {add = true} : memref<512xf32, #tpu.memory_space<vmem>>[vector<16xi32>], vector<16xf32>,
      %add3A_2901 = arith.constant 8 : i32
      %add3A_2902 = arith.addi %add3A_2760, %add3A_2901 : i32
      %jit3A_2903 = arith.constant 16 : i32
      %div3A_2904 = arith.divsi %add3A_2902, %jit3A_2903 : i32
      %sign3A_2905 = arith.constant 0 : i32
      %sign3A_2906 = arith.cmpi sgt, %add3A_2902, %sign3A_2905 : i32
      %sign3A_2907 = arith.extui %sign3A_2906 : i1 to i32
      %sign3A_2908 = arith.constant 0 : i32
      %sign3A_2909 = arith.cmpi slt, %add3A_2902, %sign3A_2908 : i32
      %sign3A_2910 = arith.extui %sign3A_2909 : i1 to i32
      %sign3A_2911 = arith.subi %sign3A_2907, %sign3A_2910 : i32
      %sign3A_2912 = arith.constant 0 : i32
      %sign3A_2913 = arith.cmpi sgt, %jit3A_2903, %sign3A_2912 : i32
      %sign3A_2914 = arith.extui %sign3A_2913 : i1 to i32
      %sign3A_2915 = arith.constant 0 : i32
      %sign3A_2916 = arith.cmpi slt, %jit3A_2903, %sign3A_2915 : i32
      %sign3A_2917 = arith.extui %sign3A_2916 : i1 to i32
      %sign3A_2918 = arith.subi %sign3A_2914, %sign3A_2917 : i32
      %ne3A_2919 = arith.cmpi ne, %sign3A_2911, %sign3A_2918 : i32
      %rem3A_2920 = arith.remsi %add3A_2902, %jit3A_2903 : i32
      %ne3A_2921 = arith.constant 0 : i32
      %ne3A_2922 = arith.cmpi ne, %rem3A_2920, %ne3A_2921 : i32
      %and3A_2923 = arith.andi %ne3A_2919, %ne3A_2922 : i1
      %sub3A_2924 = arith.constant 1 : i32
      %sub3A_2925 = arith.subi %div3A_2904, %sub3A_2924 : i32
      %select_n3A_2926 = arith.select %and3A_2923, %sub3A_2925, %div3A_2904 : i32
      %mul3A_2927 = arith.constant 16 : i32
      %mul3A_2928 = arith.muli %select_n3A_2926, %mul3A_2927 : i32
      %multiple_of3A_2929 = tpu.assume_multiple %mul3A_2928, 16 : i32
      %get3A_2930 = arith.index_cast %multiple_of3A_2929 : i32 to index
      %get3A_2931 = tpu.vector_load %arg7[%get3A_2930] {strides = array<i32>} : memref<512xi32, #tpu.memory_space<vmem>>, vector<16xi32>,
      %jit3A_2932 = arith.constant 16 : i32
      %eq3A_2933 = arith.constant 0 : i32
      %eq3A_2934 = arith.cmpi eq, %jit3A_2932, %eq3A_2933 : i32
      %jit3A_2935 = arith.constant 1 : i32
      %select_n3A_2936 = arith.select %eq3A_2934, %jit3A_2935, %jit3A_2932 : i32
      %rem3A_2937 = arith.remsi %add3A_2902, %select_n3A_2936 : i32
      %ne3A_2938 = arith.constant 0 : i32
      %ne3A_2939 = arith.cmpi ne, %rem3A_2937, %ne3A_2938 : i32
      %lt3A_2940 = arith.constant 0 : i32
      %lt3A_2941 = arith.cmpi slt, %rem3A_2937, %lt3A_2940 : i32
      %lt3A_2942 = arith.constant 0 : i32
      %lt3A_2943 = arith.cmpi slt, %select_n3A_2936, %lt3A_2942 : i32
      %ne3A_2944 = arith.xori %lt3A_2941, %lt3A_2943 : i1
      %and3A_2945 = arith.andi %ne3A_2944, %ne3A_2939 : i1
      %add3A_2946 = arith.addi %rem3A_2937, %select_n3A_2936 : i32
      %select_n3A_2947 = arith.select %and3A_2945, %add3A_2946, %rem3A_2937 : i32
      %broadcast_in_dim3A_2948 = vector.broadcast %select_n3A_2947 : i32 to vector<16xi32>
      %eq3A_2949 = arith.cmpi eq, %iota3A, %broadcast_in_dim3A_2948 : vector<16xi32>
      %jit3A_2950 = arith.constant 0 : i32
      %broadcast_in_dim3A_2951 = vector.broadcast %jit3A_2950 : i32 to vector<16xi32>
      %select_n3A_2952 = arith.select %eq3A_2949, %get3A_2931, %broadcast_in_dim3A_2951 : vector<16xi1>, vector<16xi32>
      %reduce_sum3A_2953 = arith.constant true
      %reduce_sum3A_2954 = vector.broadcast %reduce_sum3A_2953 : i1 to vector<16xi1>
      %reduce_sum3A_2955 = tpu.scan <sum>, %select_n3A_2952 masked %reduce_sum3A_2954 : vector<16xi32>, vector<16xi1> -> vector<16xi32>
      %reduce_sum3A_2956 = vector.extract %reduce_sum3A_2955[15] : i32 from vector<16xi32>
      %shift_right_arithmetic3A_2957 = arith.constant 7 : i32
      %shift_right_arithmetic3A_2958 = arith.shrsi %reduce_sum3A_2956, %shift_right_arithmetic3A_2957 : i32
      %mul3A_2959 = arith.constant 128 : i32
      %mul3A_2960 = arith.muli %shift_right_arithmetic3A_2958, %mul3A_2959 : i32
      %multiple_of3A_2961 = tpu.assume_multiple %mul3A_2960, 128 : i32
      %jit3A_2962 = arith.constant 16 : i32
      %div3A_2963 = arith.divsi %add3A_2902, %jit3A_2962 : i32
      %sign3A_2964 = arith.constant 0 : i32
      %sign3A_2965 = arith.cmpi sgt, %add3A_2902, %sign3A_2964 : i32
      %sign3A_2966 = arith.extui %sign3A_2965 : i1 to i32
      %sign3A_2967 = arith.constant 0 : i32
      %sign3A_2968 = arith.cmpi slt, %add3A_2902, %sign3A_2967 : i32
      %sign3A_2969 = arith.extui %sign3A_2968 : i1 to i32
      %sign3A_2970 = arith.subi %sign3A_2966, %sign3A_2969 : i32
      %sign3A_2971 = arith.constant 0 : i32
      %sign3A_2972 = arith.cmpi sgt, %jit3A_2962, %sign3A_2971 : i32
      %sign3A_2973 = arith.extui %sign3A_2972 : i1 to i32
      %sign3A_2974 = arith.constant 0 : i32
      %sign3A_2975 = arith.cmpi slt, %jit3A_2962, %sign3A_2974 : i32
      %sign3A_2976 = arith.extui %sign3A_2975 : i1 to i32
      %sign3A_2977 = arith.subi %sign3A_2973, %sign3A_2976 : i32
      %ne3A_2978 = arith.cmpi ne, %sign3A_2970, %sign3A_2977 : i32
      %rem3A_2979 = arith.remsi %add3A_2902, %jit3A_2962 : i32
      %ne3A_2980 = arith.constant 0 : i32
      %ne3A_2981 = arith.cmpi ne, %rem3A_2979, %ne3A_2980 : i32
      %and3A_2982 = arith.andi %ne3A_2978, %ne3A_2981 : i1
      %sub3A_2983 = arith.constant 1 : i32
      %sub3A_2984 = arith.subi %div3A_2963, %sub3A_2983 : i32
      %select_n3A_2985 = arith.select %and3A_2982, %sub3A_2984, %div3A_2963 : i32
      %mul3A_2986 = arith.constant 16 : i32
      %mul3A_2987 = arith.muli %select_n3A_2985, %mul3A_2986 : i32
      %multiple_of3A_2988 = tpu.assume_multiple %mul3A_2987, 16 : i32
      %get3A_2989 = arith.index_cast %multiple_of3A_2988 : i32 to index
      %get3A_2990 = tpu.vector_load %arg8[%get3A_2989] {strides = array<i32>} : memref<512xi32, #tpu.memory_space<vmem>>, vector<16xi32>,
      %jit3A_2991 = arith.constant 16 : i32
      %eq3A_2992 = arith.constant 0 : i32
      %eq3A_2993 = arith.cmpi eq, %jit3A_2991, %eq3A_2992 : i32
      %jit3A_2994 = arith.constant 1 : i32
      %select_n3A_2995 = arith.select %eq3A_2993, %jit3A_2994, %jit3A_2991 : i32
      %rem3A_2996 = arith.remsi %add3A_2902, %select_n3A_2995 : i32
      %ne3A_2997 = arith.constant 0 : i32
      %ne3A_2998 = arith.cmpi ne, %rem3A_2996, %ne3A_2997 : i32
      %lt3A_2999 = arith.constant 0 : i32
      %lt3A_3000 = arith.cmpi slt, %rem3A_2996, %lt3A_2999 : i32
      %lt3A_3001 = arith.constant 0 : i32
      %lt3A_3002 = arith.cmpi slt, %select_n3A_2995, %lt3A_3001 : i32
      %ne3A_3003 = arith.xori %lt3A_3000, %lt3A_3002 : i1
      %and3A_3004 = arith.andi %ne3A_3003, %ne3A_2998 : i1
      %add3A_3005 = arith.addi %rem3A_2996, %select_n3A_2995 : i32
      %select_n3A_3006 = arith.select %and3A_3004, %add3A_3005, %rem3A_2996 : i32
      %broadcast_in_dim3A_3007 = vector.broadcast %select_n3A_3006 : i32 to vector<16xi32>
      %eq3A_3008 = arith.cmpi eq, %iota3A, %broadcast_in_dim3A_3007 : vector<16xi32>
      %jit3A_3009 = arith.constant 0 : i32
      %broadcast_in_dim3A_3010 = vector.broadcast %jit3A_3009 : i32 to vector<16xi32>
      %select_n3A_3011 = arith.select %eq3A_3008, %get3A_2990, %broadcast_in_dim3A_3010 : vector<16xi1>, vector<16xi32>
      %reduce_sum3A_3012 = arith.constant true
      %reduce_sum3A_3013 = vector.broadcast %reduce_sum3A_3012 : i1 to vector<16xi1>
      %reduce_sum3A_3014 = tpu.scan <sum>, %select_n3A_3011 masked %reduce_sum3A_3013 : vector<16xi32>, vector<16xi1> -> vector<16xi32>
      %reduce_sum3A_3015 = vector.extract %reduce_sum3A_3014[15] : i32 from vector<16xi32>
      %shift_right_arithmetic3A_3016 = arith.constant 7 : i32
      %shift_right_arithmetic3A_3017 = arith.shrsi %reduce_sum3A_3015, %shift_right_arithmetic3A_3016 : i32
      %mul3A_3018 = arith.constant 128 : i32
      %mul3A_3019 = arith.muli %shift_right_arithmetic3A_3017, %mul3A_3018 : i32
      %multiple_of3A_3020 = tpu.assume_multiple %mul3A_3019, 128 : i32
      %dma_start3A_3021 = arith.constant 0 : i32
      %dma_start3A_3022 = tpu.memref_slice %arg4[%dma_start3A_3021, %multiple_of3A_2961] : memref<32x1000001xf32, #tpu.memory_space<hbm>> -> memref<32x128xf32, #tpu.memory_space<hbm>>
      %dma_start3A_3023 = arith.constant 0 : i32
      %dma_start3A_3024 = tpu.memref_slice %arg4[%dma_start3A_3023, %multiple_of3A_2961] : memref<32x1000001xf32, #tpu.memory_space<hbm>> -> memref<32x128xf32, #tpu.memory_space<hbm>>
      tpu.enqueue_dma source(%dma_start3A_3024 : memref<32x128xf32, #tpu.memory_space<hbm>>) target(%arg17 : memref<32x128xf32, #tpu.memory_space<vmem>>) target_semaphore(%arg33 : memref<!tpu.dma_semaphore, #tpu.memory_space<semaphore_mem>>)
      %dma_start3A_3025 = arith.constant 0 : i32
      %dma_start3A_3026 = tpu.memref_slice %arg5[%dma_start3A_3025, %multiple_of3A_3020] : memref<32x1000001xf32, #tpu.memory_space<hbm>> -> memref<32x128xf32, #tpu.memory_space<hbm>>
      %dma_start3A_3027 = arith.constant 0 : i32
      %dma_start3A_3028 = tpu.memref_slice %arg5[%dma_start3A_3027, %multiple_of3A_3020] : memref<32x1000001xf32, #tpu.memory_space<hbm>> -> memref<32x128xf32, #tpu.memory_space<hbm>>
      tpu.enqueue_dma source(%dma_start3A_3028 : memref<32x128xf32, #tpu.memory_space<hbm>>) target(%arg25 : memref<32x128xf32, #tpu.memory_space<vmem>>) target_semaphore(%arg41 : memref<!tpu.dma_semaphore, #tpu.memory_space<semaphore_mem>>)
    }
    %scan3A_372 = arith.constant 63 : i32
    %dma_wait3A = arith.constant 0 : i32
    %dma_wait3A_373 = arith.constant 0 : i32
    %dma_wait3A_374 = tpu.memref_slice %arg4[%dma_wait3A, %dma_wait3A_373] : memref<32x1000001xf32, #tpu.memory_space<hbm>> -> memref<32x128xf32, #tpu.memory_space<hbm>>
    %dma_wait3A_375 = arith.constant 0 : i32
    %dma_wait3A_376 = arith.constant 0 : i32
    %dma_wait3A_377 = tpu.memref_slice %arg4[%dma_wait3A_375, %dma_wait3A_376] : memref<32x1000001xf32, #tpu.memory_space<hbm>> -> memref<32x128xf32, #tpu.memory_space<hbm>>
    tpu.wait_dma2 semaphore(%arg26 : memref<!tpu.dma_semaphore, #tpu.memory_space<semaphore_mem>>) src(%dma_wait3A_377 : memref<32x128xf32, #tpu.memory_space<hbm>>) dst(%arg10 : memref<32x128xf32, #tpu.memory_space<vmem>>)
    %dma_wait3A_378 = arith.constant 0 : i32
    %dma_wait3A_379 = arith.constant 0 : i32
    %dma_wait3A_380 = tpu.memref_slice %arg5[%dma_wait3A_378, %dma_wait3A_379] : memref<32x1000001xf32, #tpu.memory_space<hbm>> -> memref<32x128xf32, #tpu.memory_space<hbm>>
    %dma_wait3A_381 = arith.constant 0 : i32
    %dma_wait3A_382 = arith.constant 0 : i32
    %dma_wait3A_383 = tpu.memref_slice %arg5[%dma_wait3A_381, %dma_wait3A_382] : memref<32x1000001xf32, #tpu.memory_space<hbm>> -> memref<32x128xf32, #tpu.memory_space<hbm>>
    tpu.wait_dma2 semaphore(%arg34 : memref<!tpu.dma_semaphore, #tpu.memory_space<semaphore_mem>>) src(%dma_wait3A_383 : memref<32x128xf32, #tpu.memory_space<hbm>>) dst(%arg18 : memref<32x128xf32, #tpu.memory_space<vmem>>)
    %multiple_of3A_384 = arith.constant 496 : i32
    %multiple_of3A_385 = tpu.assume_multiple %multiple_of3A_384, 16 : i32
    %get3A_386 = arith.index_cast %multiple_of3A_385 : i32 to index
    %get3A_387 = tpu.vector_load %arg7[%get3A_386] {strides = array<i32>} : memref<512xi32, #tpu.memory_space<vmem>>, vector<16xi32>,
    %broadcast_in_dim3A_388 = arith.constant 8 : i32
    %broadcast_in_dim3A_389 = vector.broadcast %broadcast_in_dim3A_388 : i32 to vector<16xi32>
    %eq3A_390 = arith.cmpi eq, %iota3A, %broadcast_in_dim3A_389 : vector<16xi32>
    %jit3A_391 = arith.constant 0 : i32
    %broadcast_in_dim3A_392 = vector.broadcast %jit3A_391 : i32 to vector<16xi32>
    %select_n3A_393 = arith.select %eq3A_390, %get3A_387, %broadcast_in_dim3A_392 : vector<16xi1>, vector<16xi32>
    %reduce_sum3A_394 = arith.constant true
    %reduce_sum3A_395 = vector.broadcast %reduce_sum3A_394 : i1 to vector<16xi1>
    %reduce_sum3A_396 = tpu.scan <sum>, %select_n3A_393 masked %reduce_sum3A_395 : vector<16xi32>, vector<16xi1> -> vector<16xi32>
    %reduce_sum3A_397 = vector.extract %reduce_sum3A_396[15] : i32 from vector<16xi32>
    %and3A = arith.constant 127 : i32
    %and3A_398 = arith.andi %reduce_sum3A_397, %and3A : i32
    %broadcast_in_dim3A_399 = vector.broadcast %and3A_398 : i32 to vector<16xi32>
    %multiple_of3A_400 = arith.constant 496 : i32
    %multiple_of3A_401 = tpu.assume_multiple %multiple_of3A_400, 16 : i32
    %get3A_402 = arith.index_cast %multiple_of3A_401 : i32 to index
    %get3A_403 = tpu.vector_load %arg8[%get3A_402] {strides = array<i32>} : memref<512xi32, #tpu.memory_space<vmem>>, vector<16xi32>,
    %broadcast_in_dim3A_404 = arith.constant 8 : i32
    %broadcast_in_dim3A_405 = vector.broadcast %broadcast_in_dim3A_404 : i32 to vector<16xi32>
    %eq3A_406 = arith.cmpi eq, %iota3A, %broadcast_in_dim3A_405 : vector<16xi32>
    %jit3A_407 = arith.constant 0 : i32
    %broadcast_in_dim3A_408 = vector.broadcast %jit3A_407 : i32 to vector<16xi32>
    %select_n3A_409 = arith.select %eq3A_406, %get3A_403, %broadcast_in_dim3A_408 : vector<16xi1>, vector<16xi32>
    %reduce_sum3A_410 = arith.constant true
    %reduce_sum3A_411 = vector.broadcast %reduce_sum3A_410 : i1 to vector<16xi1>
    %reduce_sum3A_412 = tpu.scan <sum>, %select_n3A_409 masked %reduce_sum3A_411 : vector<16xi32>, vector<16xi1> -> vector<16xi32>
    %reduce_sum3A_413 = vector.extract %reduce_sum3A_412[15] : i32 from vector<16xi32>
    %and3A_414 = arith.constant 127 : i32
    %and3A_415 = arith.andi %reduce_sum3A_413, %and3A_414 : i32
    %broadcast_in_dim3A_416 = vector.broadcast %and3A_415 : i32 to vector<16xi32>
    %gather3A = tpu.vector_load_idx %arg10[%iota3A, %broadcast_in_dim3A_399] : memref<32x128xf32, #tpu.memory_space<vmem>>[vector<16xi32>, vector<16xi32>], vector<16xf32>,
    %add3A_417 = arith.constant 16 : i32
    %add3A_418 = vector.broadcast %add3A_417 : i32 to vector<16xi32>
    %add3A_419 = arith.addi %iota3A, %add3A_418 : vector<16xi32>
    %gather3A_420 = tpu.vector_load_idx %arg10[%add3A_419, %broadcast_in_dim3A_399] : memref<32x128xf32, #tpu.memory_space<vmem>>[vector<16xi32>, vector<16xi32>], vector<16xf32>,
    %gather3A_421 = tpu.vector_load_idx %arg18[%iota3A, %broadcast_in_dim3A_416] : memref<32x128xf32, #tpu.memory_space<vmem>>[vector<16xi32>, vector<16xi32>], vector<16xf32>,
    %add3A_422 = arith.constant 16 : i32
    %add3A_423 = vector.broadcast %add3A_422 : i32 to vector<16xi32>
    %add3A_424 = arith.addi %iota3A, %add3A_423 : vector<16xi32>
    %gather3A_425 = tpu.vector_load_idx %arg18[%add3A_424, %broadcast_in_dim3A_416] : memref<32x128xf32, #tpu.memory_space<vmem>>[vector<16xi32>, vector<16xi32>], vector<16xf32>,
    %mul3A_426 = arith.mulf %gather3A, %gather3A_421 : vector<16xf32>
    %mul3A_427 = arith.mulf %gather3A_420, %gather3A_425 : vector<16xf32>
    %add3A_428 = arith.addf %mul3A_426, %mul3A_427 : vector<16xf32>
    %broadcast_in_dim3A_429 = arith.constant 504 : i32
    %broadcast_in_dim3A_430 = vector.broadcast %broadcast_in_dim3A_429 : i32 to vector<16xi32>
    tpu.vector_store_idx %arg9[%broadcast_in_dim3A_430], %add3A_428 {add = true} : memref<512xf32, #tpu.memory_space<vmem>>[vector<16xi32>], vector<16xf32>,
    %dma_wait3A_431 = arith.constant 0 : i32
    %dma_wait3A_432 = arith.constant 0 : i32
    %dma_wait3A_433 = tpu.memref_slice %arg4[%dma_wait3A_431, %dma_wait3A_432] : memref<32x1000001xf32, #tpu.memory_space<hbm>> -> memref<32x128xf32, #tpu.memory_space<hbm>>
    %dma_wait3A_434 = arith.constant 0 : i32
    %dma_wait3A_435 = arith.constant 0 : i32
    %dma_wait3A_436 = tpu.memref_slice %arg4[%dma_wait3A_434, %dma_wait3A_435] : memref<32x1000001xf32, #tpu.memory_space<hbm>> -> memref<32x128xf32, #tpu.memory_space<hbm>>
    tpu.wait_dma2 semaphore(%arg27 : memref<!tpu.dma_semaphore, #tpu.memory_space<semaphore_mem>>) src(%dma_wait3A_436 : memref<32x128xf32, #tpu.memory_space<hbm>>) dst(%arg11 : memref<32x128xf32, #tpu.memory_space<vmem>>)
    %dma_wait3A_437 = arith.constant 0 : i32
    %dma_wait3A_438 = arith.constant 0 : i32
    %dma_wait3A_439 = tpu.memref_slice %arg5[%dma_wait3A_437, %dma_wait3A_438] : memref<32x1000001xf32, #tpu.memory_space<hbm>> -> memref<32x128xf32, #tpu.memory_space<hbm>>
    %dma_wait3A_440 = arith.constant 0 : i32
    %dma_wait3A_441 = arith.constant 0 : i32
    %dma_wait3A_442 = tpu.memref_slice %arg5[%dma_wait3A_440, %dma_wait3A_441] : memref<32x1000001xf32, #tpu.memory_space<hbm>> -> memref<32x128xf32, #tpu.memory_space<hbm>>
    tpu.wait_dma2 semaphore(%arg35 : memref<!tpu.dma_semaphore, #tpu.memory_space<semaphore_mem>>) src(%dma_wait3A_442 : memref<32x128xf32, #tpu.memory_space<hbm>>) dst(%arg19 : memref<32x128xf32, #tpu.memory_space<vmem>>)
    %multiple_of3A_443 = arith.constant 496 : i32
    %multiple_of3A_444 = tpu.assume_multiple %multiple_of3A_443, 16 : i32
    %get3A_445 = arith.index_cast %multiple_of3A_444 : i32 to index
    %get3A_446 = tpu.vector_load %arg7[%get3A_445] {strides = array<i32>} : memref<512xi32, #tpu.memory_space<vmem>>, vector<16xi32>,
    %broadcast_in_dim3A_447 = arith.constant 9 : i32
    %broadcast_in_dim3A_448 = vector.broadcast %broadcast_in_dim3A_447 : i32 to vector<16xi32>
    %eq3A_449 = arith.cmpi eq, %iota3A, %broadcast_in_dim3A_448 : vector<16xi32>
    %jit3A_450 = arith.constant 0 : i32
    %broadcast_in_dim3A_451 = vector.broadcast %jit3A_450 : i32 to vector<16xi32>
    %select_n3A_452 = arith.select %eq3A_449, %get3A_446, %broadcast_in_dim3A_451 : vector<16xi1>, vector<16xi32>
    %reduce_sum3A_453 = arith.constant true
    %reduce_sum3A_454 = vector.broadcast %reduce_sum3A_453 : i1 to vector<16xi1>
    %reduce_sum3A_455 = tpu.scan <sum>, %select_n3A_452 masked %reduce_sum3A_454 : vector<16xi32>, vector<16xi1> -> vector<16xi32>
    %reduce_sum3A_456 = vector.extract %reduce_sum3A_455[15] : i32 from vector<16xi32>
    %and3A_457 = arith.constant 127 : i32
    %and3A_458 = arith.andi %reduce_sum3A_456, %and3A_457 : i32
    %broadcast_in_dim3A_459 = vector.broadcast %and3A_458 : i32 to vector<16xi32>
    %multiple_of3A_460 = arith.constant 496 : i32
    %multiple_of3A_461 = tpu.assume_multiple %multiple_of3A_460, 16 : i32
    %get3A_462 = arith.index_cast %multiple_of3A_461 : i32 to index
    %get3A_463 = tpu.vector_load %arg8[%get3A_462] {strides = array<i32>} : memref<512xi32, #tpu.memory_space<vmem>>, vector<16xi32>,
    %broadcast_in_dim3A_464 = arith.constant 9 : i32
    %broadcast_in_dim3A_465 = vector.broadcast %broadcast_in_dim3A_464 : i32 to vector<16xi32>
    %eq3A_466 = arith.cmpi eq, %iota3A, %broadcast_in_dim3A_465 : vector<16xi32>
    %jit3A_467 = arith.constant 0 : i32
    %broadcast_in_dim3A_468 = vector.broadcast %jit3A_467 : i32 to vector<16xi32>
    %select_n3A_469 = arith.select %eq3A_466, %get3A_463, %broadcast_in_dim3A_468 : vector<16xi1>, vector<16xi32>
    %reduce_sum3A_470 = arith.constant true
    %reduce_sum3A_471 = vector.broadcast %reduce_sum3A_470 : i1 to vector<16xi1>
    %reduce_sum3A_472 = tpu.scan <sum>, %select_n3A_469 masked %reduce_sum3A_471 : vector<16xi32>, vector<16xi1> -> vector<16xi32>
    %reduce_sum3A_473 = vector.extract %reduce_sum3A_472[15] : i32 from vector<16xi32>
    %and3A_474 = arith.constant 127 : i32
    %and3A_475 = arith.andi %reduce_sum3A_473, %and3A_474 : i32
    %broadcast_in_dim3A_476 = vector.broadcast %and3A_475 : i32 to vector<16xi32>
    %gather3A_477 = tpu.vector_load_idx %arg11[%iota3A, %broadcast_in_dim3A_459] : memref<32x128xf32, #tpu.memory_space<vmem>>[vector<16xi32>, vector<16xi32>], vector<16xf32>,
    %add3A_478 = arith.constant 16 : i32
    %add3A_479 = vector.broadcast %add3A_478 : i32 to vector<16xi32>
    %add3A_480 = arith.addi %iota3A, %add3A_479 : vector<16xi32>
    %gather3A_481 = tpu.vector_load_idx %arg11[%add3A_480, %broadcast_in_dim3A_459] : memref<32x128xf32, #tpu.memory_space<vmem>>[vector<16xi32>, vector<16xi32>], vector<16xf32>,
    %gather3A_482 = tpu.vector_load_idx %arg19[%iota3A, %broadcast_in_dim3A_476] : memref<32x128xf32, #tpu.memory_space<vmem>>[vector<16xi32>, vector<16xi32>], vector<16xf32>,
    %add3A_483 = arith.constant 16 : i32
    %add3A_484 = vector.broadcast %add3A_483 : i32 to vector<16xi32>
    %add3A_485 = arith.addi %iota3A, %add3A_484 : vector<16xi32>
    %gather3A_486 = tpu.vector_load_idx %arg19[%add3A_485, %broadcast_in_dim3A_476] : memref<32x128xf32, #tpu.memory_space<vmem>>[vector<16xi32>, vector<16xi32>], vector<16xf32>,
    %mul3A_487 = arith.mulf %gather3A_477, %gather3A_482 : vector<16xf32>
    %mul3A_488 = arith.mulf %gather3A_481, %gather3A_486 : vector<16xf32>
    %add3A_489 = arith.addf %mul3A_487, %mul3A_488 : vector<16xf32>
    %broadcast_in_dim3A_490 = arith.constant 505 : i32
    %broadcast_in_dim3A_491 = vector.broadcast %broadcast_in_dim3A_490 : i32 to vector<16xi32>
    tpu.vector_store_idx %arg9[%broadcast_in_dim3A_491], %add3A_489 {add = true} : memref<512xf32, #tpu.memory_space<vmem>>[vector<16xi32>], vector<16xf32>,
    %dma_wait3A_492 = arith.constant 0 : i32
    %dma_wait3A_493 = arith.constant 0 : i32
    %dma_wait3A_494 = tpu.memref_slice %arg4[%dma_wait3A_492, %dma_wait3A_493] : memref<32x1000001xf32, #tpu.memory_space<hbm>> -> memref<32x128xf32, #tpu.memory_space<hbm>>
    %dma_wait3A_495 = arith.constant 0 : i32
    %dma_wait3A_496 = arith.constant 0 : i32
    %dma_wait3A_497 = tpu.memref_slice %arg4[%dma_wait3A_495, %dma_wait3A_496] : memref<32x1000001xf32, #tpu.memory_space<hbm>> -> memref<32x128xf32, #tpu.memory_space<hbm>>
    tpu.wait_dma2 semaphore(%arg28 : memref<!tpu.dma_semaphore, #tpu.memory_space<semaphore_mem>>) src(%dma_wait3A_497 : memref<32x128xf32, #tpu.memory_space<hbm>>) dst(%arg12 : memref<32x128xf32, #tpu.memory_space<vmem>>)
    %dma_wait3A_498 = arith.constant 0 : i32
    %dma_wait3A_499 = arith.constant 0 : i32
    %dma_wait3A_500 = tpu.memref_slice %arg5[%dma_wait3A_498, %dma_wait3A_499] : memref<32x1000001xf32, #tpu.memory_space<hbm>> -> memref<32x128xf32, #tpu.memory_space<hbm>>
    %dma_wait3A_501 = arith.constant 0 : i32
    %dma_wait3A_502 = arith.constant 0 : i32
    %dma_wait3A_503 = tpu.memref_slice %arg5[%dma_wait3A_501, %dma_wait3A_502] : memref<32x1000001xf32, #tpu.memory_space<hbm>> -> memref<32x128xf32, #tpu.memory_space<hbm>>
    tpu.wait_dma2 semaphore(%arg36 : memref<!tpu.dma_semaphore, #tpu.memory_space<semaphore_mem>>) src(%dma_wait3A_503 : memref<32x128xf32, #tpu.memory_space<hbm>>) dst(%arg20 : memref<32x128xf32, #tpu.memory_space<vmem>>)
    %multiple_of3A_504 = arith.constant 496 : i32
    %multiple_of3A_505 = tpu.assume_multiple %multiple_of3A_504, 16 : i32
    %get3A_506 = arith.index_cast %multiple_of3A_505 : i32 to index
    %get3A_507 = tpu.vector_load %arg7[%get3A_506] {strides = array<i32>} : memref<512xi32, #tpu.memory_space<vmem>>, vector<16xi32>,
    %broadcast_in_dim3A_508 = arith.constant 10 : i32
    %broadcast_in_dim3A_509 = vector.broadcast %broadcast_in_dim3A_508 : i32 to vector<16xi32>
    %eq3A_510 = arith.cmpi eq, %iota3A, %broadcast_in_dim3A_509 : vector<16xi32>
    %jit3A_511 = arith.constant 0 : i32
    %broadcast_in_dim3A_512 = vector.broadcast %jit3A_511 : i32 to vector<16xi32>
    %select_n3A_513 = arith.select %eq3A_510, %get3A_507, %broadcast_in_dim3A_512 : vector<16xi1>, vector<16xi32>
    %reduce_sum3A_514 = arith.constant true
    %reduce_sum3A_515 = vector.broadcast %reduce_sum3A_514 : i1 to vector<16xi1>
    %reduce_sum3A_516 = tpu.scan <sum>, %select_n3A_513 masked %reduce_sum3A_515 : vector<16xi32>, vector<16xi1> -> vector<16xi32>
    %reduce_sum3A_517 = vector.extract %reduce_sum3A_516[15] : i32 from vector<16xi32>
    %and3A_518 = arith.constant 127 : i32
    %and3A_519 = arith.andi %reduce_sum3A_517, %and3A_518 : i32
    %broadcast_in_dim3A_520 = vector.broadcast %and3A_519 : i32 to vector<16xi32>
    %multiple_of3A_521 = arith.constant 496 : i32
    %multiple_of3A_522 = tpu.assume_multiple %multiple_of3A_521, 16 : i32
    %get3A_523 = arith.index_cast %multiple_of3A_522 : i32 to index
    %get3A_524 = tpu.vector_load %arg8[%get3A_523] {strides = array<i32>} : memref<512xi32, #tpu.memory_space<vmem>>, vector<16xi32>,
    %broadcast_in_dim3A_525 = arith.constant 10 : i32
    %broadcast_in_dim3A_526 = vector.broadcast %broadcast_in_dim3A_525 : i32 to vector<16xi32>
    %eq3A_527 = arith.cmpi eq, %iota3A, %broadcast_in_dim3A_526 : vector<16xi32>
    %jit3A_528 = arith.constant 0 : i32
    %broadcast_in_dim3A_529 = vector.broadcast %jit3A_528 : i32 to vector<16xi32>
    %select_n3A_530 = arith.select %eq3A_527, %get3A_524, %broadcast_in_dim3A_529 : vector<16xi1>, vector<16xi32>
    %reduce_sum3A_531 = arith.constant true
    %reduce_sum3A_532 = vector.broadcast %reduce_sum3A_531 : i1 to vector<16xi1>
    %reduce_sum3A_533 = tpu.scan <sum>, %select_n3A_530 masked %reduce_sum3A_532 : vector<16xi32>, vector<16xi1> -> vector<16xi32>
    %reduce_sum3A_534 = vector.extract %reduce_sum3A_533[15] : i32 from vector<16xi32>
    %and3A_535 = arith.constant 127 : i32
    %and3A_536 = arith.andi %reduce_sum3A_534, %and3A_535 : i32
    %broadcast_in_dim3A_537 = vector.broadcast %and3A_536 : i32 to vector<16xi32>
    %gather3A_538 = tpu.vector_load_idx %arg12[%iota3A, %broadcast_in_dim3A_520] : memref<32x128xf32, #tpu.memory_space<vmem>>[vector<16xi32>, vector<16xi32>], vector<16xf32>,
    %add3A_539 = arith.constant 16 : i32
    %add3A_540 = vector.broadcast %add3A_539 : i32 to vector<16xi32>
    %add3A_541 = arith.addi %iota3A, %add3A_540 : vector<16xi32>
    %gather3A_542 = tpu.vector_load_idx %arg12[%add3A_541, %broadcast_in_dim3A_520] : memref<32x128xf32, #tpu.memory_space<vmem>>[vector<16xi32>, vector<16xi32>], vector<16xf32>,
    %gather3A_543 = tpu.vector_load_idx %arg20[%iota3A, %broadcast_in_dim3A_537] : memref<32x128xf32, #tpu.memory_space<vmem>>[vector<16xi32>, vector<16xi32>], vector<16xf32>,
    %add3A_544 = arith.constant 16 : i32
    %add3A_545 = vector.broadcast %add3A_544 : i32 to vector<16xi32>
    %add3A_546 = arith.addi %iota3A, %add3A_545 : vector<16xi32>
    %gather3A_547 = tpu.vector_load_idx %arg20[%add3A_546, %broadcast_in_dim3A_537] : memref<32x128xf32, #tpu.memory_space<vmem>>[vector<16xi32>, vector<16xi32>], vector<16xf32>,
    %mul3A_548 = arith.mulf %gather3A_538, %gather3A_543 : vector<16xf32>
    %mul3A_549 = arith.mulf %gather3A_542, %gather3A_547 : vector<16xf32>
    %add3A_550 = arith.addf %mul3A_548, %mul3A_549 : vector<16xf32>
    %broadcast_in_dim3A_551 = arith.constant 506 : i32
    %broadcast_in_dim3A_552 = vector.broadcast %broadcast_in_dim3A_551 : i32 to vector<16xi32>
    tpu.vector_store_idx %arg9[%broadcast_in_dim3A_552], %add3A_550 {add = true} : memref<512xf32, #tpu.memory_space<vmem>>[vector<16xi32>], vector<16xf32>,
    %dma_wait3A_553 = arith.constant 0 : i32
    %dma_wait3A_554 = arith.constant 0 : i32
    %dma_wait3A_555 = tpu.memref_slice %arg4[%dma_wait3A_553, %dma_wait3A_554] : memref<32x1000001xf32, #tpu.memory_space<hbm>> -> memref<32x128xf32, #tpu.memory_space<hbm>>
    %dma_wait3A_556 = arith.constant 0 : i32
    %dma_wait3A_557 = arith.constant 0 : i32
    %dma_wait3A_558 = tpu.memref_slice %arg4[%dma_wait3A_556, %dma_wait3A_557] : memref<32x1000001xf32, #tpu.memory_space<hbm>> -> memref<32x128xf32, #tpu.memory_space<hbm>>
    tpu.wait_dma2 semaphore(%arg29 : memref<!tpu.dma_semaphore, #tpu.memory_space<semaphore_mem>>) src(%dma_wait3A_558 : memref<32x128xf32, #tpu.memory_space<hbm>>) dst(%arg13 : memref<32x128xf32, #tpu.memory_space<vmem>>)
    %dma_wait3A_559 = arith.constant 0 : i32
    %dma_wait3A_560 = arith.constant 0 : i32
    %dma_wait3A_561 = tpu.memref_slice %arg5[%dma_wait3A_559, %dma_wait3A_560] : memref<32x1000001xf32, #tpu.memory_space<hbm>> -> memref<32x128xf32, #tpu.memory_space<hbm>>
    %dma_wait3A_562 = arith.constant 0 : i32
    %dma_wait3A_563 = arith.constant 0 : i32
    %dma_wait3A_564 = tpu.memref_slice %arg5[%dma_wait3A_562, %dma_wait3A_563] : memref<32x1000001xf32, #tpu.memory_space<hbm>> -> memref<32x128xf32, #tpu.memory_space<hbm>>
    tpu.wait_dma2 semaphore(%arg37 : memref<!tpu.dma_semaphore, #tpu.memory_space<semaphore_mem>>) src(%dma_wait3A_564 : memref<32x128xf32, #tpu.memory_space<hbm>>) dst(%arg21 : memref<32x128xf32, #tpu.memory_space<vmem>>)
    %multiple_of3A_565 = arith.constant 496 : i32
    %multiple_of3A_566 = tpu.assume_multiple %multiple_of3A_565, 16 : i32
    %get3A_567 = arith.index_cast %multiple_of3A_566 : i32 to index
    %get3A_568 = tpu.vector_load %arg7[%get3A_567] {strides = array<i32>} : memref<512xi32, #tpu.memory_space<vmem>>, vector<16xi32>,
    %broadcast_in_dim3A_569 = arith.constant 11 : i32
    %broadcast_in_dim3A_570 = vector.broadcast %broadcast_in_dim3A_569 : i32 to vector<16xi32>
    %eq3A_571 = arith.cmpi eq, %iota3A, %broadcast_in_dim3A_570 : vector<16xi32>
    %jit3A_572 = arith.constant 0 : i32
    %broadcast_in_dim3A_573 = vector.broadcast %jit3A_572 : i32 to vector<16xi32>
    %select_n3A_574 = arith.select %eq3A_571, %get3A_568, %broadcast_in_dim3A_573 : vector<16xi1>, vector<16xi32>
    %reduce_sum3A_575 = arith.constant true
    %reduce_sum3A_576 = vector.broadcast %reduce_sum3A_575 : i1 to vector<16xi1>
    %reduce_sum3A_577 = tpu.scan <sum>, %select_n3A_574 masked %reduce_sum3A_576 : vector<16xi32>, vector<16xi1> -> vector<16xi32>
    %reduce_sum3A_578 = vector.extract %reduce_sum3A_577[15] : i32 from vector<16xi32>
    %and3A_579 = arith.constant 127 : i32
    %and3A_580 = arith.andi %reduce_sum3A_578, %and3A_579 : i32
    %broadcast_in_dim3A_581 = vector.broadcast %and3A_580 : i32 to vector<16xi32>
    %multiple_of3A_582 = arith.constant 496 : i32
    %multiple_of3A_583 = tpu.assume_multiple %multiple_of3A_582, 16 : i32
    %get3A_584 = arith.index_cast %multiple_of3A_583 : i32 to index
    %get3A_585 = tpu.vector_load %arg8[%get3A_584] {strides = array<i32>} : memref<512xi32, #tpu.memory_space<vmem>>, vector<16xi32>,
    %broadcast_in_dim3A_586 = arith.constant 11 : i32
    %broadcast_in_dim3A_587 = vector.broadcast %broadcast_in_dim3A_586 : i32 to vector<16xi32>
    %eq3A_588 = arith.cmpi eq, %iota3A, %broadcast_in_dim3A_587 : vector<16xi32>
    %jit3A_589 = arith.constant 0 : i32
    %broadcast_in_dim3A_590 = vector.broadcast %jit3A_589 : i32 to vector<16xi32>
    %select_n3A_591 = arith.select %eq3A_588, %get3A_585, %broadcast_in_dim3A_590 : vector<16xi1>, vector<16xi32>
    %reduce_sum3A_592 = arith.constant true
    %reduce_sum3A_593 = vector.broadcast %reduce_sum3A_592 : i1 to vector<16xi1>
    %reduce_sum3A_594 = tpu.scan <sum>, %select_n3A_591 masked %reduce_sum3A_593 : vector<16xi32>, vector<16xi1> -> vector<16xi32>
    %reduce_sum3A_595 = vector.extract %reduce_sum3A_594[15] : i32 from vector<16xi32>
    %and3A_596 = arith.constant 127 : i32
    %and3A_597 = arith.andi %reduce_sum3A_595, %and3A_596 : i32
    %broadcast_in_dim3A_598 = vector.broadcast %and3A_597 : i32 to vector<16xi32>
    %gather3A_599 = tpu.vector_load_idx %arg13[%iota3A, %broadcast_in_dim3A_581] : memref<32x128xf32, #tpu.memory_space<vmem>>[vector<16xi32>, vector<16xi32>], vector<16xf32>,
    %add3A_600 = arith.constant 16 : i32
    %add3A_601 = vector.broadcast %add3A_600 : i32 to vector<16xi32>
    %add3A_602 = arith.addi %iota3A, %add3A_601 : vector<16xi32>
    %gather3A_603 = tpu.vector_load_idx %arg13[%add3A_602, %broadcast_in_dim3A_581] : memref<32x128xf32, #tpu.memory_space<vmem>>[vector<16xi32>, vector<16xi32>], vector<16xf32>,
    %gather3A_604 = tpu.vector_load_idx %arg21[%iota3A, %broadcast_in_dim3A_598] : memref<32x128xf32, #tpu.memory_space<vmem>>[vector<16xi32>, vector<16xi32>], vector<16xf32>,
    %add3A_605 = arith.constant 16 : i32
    %add3A_606 = vector.broadcast %add3A_605 : i32 to vector<16xi32>
    %add3A_607 = arith.addi %iota3A, %add3A_606 : vector<16xi32>
    %gather3A_608 = tpu.vector_load_idx %arg21[%add3A_607, %broadcast_in_dim3A_598] : memref<32x128xf32, #tpu.memory_space<vmem>>[vector<16xi32>, vector<16xi32>], vector<16xf32>,
    %mul3A_609 = arith.mulf %gather3A_599, %gather3A_604 : vector<16xf32>
    %mul3A_610 = arith.mulf %gather3A_603, %gather3A_608 : vector<16xf32>
    %add3A_611 = arith.addf %mul3A_609, %mul3A_610 : vector<16xf32>
    %broadcast_in_dim3A_612 = arith.constant 507 : i32
    %broadcast_in_dim3A_613 = vector.broadcast %broadcast_in_dim3A_612 : i32 to vector<16xi32>
    tpu.vector_store_idx %arg9[%broadcast_in_dim3A_613], %add3A_611 {add = true} : memref<512xf32, #tpu.memory_space<vmem>>[vector<16xi32>], vector<16xf32>,
    %dma_wait3A_614 = arith.constant 0 : i32
    %dma_wait3A_615 = arith.constant 0 : i32
    %dma_wait3A_616 = tpu.memref_slice %arg4[%dma_wait3A_614, %dma_wait3A_615] : memref<32x1000001xf32, #tpu.memory_space<hbm>> -> memref<32x128xf32, #tpu.memory_space<hbm>>
    %dma_wait3A_617 = arith.constant 0 : i32
    %dma_wait3A_618 = arith.constant 0 : i32
    %dma_wait3A_619 = tpu.memref_slice %arg4[%dma_wait3A_617, %dma_wait3A_618] : memref<32x1000001xf32, #tpu.memory_space<hbm>> -> memref<32x128xf32, #tpu.memory_space<hbm>>
    tpu.wait_dma2 semaphore(%arg30 : memref<!tpu.dma_semaphore, #tpu.memory_space<semaphore_mem>>) src(%dma_wait3A_619 : memref<32x128xf32, #tpu.memory_space<hbm>>) dst(%arg14 : memref<32x128xf32, #tpu.memory_space<vmem>>)
    %dma_wait3A_620 = arith.constant 0 : i32
    %dma_wait3A_621 = arith.constant 0 : i32
    %dma_wait3A_622 = tpu.memref_slice %arg5[%dma_wait3A_620, %dma_wait3A_621] : memref<32x1000001xf32, #tpu.memory_space<hbm>> -> memref<32x128xf32, #tpu.memory_space<hbm>>
    %dma_wait3A_623 = arith.constant 0 : i32
    %dma_wait3A_624 = arith.constant 0 : i32
    %dma_wait3A_625 = tpu.memref_slice %arg5[%dma_wait3A_623, %dma_wait3A_624] : memref<32x1000001xf32, #tpu.memory_space<hbm>> -> memref<32x128xf32, #tpu.memory_space<hbm>>
    tpu.wait_dma2 semaphore(%arg38 : memref<!tpu.dma_semaphore, #tpu.memory_space<semaphore_mem>>) src(%dma_wait3A_625 : memref<32x128xf32, #tpu.memory_space<hbm>>) dst(%arg22 : memref<32x128xf32, #tpu.memory_space<vmem>>)
    %multiple_of3A_626 = arith.constant 496 : i32
    %multiple_of3A_627 = tpu.assume_multiple %multiple_of3A_626, 16 : i32
    %get3A_628 = arith.index_cast %multiple_of3A_627 : i32 to index
    %get3A_629 = tpu.vector_load %arg7[%get3A_628] {strides = array<i32>} : memref<512xi32, #tpu.memory_space<vmem>>, vector<16xi32>,
    %broadcast_in_dim3A_630 = arith.constant 12 : i32
    %broadcast_in_dim3A_631 = vector.broadcast %broadcast_in_dim3A_630 : i32 to vector<16xi32>
    %eq3A_632 = arith.cmpi eq, %iota3A, %broadcast_in_dim3A_631 : vector<16xi32>
    %jit3A_633 = arith.constant 0 : i32
    %broadcast_in_dim3A_634 = vector.broadcast %jit3A_633 : i32 to vector<16xi32>
    %select_n3A_635 = arith.select %eq3A_632, %get3A_629, %broadcast_in_dim3A_634 : vector<16xi1>, vector<16xi32>
    %reduce_sum3A_636 = arith.constant true
    %reduce_sum3A_637 = vector.broadcast %reduce_sum3A_636 : i1 to vector<16xi1>
    %reduce_sum3A_638 = tpu.scan <sum>, %select_n3A_635 masked %reduce_sum3A_637 : vector<16xi32>, vector<16xi1> -> vector<16xi32>
    %reduce_sum3A_639 = vector.extract %reduce_sum3A_638[15] : i32 from vector<16xi32>
    %and3A_640 = arith.constant 127 : i32
    %and3A_641 = arith.andi %reduce_sum3A_639, %and3A_640 : i32
    %broadcast_in_dim3A_642 = vector.broadcast %and3A_641 : i32 to vector<16xi32>
    %multiple_of3A_643 = arith.constant 496 : i32
    %multiple_of3A_644 = tpu.assume_multiple %multiple_of3A_643, 16 : i32
    %get3A_645 = arith.index_cast %multiple_of3A_644 : i32 to index
    %get3A_646 = tpu.vector_load %arg8[%get3A_645] {strides = array<i32>} : memref<512xi32, #tpu.memory_space<vmem>>, vector<16xi32>,
    %broadcast_in_dim3A_647 = arith.constant 12 : i32
    %broadcast_in_dim3A_648 = vector.broadcast %broadcast_in_dim3A_647 : i32 to vector<16xi32>
    %eq3A_649 = arith.cmpi eq, %iota3A, %broadcast_in_dim3A_648 : vector<16xi32>
    %jit3A_650 = arith.constant 0 : i32
    %broadcast_in_dim3A_651 = vector.broadcast %jit3A_650 : i32 to vector<16xi32>
    %select_n3A_652 = arith.select %eq3A_649, %get3A_646, %broadcast_in_dim3A_651 : vector<16xi1>, vector<16xi32>
    %reduce_sum3A_653 = arith.constant true
    %reduce_sum3A_654 = vector.broadcast %reduce_sum3A_653 : i1 to vector<16xi1>
    %reduce_sum3A_655 = tpu.scan <sum>, %select_n3A_652 masked %reduce_sum3A_654 : vector<16xi32>, vector<16xi1> -> vector<16xi32>
    %reduce_sum3A_656 = vector.extract %reduce_sum3A_655[15] : i32 from vector<16xi32>
    %and3A_657 = arith.constant 127 : i32
    %and3A_658 = arith.andi %reduce_sum3A_656, %and3A_657 : i32
    %broadcast_in_dim3A_659 = vector.broadcast %and3A_658 : i32 to vector<16xi32>
    %gather3A_660 = tpu.vector_load_idx %arg14[%iota3A, %broadcast_in_dim3A_642] : memref<32x128xf32, #tpu.memory_space<vmem>>[vector<16xi32>, vector<16xi32>], vector<16xf32>,
    %add3A_661 = arith.constant 16 : i32
    %add3A_662 = vector.broadcast %add3A_661 : i32 to vector<16xi32>
    %add3A_663 = arith.addi %iota3A, %add3A_662 : vector<16xi32>
    %gather3A_664 = tpu.vector_load_idx %arg14[%add3A_663, %broadcast_in_dim3A_642] : memref<32x128xf32, #tpu.memory_space<vmem>>[vector<16xi32>, vector<16xi32>], vector<16xf32>,
    %gather3A_665 = tpu.vector_load_idx %arg22[%iota3A, %broadcast_in_dim3A_659] : memref<32x128xf32, #tpu.memory_space<vmem>>[vector<16xi32>, vector<16xi32>], vector<16xf32>,
    %add3A_666 = arith.constant 16 : i32
    %add3A_667 = vector.broadcast %add3A_666 : i32 to vector<16xi32>
    %add3A_668 = arith.addi %iota3A, %add3A_667 : vector<16xi32>
    %gather3A_669 = tpu.vector_load_idx %arg22[%add3A_668, %broadcast_in_dim3A_659] : memref<32x128xf32, #tpu.memory_space<vmem>>[vector<16xi32>, vector<16xi32>], vector<16xf32>,
    %mul3A_670 = arith.mulf %gather3A_660, %gather3A_665 : vector<16xf32>
    %mul3A_671 = arith.mulf %gather3A_664, %gather3A_669 : vector<16xf32>
    %add3A_672 = arith.addf %mul3A_670, %mul3A_671 : vector<16xf32>
    %broadcast_in_dim3A_673 = arith.constant 508 : i32
    %broadcast_in_dim3A_674 = vector.broadcast %broadcast_in_dim3A_673 : i32 to vector<16xi32>
    tpu.vector_store_idx %arg9[%broadcast_in_dim3A_674], %add3A_672 {add = true} : memref<512xf32, #tpu.memory_space<vmem>>[vector<16xi32>], vector<16xf32>,
    %dma_wait3A_675 = arith.constant 0 : i32
    %dma_wait3A_676 = arith.constant 0 : i32
    %dma_wait3A_677 = tpu.memref_slice %arg4[%dma_wait3A_675, %dma_wait3A_676] : memref<32x1000001xf32, #tpu.memory_space<hbm>> -> memref<32x128xf32, #tpu.memory_space<hbm>>
    %dma_wait3A_678 = arith.constant 0 : i32
    %dma_wait3A_679 = arith.constant 0 : i32
    %dma_wait3A_680 = tpu.memref_slice %arg4[%dma_wait3A_678, %dma_wait3A_679] : memref<32x1000001xf32, #tpu.memory_space<hbm>> -> memref<32x128xf32, #tpu.memory_space<hbm>>
    tpu.wait_dma2 semaphore(%arg31 : memref<!tpu.dma_semaphore, #tpu.memory_space<semaphore_mem>>) src(%dma_wait3A_680 : memref<32x128xf32, #tpu.memory_space<hbm>>) dst(%arg15 : memref<32x128xf32, #tpu.memory_space<vmem>>)
    %dma_wait3A_681 = arith.constant 0 : i32
    %dma_wait3A_682 = arith.constant 0 : i32
    %dma_wait3A_683 = tpu.memref_slice %arg5[%dma_wait3A_681, %dma_wait3A_682] : memref<32x1000001xf32, #tpu.memory_space<hbm>> -> memref<32x128xf32, #tpu.memory_space<hbm>>
    %dma_wait3A_684 = arith.constant 0 : i32
    %dma_wait3A_685 = arith.constant 0 : i32
    %dma_wait3A_686 = tpu.memref_slice %arg5[%dma_wait3A_684, %dma_wait3A_685] : memref<32x1000001xf32, #tpu.memory_space<hbm>> -> memref<32x128xf32, #tpu.memory_space<hbm>>
    tpu.wait_dma2 semaphore(%arg39 : memref<!tpu.dma_semaphore, #tpu.memory_space<semaphore_mem>>) src(%dma_wait3A_686 : memref<32x128xf32, #tpu.memory_space<hbm>>) dst(%arg23 : memref<32x128xf32, #tpu.memory_space<vmem>>)
    %multiple_of3A_687 = arith.constant 496 : i32
    %multiple_of3A_688 = tpu.assume_multiple %multiple_of3A_687, 16 : i32
    %get3A_689 = arith.index_cast %multiple_of3A_688 : i32 to index
    %get3A_690 = tpu.vector_load %arg7[%get3A_689] {strides = array<i32>} : memref<512xi32, #tpu.memory_space<vmem>>, vector<16xi32>,
    %broadcast_in_dim3A_691 = arith.constant 13 : i32
    %broadcast_in_dim3A_692 = vector.broadcast %broadcast_in_dim3A_691 : i32 to vector<16xi32>
    %eq3A_693 = arith.cmpi eq, %iota3A, %broadcast_in_dim3A_692 : vector<16xi32>
    %jit3A_694 = arith.constant 0 : i32
    %broadcast_in_dim3A_695 = vector.broadcast %jit3A_694 : i32 to vector<16xi32>
    %select_n3A_696 = arith.select %eq3A_693, %get3A_690, %broadcast_in_dim3A_695 : vector<16xi1>, vector<16xi32>
    %reduce_sum3A_697 = arith.constant true
    %reduce_sum3A_698 = vector.broadcast %reduce_sum3A_697 : i1 to vector<16xi1>
    %reduce_sum3A_699 = tpu.scan <sum>, %select_n3A_696 masked %reduce_sum3A_698 : vector<16xi32>, vector<16xi1> -> vector<16xi32>
    %reduce_sum3A_700 = vector.extract %reduce_sum3A_699[15] : i32 from vector<16xi32>
    %and3A_701 = arith.constant 127 : i32
    %and3A_702 = arith.andi %reduce_sum3A_700, %and3A_701 : i32
    %broadcast_in_dim3A_703 = vector.broadcast %and3A_702 : i32 to vector<16xi32>
    %multiple_of3A_704 = arith.constant 496 : i32
    %multiple_of3A_705 = tpu.assume_multiple %multiple_of3A_704, 16 : i32
    %get3A_706 = arith.index_cast %multiple_of3A_705 : i32 to index
    %get3A_707 = tpu.vector_load %arg8[%get3A_706] {strides = array<i32>} : memref<512xi32, #tpu.memory_space<vmem>>, vector<16xi32>,
    %broadcast_in_dim3A_708 = arith.constant 13 : i32
    %broadcast_in_dim3A_709 = vector.broadcast %broadcast_in_dim3A_708 : i32 to vector<16xi32>
    %eq3A_710 = arith.cmpi eq, %iota3A, %broadcast_in_dim3A_709 : vector<16xi32>
    %jit3A_711 = arith.constant 0 : i32
    %broadcast_in_dim3A_712 = vector.broadcast %jit3A_711 : i32 to vector<16xi32>
    %select_n3A_713 = arith.select %eq3A_710, %get3A_707, %broadcast_in_dim3A_712 : vector<16xi1>, vector<16xi32>
    %reduce_sum3A_714 = arith.constant true
    %reduce_sum3A_715 = vector.broadcast %reduce_sum3A_714 : i1 to vector<16xi1>
    %reduce_sum3A_716 = tpu.scan <sum>, %select_n3A_713 masked %reduce_sum3A_715 : vector<16xi32>, vector<16xi1> -> vector<16xi32>
    %reduce_sum3A_717 = vector.extract %reduce_sum3A_716[15] : i32 from vector<16xi32>
    %and3A_718 = arith.constant 127 : i32
    %and3A_719 = arith.andi %reduce_sum3A_717, %and3A_718 : i32
    %broadcast_in_dim3A_720 = vector.broadcast %and3A_719 : i32 to vector<16xi32>
    %gather3A_721 = tpu.vector_load_idx %arg15[%iota3A, %broadcast_in_dim3A_703] : memref<32x128xf32, #tpu.memory_space<vmem>>[vector<16xi32>, vector<16xi32>], vector<16xf32>,
    %add3A_722 = arith.constant 16 : i32
    %add3A_723 = vector.broadcast %add3A_722 : i32 to vector<16xi32>
    %add3A_724 = arith.addi %iota3A, %add3A_723 : vector<16xi32>
    %gather3A_725 = tpu.vector_load_idx %arg15[%add3A_724, %broadcast_in_dim3A_703] : memref<32x128xf32, #tpu.memory_space<vmem>>[vector<16xi32>, vector<16xi32>], vector<16xf32>,
    %gather3A_726 = tpu.vector_load_idx %arg23[%iota3A, %broadcast_in_dim3A_720] : memref<32x128xf32, #tpu.memory_space<vmem>>[vector<16xi32>, vector<16xi32>], vector<16xf32>,
    %add3A_727 = arith.constant 16 : i32
    %add3A_728 = vector.broadcast %add3A_727 : i32 to vector<16xi32>
    %add3A_729 = arith.addi %iota3A, %add3A_728 : vector<16xi32>
    %gather3A_730 = tpu.vector_load_idx %arg23[%add3A_729, %broadcast_in_dim3A_720] : memref<32x128xf32, #tpu.memory_space<vmem>>[vector<16xi32>, vector<16xi32>], vector<16xf32>,
    %mul3A_731 = arith.mulf %gather3A_721, %gather3A_726 : vector<16xf32>
    %mul3A_732 = arith.mulf %gather3A_725, %gather3A_730 : vector<16xf32>
    %add3A_733 = arith.addf %mul3A_731, %mul3A_732 : vector<16xf32>
    %broadcast_in_dim3A_734 = arith.constant 509 : i32
    %broadcast_in_dim3A_735 = vector.broadcast %broadcast_in_dim3A_734 : i32 to vector<16xi32>
    tpu.vector_store_idx %arg9[%broadcast_in_dim3A_735], %add3A_733 {add = true} : memref<512xf32, #tpu.memory_space<vmem>>[vector<16xi32>], vector<16xf32>,
    %dma_wait3A_736 = arith.constant 0 : i32
    %dma_wait3A_737 = arith.constant 0 : i32
    %dma_wait3A_738 = tpu.memref_slice %arg4[%dma_wait3A_736, %dma_wait3A_737] : memref<32x1000001xf32, #tpu.memory_space<hbm>> -> memref<32x128xf32, #tpu.memory_space<hbm>>
    %dma_wait3A_739 = arith.constant 0 : i32
    %dma_wait3A_740 = arith.constant 0 : i32
    %dma_wait3A_741 = tpu.memref_slice %arg4[%dma_wait3A_739, %dma_wait3A_740] : memref<32x1000001xf32, #tpu.memory_space<hbm>> -> memref<32x128xf32, #tpu.memory_space<hbm>>
    tpu.wait_dma2 semaphore(%arg32 : memref<!tpu.dma_semaphore, #tpu.memory_space<semaphore_mem>>) src(%dma_wait3A_741 : memref<32x128xf32, #tpu.memory_space<hbm>>) dst(%arg16 : memref<32x128xf32, #tpu.memory_space<vmem>>)
    %dma_wait3A_742 = arith.constant 0 : i32
    %dma_wait3A_743 = arith.constant 0 : i32
    %dma_wait3A_744 = tpu.memref_slice %arg5[%dma_wait3A_742, %dma_wait3A_743] : memref<32x1000001xf32, #tpu.memory_space<hbm>> -> memref<32x128xf32, #tpu.memory_space<hbm>>
    %dma_wait3A_745 = arith.constant 0 : i32
    %dma_wait3A_746 = arith.constant 0 : i32
    %dma_wait3A_747 = tpu.memref_slice %arg5[%dma_wait3A_745, %dma_wait3A_746] : memref<32x1000001xf32, #tpu.memory_space<hbm>> -> memref<32x128xf32, #tpu.memory_space<hbm>>
    tpu.wait_dma2 semaphore(%arg40 : memref<!tpu.dma_semaphore, #tpu.memory_space<semaphore_mem>>) src(%dma_wait3A_747 : memref<32x128xf32, #tpu.memory_space<hbm>>) dst(%arg24 : memref<32x128xf32, #tpu.memory_space<vmem>>)
    %multiple_of3A_748 = arith.constant 496 : i32
    %multiple_of3A_749 = tpu.assume_multiple %multiple_of3A_748, 16 : i32
    %get3A_750 = arith.index_cast %multiple_of3A_749 : i32 to index
    %get3A_751 = tpu.vector_load %arg7[%get3A_750] {strides = array<i32>} : memref<512xi32, #tpu.memory_space<vmem>>, vector<16xi32>,
    %broadcast_in_dim3A_752 = arith.constant 14 : i32
    %broadcast_in_dim3A_753 = vector.broadcast %broadcast_in_dim3A_752 : i32 to vector<16xi32>
    %eq3A_754 = arith.cmpi eq, %iota3A, %broadcast_in_dim3A_753 : vector<16xi32>
    %jit3A_755 = arith.constant 0 : i32
    %broadcast_in_dim3A_756 = vector.broadcast %jit3A_755 : i32 to vector<16xi32>
    %select_n3A_757 = arith.select %eq3A_754, %get3A_751, %broadcast_in_dim3A_756 : vector<16xi1>, vector<16xi32>
    %reduce_sum3A_758 = arith.constant true
    %reduce_sum3A_759 = vector.broadcast %reduce_sum3A_758 : i1 to vector<16xi1>
    %reduce_sum3A_760 = tpu.scan <sum>, %select_n3A_757 masked %reduce_sum3A_759 : vector<16xi32>, vector<16xi1> -> vector<16xi32>
    %reduce_sum3A_761 = vector.extract %reduce_sum3A_760[15] : i32 from vector<16xi32>
    %and3A_762 = arith.constant 127 : i32
    %and3A_763 = arith.andi %reduce_sum3A_761, %and3A_762 : i32
    %broadcast_in_dim3A_764 = vector.broadcast %and3A_763 : i32 to vector<16xi32>
    %multiple_of3A_765 = arith.constant 496 : i32
    %multiple_of3A_766 = tpu.assume_multiple %multiple_of3A_765, 16 : i32
    %get3A_767 = arith.index_cast %multiple_of3A_766 : i32 to index
    %get3A_768 = tpu.vector_load %arg8[%get3A_767] {strides = array<i32>} : memref<512xi32, #tpu.memory_space<vmem>>, vector<16xi32>,
    %broadcast_in_dim3A_769 = arith.constant 14 : i32
    %broadcast_in_dim3A_770 = vector.broadcast %broadcast_in_dim3A_769 : i32 to vector<16xi32>
    %eq3A_771 = arith.cmpi eq, %iota3A, %broadcast_in_dim3A_770 : vector<16xi32>
    %jit3A_772 = arith.constant 0 : i32
    %broadcast_in_dim3A_773 = vector.broadcast %jit3A_772 : i32 to vector<16xi32>
    %select_n3A_774 = arith.select %eq3A_771, %get3A_768, %broadcast_in_dim3A_773 : vector<16xi1>, vector<16xi32>
    %reduce_sum3A_775 = arith.constant true
    %reduce_sum3A_776 = vector.broadcast %reduce_sum3A_775 : i1 to vector<16xi1>
    %reduce_sum3A_777 = tpu.scan <sum>, %select_n3A_774 masked %reduce_sum3A_776 : vector<16xi32>, vector<16xi1> -> vector<16xi32>
    %reduce_sum3A_778 = vector.extract %reduce_sum3A_777[15] : i32 from vector<16xi32>
    %and3A_779 = arith.constant 127 : i32
    %and3A_780 = arith.andi %reduce_sum3A_778, %and3A_779 : i32
    %broadcast_in_dim3A_781 = vector.broadcast %and3A_780 : i32 to vector<16xi32>
    %gather3A_782 = tpu.vector_load_idx %arg16[%iota3A, %broadcast_in_dim3A_764] : memref<32x128xf32, #tpu.memory_space<vmem>>[vector<16xi32>, vector<16xi32>], vector<16xf32>,
    %add3A_783 = arith.constant 16 : i32
    %add3A_784 = vector.broadcast %add3A_783 : i32 to vector<16xi32>
    %add3A_785 = arith.addi %iota3A, %add3A_784 : vector<16xi32>
    %gather3A_786 = tpu.vector_load_idx %arg16[%add3A_785, %broadcast_in_dim3A_764] : memref<32x128xf32, #tpu.memory_space<vmem>>[vector<16xi32>, vector<16xi32>], vector<16xf32>,
    %gather3A_787 = tpu.vector_load_idx %arg24[%iota3A, %broadcast_in_dim3A_781] : memref<32x128xf32, #tpu.memory_space<vmem>>[vector<16xi32>, vector<16xi32>], vector<16xf32>,
    %add3A_788 = arith.constant 16 : i32
    %add3A_789 = vector.broadcast %add3A_788 : i32 to vector<16xi32>
    %add3A_790 = arith.addi %iota3A, %add3A_789 : vector<16xi32>
    %gather3A_791 = tpu.vector_load_idx %arg24[%add3A_790, %broadcast_in_dim3A_781] : memref<32x128xf32, #tpu.memory_space<vmem>>[vector<16xi32>, vector<16xi32>], vector<16xf32>,
    %mul3A_792 = arith.mulf %gather3A_782, %gather3A_787 : vector<16xf32>
    %mul3A_793 = arith.mulf %gather3A_786, %gather3A_791 : vector<16xf32>
    %add3A_794 = arith.addf %mul3A_792, %mul3A_793 : vector<16xf32>
    %broadcast_in_dim3A_795 = arith.constant 510 : i32
    %broadcast_in_dim3A_796 = vector.broadcast %broadcast_in_dim3A_795 : i32 to vector<16xi32>
    tpu.vector_store_idx %arg9[%broadcast_in_dim3A_796], %add3A_794 {add = true} : memref<512xf32, #tpu.memory_space<vmem>>[vector<16xi32>], vector<16xf32>,
    %dma_wait3A_797 = arith.constant 0 : i32
    %dma_wait3A_798 = arith.constant 0 : i32
    %dma_wait3A_799 = tpu.memref_slice %arg4[%dma_wait3A_797, %dma_wait3A_798] : memref<32x1000001xf32, #tpu.memory_space<hbm>> -> memref<32x128xf32, #tpu.memory_space<hbm>>
    %dma_wait3A_800 = arith.constant 0 : i32
    %dma_wait3A_801 = arith.constant 0 : i32
    %dma_wait3A_802 = tpu.memref_slice %arg4[%dma_wait3A_800, %dma_wait3A_801] : memref<32x1000001xf32, #tpu.memory_space<hbm>> -> memref<32x128xf32, #tpu.memory_space<hbm>>
    tpu.wait_dma2 semaphore(%arg33 : memref<!tpu.dma_semaphore, #tpu.memory_space<semaphore_mem>>) src(%dma_wait3A_802 : memref<32x128xf32, #tpu.memory_space<hbm>>) dst(%arg17 : memref<32x128xf32, #tpu.memory_space<vmem>>)
    %dma_wait3A_803 = arith.constant 0 : i32
    %dma_wait3A_804 = arith.constant 0 : i32
    %dma_wait3A_805 = tpu.memref_slice %arg5[%dma_wait3A_803, %dma_wait3A_804] : memref<32x1000001xf32, #tpu.memory_space<hbm>> -> memref<32x128xf32, #tpu.memory_space<hbm>>
    %dma_wait3A_806 = arith.constant 0 : i32
    %dma_wait3A_807 = arith.constant 0 : i32
    %dma_wait3A_808 = tpu.memref_slice %arg5[%dma_wait3A_806, %dma_wait3A_807] : memref<32x1000001xf32, #tpu.memory_space<hbm>> -> memref<32x128xf32, #tpu.memory_space<hbm>>
    tpu.wait_dma2 semaphore(%arg41 : memref<!tpu.dma_semaphore, #tpu.memory_space<semaphore_mem>>) src(%dma_wait3A_808 : memref<32x128xf32, #tpu.memory_space<hbm>>) dst(%arg25 : memref<32x128xf32, #tpu.memory_space<vmem>>)
    %multiple_of3A_809 = arith.constant 496 : i32
    %multiple_of3A_810 = tpu.assume_multiple %multiple_of3A_809, 16 : i32
    %get3A_811 = arith.index_cast %multiple_of3A_810 : i32 to index
    %get3A_812 = tpu.vector_load %arg7[%get3A_811] {strides = array<i32>} : memref<512xi32, #tpu.memory_space<vmem>>, vector<16xi32>,
    %broadcast_in_dim3A_813 = arith.constant 15 : i32
    %broadcast_in_dim3A_814 = vector.broadcast %broadcast_in_dim3A_813 : i32 to vector<16xi32>
    %eq3A_815 = arith.cmpi eq, %iota3A, %broadcast_in_dim3A_814 : vector<16xi32>
    %jit3A_816 = arith.constant 0 : i32
    %broadcast_in_dim3A_817 = vector.broadcast %jit3A_816 : i32 to vector<16xi32>
    %select_n3A_818 = arith.select %eq3A_815, %get3A_812, %broadcast_in_dim3A_817 : vector<16xi1>, vector<16xi32>
    %reduce_sum3A_819 = arith.constant true
    %reduce_sum3A_820 = vector.broadcast %reduce_sum3A_819 : i1 to vector<16xi1>
    %reduce_sum3A_821 = tpu.scan <sum>, %select_n3A_818 masked %reduce_sum3A_820 : vector<16xi32>, vector<16xi1> -> vector<16xi32>
    %reduce_sum3A_822 = vector.extract %reduce_sum3A_821[15] : i32 from vector<16xi32>
    %and3A_823 = arith.constant 127 : i32
    %and3A_824 = arith.andi %reduce_sum3A_822, %and3A_823 : i32
    %broadcast_in_dim3A_825 = vector.broadcast %and3A_824 : i32 to vector<16xi32>
    %multiple_of3A_826 = arith.constant 496 : i32
    %multiple_of3A_827 = tpu.assume_multiple %multiple_of3A_826, 16 : i32
    %get3A_828 = arith.index_cast %multiple_of3A_827 : i32 to index
    %get3A_829 = tpu.vector_load %arg8[%get3A_828] {strides = array<i32>} : memref<512xi32, #tpu.memory_space<vmem>>, vector<16xi32>,
    %broadcast_in_dim3A_830 = arith.constant 15 : i32
    %broadcast_in_dim3A_831 = vector.broadcast %broadcast_in_dim3A_830 : i32 to vector<16xi32>
    %eq3A_832 = arith.cmpi eq, %iota3A, %broadcast_in_dim3A_831 : vector<16xi32>
    %jit3A_833 = arith.constant 0 : i32
    %broadcast_in_dim3A_834 = vector.broadcast %jit3A_833 : i32 to vector<16xi32>
    %select_n3A_835 = arith.select %eq3A_832, %get3A_829, %broadcast_in_dim3A_834 : vector<16xi1>, vector<16xi32>
    %reduce_sum3A_836 = arith.constant true
    %reduce_sum3A_837 = vector.broadcast %reduce_sum3A_836 : i1 to vector<16xi1>
    %reduce_sum3A_838 = tpu.scan <sum>, %select_n3A_835 masked %reduce_sum3A_837 : vector<16xi32>, vector<16xi1> -> vector<16xi32>
    %reduce_sum3A_839 = vector.extract %reduce_sum3A_838[15] : i32 from vector<16xi32>
    %and3A_840 = arith.constant 127 : i32
    %and3A_841 = arith.andi %reduce_sum3A_839, %and3A_840 : i32
    %broadcast_in_dim3A_842 = vector.broadcast %and3A_841 : i32 to vector<16xi32>
    %gather3A_843 = tpu.vector_load_idx %arg17[%iota3A, %broadcast_in_dim3A_825] : memref<32x128xf32, #tpu.memory_space<vmem>>[vector<16xi32>, vector<16xi32>], vector<16xf32>,
    %add3A_844 = arith.constant 16 : i32
    %add3A_845 = vector.broadcast %add3A_844 : i32 to vector<16xi32>
    %add3A_846 = arith.addi %iota3A, %add3A_845 : vector<16xi32>
    %gather3A_847 = tpu.vector_load_idx %arg17[%add3A_846, %broadcast_in_dim3A_825] : memref<32x128xf32, #tpu.memory_space<vmem>>[vector<16xi32>, vector<16xi32>], vector<16xf32>,
    %gather3A_848 = tpu.vector_load_idx %arg25[%iota3A, %broadcast_in_dim3A_842] : memref<32x128xf32, #tpu.memory_space<vmem>>[vector<16xi32>, vector<16xi32>], vector<16xf32>,
    %add3A_849 = arith.constant 16 : i32
    %add3A_850 = vector.broadcast %add3A_849 : i32 to vector<16xi32>
    %add3A_851 = arith.addi %iota3A, %add3A_850 : vector<16xi32>
    %gather3A_852 = tpu.vector_load_idx %arg25[%add3A_851, %broadcast_in_dim3A_842] : memref<32x128xf32, #tpu.memory_space<vmem>>[vector<16xi32>, vector<16xi32>], vector<16xf32>,
    %mul3A_853 = arith.mulf %gather3A_843, %gather3A_848 : vector<16xf32>
    %mul3A_854 = arith.mulf %gather3A_847, %gather3A_852 : vector<16xf32>
    %add3A_855 = arith.addf %mul3A_853, %mul3A_854 : vector<16xf32>
    %broadcast_in_dim3A_856 = arith.constant 511 : i32
    %broadcast_in_dim3A_857 = vector.broadcast %broadcast_in_dim3A_856 : i32 to vector<16xi32>
    tpu.vector_store_idx %arg9[%broadcast_in_dim3A_857], %add3A_855 {add = true} : memref<512xf32, #tpu.memory_space<vmem>>[vector<16xi32>], vector<16xf32>,
    "tpu.region"() ({
      %run_scoped3A = tpu.sem_alloc : memref<!tpu.dma_semaphore, #tpu.memory_space<semaphore_mem>>
      %dma_start3A_858 = tpu.memref_slice %arg6[%mul3A_2] : memref<16384xf32, #tpu.memory_space<hbm>> -> memref<512xf32, #tpu.memory_space<hbm>>
      %dma_start3A_859 = tpu.memref_slice %arg6[%mul3A_2] : memref<16384xf32, #tpu.memory_space<hbm>> -> memref<512xf32, #tpu.memory_space<hbm>>
      tpu.enqueue_dma source(%arg9 : memref<512xf32, #tpu.memory_space<vmem>>) target(%dma_start3A_859 : memref<512xf32, #tpu.memory_space<hbm>>) target_semaphore(%run_scoped3A : memref<!tpu.dma_semaphore, #tpu.memory_space<semaphore_mem>>)
      %dma_wait3A_860 = tpu.memref_slice %arg6[%mul3A_2] : memref<16384xf32, #tpu.memory_space<hbm>> -> memref<512xf32, #tpu.memory_space<hbm>>
      %dma_wait3A_861 = tpu.memref_slice %arg6[%mul3A_2] : memref<16384xf32, #tpu.memory_space<hbm>> -> memref<512xf32, #tpu.memory_space<hbm>>
      tpu.wait_dma2 semaphore(%run_scoped3A : memref<!tpu.dma_semaphore, #tpu.memory_space<semaphore_mem>>) src(%arg9 : memref<512xf32, #tpu.memory_space<vmem>>) dst(%dma_wait3A_861 : memref<512xf32, #tpu.memory_space<hbm>>)
      tpu.yield
    }) : () -> ()
    return
  }
}

</mosaic_0001>

<sc_bundles>
// kernel: kernel.4.cloned.1.call-start
scs
__scs_entry_jumppad:
0x0: {  	(pc) =	sbr.rel $0x88, $3  }
0x1: {  	(tag) =	ssettag $0x0;
	lr =	simm.s32 $0x1  }
0x2: {  	[smem:$0x3F9B] =	sst lr;
	_ =	strace $0xD0000000  }
0x3: {  	_ = 	snop  }
0x4: {  	_ = 	snop  }
0x5: {  	_ = 	snop  }
0x6: {  	_ = 	snop  }
0x7: {  	_ = 	snop  }
__scs_overlays_trampoline_lowered:
0x8: {  	[smem:$0x3FAA] =	sst s0  }
0x9: {  	[smem:$0x3FAB] =	sst s1  }
0xa: {  	[smem:$0x3FAC] =	sst s2  }
0xb: {  	[smem:$0x3FAD] =	sst s3  }
0xc: {  	[smem:$0x3FAE] =	sst s4  }
0xd: {  	[smem:$0x3FAF] =	sst s5  }
0xe: {  	[smem:$0x3FB0] =	sst s6  }
0xf: {  	[smem:$0x3FB1] =	sst s7  }
0x10: {  	[smem:$0x3FB2] =	sst s8  }
0x11: {  	[smem:$0x3FB3] =	sst s9;
	s0 =	simm.s32 @!p0 $0x0  }
0x12: {  	s1 =	sld [smem:$0x3F99];
	s0 =	simm.s32 @p0 $0x1  }
0x13: {  	[smem:$0x3FB4] =	sst s0;
	s0 =	simm.s32 @!p1 $0x0  }
0x14: {  	s2 =	sld [smem:$0x3F98];
	s0 =	simm.s32 @p1 $0x1  }
0x15: {  	[smem:$0x3FB5] =	sst s0;
	s0 =	simm.s32 @!p2 $0x0  }
0x16: {  	s3 =	sld [smem:$0x3FDB];
	s0 =	simm.s32 @p2 $0x1  }
0x17: {  	s4 =	simm.s32 $0x1BF5;
	[smem:$0x3FB7] =	sst s0  }
0x18: {  	s0 =	sld [smem:$0x3F9A];
	_ =	swait.ge [sflag:s4], $0x0  }
0x19: {  	s7 =	sld [smem:$0x3F9B]  }
0x1a: {  	s8 =	sadd.s32 $0xFFFFE003, lr  }
0x1b: {  	s9 =	sadd.s32 $0xFFFFFEF7, lr;
	s5 =	simm.s32 $0xFFFFFFFF;
	p2 =	slt.u32 s8, $0xFFFFF086  }
0x1c: {  	p1 =	slt.u32 s9, $0xF7A;
	s5 =	simm.s32 @!p2 $0x0  }
0x1d: {  	s5 =	simm.s32 @p1 $0x1;
	p0 =	seq.s32 s7, s2  }
0x1e: {  	s7 =	smul.u32 @!p0 $0xF7A, s2;
	p2 =	seq.s32 @!p0 s5, $0x0  }
0x1f: {  	s9 =	smul.u32 $0xF7A, s1;
	s8 =	simm.s32 @!p0 $0x1BF5;
	p2 =	por !p2, p0  }
0x20: {  	[sflag:s8] =	ssyncset.s32 @!p0 $0xFFFFF086;
	s6 =	sadd.s32 @!p0 s3, s7;
	s7 =	simm.s32 @!p0 $0x108  }
0x21: {  	s3 =	sadd.s32 s3, s9;
	s6 =	sadd.s32 @!p0 $0x88, s6;
	s7 =	simm.s32 @p2 $0x1082  }
0x22: {  	[simem:s7], [sflag:s8] =	dma.local @!p0 [hbm:s6], $0xF7A  }
0x23: {  	s9 =	sor.u32 $0xD0000000, s2;
	s6 =	simm.s32 $0x108;
	_ =	swait.ge @!p0 [sflag:s8], $0x0  }
0x24: {  	s3 =	sadd.s32 $0x88, s3;
	s6 =	simm.s32 @!p1 $0x1082;
	[sflag:s4] =	ssyncset.s32 $0xFFFFF086  }
0x25: {  	[simem:s6], [sflag:s4] =	dma.local [hbm:s3], $0xF7A  }
0x26: {  	[smem:$0x3F9B] =	sst s1;
	(tag) =	ssettag s2;
	_ =	strace s9  }
0x27: {  	s1 =	sld [smem:$0x3FAB]  }
0x28: {  	s2 =	sld [smem:$0x3FAC]  }
0x29: {  	s4 =	sld [smem:$0x3FAE]  }
0x2a: {  	p0 =	seq.s32 s5, $0x0;
	s5 =	sld [smem:$0x3FAF]  }
0x2b: {  	s6 =	sld [smem:$0x3FB0]  }
0x2c: {  	s7 =	sld [smem:$0x3FB1]  }
0x2d: {  	s3 =	simm.s32 $0x108;
	s8 =	sld [smem:$0x3FB2]  }
0x2e: {  	s3 =	simm.s32 @!p0 $0x1082;
	s9 =	sld [smem:$0x3FB3]  }
0x2f: {  	lr =	sadd.s32 s0, s3;
	s0 =	sld [smem:$0x3FAA]  }
0x30: {  	s3 =	sld [smem:$0x3FAD]  }
0x31: {  	[smem:$0x3FB6] =	sst s10  }
0x32: {  	s10 =	sld [smem:$0x3FB4];
	_ =	sdelay $0x3  }
0x33: {  	p0 =	seq.s32 s10, $0x1;
	s10 =	sld [smem:$0x3FB6];
	_ =	sdelay $0x3  }
0x34: {  	[smem:$0x3FB6] =	sst s10  }
0x35: {  	s10 =	sld [smem:$0x3FB5];
	_ =	sdelay $0x3  }
0x36: {  	p1 =	seq.s32 s10, $0x1;
	s10 =	sld [smem:$0x3FB6];
	_ =	sdelay $0x3  }
0x37: {  	[smem:$0x3FB6] =	sst s10  }
0x38: {  	s10 =	sld [smem:$0x3FB7]  }
0x39: {  	_ = 	snop;
	(pc) =	sbr.ind lr, $3  }
0x3a: {  	_ = 	snop  }
0x3b: {  	_ = 	snop  }
0x3c: {  	p2 =	seq.s32 s10, $0x1;
	s10 =	sld [smem:$0x3FB6]  }
0x3d: {  	_ =	shalt  }
0x3e: {  	_ =	shalt  }
0x3f: {  	_ =	shalt  }
0x40: {  	_ =	shalt  }
0x41: {  	_ =	shalt  }
0x42: {  	_ =	shalt  }
0x43: {  	_ =	shalt  }
0x44: {  	_ =	shalt  }
0x45: {  	_ =	shalt  }
0x46: {  	_ =	shalt  }
0x47: {  	_ =	shalt  }
0x48: {  	_ =	shalt  }
0x49: {  	_ =	shalt  }
0x4a: {  	_ =	shalt  }
0x4b: {  	_ =	shalt  }
0x4c: {  	_ =	shalt  }
0x4d: {  	_ =	shalt  }
0x4e: {  	_ =	shalt  }
0x4f: {  	_ =	shalt  }
0x50: {  	_ =	shalt  }
0x51: {  	_ =	shalt  }
0x52: {  	_ =	shalt  }
0x53: {  	_ =	shalt  }
0x54: {  	_ =	shalt  }
0x55: {  	_ =	shalt  }
0x56: {  	_ =	shalt  }
0x57: {  	_ =	shalt  }
0x58: {  	_ =	shalt  }
0x59: {  	_ =	shalt  }
0x5a: {  	_ =	shalt  }
0x5b: {  	_ =	shalt  }
0x5c: {  	_ =	shalt  }
0x5d: {  	_ =	shalt  }
0x5e: {  	_ =	shalt  }
0x5f: {  	_ =	shalt  }
0x60: {  	_ =	shalt  }
0x61: {  	_ =	shalt  }
0x62: {  	_ =	shalt  }
0x63: {  	_ =	shalt  }
0x64: {  	_ =	shalt  }
0x65: {  	_ =	shalt  }
0x66: {  	_ =	shalt  }
0x67: {  	_ =	shalt  }
0x68: {  	_ =	shalt  }
0x69: {  	_ =	shalt  }
0x6a: {  	_ =	shalt  }
0x6b: {  	_ =	shalt  }
0x6c: {  	_ =	shalt  }
0x6d: {  	_ =	shalt  }
0x6e: {  	_ =	shalt  }
0x6f: {  	_ =	shalt  }
0x70: {  	_ =	shalt  }
0x71: {  	_ =	shalt  }
0x72: {  	_ =	shalt  }
0x73: {  	_ =	shalt  }
0x74: {  	_ =	shalt  }
0x75: {  	_ =	shalt  }
0x76: {  	_ =	shalt  }
0x77: {  	_ =	shalt  }
0x78: {  	_ =	shalt  }
0x79: {  	_ =	shalt  }
0x7a: {  	_ =	shalt  }
0x7b: {  	_ =	shalt  }
0x7c: {  	_ =	shalt  }
0x7d: {  	_ =	shalt  }
0x7e: {  	_ =	shalt  }
0x7f: {  	_ =	shalt  }
0x80: {  	_ =	shalt  }
0x81: {  	_ =	shalt  }
0x82: {  	_ =	shalt  }
0x83: {  	_ =	shalt  }
0x84: {  	_ =	shalt  }
0x85: {  	_ =	shalt  }
0x86: {  	_ =	shalt  }
0x87: {  	_ =	shalt  }
.Lfunc_end0:
.L_simem_size_0:
called_computation_lowered:
.L_overlay_start_0:
0x88: {  	s2 =	sld [smem:$0x3FD9]  }
0x89: {  	s3 =	sld [smem:$0x3FFE];
	_ =	sdelay $0x1  }
0x8a: {  	s1 =	srdreg.scid  }
0x8b: {  	s0 =	sand.u32 $0x1, s1  }
0x8c: {  	s17 =	sshll.u32 s0, $0xA;
	s2 =	sadd.s32 s3, s2  }
0x8d: {  	s2 =	sadd.s32 s2, s17  }
0x8e: {  	[smem:$0x3FC2] =	sst s2  }
0x8f: {  	_ = 	snop  }
0x90: {  	s2 =	sld [smem:$0x3FC9]  }
0x91: {  	s18 =	sld [smem:$0x3FC8]  }
0x92: {  	s4 =	sld [smem:$0x3FC7]  }
0x93: {  	s5 =	sld [smem:$0x3FC6];
	(tm) =	ssettm $0x1  }
0x94: {  	s6 =	sld [smem:$0x3FFB];
	_ =	sdelay $0x3  }
0x95: {  	_ =	strace s6  }
0x96: {  	s6 =	sld [smem:$0x3FFC];
	_ =	sdelay $0x3  }
0x97: {  	_ =	strace s6  }
0x98: {  	s6 =	sld [smem:$0x3FFD];
	_ =	sdelay $0x3  }
0x99: {  	_ =	strace s6  }
0x9a: {  	_ =	strace $0x8FFFFFFF  }
0x9b: {  	s19 =	sld [smem:$0x3FDB];
	_ =	sdelay $0x1  }
0x9c: {  	s7 =	simm.s32 $_scs_section_size  }
0x9d: {  	s8 =	simm.s32 $_size__tile_overlayer_lowered;
	s9 =	simm.s32 $_tile_overlayer_lowered  }
0x9e: {  	s22 =	simm.s32 $0x1BFF;
	s21 =	sshll.u32 s9, $0x1;
	s6 =	sadd.s32 s7, s19  }
0x9f: {  	s10 =	simm.s32 $0x0;
	s20 =	sshll.u32 s8, $0x1;
	s8 =	sadd.s32 s21, s6  }
0xa0: {  	[timem:s10], [sflag:s22] =	dma.local [hbm:s8], s20  }
0xa1: {  	_ =	swait.ge [sflag:s22], s20  }
0xa2: {  	s7 =	ssub.s32 $0x0, s20;
	[sflag:s22] =	ssyncset.done $0x0  }
0xa3: {  	[sflag:s22] =	ssyncadd.s32 s7;
	_ =	sdelay $0x1  }
0xa4: {  	s23 =	simm.s32 $0x1B8B  }
0xa5: {  	_ =	swait.ge [sflag:s23], $0x1  }
0xa6: {  	[sflag:s23] =	ssyncset.done $0x0  }
0xa7: {  	s25 =	simm.s32 $0x1B8E;
	s24 =	sld [smem:$0x3FFE];
	[sflag:s23] =	ssyncadd.s32 $0xFFFFFFFF  }
0xa8: {  	s26 =	simm.s32 $execute0_lowered;
	[smem:$0x3FD2] =	sst s25  }
0xa9: {  	s8 =	sshll.u32 s26, $0x1;
	_ =	strace $0x80000046;
	[dreg:$0x1] =	wrdreg $0xFFFFFFFF  }
0xaa: {  	s28 =	simm.s32 $_size_execute0_lowered;
	s6 =	sadd.s32 s6, s8;
	[dreg:$0x0] =	wrdreg $0x0  }
0xab: {  	s8 =	sshll.u32 s28, $0x1;
	[dreg:$0x2] =	wrdreg s6  }
0xac: {  	[dreg:$0x3] =	wrdreg s8  }
0xad: {  	[dreg:$0x4] =	wrdreg $0xC0  }
0xae: {  	_ =	task [dreg:s10], $0x5FFFF  }
0xaf: {  	[dreg:$0x1] =	wrdreg $0xFFFFFFFF  }
0xb0: {  	[dreg:$0x0] =	wrdreg $0x60  }
0xb1: {  	[dreg:$0x2] =	wrdreg s2  }
0xb2: {  	[dreg:$0x3] =	wrdreg s18  }
0xb3: {  	[dreg:$0x4] =	wrdreg s4  }
0xb4: {  	[dreg:$0x5] =	wrdreg s5  }
0xb5: {  	[dreg:$0x6] =	wrdreg s24  }
0xb6: {  	[dreg:$0x7] =	wrdreg $0x9  }
0xb7: {  	_ =	task.clear_ibuf [dreg:s10], $0x8FFFF;
	_ =	strace $0x90000046  }
0xb8: {  	s29 =	simm.s32 $0x9;
	_ =	strace $0x80000048  }
0xb9: {  	_ =	swait.ge [sflag:s29], $0x1  }
0xba: {  	[sflag:s29] =	ssyncadd.s32 $0xFFFFFFFF  }
0xbb: {  	_ =	strace $0x90000048  }
0xbc: {  	_ =	sfence  }
0xbd: {  	s30 =	sld [smem:$0x0];
	_ =	sdelay $0x2  }
0xbe: {  	s31 =	sshll.u32 s1, $0xD;
	s1 =	sshrl.u32 s1, $0x2  }
0xbf: {  	s3 =	sand.u32 $0x4000, s31;
	s1 =	sadd.s32 s1, s30  }
0xc0: {  	s0 =	sor.u32 s3, s0;
	s1 =	sshll.u32 s1, $0x11  }
0xc1: {  	s0 =	sor.u32 s1, s0  }
0xc2: {  	s0 =	sadd.s32 $0x8F2B, s0  }
0xc3: {  	[sflag:s0] =	ssyncadd.remote.s32 $0x1  }
0xc4: {  	_ =	sfence.sel $0xFFFF  }
0xc5: {  	[dreg:$0x0] =	wrdreg $0xFFFFFFFF;
	(pc) =	sbr.abs _section_cstart, $3  }
0xc6: {  	[dreg:$0x1] =	wrdreg $0xFFFFFFFF  }
0xc7: {  	_ =	task.clear_ibuf [dreg:s10], $0x2FFFF;
	_ =	strace $0x9FFFFFFF  }
0xc8: {  	(tm) =	ssettm $0x7FFFFFFF  }
0xc9: {  	_ =	shalt  }
tec
execute0_lowered:
.L_overlay_start_1:
0x0: {  	(tag) =	ssettag $0x1  }
0x1: {  	s0 =	rddreg [dreg:$0x0]  }
0x2: {  	s2 =	rddreg [dreg:$0x1]  }
0x3: {  	s1 =	rddreg [dreg:$0x2]  }
0x4: {  	s3 =	rddreg [dreg:$0x3]  }
0x5: {  	s4 =	rddreg [dreg:$0x4]  }
0x6: {  	s5 =	srdreg.scid;
	s6 =	stileid.u32;
	s18 =	simm.s32 $0x0  }
0x7: {  	s20 =	simm.s32 $0x11;
	s11 =	simm.s32 $0x400;
	s12 =	simm.s32 $0x7A1400  }
0x8: {  	s22 =	simm.s32 $0xD600;
	s28 =	simm.s32 $0x7600;
	s29 =	simm.s32 $0xF600  }
0x9: {  	s30 =	simm.s32 $0x1;
	s31 =	simm.s32 $0x9;
	s10 =	simm.s32 $0x3  }
0xa: {  	s8 =	simm.s32 $0x5;
	s9 =	simm.s32 $0x6;
	s13 =	simm.s32 $0xE  }
0xb: {  	s14 =	simm.s32 $0x7;
	s15 =	simm.s32 $0xF;
	s16 =	simm.s32 $0x8  }
0xc: {  	s17 =	simm.s32 $0x10;
	s21 =	simm.s32 $0x0;
	s5 =	sand.u32 $0x1, s5  }
0xd: {  	v0 =	vimm.f32 $0.0e+00;
	vm0 =	vmmov $0x1;
	v1 =	vlaneseq.u32;
	s6 =	sshll.u32 s6, $0x7;
	[smem:$0x7FF] =	sst s18;
	s7 =	sshll.u32 s5, $0x6  }
0xe: {  	vm1 =	vcmask $0x308;
	vm2 =	vcmask $0x70C;
	vm3 =	vcmask $0xB10;
	s5 =	ssub.s32 $0x2, s5;
	_ =	strace $0x80000047;
	s6 =	sor.u32 s7, s6  }
0xf: {  	vm4 =	vcmask $0xF14;
	vm5 =	vcmask $0x1318;
	vm6 =	vcmask $0x171C;
	s23 =	sshrl.u32 s5, $0x1;
	s7 =	simm.s32 $0xC;
	s4 =	sadd.s32 s6, s4  }
0x10: {  	vm7 =	vcmask $0x1B20;
	vm8 =	vcmask $0x1F24;
	v4 =	vimm.s32 $0x1F8;
	s5 =	ssub.s32 s5, s23;
	s0 =	sadd.s32 s0, s6;
	s24 =	sadd.s32 s2, s6  }
0x11: {  	vm9 =	vcmask $0x2328;
	v5 =	vimm.s32 $0x1F9;
	vm10 =	vcmask $0x272C;
	s23 =	simm.s32 $0xC600;
	s2 =	simm.s32 $0xA;
	[dreg:$0x6] =	wrdreg s0  }
0x12: {  	v6 =	vimm.s32 $0x1FA;
	vm11 =	vcmask $0x2B30;
	v7 =	vimm.s32 $0x1FB;
	s6 =	simm.s32 $0x4;
	[dreg:$0x7] =	wrdreg s24;
	s25 =	sadd.s32 $0x200, s4  }
0x13: {  	vm12 =	vcmask $0x2F34;
	v8 =	vimm.s32 $0x1FC;
	v2 =	vmul.u32 $0x80, v1;
	s26 =	smax.u32 s5, $0x1;
	s24 =	simm.s32 $0x5600;
	s0 =	simm.s32 $0x2  }
0x14: {  	vm13 =	vcmask $0x3338;
	v9 =	vimm.s32 $0x1FD;
	vm14 =	vcmask $0x373C;
	s5 =	simm.s32 $0xB;
	s4 =	simm.s32 $0xD;
	[dreg:$0x8] =	wrdreg s25  }
0x15: {  	v10 =	vimm.s32 $0x1FE;
	v11 =	vimm.s32 $0x1FF;
	v3 =	vor.u32 $0x800, v2;
	[dreg:$0x9] =	wrdreg s26;
	s25 =	simm.s32 $0x6600;
	s26 =	simm.s32 $0xE600  }
.LBB2_1:
0x16: {  	[dreg:$0xa] =	wrdreg s21  }
0x17: {  	s19 =	rddreg [dreg:$0x6]  }
0x18: {  	[tilespmem:s18], [sflag:$0x11] =	stream.linear.gather [hbm4b:s19+s18], $0x200, $0x38;
	[tilespmem:$0x10600] =	vst v63  }
0x19: {  	_ =	swait.ge [sflag:s20], $0x200  }
0x1a: {  	[sflag:s20] =	ssyncset.done $0x0  }
0x1b: {  	s21 =	simm.s32 $0x200;
	s19 =	rddreg [dreg:$0x7];
	[sflag:s20] =	ssyncadd.s32 $0xFFFFFE00  }
0x1c: {  	[tilespmem:s21], [sflag:$0x11] =	stream.linear.gather [hbm4b:s19+s18], $0x200, $0x38;
	[tilespmem:$0x10600] =	vst v63  }
0x1d: {  	_ =	swait.ge [sflag:s20], $0x200  }
0x1e: {  	[sflag:s20] =	ssyncset.done $0x0  }
0x1f: {  	[sflag:s20] =	ssyncadd.s32 $0xFFFFFE00  }
0x20: {  	[tilespmem:$0x400] =	vst v0  }
0x21: {  	[tilespmem:$0x410] =	vst v0;
	v12 =	vld [tilespmem:$0x0]  }
0x22: {  	[tilespmem:$0x420] =	vst v0  }
0x23: {  	[tilespmem:$0x430] =	vst v0;
	v13 =	vld [tilespmem:$0x200]  }
0x24: {  	[tilespmem:$0x440] =	vst v0  }
0x25: {  	[tilespmem:$0x450] =	vst v0  }
0x26: {  	[tilespmem:$0x460] =	vst v0;
	v12 =	vnsel vm0, $0x0, v12  }
0x27: {  	[tilespmem:$0x470] =	vst v0;
	(xrf0) =	vadd.scan.msk.s32 $0xffff, v12  }
0x28: {  	[tilespmem:$0x480] =	vst v0;
	v26 =	vnsel vm0, $0x0, v13  }
0x29: {  	[tilespmem:$0x490] =	vst v0;
	(xrf0) =	vadd.scan.msk.s32 $0xffff, v26  }
0x2a: {  	[tilespmem:$0x4A0] =	vst v0  }
0x2b: {  	[tilespmem:$0x4B0] =	vst v0  }
0x2c: {  	[tilespmem:$0x4C0] =	vst v0  }
0x2d: {  	[tilespmem:$0x4D0] =	vst v0;
	v27, _, _ =	vpop (xrf0)  }
0x2e: {  	[tilespmem:$0x4E0] =	vst v0;
	(v2sf) =	vpush v27, $0xF  }
0x2f: {  	[tilespmem:$0x4F0] =	vst v0;
	v28, _, _ =	vpop (xrf0)  }
0x30: {  	[tilespmem:$0x500] =	vst v0;
	(v2sf) =	vpush v28, $0xF  }
0x31: {  	[tilespmem:$0x510] =	vst v0  }
0x32: {  	[tilespmem:$0x520] =	vst v0  }
0x33: {  	[tilespmem:$0x530] =	vst v0  }
0x34: {  	[tilespmem:$0x540] =	vst v0  }
0x35: {  	[tilespmem:$0x550] =	vst v0  }
0x36: {  	[tilespmem:$0x560] =	vst v0  }
0x37: {  	[tilespmem:$0x570] =	vst v0  }
0x38: {  	[tilespmem:$0x580] =	vst v0  }
0x39: {  	[tilespmem:$0x590] =	vst v0  }
0x3a: {  	[tilespmem:$0x5A0] =	vst v0  }
0x3b: {  	[tilespmem:$0x5B0] =	vst v0  }
0x3c: {  	[tilespmem:$0x5C0] =	vst v0  }
0x3d: {  	[tilespmem:$0x5D0] =	vst v0;
	s20 =	spop (v2sf)  }
0x3e: {  	[tilespmem:$0x5E0] =	vst v0;
	s18 =	sand.u32 $0xFFFFF80, s20  }
0x3f: {  	s21 =	simm.s32 $0x600;
	[tilespmem:$0x5F0] =	vst v0;
	s20 =	spop (v2sf);
	s18 =	sadd.s32 s1, s18  }
0x40: {  	[tilespmem:s21], [sflag:$0x1] =	stream.strided.gather [hbm4b:s18+s11], $0x1000, s12, s11, $0x38;
	[tilespmem:$0x10600] =	vst v63  }
0x41: {  	s18 =	sand.u32 $0xFFFFF80, s20  }
0x42: {  	s21 =	simm.s32 $0x8600;
	s18 =	sadd.s32 s3, s18  }
0x43: {  	[tilespmem:s21], [sflag:$0x9] =	stream.strided.gather [hbm4b:s18+s11], $0x1000, s12, s11, $0x38;
	[tilespmem:$0x10600] =	vst v63  }
0x44: {  	v29 =	vld [tilespmem:$0x0];
	_ =	sdelay $0x1  }
0x45: {  	v30 =	vld [tilespmem:$0x200];
	_ =	sdelay $0x2  }
0x46: {  	v12 =	vsel vm1, $0x0, v29  }
0x47: {  	(xrf0) =	vadd.scan.msk.s32 $0xffff, v12  }
0x48: {  	v31 =	vsel vm1, $0x0, v30  }
0x49: {  	(xrf0) =	vadd.scan.msk.s32 $0xffff, v31;
	_ =	sdelay $0x3  }
0x4a: {  	v32, _, _ =	vpop (xrf0)  }
0x4b: {  	(v2sf) =	vpush v32, $0xF  }
0x4c: {  	v33, _, _ =	vpop (xrf0)  }
0x4d: {  	(v2sf) =	vpush v33, $0xF;
	_ =	sdelay $0xc  }
0x4e: {  	s20 =	spop (v2sf)  }
0x4f: {  	s18 =	sand.u32 $0xFFFFF80, s20  }
0x50: {  	s21 =	simm.s32 $0x1600;
	s20 =	spop (v2sf);
	s18 =	sadd.s32 s1, s18  }
0x51: {  	[tilespmem:s21], [sflag:$0x2] =	stream.strided.gather [hbm4b:s18+s11], $0x1000, s12, s11, $0x38;
	[tilespmem:$0x10600] =	vst v63  }
0x52: {  	s18 =	sand.u32 $0xFFFFF80, s20  }
0x53: {  	s21 =	simm.s32 $0x9600;
	s18 =	sadd.s32 s3, s18  }
0x54: {  	[tilespmem:s21], [sflag:$0xA] =	stream.strided.gather [hbm4b:s18+s11], $0x1000, s12, s11, $0x38;
	[tilespmem:$0x10600] =	vst v63  }
0x55: {  	v34 =	vld [tilespmem:$0x0];
	_ =	sdelay $0x1  }
0x56: {  	v35 =	vld [tilespmem:$0x200];
	_ =	sdelay $0x2  }
0x57: {  	v12 =	vsel vm2, $0x0, v34  }
0x58: {  	(xrf0) =	vadd.scan.msk.s32 $0xffff, v12  }
0x59: {  	v36 =	vsel vm2, $0x0, v35  }
0x5a: {  	(xrf0) =	vadd.scan.msk.s32 $0xffff, v36;
	_ =	sdelay $0x3  }
0x5b: {  	v37, _, _ =	vpop (xrf0)  }
0x5c: {  	(v2sf) =	vpush v37, $0xF  }
0x5d: {  	v38, _, _ =	vpop (xrf0)  }
0x5e: {  	(v2sf) =	vpush v38, $0xF;
	_ =	sdelay $0xc  }
0x5f: {  	s20 =	spop (v2sf)  }
0x60: {  	s18 =	sand.u32 $0xFFFFF80, s20  }
0x61: {  	s21 =	simm.s32 $0x2600;
	s20 =	spop (v2sf);
	s18 =	sadd.s32 s1, s18  }
0x62: {  	[tilespmem:s21], [sflag:$0x3] =	stream.strided.gather [hbm4b:s18+s11], $0x1000, s12, s11, $0x38;
	[tilespmem:$0x10600] =	vst v63  }
0x63: {  	s18 =	sand.u32 $0xFFFFF80, s20  }
0x64: {  	s21 =	simm.s32 $0xA600;
	s18 =	sadd.s32 s3, s18  }
0x65: {  	[tilespmem:s21], [sflag:$0xB] =	stream.strided.gather [hbm4b:s18+s11], $0x1000, s12, s11, $0x38;
	[tilespmem:$0x10600] =	vst v63  }
0x66: {  	v39 =	vld [tilespmem:$0x0];
	_ =	sdelay $0x1  }
0x67: {  	v40 =	vld [tilespmem:$0x200];
	_ =	sdelay $0x2  }
0x68: {  	v12 =	vsel vm3, $0x0, v39  }
0x69: {  	(xrf0) =	vadd.scan.msk.s32 $0xffff, v12  }
0x6a: {  	v41 =	vsel vm3, $0x0, v40  }
0x6b: {  	(xrf0) =	vadd.scan.msk.s32 $0xffff, v41;
	_ =	sdelay $0x3  }
0x6c: {  	v42, _, _ =	vpop (xrf0)  }
0x6d: {  	(v2sf) =	vpush v42, $0xF  }
0x6e: {  	v43, _, _ =	vpop (xrf0)  }
0x6f: {  	(v2sf) =	vpush v43, $0xF;
	_ =	sdelay $0xc  }
0x70: {  	s20 =	spop (v2sf)  }
0x71: {  	s18 =	sand.u32 $0xFFFFF80, s20  }
0x72: {  	s21 =	simm.s32 $0x3600;
	s20 =	spop (v2sf);
	s18 =	sadd.s32 s1, s18  }
0x73: {  	[tilespmem:s21], [sflag:$0x4] =	stream.strided.gather [hbm4b:s18+s11], $0x1000, s12, s11, $0x38;
	[tilespmem:$0x10600] =	vst v63  }
0x74: {  	s18 =	sand.u32 $0xFFFFF80, s20  }
0x75: {  	s21 =	simm.s32 $0xB600;
	s18 =	sadd.s32 s3, s18  }
0x76: {  	[tilespmem:s21], [sflag:$0xC] =	stream.strided.gather [hbm4b:s18+s11], $0x1000, s12, s11, $0x38;
	[tilespmem:$0x10600] =	vst v63  }
0x77: {  	v44 =	vld [tilespmem:$0x0];
	_ =	sdelay $0x1  }
0x78: {  	v45 =	vld [tilespmem:$0x200];
	_ =	sdelay $0x2  }
0x79: {  	v12 =	vsel vm4, $0x0, v44  }
0x7a: {  	(xrf0) =	vadd.scan.msk.s32 $0xffff, v12  }
0x7b: {  	v46 =	vsel vm4, $0x0, v45  }
0x7c: {  	(xrf0) =	vadd.scan.msk.s32 $0xffff, v46;
	_ =	sdelay $0x3  }
0x7d: {  	v47, _, _ =	vpop (xrf0)  }
0x7e: {  	(v2sf) =	vpush v47, $0xF  }
0x7f: {  	v48, _, _ =	vpop (xrf0)  }
0x80: {  	(v2sf) =	vpush v48, $0xF;
	_ =	sdelay $0xc  }
0x81: {  	s19 =	spop (v2sf)  }
0x82: {  	s18 =	sand.u32 $0xFFFFF80, s19  }
0x83: {  	s20 =	simm.s32 $0x4600;
	s21 =	spop (v2sf);
	s18 =	sadd.s32 s1, s18  }
0x84: {  	[tilespmem:s20], [sflag:$0x5] =	stream.strided.gather [hbm4b:s18+s11], $0x1000, s12, s11, $0x38;
	[tilespmem:$0x10600] =	vst v63  }
0x85: {  	s18 =	sand.u32 $0xFFFFF80, s21  }
0x86: {  	s18 =	sadd.s32 s3, s18  }
0x87: {  	[tilespmem:s23], [sflag:$0xD] =	stream.strided.gather [hbm4b:s18+s11], $0x1000, s12, s11, $0x38;
	[tilespmem:$0x10600] =	vst v63  }
0x88: {  	v49 =	vld [tilespmem:$0x0];
	_ =	sdelay $0x1  }
0x89: {  	v50 =	vld [tilespmem:$0x200];
	_ =	sdelay $0x2  }
0x8a: {  	v12 =	vsel vm5, $0x0, v49  }
0x8b: {  	(xrf0) =	vadd.scan.msk.s32 $0xffff, v12  }
0x8c: {  	v51 =	vsel vm5, $0x0, v50  }
0x8d: {  	(xrf0) =	vadd.scan.msk.s32 $0xffff, v51;
	_ =	sdelay $0x3  }
0x8e: {  	v52, _, _ =	vpop (xrf0)  }
0x8f: {  	(v2sf) =	vpush v52, $0xF  }
0x90: {  	v53, _, _ =	vpop (xrf0)  }
0x91: {  	(v2sf) =	vpush v53, $0xF;
	_ =	sdelay $0xc  }
0x92: {  	s19 =	spop (v2sf)  }
0x93: {  	s18 =	sand.u32 $0xFFFFF80, s19  }
0x94: {  	s20 =	spop (v2sf);
	s18 =	sadd.s32 s1, s18  }
0x95: {  	[tilespmem:s24], [sflag:$0x6] =	stream.strided.gather [hbm4b:s18+s11], $0x1000, s12, s11, $0x38;
	[tilespmem:$0x10600] =	vst v63  }
0x96: {  	s18 =	sand.u32 $0xFFFFF80, s20  }
0x97: {  	s18 =	sadd.s32 s3, s18  }
0x98: {  	[tilespmem:s22], [sflag:$0xE] =	stream.strided.gather [hbm4b:s18+s11], $0x1000, s12, s11, $0x38;
	[tilespmem:$0x10600] =	vst v63  }
0x99: {  	v54 =	vld [tilespmem:$0x0];
	_ =	sdelay $0x1  }
0x9a: {  	v55 =	vld [tilespmem:$0x200];
	_ =	sdelay $0x2  }
0x9b: {  	v12 =	vsel vm6, $0x0, v54  }
0x9c: {  	(xrf0) =	vadd.scan.msk.s32 $0xffff, v12  }
0x9d: {  	v56 =	vsel vm6, $0x0, v55  }
0x9e: {  	(xrf0) =	vadd.scan.msk.s32 $0xffff, v56;
	_ =	sdelay $0x3  }
0x9f: {  	v57, _, _ =	vpop (xrf0)  }
0xa0: {  	(v2sf) =	vpush v57, $0xF  }
0xa1: {  	v58, _, _ =	vpop (xrf0)  }
0xa2: {  	(v2sf) =	vpush v58, $0xF;
	_ =	sdelay $0xc  }
0xa3: {  	s21 =	spop (v2sf)  }
0xa4: {  	s18 =	sand.u32 $0xFFFFF80, s21  }
0xa5: {  	s22 =	spop (v2sf);
	s18 =	sadd.s32 s1, s18  }
0xa6: {  	[tilespmem:s25], [sflag:$0x7] =	stream.strided.gather [hbm4b:s18+s11], $0x1000, s12, s11, $0x38;
	[tilespmem:$0x10600] =	vst v63  }
0xa7: {  	s18 =	sand.u32 $0xFFFFF80, s22  }
0xa8: {  	s18 =	sadd.s32 s3, s18  }
0xa9: {  	[tilespmem:s26], [sflag:$0xF] =	stream.strided.gather [hbm4b:s18+s11], $0x1000, s12, s11, $0x38;
	[tilespmem:$0x10600] =	vst v63  }
0xaa: {  	v59 =	vld [tilespmem:$0x0];
	_ =	sdelay $0x1  }
0xab: {  	v60 =	vld [tilespmem:$0x200];
	_ =	sdelay $0x2  }
0xac: {  	v12 =	vsel vm7, $0x0, v59  }
0xad: {  	(xrf0) =	vadd.scan.msk.s32 $0xffff, v12  }
0xae: {  	v61 =	vsel vm7, $0x0, v60  }
0xaf: {  	(xrf0) =	vadd.scan.msk.s32 $0xffff, v61;
	_ =	sdelay $0x3  }
0xb0: {  	v62, _, _ =	vpop (xrf0)  }
0xb1: {  	(v2sf) =	vpush v62, $0xF  }
0xb2: {  	v63, _, _ =	vpop (xrf0)  }
0xb3: {  	(v2sf) =	vpush v63, $0xF;
	_ =	sdelay $0xc  }
0xb4: {  	s23 =	spop (v2sf)  }
0xb5: {  	s18 =	sand.u32 $0xFFFFF80, s23  }
0xb6: {  	s24 =	spop (v2sf);
	s18 =	sadd.s32 s1, s18  }
0xb7: {  	[tilespmem:s28], [sflag:$0x8] =	stream.strided.gather [hbm4b:s18+s11], $0x1000, s12, s11, $0x38;
	[tilespmem:$0x10600] =	vst v63  }
0xb8: {  	s18 =	sand.u32 $0xFFFFF80, s24  }
0xb9: {  	s18 =	sadd.s32 s3, s18  }
0xba: {  	[tilespmem:s29], [sflag:$0x10] =	stream.strided.gather [hbm4b:s18+s11], $0x1000, s12, s11, $0x38;
	[tilespmem:$0x10600] =	vst v63  }
0xbb: {  	s18 =	simm.s32 $0x0  }
.LBB2_2:
0xbc: {  	_ =	swait.ge [sflag:s30], $0x1000  }
0xbd: {  	[sflag:s30] =	ssyncset.done $0x0  }
0xbe: {  	[sflag:s30] =	ssyncadd.s32 $0xFFFFF000  }
0xbf: {  	_ =	swait.ge [sflag:s31], $0x1000  }
0xc0: {  	[sflag:s31] =	ssyncset.done $0x0  }
0xc1: {  	s20 =	sand.u32 $0x1F0, s18;
	[sflag:s31] =	ssyncadd.s32 $0xFFFFF000  }
0xc2: {  	v12 =	vld [tilespmem:s20+$0x0];
	_ =	sdelay $0x1  }
0xc3: {  	s19 =	sand.u32 $0x8, s18;
	v13 =	vld [tilespmem:s20+$0x200]  }
0xc4: {  	v14 =	vmov s19  }
0xc5: {  	vm15 =	veq.s32 v14, v1  }
0xc6: {  	v12 =	vnsel vm15, $0x0, v12  }
0xc7: {  	(xrf0) =	vadd.scan.msk.s32 $0xffff, v12  }
0xc8: {  	v37 =	vnsel vm15, $0x0, v13  }
0xc9: {  	(xrf0) =	vadd.scan.msk.s32 $0xffff, v37;
	_ =	sdelay $0x3  }
0xca: {  	v38, _, _ =	vpop (xrf0)  }
0xcb: {  	(v2sf) =	vpush v38, $0xF  }
0xcc: {  	v39, _, _ =	vpop (xrf0)  }
0xcd: {  	(v2sf) =	vpush v39, $0xF;
	_ =	sdelay $0xc  }
0xce: {  	s21 =	spop (v2sf)  }
0xcf: {  	s19 =	sand.u32 $0x7F, s21  }
0xd0: {  	s21 =	spop (v2sf);
	v40 =	vor.u32 s19, v2  }
0xd1: {  	s21 =	sand.u32 $0x7F, s21;
	v41 =	vor.u32 s19, v3  }
0xd2: {  	v42 =	vor.u32 s21, v2  }
0xd3: {  	v15 =	vor.u32 s21, v3  }
0xd4: {  	s23 =	simm.s32 $0x600  }
0xd5: {  	v12 =	vld.idx.msk [tilespmem:v40+s23+$0x0], $0xffff  }
0xd6: {  	s24 =	simm.s32 $0x8600;
	v13 =	vld.idx.msk [tilespmem:v41+s23+$0x0], $0xffff  }
0xd7: {  	v14 =	vld.idx.msk [tilespmem:v42+s24+$0x0], $0xffff  }
0xd8: {  	v15 =	vld.idx.msk [tilespmem:v15+s24+$0x0], $0xffff  }
0xd9: {  	v16 =	vmov s18  }
0xda: {  	v16 =	vand.u32 $0xFFFFFFF8, v16  }
0xdb: {  	v16 =	vbroadcast v16, $0x0;
	_ =	sdelay $0x1  }
0xdc: {  	v12 =	vmul.f32 v14, v12;
	v13 =	vmul.f32 v15, v13;
	_ =	sdelay $0x1  }
0xdd: {  	v12 =	vadd.f32 v13, v12  }
0xde: {  	s19 =	sadd.s32 $0x8, s18  }
0xdf: {  	s21 =	sand.u32 $0x3F0, s19;
	[tilespmem:v16+s11+$0x0] =	vst.idx.add.f32.msk $0xffff, v12  }
0xe0: {  	v12 =	vld [tilespmem:s21+$0x0];
	_ =	sdelay $0x1  }
0xe1: {  	s22 =	sand.u32 $0x8, s19  }
0xe2: {  	v43 =	vmov s22  }
0xe3: {  	vm15 =	veq.s32 v43, v1;
	v44 =	vld [tilespmem:s21+$0x200]  }
0xe4: {  	v12 =	vnsel vm15, $0x0, v12  }
0xe5: {  	(xrf0) =	vadd.scan.msk.s32 $0xffff, v12;
	_ =	sdelay $0x2  }
0xe6: {  	v45 =	vnsel vm15, $0x0, v44  }
0xe7: {  	(xrf0) =	vadd.scan.msk.s32 $0xffff, v45;
	_ =	sdelay $0x1  }
0xe8: {  	v46, _, _ =	vpop (xrf0)  }
0xe9: {  	(v2sf) =	vpush v46, $0xF;
	_ =	sdelay $0x2  }
0xea: {  	v47, _, _ =	vpop (xrf0)  }
0xeb: {  	(v2sf) =	vpush v47, $0xF;
	_ =	sdelay $0xa  }
0xec: {  	s22 =	spop (v2sf)  }
0xed: {  	s21 =	sand.u32 $0xFFFFF80, s22  }
0xee: {  	s21 =	sadd.s32 s1, s21  }
0xef: {  	[tilespmem:s23], [sflag:$0x1] =	stream.strided.gather [hbm4b:s21+s11], $0x1000, s12, s11, $0x38;
	[tilespmem:$0x10600] =	vst v63  }
0xf0: {  	s23 =	spop (v2sf)  }
0xf1: {  	s21 =	sand.u32 $0xFFFFF80, s23  }
0xf2: {  	s21 =	sadd.s32 s3, s21  }
0xf3: {  	[tilespmem:s24], [sflag:$0x9] =	stream.strided.gather [hbm4b:s21+s11], $0x1000, s12, s11, $0x38;
	[tilespmem:$0x10600] =	vst v63  }
0xf4: {  	_ =	swait.ge [sflag:s0], $0x1000  }
0xf5: {  	[sflag:s0] =	ssyncset.done $0x0  }
0xf6: {  	[sflag:s0] =	ssyncadd.s32 $0xFFFFF000  }
0xf7: {  	_ =	swait.ge [sflag:s2], $0x1000  }
0xf8: {  	[sflag:s2] =	ssyncset.done $0x0  }
0xf9: {  	[sflag:s2] =	ssyncadd.s32 $0xFFFFF000  }
0xfa: {  	v48 =	vld [tilespmem:s20+$0x0]  }
0xfb: {  	s21 =	sadd.s32 $0x1, s18  }
0xfc: {  	s24 =	sand.u32 $0x9, s21;
	v49 =	vld [tilespmem:s20+$0x200]  }
0xfd: {  	v50 =	vmov s24  }
0xfe: {  	vm15 =	veq.s32 v50, v1  }
0xff: {  	v12 =	vnsel vm15, $0x0, v48  }
0x100: {  	(xrf0) =	vadd.scan.msk.s32 $0xffff, v12  }
0x101: {  	v51 =	vnsel vm15, $0x0, v49  }
0x102: {  	(xrf0) =	vadd.scan.msk.s32 $0xffff, v51;
	_ =	sdelay $0x3  }
0x103: {  	v52, _, _ =	vpop (xrf0)  }
0x104: {  	(v2sf) =	vpush v52, $0xF  }
0x105: {  	v53, _, _ =	vpop (xrf0)  }
0x106: {  	(v2sf) =	vpush v53, $0xF;
	_ =	sdelay $0xc  }
0x107: {  	s23 =	spop (v2sf)  }
0x108: {  	s22 =	sand.u32 $0x7F, s23  }
0x109: {  	s24 =	spop (v2sf);
	v54 =	vor.u32 s22, v2  }
0x10a: {  	s23 =	sand.u32 $0x7F, s24;
	v55 =	vor.u32 s22, v3  }
0x10b: {  	v56 =	vor.u32 s23, v2  }
0x10c: {  	v57 =	vor.u32 s23, v3  }
0x10d: {  	s23 =	simm.s32 $0x1600  }
0x10e: {  	v12 =	vld.idx.msk [tilespmem:v54+s23+$0x0], $0xffff  }
0x10f: {  	s24 =	simm.s32 $0x9600;
	v13 =	vld.idx.msk [tilespmem:v55+s23+$0x0], $0xffff  }
0x110: {  	v14 =	vld.idx.msk [tilespmem:v56+s24+$0x0], $0xffff  }
0x111: {  	v15 =	vld.idx.msk [tilespmem:v57+s24+$0x0], $0xffff  }
0x112: {  	v58 =	vmov s21  }
0x113: {  	v16 =	vand.u32 $0xFFFFFFF9, v58  }
0x114: {  	v16 =	vbroadcast v16, $0x0;
	_ =	sdelay $0x1  }
0x115: {  	v12 =	vmul.f32 v14, v12;
	v13 =	vmul.f32 v15, v13;
	_ =	sdelay $0x1  }
0x116: {  	v12 =	vadd.f32 v13, v12  }
0x117: {  	s21 =	sadd.s32 $0x9, s18  }
0x118: {  	s22 =	sand.u32 $0x3F0, s21;
	[tilespmem:v16+s11+$0x0] =	vst.idx.add.f32.msk $0xffff, v12  }
0x119: {  	v12 =	vld [tilespmem:s22+$0x0];
	_ =	sdelay $0x1  }
0x11a: {  	s21 =	sand.u32 $0x9, s21  }
0x11b: {  	v59 =	vmov s21  }
0x11c: {  	vm15 =	veq.s32 v59, v1;
	v60 =	vld [tilespmem:s22+$0x200]  }
0x11d: {  	v12 =	vnsel vm15, $0x0, v12  }
0x11e: {  	(xrf0) =	vadd.scan.msk.s32 $0xffff, v12;
	_ =	sdelay $0x2  }
0x11f: {  	v61 =	vnsel vm15, $0x0, v60  }
0x120: {  	(xrf0) =	vadd.scan.msk.s32 $0xffff, v61;
	_ =	sdelay $0x1  }
0x121: {  	v62, _, _ =	vpop (xrf0)  }
0x122: {  	(v2sf) =	vpush v62, $0xF;
	_ =	sdelay $0x2  }
0x123: {  	v63, _, _ =	vpop (xrf0)  }
0x124: {  	(v2sf) =	vpush v63, $0xF;
	_ =	sdelay $0xa  }
0x125: {  	s22 =	spop (v2sf)  }
0x126: {  	s21 =	sand.u32 $0xFFFFF80, s22  }
0x127: {  	s21 =	sadd.s32 s1, s21  }
0x128: {  	[tilespmem:s23], [sflag:$0x2] =	stream.strided.gather [hbm4b:s21+s11], $0x1000, s12, s11, $0x38;
	[tilespmem:$0x10600] =	vst v63  }
0x129: {  	s23 =	spop (v2sf)  }
0x12a: {  	s21 =	sand.u32 $0xFFFFF80, s23  }
0x12b: {  	s21 =	sadd.s32 s3, s21  }
0x12c: {  	[tilespmem:s24], [sflag:$0xA] =	stream.strided.gather [hbm4b:s21+s11], $0x1000, s12, s11, $0x38;
	[tilespmem:$0x10600] =	vst v63  }
0x12d: {  	_ =	swait.ge [sflag:s10], $0x1000  }
0x12e: {  	[sflag:s10] =	ssyncset.done $0x0  }
0x12f: {  	[sflag:s10] =	ssyncadd.s32 $0xFFFFF000  }
0x130: {  	_ =	swait.ge [sflag:s5], $0x1000  }
0x131: {  	[sflag:s5] =	ssyncset.done $0x0  }
0x132: {  	[sflag:s5] =	ssyncadd.s32 $0xFFFFF000  }
0x133: {  	v16 =	vld [tilespmem:s20+$0x0]  }
0x134: {  	s21 =	sadd.s32 $0x2, s18  }
0x135: {  	s24 =	sand.u32 $0xA, s21;
	v17 =	vld [tilespmem:s20+$0x200]  }
0x136: {  	v18 =	vmov s24  }
0x137: {  	vm15 =	veq.s32 v18, v1  }
0x138: {  	v12 =	vnsel vm15, $0x0, v16  }
0x139: {  	(xrf0) =	vadd.scan.msk.s32 $0xffff, v12  }
0x13a: {  	v19 =	vnsel vm15, $0x0, v17  }
0x13b: {  	(xrf0) =	vadd.scan.msk.s32 $0xffff, v19;
	_ =	sdelay $0x3  }
0x13c: {  	v20, _, _ =	vpop (xrf0)  }
0x13d: {  	(v2sf) =	vpush v20, $0xF  }
0x13e: {  	v21, _, _ =	vpop (xrf0)  }
0x13f: {  	(v2sf) =	vpush v21, $0xF;
	_ =	sdelay $0xc  }
0x140: {  	s23 =	spop (v2sf)  }
0x141: {  	s22 =	sand.u32 $0x7F, s23  }
0x142: {  	s24 =	spop (v2sf);
	v22 =	vor.u32 s22, v2  }
0x143: {  	s23 =	sand.u32 $0x7F, s24;
	v23 =	vor.u32 s22, v3  }
0x144: {  	v24 =	vor.u32 s23, v2  }
0x145: {  	v25 =	vor.u32 s23, v3  }
0x146: {  	s23 =	simm.s32 $0x2600  }
0x147: {  	v12 =	vld.idx.msk [tilespmem:v22+s23+$0x0], $0xffff  }
0x148: {  	s24 =	simm.s32 $0xA600;
	v13 =	vld.idx.msk [tilespmem:v23+s23+$0x0], $0xffff  }
0x149: {  	v14 =	vld.idx.msk [tilespmem:v24+s24+$0x0], $0xffff  }
0x14a: {  	v15 =	vld.idx.msk [tilespmem:v25+s24+$0x0], $0xffff  }
0x14b: {  	v26 =	vmov s21  }
0x14c: {  	v16 =	vand.u32 $0xFFFFFFFA, v26  }
0x14d: {  	v16 =	vbroadcast v16, $0x0;
	_ =	sdelay $0x1  }
0x14e: {  	v12 =	vmul.f32 v14, v12;
	v13 =	vmul.f32 v15, v13;
	_ =	sdelay $0x1  }
0x14f: {  	v12 =	vadd.f32 v13, v12  }
0x150: {  	s21 =	sadd.s32 $0xA, s18  }
0x151: {  	s22 =	sand.u32 $0x3F0, s21;
	[tilespmem:v16+s11+$0x0] =	vst.idx.add.f32.msk $0xffff, v12  }
0x152: {  	v12 =	vld [tilespmem:s22+$0x0];
	_ =	sdelay $0x1  }
0x153: {  	s21 =	sand.u32 $0xA, s21  }
0x154: {  	v27 =	vmov s21  }
0x155: {  	vm15 =	veq.s32 v27, v1;
	v28 =	vld [tilespmem:s22+$0x200]  }
0x156: {  	v12 =	vnsel vm15, $0x0, v12  }
0x157: {  	(xrf0) =	vadd.scan.msk.s32 $0xffff, v12;
	_ =	sdelay $0x2  }
0x158: {  	v29 =	vnsel vm15, $0x0, v28  }
0x159: {  	(xrf0) =	vadd.scan.msk.s32 $0xffff, v29;
	_ =	sdelay $0x1  }
0x15a: {  	v30, _, _ =	vpop (xrf0)  }
0x15b: {  	(v2sf) =	vpush v30, $0xF;
	_ =	sdelay $0x2  }
0x15c: {  	v31, _, _ =	vpop (xrf0)  }
0x15d: {  	(v2sf) =	vpush v31, $0xF;
	_ =	sdelay $0xa  }
0x15e: {  	s22 =	spop (v2sf)  }
0x15f: {  	s21 =	sand.u32 $0xFFFFF80, s22  }
0x160: {  	s21 =	sadd.s32 s1, s21  }
0x161: {  	[tilespmem:s23], [sflag:$0x3] =	stream.strided.gather [hbm4b:s21+s11], $0x1000, s12, s11, $0x38;
	[tilespmem:$0x10600] =	vst v63  }
0x162: {  	s23 =	spop (v2sf)  }
0x163: {  	s21 =	sand.u32 $0xFFFFF80, s23  }
0x164: {  	s21 =	sadd.s32 s3, s21  }
0x165: {  	[tilespmem:s24], [sflag:$0xB] =	stream.strided.gather [hbm4b:s21+s11], $0x1000, s12, s11, $0x38;
	[tilespmem:$0x10600] =	vst v63  }
0x166: {  	_ =	swait.ge [sflag:s6], $0x1000  }
0x167: {  	[sflag:s6] =	ssyncset.done $0x0  }
0x168: {  	[sflag:s6] =	ssyncadd.s32 $0xFFFFF000  }
0x169: {  	_ =	swait.ge [sflag:s7], $0x1000  }
0x16a: {  	[sflag:s7] =	ssyncset.done $0x0  }
0x16b: {  	[sflag:s7] =	ssyncadd.s32 $0xFFFFF000  }
0x16c: {  	v32 =	vld [tilespmem:s20+$0x0]  }
0x16d: {  	s21 =	sadd.s32 $0x3, s18  }
0x16e: {  	s24 =	sand.u32 $0xB, s21;
	v33 =	vld [tilespmem:s20+$0x200]  }
0x16f: {  	v34 =	vmov s24  }
0x170: {  	vm15 =	veq.s32 v34, v1  }
0x171: {  	v12 =	vnsel vm15, $0x0, v32  }
0x172: {  	(xrf0) =	vadd.scan.msk.s32 $0xffff, v12  }
0x173: {  	v35 =	vnsel vm15, $0x0, v33  }
0x174: {  	(xrf0) =	vadd.scan.msk.s32 $0xffff, v35;
	_ =	sdelay $0x3  }
0x175: {  	v36, _, _ =	vpop (xrf0)  }
0x176: {  	(v2sf) =	vpush v36, $0xF  }
0x177: {  	v37, _, _ =	vpop (xrf0)  }
0x178: {  	(v2sf) =	vpush v37, $0xF;
	_ =	sdelay $0xc  }
0x179: {  	s23 =	spop (v2sf)  }
0x17a: {  	s22 =	sand.u32 $0x7F, s23  }
0x17b: {  	s24 =	spop (v2sf);
	v38 =	vor.u32 s22, v2  }
0x17c: {  	s23 =	sand.u32 $0x7F, s24;
	v39 =	vor.u32 s22, v3  }
0x17d: {  	v40 =	vor.u32 s23, v2  }
0x17e: {  	v41 =	vor.u32 s23, v3  }
0x17f: {  	s23 =	simm.s32 $0x3600  }
0x180: {  	v12 =	vld.idx.msk [tilespmem:v38+s23+$0x0], $0xffff  }
0x181: {  	s24 =	simm.s32 $0xB600;
	v13 =	vld.idx.msk [tilespmem:v39+s23+$0x0], $0xffff  }
0x182: {  	v14 =	vld.idx.msk [tilespmem:v40+s24+$0x0], $0xffff  }
0x183: {  	v15 =	vld.idx.msk [tilespmem:v41+s24+$0x0], $0xffff  }
0x184: {  	v42 =	vmov s21  }
0x185: {  	v16 =	vand.u32 $0xFFFFFFFB, v42  }
0x186: {  	v16 =	vbroadcast v16, $0x0;
	_ =	sdelay $0x1  }
0x187: {  	v12 =	vmul.f32 v14, v12;
	v13 =	vmul.f32 v15, v13;
	_ =	sdelay $0x1  }
0x188: {  	v12 =	vadd.f32 v13, v12  }
0x189: {  	s21 =	sadd.s32 $0xB, s18  }
0x18a: {  	s22 =	sand.u32 $0x3F0, s21;
	[tilespmem:v16+s11+$0x0] =	vst.idx.add.f32.msk $0xffff, v12  }
0x18b: {  	v12 =	vld [tilespmem:s22+$0x0];
	_ =	sdelay $0x1  }
0x18c: {  	s21 =	sand.u32 $0xB, s21  }
0x18d: {  	v43 =	vmov s21  }
0x18e: {  	vm15 =	veq.s32 v43, v1;
	v44 =	vld [tilespmem:s22+$0x200]  }
0x18f: {  	v12 =	vnsel vm15, $0x0, v12  }
0x190: {  	(xrf0) =	vadd.scan.msk.s32 $0xffff, v12;
	_ =	sdelay $0x2  }
0x191: {  	v45 =	vnsel vm15, $0x0, v44  }
0x192: {  	(xrf0) =	vadd.scan.msk.s32 $0xffff, v45;
	_ =	sdelay $0x1  }
0x193: {  	v46, _, _ =	vpop (xrf0)  }
0x194: {  	(v2sf) =	vpush v46, $0xF;
	_ =	sdelay $0x2  }
0x195: {  	v47, _, _ =	vpop (xrf0)  }
0x196: {  	(v2sf) =	vpush v47, $0xF;
	_ =	sdelay $0xa  }
0x197: {  	s22 =	spop (v2sf)  }
0x198: {  	s21 =	sand.u32 $0xFFFFF80, s22  }
0x199: {  	s21 =	sadd.s32 s1, s21  }
0x19a: {  	[tilespmem:s23], [sflag:$0x4] =	stream.strided.gather [hbm4b:s21+s11], $0x1000, s12, s11, $0x38;
	[tilespmem:$0x10600] =	vst v63  }
0x19b: {  	s23 =	spop (v2sf)  }
0x19c: {  	s21 =	sand.u32 $0xFFFFF80, s23  }
0x19d: {  	s21 =	sadd.s32 s3, s21  }
0x19e: {  	[tilespmem:s24], [sflag:$0xC] =	stream.strided.gather [hbm4b:s21+s11], $0x1000, s12, s11, $0x38;
	[tilespmem:$0x10600] =	vst v63  }
0x19f: {  	_ =	swait.ge [sflag:s8], $0x1000  }
0x1a0: {  	[sflag:s8] =	ssyncset.done $0x0  }
0x1a1: {  	[sflag:s8] =	ssyncadd.s32 $0xFFFFF000  }
0x1a2: {  	_ =	swait.ge [sflag:s4], $0x1000  }
0x1a3: {  	[sflag:s4] =	ssyncset.done $0x0  }
0x1a4: {  	[sflag:s4] =	ssyncadd.s32 $0xFFFFF000  }
0x1a5: {  	v48 =	vld [tilespmem:s20+$0x0]  }
0x1a6: {  	s21 =	sadd.s32 $0x4, s18  }
0x1a7: {  	s24 =	sand.u32 $0xC, s21;
	v49 =	vld [tilespmem:s20+$0x200]  }
0x1a8: {  	v50 =	vmov s24  }
0x1a9: {  	vm15 =	veq.s32 v50, v1  }
0x1aa: {  	v12 =	vnsel vm15, $0x0, v48  }
0x1ab: {  	(xrf0) =	vadd.scan.msk.s32 $0xffff, v12  }
0x1ac: {  	v51 =	vnsel vm15, $0x0, v49  }
0x1ad: {  	(xrf0) =	vadd.scan.msk.s32 $0xffff, v51;
	_ =	sdelay $0x3  }
0x1ae: {  	v52, _, _ =	vpop (xrf0)  }
0x1af: {  	(v2sf) =	vpush v52, $0xF  }
0x1b0: {  	v53, _, _ =	vpop (xrf0)  }
0x1b1: {  	(v2sf) =	vpush v53, $0xF;
	_ =	sdelay $0xc  }
0x1b2: {  	s23 =	spop (v2sf)  }
0x1b3: {  	s22 =	sand.u32 $0x7F, s23  }
0x1b4: {  	s24 =	spop (v2sf);
	v54 =	vor.u32 s22, v2  }
0x1b5: {  	s23 =	sand.u32 $0x7F, s24;
	v55 =	vor.u32 s22, v3  }
0x1b6: {  	v56 =	vor.u32 s23, v2  }
0x1b7: {  	v57 =	vor.u32 s23, v3  }
0x1b8: {  	s23 =	simm.s32 $0x4600  }
0x1b9: {  	v12 =	vld.idx.msk [tilespmem:v54+s23+$0x0], $0xffff  }
0x1ba: {  	s24 =	simm.s32 $0xC600;
	v13 =	vld.idx.msk [tilespmem:v55+s23+$0x0], $0xffff  }
0x1bb: {  	v14 =	vld.idx.msk [tilespmem:v56+s24+$0x0], $0xffff  }
0x1bc: {  	v15 =	vld.idx.msk [tilespmem:v57+s24+$0x0], $0xffff  }
0x1bd: {  	v58 =	vmov s21  }
0x1be: {  	v16 =	vand.u32 $0xFFFFFFFC, v58  }
0x1bf: {  	v16 =	vbroadcast v16, $0x0;
	_ =	sdelay $0x1  }
0x1c0: {  	v12 =	vmul.f32 v14, v12;
	v13 =	vmul.f32 v15, v13;
	_ =	sdelay $0x1  }
0x1c1: {  	v12 =	vadd.f32 v13, v12  }
0x1c2: {  	s21 =	sadd.s32 $0xC, s18  }
0x1c3: {  	s22 =	sand.u32 $0x3F0, s21;
	[tilespmem:v16+s11+$0x0] =	vst.idx.add.f32.msk $0xffff, v12  }
0x1c4: {  	v12 =	vld [tilespmem:s22+$0x0];
	_ =	sdelay $0x1  }
0x1c5: {  	s21 =	sand.u32 $0xC, s21  }
0x1c6: {  	v59 =	vmov s21  }
0x1c7: {  	vm15 =	veq.s32 v59, v1;
	v60 =	vld [tilespmem:s22+$0x200]  }
0x1c8: {  	v12 =	vnsel vm15, $0x0, v12  }
0x1c9: {  	(xrf0) =	vadd.scan.msk.s32 $0xffff, v12;
	_ =	sdelay $0x2  }
0x1ca: {  	v61 =	vnsel vm15, $0x0, v60  }
0x1cb: {  	(xrf0) =	vadd.scan.msk.s32 $0xffff, v61;
	_ =	sdelay $0x1  }
0x1cc: {  	v62, _, _ =	vpop (xrf0)  }
0x1cd: {  	(v2sf) =	vpush v62, $0xF;
	_ =	sdelay $0x2  }
0x1ce: {  	v63, _, _ =	vpop (xrf0)  }
0x1cf: {  	(v2sf) =	vpush v63, $0xF;
	_ =	sdelay $0xa  }
0x1d0: {  	s22 =	spop (v2sf)  }
0x1d1: {  	s21 =	sand.u32 $0xFFFFF80, s22  }
0x1d2: {  	s21 =	sadd.s32 s1, s21  }
0x1d3: {  	[tilespmem:s23], [sflag:$0x5] =	stream.strided.gather [hbm4b:s21+s11], $0x1000, s12, s11, $0x38;
	[tilespmem:$0x10600] =	vst v63  }
0x1d4: {  	s23 =	spop (v2sf)  }
0x1d5: {  	s21 =	sand.u32 $0xFFFFF80, s23  }
0x1d6: {  	s21 =	sadd.s32 s3, s21  }
0x1d7: {  	[tilespmem:s24], [sflag:$0xD] =	stream.strided.gather [hbm4b:s21+s11], $0x1000, s12, s11, $0x38;
	[tilespmem:$0x10600] =	vst v63  }
0x1d8: {  	_ =	swait.ge [sflag:s9], $0x1000  }
0x1d9: {  	[sflag:s9] =	ssyncset.done $0x0  }
0x1da: {  	[sflag:s9] =	ssyncadd.s32 $0xFFFFF000  }
0x1db: {  	_ =	swait.ge [sflag:s13], $0x1000  }
0x1dc: {  	[sflag:s13] =	ssyncset.done $0x0  }
0x1dd: {  	[sflag:s13] =	ssyncadd.s32 $0xFFFFF000  }
0x1de: {  	v16 =	vld [tilespmem:s20+$0x0]  }
0x1df: {  	s21 =	sadd.s32 $0x5, s18  }
0x1e0: {  	s24 =	sand.u32 $0xD, s21;
	v17 =	vld [tilespmem:s20+$0x200]  }
0x1e1: {  	v18 =	vmov s24  }
0x1e2: {  	vm15 =	veq.s32 v18, v1  }
0x1e3: {  	v12 =	vnsel vm15, $0x0, v16  }
0x1e4: {  	(xrf0) =	vadd.scan.msk.s32 $0xffff, v12  }
0x1e5: {  	v19 =	vnsel vm15, $0x0, v17  }
0x1e6: {  	(xrf0) =	vadd.scan.msk.s32 $0xffff, v19;
	_ =	sdelay $0x3  }
0x1e7: {  	v20, _, _ =	vpop (xrf0)  }
0x1e8: {  	(v2sf) =	vpush v20, $0xF  }
0x1e9: {  	v21, _, _ =	vpop (xrf0)  }
0x1ea: {  	(v2sf) =	vpush v21, $0xF;
	_ =	sdelay $0xc  }
0x1eb: {  	s23 =	spop (v2sf)  }
0x1ec: {  	s22 =	sand.u32 $0x7F, s23  }
0x1ed: {  	s24 =	spop (v2sf);
	v22 =	vor.u32 s22, v2  }
0x1ee: {  	s23 =	sand.u32 $0x7F, s24;
	v23 =	vor.u32 s22, v3  }
0x1ef: {  	v24 =	vor.u32 s23, v2  }
0x1f0: {  	v25 =	vor.u32 s23, v3  }
0x1f1: {  	s23 =	simm.s32 $0x5600  }
0x1f2: {  	v12 =	vld.idx.msk [tilespmem:v22+s23+$0x0], $0xffff  }
0x1f3: {  	s24 =	simm.s32 $0xD600;
	v13 =	vld.idx.msk [tilespmem:v23+s23+$0x0], $0xffff  }
0x1f4: {  	v14 =	vld.idx.msk [tilespmem:v24+s24+$0x0], $0xffff  }
0x1f5: {  	v15 =	vld.idx.msk [tilespmem:v25+s24+$0x0], $0xffff  }
0x1f6: {  	v26 =	vmov s21  }
0x1f7: {  	v16 =	vand.u32 $0xFFFFFFFD, v26  }
0x1f8: {  	v16 =	vbroadcast v16, $0x0;
	_ =	sdelay $0x1  }
0x1f9: {  	v12 =	vmul.f32 v14, v12;
	v13 =	vmul.f32 v15, v13;
	_ =	sdelay $0x1  }
0x1fa: {  	v12 =	vadd.f32 v13, v12  }
0x1fb: {  	s21 =	sadd.s32 $0xD, s18  }
0x1fc: {  	s22 =	sand.u32 $0x3F0, s21;
	[tilespmem:v16+s11+$0x0] =	vst.idx.add.f32.msk $0xffff, v12  }
0x1fd: {  	v12 =	vld [tilespmem:s22+$0x0];
	_ =	sdelay $0x1  }
0x1fe: {  	s21 =	sand.u32 $0xD, s21  }
0x1ff: {  	v27 =	vmov s21  }
0x200: {  	vm15 =	veq.s32 v27, v1;
	v28 =	vld [tilespmem:s22+$0x200]  }
0x201: {  	v12 =	vnsel vm15, $0x0, v12  }
0x202: {  	(xrf0) =	vadd.scan.msk.s32 $0xffff, v12;
	_ =	sdelay $0x2  }
0x203: {  	v29 =	vnsel vm15, $0x0, v28  }
0x204: {  	(xrf0) =	vadd.scan.msk.s32 $0xffff, v29;
	_ =	sdelay $0x1  }
0x205: {  	v30, _, _ =	vpop (xrf0)  }
0x206: {  	(v2sf) =	vpush v30, $0xF;
	_ =	sdelay $0x2  }
0x207: {  	v31, _, _ =	vpop (xrf0)  }
0x208: {  	(v2sf) =	vpush v31, $0xF;
	_ =	sdelay $0xa  }
0x209: {  	s22 =	spop (v2sf)  }
0x20a: {  	s21 =	sand.u32 $0xFFFFF80, s22  }
0x20b: {  	s21 =	sadd.s32 s1, s21  }
0x20c: {  	[tilespmem:s23], [sflag:$0x6] =	stream.strided.gather [hbm4b:s21+s11], $0x1000, s12, s11, $0x38;
	[tilespmem:$0x10600] =	vst v63  }
0x20d: {  	s23 =	spop (v2sf)  }
0x20e: {  	s21 =	sand.u32 $0xFFFFF80, s23  }
0x20f: {  	s21 =	sadd.s32 s3, s21  }
0x210: {  	[tilespmem:s24], [sflag:$0xE] =	stream.strided.gather [hbm4b:s21+s11], $0x1000, s12, s11, $0x38;
	[tilespmem:$0x10600] =	vst v63  }
0x211: {  	_ =	swait.ge [sflag:s14], $0x1000  }
0x212: {  	[sflag:s14] =	ssyncset.done $0x0  }
0x213: {  	[sflag:s14] =	ssyncadd.s32 $0xFFFFF000  }
0x214: {  	_ =	swait.ge [sflag:s15], $0x1000  }
0x215: {  	[sflag:s15] =	ssyncset.done $0x0  }
0x216: {  	[sflag:s15] =	ssyncadd.s32 $0xFFFFF000  }
0x217: {  	v32 =	vld [tilespmem:s20+$0x0]  }
0x218: {  	s21 =	sadd.s32 $0x6, s18  }
0x219: {  	s24 =	sand.u32 $0xE, s21;
	v33 =	vld [tilespmem:s20+$0x200]  }
0x21a: {  	v34 =	vmov s24  }
0x21b: {  	vm15 =	veq.s32 v34, v1  }
0x21c: {  	v12 =	vnsel vm15, $0x0, v32  }
0x21d: {  	(xrf0) =	vadd.scan.msk.s32 $0xffff, v12  }
0x21e: {  	v35 =	vnsel vm15, $0x0, v33  }
0x21f: {  	(xrf0) =	vadd.scan.msk.s32 $0xffff, v35;
	_ =	sdelay $0x3  }
0x220: {  	v36, _, _ =	vpop (xrf0)  }
0x221: {  	(v2sf) =	vpush v36, $0xF  }
0x222: {  	v37, _, _ =	vpop (xrf0)  }
0x223: {  	(v2sf) =	vpush v37, $0xF;
	_ =	sdelay $0xc  }
0x224: {  	s23 =	spop (v2sf)  }
0x225: {  	s22 =	sand.u32 $0x7F, s23  }
0x226: {  	s24 =	spop (v2sf);
	v38 =	vor.u32 s22, v2  }
0x227: {  	v39 =	vor.u32 s22, v3;
	s24 =	sand.u32 $0x7F, s24  }
0x228: {  	v40 =	vor.u32 s24, v2  }
0x229: {  	v41 =	vor.u32 s24, v3;
	_ =	sdelay $0x1  }
0x22a: {  	v12 =	vld.idx.msk [tilespmem:v38+s25+$0x0], $0xffff  }
0x22b: {  	v13 =	vld.idx.msk [tilespmem:v39+s25+$0x0], $0xffff  }
0x22c: {  	v14 =	vld.idx.msk [tilespmem:v40+s26+$0x0], $0xffff  }
0x22d: {  	v15 =	vld.idx.msk [tilespmem:v41+s26+$0x0], $0xffff  }
0x22e: {  	v42 =	vmov s21  }
0x22f: {  	v16 =	vand.u32 $0xFFFFFFFE, v42  }
0x230: {  	v16 =	vbroadcast v16, $0x0;
	_ =	sdelay $0x1  }
0x231: {  	v12 =	vmul.f32 v14, v12;
	v13 =	vmul.f32 v15, v13;
	_ =	sdelay $0x1  }
0x232: {  	v12 =	vadd.f32 v13, v12  }
0x233: {  	s23 =	sadd.s32 $0xE, s18  }
0x234: {  	s24 =	sand.u32 $0x3F0, s23;
	[tilespmem:v16+s11+$0x0] =	vst.idx.add.f32.msk $0xffff, v12  }
0x235: {  	v12 =	vld [tilespmem:s24+$0x0];
	_ =	sdelay $0x1  }
0x236: {  	s21 =	sand.u32 $0xE, s23;
	v44 =	vld [tilespmem:s24+$0x200]  }
0x237: {  	v43 =	vmov s21  }
0x238: {  	vm15 =	veq.s32 v43, v1  }
0x239: {  	v12 =	vnsel vm15, $0x0, v12  }
0x23a: {  	(xrf0) =	vadd.scan.msk.s32 $0xffff, v12  }
0x23b: {  	v45 =	vnsel vm15, $0x0, v44  }
0x23c: {  	(xrf0) =	vadd.scan.msk.s32 $0xffff, v45;
	_ =	sdelay $0x3  }
0x23d: {  	v46, _, _ =	vpop (xrf0)  }
0x23e: {  	(v2sf) =	vpush v46, $0xF  }
0x23f: {  	v47, _, _ =	vpop (xrf0)  }
0x240: {  	(v2sf) =	vpush v47, $0xF;
	_ =	sdelay $0xc  }
0x241: {  	s22 =	spop (v2sf)  }
0x242: {  	s21 =	sand.u32 $0xFFFFF80, s22  }
0x243: {  	s23 =	spop (v2sf);
	s21 =	sadd.s32 s1, s21  }
0x244: {  	[tilespmem:s25], [sflag:$0x7] =	stream.strided.gather [hbm4b:s21+s11], $0x1000, s12, s11, $0x38;
	[tilespmem:$0x10600] =	vst v63  }
0x245: {  	s21 =	sand.u32 $0xFFFFF80, s23  }
0x246: {  	s21 =	sadd.s32 s3, s21  }
0x247: {  	[tilespmem:s26], [sflag:$0xF] =	stream.strided.gather [hbm4b:s21+s11], $0x1000, s12, s11, $0x38;
	[tilespmem:$0x10600] =	vst v63  }
0x248: {  	_ =	swait.ge [sflag:s16], $0x1000  }
0x249: {  	[sflag:s16] =	ssyncset.done $0x0  }
0x24a: {  	[sflag:s16] =	ssyncadd.s32 $0xFFFFF000  }
0x24b: {  	_ =	swait.ge [sflag:s17], $0x1000  }
0x24c: {  	[sflag:s17] =	ssyncset.done $0x0  }
0x24d: {  	[sflag:s17] =	ssyncadd.s32 $0xFFFFF000  }
0x24e: {  	v48 =	vld [tilespmem:s20+$0x0]  }
0x24f: {  	s21 =	sadd.s32 $0x7, s18  }
0x250: {  	s24 =	sand.u32 $0xF, s21;
	v49 =	vld [tilespmem:s20+$0x200]  }
0x251: {  	v50 =	vmov s24  }
0x252: {  	vm15 =	veq.s32 v50, v1  }
0x253: {  	v12 =	vnsel vm15, $0x0, v48  }
0x254: {  	(xrf0) =	vadd.scan.msk.s32 $0xffff, v12  }
0x255: {  	v51 =	vnsel vm15, $0x0, v49  }
0x256: {  	(xrf0) =	vadd.scan.msk.s32 $0xffff, v51;
	_ =	sdelay $0x3  }
0x257: {  	v52, _, _ =	vpop (xrf0)  }
0x258: {  	(v2sf) =	vpush v52, $0xF  }
0x259: {  	v53, _, _ =	vpop (xrf0)  }
0x25a: {  	(v2sf) =	vpush v53, $0xF;
	_ =	sdelay $0xc  }
0x25b: {  	s22 =	spop (v2sf)  }
0x25c: {  	s20 =	sand.u32 $0x7F, s22  }
0x25d: {  	s23 =	spop (v2sf);
	v54 =	vor.u32 s20, v2  }
0x25e: {  	v55 =	vor.u32 s20, v3;
	s24 =	sand.u32 $0x7F, s23  }
0x25f: {  	v56 =	vor.u32 s24, v2  }
0x260: {  	v57 =	vor.u32 s24, v3;
	_ =	sdelay $0x1  }
0x261: {  	v12 =	vld.idx.msk [tilespmem:v54+s28+$0x0], $0xffff  }
0x262: {  	v13 =	vld.idx.msk [tilespmem:v55+s28+$0x0], $0xffff  }
0x263: {  	v14 =	vld.idx.msk [tilespmem:v56+s29+$0x0], $0xffff  }
0x264: {  	v15 =	vld.idx.msk [tilespmem:v57+s29+$0x0], $0xffff;
	_ =	sdelay $0x3  }
0x265: {  	v58 =	vmov s21  }
0x266: {  	v12 =	vmul.f32 v14, v12;
	v13 =	vmul.f32 v15, v13;
	_ =	sdelay $0x1  }
0x267: {  	v12 =	vadd.f32 v13, v12  }
0x268: {  	s21 =	sadd.s32 $0xF, s18  }
0x269: {  	s22 =	sand.u32 $0x3F0, s21;
	[tilespmem:v58+s11+$0x0] =	vst.idx.add.f32.msk $0xffff, v12  }
0x26a: {  	v12 =	vld [tilespmem:s22+$0x0];
	_ =	sdelay $0x1  }
0x26b: {  	s20 =	sand.u32 $0xF, s21;
	v60 =	vld [tilespmem:s22+$0x200]  }
0x26c: {  	v59 =	vmov s20  }
0x26d: {  	vm15 =	veq.s32 v59, v1  }
0x26e: {  	v12 =	vnsel vm15, $0x0, v12  }
0x26f: {  	(xrf0) =	vadd.scan.msk.s32 $0xffff, v12  }
0x270: {  	v61 =	vnsel vm15, $0x0, v60  }
0x271: {  	(xrf0) =	vadd.scan.msk.s32 $0xffff, v61;
	_ =	sdelay $0x3  }
0x272: {  	v62, _, _ =	vpop (xrf0)  }
0x273: {  	(v2sf) =	vpush v62, $0xF  }
0x274: {  	v63, _, _ =	vpop (xrf0)  }
0x275: {  	(v2sf) =	vpush v63, $0xF;
	_ =	sdelay $0xc  }
0x276: {  	s23 =	spop (v2sf)  }
0x277: {  	p0 =	sne.s32 s18, $0x1F0;
	s20 =	sand.u32 $0xFFFFF80, s23  }
.Ltmp0:
0x278: {  	s24 =	spop (v2sf);
	s20 =	sadd.s32 s1, s20;
	(pc) =	sbr.rel @p0 .LBB2_2-.Ltmp0, $4  }
0x279: {  	[tilespmem:s28], [sflag:$0x8] =	stream.strided.gather [hbm4b:s20+s11], $0x1000, s12, s11, $0x38;
	[tilespmem:$0x10600] =	vst v63  }
0x27a: {  	s20 =	sand.u32 $0xFFFFF80, s24  }
0x27b: {  	s18 =	smov.u32 s19;
	s20 =	sadd.s32 s3, s20  }
0x27c: {  	[tilespmem:s29], [sflag:$0x10] =	stream.strided.gather [hbm4b:s20+s11], $0x1000, s12, s11, $0x38;
	[tilespmem:$0x10600] =	vst v63  }
0x27d: {  	_ =	swait.ge [sflag:s30], $0x1000  }
0x27e: {  	[sflag:s30] =	ssyncset.done $0x0  }
0x27f: {  	[sflag:s30] =	ssyncadd.s32 $0xFFFFF000  }
0x280: {  	_ =	swait.ge [sflag:s31], $0x1000  }
0x281: {  	[sflag:s31] =	ssyncset.done $0x0  }
0x282: {  	[sflag:s31] =	ssyncadd.s32 $0xFFFFF000  }
0x283: {  	v12 =	vld [tilespmem:$0x1F0];
	_ =	sdelay $0x1  }
0x284: {  	v13 =	vld [tilespmem:$0x3F0];
	_ =	sdelay $0x2  }
0x285: {  	v12 =	vsel vm8, $0x0, v12  }
0x286: {  	(xrf0) =	vadd.scan.msk.s32 $0xffff, v12  }
0x287: {  	v42 =	vsel vm8, $0x0, v13  }
0x288: {  	(xrf0) =	vadd.scan.msk.s32 $0xffff, v42;
	_ =	sdelay $0x3  }
0x289: {  	v43, _, _ =	vpop (xrf0)  }
0x28a: {  	(v2sf) =	vpush v43, $0xF  }
0x28b: {  	v44, _, _ =	vpop (xrf0)  }
0x28c: {  	(v2sf) =	vpush v44, $0xF;
	_ =	sdelay $0xc  }
0x28d: {  	s18 =	spop (v2sf)  }
0x28e: {  	s18 =	sand.u32 $0x7F, s18  }
0x28f: {  	s19 =	spop (v2sf);
	v45 =	vor.u32 s18, v2  }
0x290: {  	s19 =	sand.u32 $0x7F, s19;
	v46 =	vor.u32 s18, v3  }
0x291: {  	v14 =	vor.u32 s19, v2  }
0x292: {  	v15 =	vor.u32 s19, v3  }
0x293: {  	s19 =	simm.s32 $0x600  }
0x294: {  	v12 =	vld.idx.msk [tilespmem:v45+s19+$0x0], $0xffff  }
0x295: {  	s20 =	simm.s32 $0x8600;
	v13 =	vld.idx.msk [tilespmem:v46+s19+$0x0], $0xffff  }
0x296: {  	v14 =	vld.idx.msk [tilespmem:v14+s20+$0x0], $0xffff  }
0x297: {  	v15 =	vld.idx.msk [tilespmem:v15+s20+$0x0], $0xffff;
	_ =	sdelay $0x4  }
0x298: {  	v12 =	vmul.f32 v14, v12;
	v13 =	vmul.f32 v15, v13;
	_ =	sdelay $0x1  }
0x299: {  	v12 =	vadd.f32 v13, v12;
	_ =	sdelay $0x1  }
0x29a: {  	[tilespmem:v4+s11+$0x0] =	vst.idx.add.f32.msk $0xffff, v12  }
0x29b: {  	_ =	swait.ge [sflag:s0], $0x1000  }
0x29c: {  	[sflag:s0] =	ssyncset.done $0x0  }
0x29d: {  	[sflag:s0] =	ssyncadd.s32 $0xFFFFF000  }
0x29e: {  	_ =	swait.ge [sflag:s2], $0x1000  }
0x29f: {  	[sflag:s2] =	ssyncset.done $0x0  }
0x2a0: {  	[sflag:s2] =	ssyncadd.s32 $0xFFFFF000  }
0x2a1: {  	v47 =	vld [tilespmem:$0x1F0];
	_ =	sdelay $0x1  }
0x2a2: {  	v48 =	vld [tilespmem:$0x3F0];
	_ =	sdelay $0x2  }
0x2a3: {  	v12 =	vsel vm9, $0x0, v47  }
0x2a4: {  	(xrf0) =	vadd.scan.msk.s32 $0xffff, v12  }
0x2a5: {  	v49 =	vsel vm9, $0x0, v48  }
0x2a6: {  	(xrf0) =	vadd.scan.msk.s32 $0xffff, v49;
	_ =	sdelay $0x3  }
0x2a7: {  	v50, _, _ =	vpop (xrf0)  }
0x2a8: {  	(v2sf) =	vpush v50, $0xF  }
0x2a9: {  	v51, _, _ =	vpop (xrf0)  }
0x2aa: {  	(v2sf) =	vpush v51, $0xF;
	_ =	sdelay $0xc  }
0x2ab: {  	s21 =	spop (v2sf)  }
0x2ac: {  	s18 =	sand.u32 $0x7F, s21  }
0x2ad: {  	s22 =	spop (v2sf);
	v52 =	vor.u32 s18, v2  }
0x2ae: {  	s19 =	sand.u32 $0x7F, s22;
	v53 =	vor.u32 s18, v3  }
0x2af: {  	v54 =	vor.u32 s19, v2  }
0x2b0: {  	v55 =	vor.u32 s19, v3  }
0x2b1: {  	s23 =	simm.s32 $0x1600  }
0x2b2: {  	v12 =	vld.idx.msk [tilespmem:v52+s23+$0x0], $0xffff  }
0x2b3: {  	s24 =	simm.s32 $0x9600;
	v13 =	vld.idx.msk [tilespmem:v53+s23+$0x0], $0xffff  }
0x2b4: {  	v14 =	vld.idx.msk [tilespmem:v54+s24+$0x0], $0xffff  }
0x2b5: {  	v15 =	vld.idx.msk [tilespmem:v55+s24+$0x0], $0xffff;
	_ =	sdelay $0x4  }
0x2b6: {  	v12 =	vmul.f32 v14, v12;
	v13 =	vmul.f32 v15, v13;
	_ =	sdelay $0x1  }
0x2b7: {  	v12 =	vadd.f32 v13, v12;
	_ =	sdelay $0x1  }
0x2b8: {  	[tilespmem:v5+s11+$0x0] =	vst.idx.add.f32.msk $0xffff, v12  }
0x2b9: {  	_ =	swait.ge [sflag:s10], $0x1000  }
0x2ba: {  	[sflag:s10] =	ssyncset.done $0x0  }
0x2bb: {  	[sflag:s10] =	ssyncadd.s32 $0xFFFFF000  }
0x2bc: {  	_ =	swait.ge [sflag:s5], $0x1000  }
0x2bd: {  	[sflag:s5] =	ssyncset.done $0x0  }
0x2be: {  	[sflag:s5] =	ssyncadd.s32 $0xFFFFF000  }
0x2bf: {  	v56 =	vld [tilespmem:$0x1F0];
	_ =	sdelay $0x1  }
0x2c0: {  	v57 =	vld [tilespmem:$0x3F0];
	_ =	sdelay $0x2  }
0x2c1: {  	v12 =	vsel vm10, $0x0, v56  }
0x2c2: {  	(xrf0) =	vadd.scan.msk.s32 $0xffff, v12  }
0x2c3: {  	v58 =	vsel vm10, $0x0, v57  }
0x2c4: {  	(xrf0) =	vadd.scan.msk.s32 $0xffff, v58;
	_ =	sdelay $0x3  }
0x2c5: {  	v59, _, _ =	vpop (xrf0)  }
0x2c6: {  	(v2sf) =	vpush v59, $0xF  }
0x2c7: {  	v60, _, _ =	vpop (xrf0)  }
0x2c8: {  	(v2sf) =	vpush v60, $0xF;
	_ =	sdelay $0xc  }
0x2c9: {  	s19 =	spop (v2sf)  }
0x2ca: {  	s18 =	sand.u32 $0x7F, s19  }
0x2cb: {  	s20 =	spop (v2sf);
	v61 =	vor.u32 s18, v2  }
0x2cc: {  	s19 =	sand.u32 $0x7F, s20;
	v62 =	vor.u32 s18, v3  }
0x2cd: {  	v63 =	vor.u32 s19, v2  }
0x2ce: {  	v18 =	vor.u32 s19, v3  }
0x2cf: {  	s21 =	simm.s32 $0x2600  }
0x2d0: {  	v12 =	vld.idx.msk [tilespmem:v61+s21+$0x0], $0xffff  }
0x2d1: {  	s22 =	simm.s32 $0xA600;
	v13 =	vld.idx.msk [tilespmem:v62+s21+$0x0], $0xffff  }
0x2d2: {  	v14 =	vld.idx.msk [tilespmem:v63+s22+$0x0], $0xffff  }
0x2d3: {  	v15 =	vld.idx.msk [tilespmem:v18+s22+$0x0], $0xffff;
	_ =	sdelay $0x4  }
0x2d4: {  	v12 =	vmul.f32 v14, v12;
	v13 =	vmul.f32 v15, v13;
	_ =	sdelay $0x1  }
0x2d5: {  	v12 =	vadd.f32 v13, v12;
	_ =	sdelay $0x1  }
0x2d6: {  	[tilespmem:v6+s11+$0x0] =	vst.idx.add.f32.msk $0xffff, v12  }
0x2d7: {  	_ =	swait.ge [sflag:s6], $0x1000  }
0x2d8: {  	[sflag:s6] =	ssyncset.done $0x0  }
0x2d9: {  	[sflag:s6] =	ssyncadd.s32 $0xFFFFF000  }
0x2da: {  	_ =	swait.ge [sflag:s7], $0x1000  }
0x2db: {  	[sflag:s7] =	ssyncset.done $0x0  }
0x2dc: {  	[sflag:s7] =	ssyncadd.s32 $0xFFFFF000  }
0x2dd: {  	v19 =	vld [tilespmem:$0x1F0];
	_ =	sdelay $0x1  }
0x2de: {  	v20 =	vld [tilespmem:$0x3F0];
	_ =	sdelay $0x2  }
0x2df: {  	v12 =	vsel vm11, $0x0, v19  }
0x2e0: {  	(xrf0) =	vadd.scan.msk.s32 $0xffff, v12  }
0x2e1: {  	v21 =	vsel vm11, $0x0, v20  }
0x2e2: {  	(xrf0) =	vadd.scan.msk.s32 $0xffff, v21;
	_ =	sdelay $0x3  }
0x2e3: {  	v22, _, _ =	vpop (xrf0)  }
0x2e4: {  	(v2sf) =	vpush v22, $0xF  }
0x2e5: {  	v23, _, _ =	vpop (xrf0)  }
0x2e6: {  	(v2sf) =	vpush v23, $0xF;
	_ =	sdelay $0xc  }
0x2e7: {  	s23 =	spop (v2sf)  }
0x2e8: {  	s18 =	sand.u32 $0x7F, s23  }
0x2e9: {  	s24 =	spop (v2sf);
	v24 =	vor.u32 s18, v2  }
0x2ea: {  	s19 =	sand.u32 $0x7F, s24;
	v25 =	vor.u32 s18, v3  }
0x2eb: {  	v26 =	vor.u32 s19, v2  }
0x2ec: {  	v27 =	vor.u32 s19, v3  }
0x2ed: {  	s20 =	simm.s32 $0x3600  }
0x2ee: {  	v12 =	vld.idx.msk [tilespmem:v24+s20+$0x0], $0xffff  }
0x2ef: {  	s21 =	simm.s32 $0xB600;
	v13 =	vld.idx.msk [tilespmem:v25+s20+$0x0], $0xffff  }
0x2f0: {  	v14 =	vld.idx.msk [tilespmem:v26+s21+$0x0], $0xffff  }
0x2f1: {  	v15 =	vld.idx.msk [tilespmem:v27+s21+$0x0], $0xffff;
	_ =	sdelay $0x4  }
0x2f2: {  	v12 =	vmul.f32 v14, v12;
	v13 =	vmul.f32 v15, v13;
	_ =	sdelay $0x1  }
0x2f3: {  	v12 =	vadd.f32 v13, v12;
	_ =	sdelay $0x1  }
0x2f4: {  	[tilespmem:v7+s11+$0x0] =	vst.idx.add.f32.msk $0xffff, v12  }
0x2f5: {  	_ =	swait.ge [sflag:s8], $0x1000  }
0x2f6: {  	[sflag:s8] =	ssyncset.done $0x0  }
0x2f7: {  	[sflag:s8] =	ssyncadd.s32 $0xFFFFF000  }
0x2f8: {  	_ =	swait.ge [sflag:s4], $0x1000  }
0x2f9: {  	[sflag:s4] =	ssyncset.done $0x0  }
0x2fa: {  	[sflag:s4] =	ssyncadd.s32 $0xFFFFF000  }
0x2fb: {  	v28 =	vld [tilespmem:$0x1F0];
	_ =	sdelay $0x1  }
0x2fc: {  	v29 =	vld [tilespmem:$0x3F0];
	_ =	sdelay $0x2  }
0x2fd: {  	v12 =	vsel vm12, $0x0, v28  }
0x2fe: {  	(xrf0) =	vadd.scan.msk.s32 $0xffff, v12  }
0x2ff: {  	v30 =	vsel vm12, $0x0, v29  }
0x300: {  	(xrf0) =	vadd.scan.msk.s32 $0xffff, v30;
	_ =	sdelay $0x3  }
0x301: {  	v31, _, _ =	vpop (xrf0)  }
0x302: {  	(v2sf) =	vpush v31, $0xF  }
0x303: {  	v32, _, _ =	vpop (xrf0)  }
0x304: {  	(v2sf) =	vpush v32, $0xF;
	_ =	sdelay $0xc  }
0x305: {  	s22 =	spop (v2sf)  }
0x306: {  	s18 =	sand.u32 $0x7F, s22  }
0x307: {  	s23 =	spop (v2sf);
	v33 =	vor.u32 s18, v2  }
0x308: {  	s19 =	sand.u32 $0x7F, s23;
	v34 =	vor.u32 s18, v3  }
0x309: {  	v35 =	vor.u32 s19, v2  }
0x30a: {  	v36 =	vor.u32 s19, v3  }
0x30b: {  	s24 =	simm.s32 $0x4600  }
0x30c: {  	v12 =	vld.idx.msk [tilespmem:v33+s24+$0x0], $0xffff  }
0x30d: {  	s19 =	simm.s32 $0xC600;
	v13 =	vld.idx.msk [tilespmem:v34+s24+$0x0], $0xffff  }
0x30e: {  	v14 =	vld.idx.msk [tilespmem:v35+s19+$0x0], $0xffff  }
0x30f: {  	v15 =	vld.idx.msk [tilespmem:v36+s19+$0x0], $0xffff;
	_ =	sdelay $0x4  }
0x310: {  	v12 =	vmul.f32 v14, v12;
	v13 =	vmul.f32 v15, v13;
	_ =	sdelay $0x1  }
0x311: {  	v12 =	vadd.f32 v13, v12;
	_ =	sdelay $0x1  }
0x312: {  	[tilespmem:v8+s11+$0x0] =	vst.idx.add.f32.msk $0xffff, v12  }
0x313: {  	_ =	swait.ge [sflag:s9], $0x1000  }
0x314: {  	[sflag:s9] =	ssyncset.done $0x0  }
0x315: {  	[sflag:s9] =	ssyncadd.s32 $0xFFFFF000  }
0x316: {  	_ =	swait.ge [sflag:s13], $0x1000  }
0x317: {  	[sflag:s13] =	ssyncset.done $0x0  }
0x318: {  	[sflag:s13] =	ssyncadd.s32 $0xFFFFF000  }
0x319: {  	v37 =	vld [tilespmem:$0x1F0];
	_ =	sdelay $0x1  }
0x31a: {  	v38 =	vld [tilespmem:$0x3F0];
	_ =	sdelay $0x2  }
0x31b: {  	v12 =	vsel vm13, $0x0, v37  }
0x31c: {  	(xrf0) =	vadd.scan.msk.s32 $0xffff, v12  }
0x31d: {  	v39 =	vsel vm13, $0x0, v38  }
0x31e: {  	(xrf0) =	vadd.scan.msk.s32 $0xffff, v39;
	_ =	sdelay $0x3  }
0x31f: {  	v40, _, _ =	vpop (xrf0)  }
0x320: {  	(v2sf) =	vpush v40, $0xF  }
0x321: {  	v41, _, _ =	vpop (xrf0)  }
0x322: {  	(v2sf) =	vpush v41, $0xF;
	_ =	sdelay $0xc  }
0x323: {  	s20 =	spop (v2sf)  }
0x324: {  	s18 =	sand.u32 $0x7F, s20  }
0x325: {  	s21 =	spop (v2sf);
	v42 =	vor.u32 s18, v2  }
0x326: {  	s19 =	sand.u32 $0x7F, s21;
	v43 =	vor.u32 s18, v3  }
0x327: {  	v44 =	vor.u32 s19, v2  }
0x328: {  	v45 =	vor.u32 s19, v3  }
0x329: {  	s22 =	simm.s32 $0x5600  }
0x32a: {  	v12 =	vld.idx.msk [tilespmem:v42+s22+$0x0], $0xffff  }
0x32b: {  	s19 =	simm.s32 $0xD600;
	v13 =	vld.idx.msk [tilespmem:v43+s22+$0x0], $0xffff  }
0x32c: {  	v14 =	vld.idx.msk [tilespmem:v44+s19+$0x0], $0xffff  }
0x32d: {  	v15 =	vld.idx.msk [tilespmem:v45+s19+$0x0], $0xffff;
	_ =	sdelay $0x4  }
0x32e: {  	v12 =	vmul.f32 v14, v12;
	v13 =	vmul.f32 v15, v13;
	_ =	sdelay $0x1  }
0x32f: {  	v12 =	vadd.f32 v13, v12;
	_ =	sdelay $0x1  }
0x330: {  	[tilespmem:v9+s11+$0x0] =	vst.idx.add.f32.msk $0xffff, v12  }
0x331: {  	_ =	swait.ge [sflag:s14], $0x1000  }
0x332: {  	[sflag:s14] =	ssyncset.done $0x0  }
0x333: {  	[sflag:s14] =	ssyncadd.s32 $0xFFFFF000  }
0x334: {  	_ =	swait.ge [sflag:s15], $0x1000  }
0x335: {  	[sflag:s15] =	ssyncset.done $0x0  }
0x336: {  	[sflag:s15] =	ssyncadd.s32 $0xFFFFF000  }
0x337: {  	v46 =	vld [tilespmem:$0x1F0];
	_ =	sdelay $0x1  }
0x338: {  	v47 =	vld [tilespmem:$0x3F0];
	_ =	sdelay $0x2  }
0x339: {  	v12 =	vsel vm14, $0x0, v46  }
0x33a: {  	(xrf0) =	vadd.scan.msk.s32 $0xffff, v12  }
0x33b: {  	v48 =	vsel vm14, $0x0, v47  }
0x33c: {  	(xrf0) =	vadd.scan.msk.s32 $0xffff, v48;
	_ =	sdelay $0x3  }
0x33d: {  	v49, _, _ =	vpop (xrf0)  }
0x33e: {  	(v2sf) =	vpush v49, $0xF  }
0x33f: {  	v50, _, _ =	vpop (xrf0)  }
0x340: {  	(v2sf) =	vpush v50, $0xF;
	_ =	sdelay $0xc  }
0x341: {  	s20 =	spop (v2sf)  }
0x342: {  	s18 =	sand.u32 $0x7F, s20  }
0x343: {  	s21 =	spop (v2sf);
	v51 =	vor.u32 s18, v2  }
0x344: {  	s19 =	sand.u32 $0x7F, s21;
	v52 =	vor.u32 s18, v3  }
0x345: {  	v53 =	vor.u32 s19, v2  }
0x346: {  	v54 =	vor.u32 s19, v3;
	_ =	sdelay $0x1  }
0x347: {  	v12 =	vld.idx.msk [tilespmem:v51+s25+$0x0], $0xffff  }
0x348: {  	v13 =	vld.idx.msk [tilespmem:v52+s25+$0x0], $0xffff  }
0x349: {  	v14 =	vld.idx.msk [tilespmem:v53+s26+$0x0], $0xffff  }
0x34a: {  	v15 =	vld.idx.msk [tilespmem:v54+s26+$0x0], $0xffff;
	_ =	sdelay $0x4  }
0x34b: {  	v12 =	vmul.f32 v14, v12;
	v13 =	vmul.f32 v15, v13;
	_ =	sdelay $0x1  }
0x34c: {  	v12 =	vadd.f32 v13, v12;
	_ =	sdelay $0x1  }
0x34d: {  	[tilespmem:v10+s11+$0x0] =	vst.idx.add.f32.msk $0xffff, v12  }
0x34e: {  	_ =	swait.ge [sflag:s16], $0x1000  }
0x34f: {  	[sflag:s16] =	ssyncset.done $0x0  }
0x350: {  	[sflag:s16] =	ssyncadd.s32 $0xFFFFF000  }
0x351: {  	_ =	swait.ge [sflag:s17], $0x1000  }
0x352: {  	[sflag:s17] =	ssyncset.done $0x0  }
0x353: {  	[sflag:s17] =	ssyncadd.s32 $0xFFFFF000  }
0x354: {  	v55 =	vld [tilespmem:$0x1F0];
	_ =	sdelay $0x1  }
0x355: {  	v56 =	vld [tilespmem:$0x3F0];
	_ =	sdelay $0x1  }
0x356: {  	vm15 =	vmmov $0x7fff  }
0x357: {  	v12 =	vsel vm15, $0x0, v55  }
0x358: {  	(xrf0) =	vadd.scan.msk.s32 $0xffff, v12  }
0x359: {  	v57 =	vsel vm15, $0x0, v56  }
0x35a: {  	(xrf0) =	vadd.scan.msk.s32 $0xffff, v57;
	_ =	sdelay $0x3  }
0x35b: {  	v58, _, _ =	vpop (xrf0)  }
0x35c: {  	(v2sf) =	vpush v58, $0xF  }
0x35d: {  	v59, _, _ =	vpop (xrf0)  }
0x35e: {  	(v2sf) =	vpush v59, $0xF;
	_ =	sdelay $0xc  }
0x35f: {  	s20 =	spop (v2sf)  }
0x360: {  	s18 =	sand.u32 $0x7F, s20  }
0x361: {  	s21 =	spop (v2sf);
	v60 =	vor.u32 s18, v2  }
0x362: {  	v61 =	vor.u32 s18, v3;
	s20 =	sand.u32 $0x7F, s21  }
0x363: {  	v62 =	vor.u32 s20, v2  }
0x364: {  	v63 =	vor.u32 s20, v3;
	_ =	sdelay $0x1  }
0x365: {  	v12 =	vld.idx.msk [tilespmem:v60+s28+$0x0], $0xffff  }
0x366: {  	v13 =	vld.idx.msk [tilespmem:v61+s28+$0x0], $0xffff  }
0x367: {  	v14 =	vld.idx.msk [tilespmem:v62+s29+$0x0], $0xffff  }
0x368: {  	v15 =	vld.idx.msk [tilespmem:v63+s29+$0x0], $0xffff;
	_ =	sdelay $0x4  }
0x369: {  	v12 =	vmul.f32 v14, v12;
	v13 =	vmul.f32 v15, v13;
	_ =	sdelay $0x1  }
0x36a: {  	v12 =	vadd.f32 v13, v12;
	_ =	sdelay $0x1  }
0x36b: {  	s18 =	simm.s32 $0x0;
	s21 =	rddreg [dreg:$0x8];
	s20 =	simm.s32 $0x11;
	[tilespmem:v11+s11+$0x0] =	vst.idx.add.f32.msk $0xffff, v12  }
0x36c: {  	[hbm4b:s21+s18] =	stream.linear.scatter [tilespmem:s11], [sflag:$0x11], $0x200, $0x38;
	[tilespmem:$0x10600] =	vst v63  }
0x36d: {  	_ =	swait.ge [sflag:s20], $0x200  }
0x36e: {  	s21 =	rddreg [dreg:$0xa]  }
0x36f: {  	s19 =	rddreg [dreg:$0x9];
	s21 =	sadd.s32 $0x1, s21  }
0x370: {  	p0 =	sne.s32 s21, s19  }
.Ltmp1:
0x371: {  	_ = 	snop;
	(pc) =	sbr.rel @p0 .LBB2_1-.Ltmp1, $3  }
0x372: {  	_ =	sdelay $0x1  }
0x373: {  	s23 =	simm.s32 $0xC600;
	[sflag:s20] =	ssyncset.done $0x0  }
0x374: {  	s24 =	simm.s32 $0x5600;
	s22 =	simm.s32 $0xD600;
	[sflag:s20] =	ssyncadd.s32 $0xFFFFFE00  }
0x375: {  	_ =	sfence.sel $0x180000  }
0x376: {  	[bflag:$0x0] =	sbarrier.arrive $0xFFFF  }
0x377: {  	_ =	strace $0x90000047  }
0x378: {  	s0 =	stileid.u32;
	[bflag:$0x2] =	sbarrier.arrive $0xFFFF  }
0x379: {  	p0 =	sne.s32 s0, $0x0;
	s0 =	rddreg [dreg:$0x5]  }
0x37a: {  	s0 =	sadd.s32 @!p0 $0x100000, s0  }
0x37b: {  	[sflag:s0] =	ssyncadd.tile.s32 @!p0 $0x1;
	_ =	shalt  }
.Lfunc_end2:
_tile_overlayer_lowered:
.L_overlay_start_2:
0x37c: {  	(tag) =	ssettag $0x2  }
0x37d: {  	s0 =	rddreg [dreg:$0x0];
	s2 =	stileid.u32  }
0x37e: {  	s1 =	rddreg [dreg:$0x1];
	p0 =	sne.s32 s2, $0x0  }
0x37f: {  	s3 =	rddreg [dreg:$0x2];
	[bflag:$0x3] =	sbarrier.arrive $0xFFFF;
	s2 =	simm.s32 @!p0 $0x1C11  }
0x380: {  	[timem:s3], [sflag:s2] =	dma.local @!p0 [hbm:s0], s1  }
0x381: {  	s0 =	simm.s32 @!p0 $0x11  }
0x382: {  	_ =	swait.ge @!p0 [sflag:s0], s1  }
0x383: {  	s1 =	ssub.s32 @!p0 $0x0, s1;
	[sflag:s0] =	ssyncset.done @!p0 $0x0  }
0x384: {  	[sflag:s0] =	ssyncadd.s32 @!p0 s1  }
0x385: {  	[bflag:$0x3] =	sbarrier.arrive $0xFFFF  }
0x386: {  	_ =	shalt  }

// kernel: kernel.7.cloned.1.call-start
scs
__scs_entry_jumppad:
0x0: {  	(pc) =	sbr.rel $0x88, $3  }
0x1: {  	(tag) =	ssettag $0x0;
	lr =	simm.s32 $0x1  }
0x2: {  	[smem:$0x3F9B] =	sst lr;
	_ =	strace $0xD0000000  }
0x3: {  	_ = 	snop  }
0x4: {  	_ = 	snop  }
0x5: {  	_ = 	snop  }
0x6: {  	_ = 	snop  }
0x7: {  	_ = 	snop  }
__scs_overlays_trampoline_lowered:
0x8: {  	[smem:$0x3FAA] =	sst s0  }
0x9: {  	[smem:$0x3FAB] =	sst s1  }
0xa: {  	[smem:$0x3FAC] =	sst s2  }
0xb: {  	[smem:$0x3FAD] =	sst s3  }
0xc: {  	[smem:$0x3FAE] =	sst s4  }
0xd: {  	[smem:$0x3FAF] =	sst s5  }
0xe: {  	[smem:$0x3FB0] =	sst s6  }
0xf: {  	[smem:$0x3FB1] =	sst s7  }
0x10: {  	[smem:$0x3FB2] =	sst s8  }
0x11: {  	[smem:$0x3FB3] =	sst s9;
	s0 =	simm.s32 @!p0 $0x0  }
0x12: {  	s1 =	sld [smem:$0x3F99];
	s0 =	simm.s32 @p0 $0x1  }
0x13: {  	[smem:$0x3FB4] =	sst s0;
	s0 =	simm.s32 @!p1 $0x0  }
0x14: {  	s2 =	sld [smem:$0x3F98];
	s0 =	simm.s32 @p1 $0x1  }
0x15: {  	[smem:$0x3FB5] =	sst s0;
	s0 =	simm.s32 @!p2 $0x0  }
0x16: {  	s3 =	sld [smem:$0x3FDB];
	s0 =	simm.s32 @p2 $0x1  }
0x17: {  	s4 =	simm.s32 $0x1BF5;
	[smem:$0x3FB7] =	sst s0  }
0x18: {  	s0 =	sld [smem:$0x3F9A];
	_ =	swait.ge [sflag:s4], $0x0  }
0x19: {  	s7 =	sld [smem:$0x3F9B]  }
0x1a: {  	s8 =	sadd.s32 $0xFFFFE003, lr  }
0x1b: {  	s9 =	sadd.s32 $0xFFFFFEF7, lr;
	s5 =	simm.s32 $0xFFFFFFFF;
	p2 =	slt.u32 s8, $0xFFFFF086  }
0x1c: {  	p1 =	slt.u32 s9, $0xF7A;
	s5 =	simm.s32 @!p2 $0x0  }
0x1d: {  	s5 =	simm.s32 @p1 $0x1;
	p0 =	seq.s32 s7, s2  }
0x1e: {  	s7 =	smul.u32 @!p0 $0xF7A, s2;
	p2 =	seq.s32 @!p0 s5, $0x0  }
0x1f: {  	s9 =	smul.u32 $0xF7A, s1;
	s8 =	simm.s32 @!p0 $0x1BF5;
	p2 =	por !p2, p0  }
0x20: {  	[sflag:s8] =	ssyncset.s32 @!p0 $0xFFFFF086;
	s6 =	sadd.s32 @!p0 s3, s7;
	s7 =	simm.s32 @!p0 $0x108  }
0x21: {  	s3 =	sadd.s32 s3, s9;
	s6 =	sadd.s32 @!p0 $0x88, s6;
	s7 =	simm.s32 @p2 $0x1082  }
0x22: {  	[simem:s7], [sflag:s8] =	dma.local @!p0 [hbm:s6], $0xF7A  }
0x23: {  	s9 =	sor.u32 $0xD0000000, s2;
	s6 =	simm.s32 $0x108;
	_ =	swait.ge @!p0 [sflag:s8], $0x0  }
0x24: {  	s3 =	sadd.s32 $0x88, s3;
	s6 =	simm.s32 @!p1 $0x1082;
	[sflag:s4] =	ssyncset.s32 $0xFFFFF086  }
0x25: {  	[simem:s6], [sflag:s4] =	dma.local [hbm:s3], $0xF7A  }
0x26: {  	[smem:$0x3F9B] =	sst s1;
	(tag) =	ssettag s2;
	_ =	strace s9  }
0x27: {  	s1 =	sld [smem:$0x3FAB]  }
0x28: {  	s2 =	sld [smem:$0x3FAC]  }
0x29: {  	s4 =	sld [smem:$0x3FAE]  }
0x2a: {  	p0 =	seq.s32 s5, $0x0;
	s5 =	sld [smem:$0x3FAF]  }
0x2b: {  	s6 =	sld [smem:$0x3FB0]  }
0x2c: {  	s7 =	sld [smem:$0x3FB1]  }
0x2d: {  	s3 =	simm.s32 $0x108;
	s8 =	sld [smem:$0x3FB2]  }
0x2e: {  	s3 =	simm.s32 @!p0 $0x1082;
	s9 =	sld [smem:$0x3FB3]  }
0x2f: {  	lr =	sadd.s32 s0, s3;
	s0 =	sld [smem:$0x3FAA]  }
0x30: {  	s3 =	sld [smem:$0x3FAD]  }
0x31: {  	[smem:$0x3FB6] =	sst s10  }
0x32: {  	s10 =	sld [smem:$0x3FB4];
	_ =	sdelay $0x3  }
0x33: {  	p0 =	seq.s32 s10, $0x1;
	s10 =	sld [smem:$0x3FB6];
	_ =	sdelay $0x3  }
0x34: {  	[smem:$0x3FB6] =	sst s10  }
0x35: {  	s10 =	sld [smem:$0x3FB5];
	_ =	sdelay $0x3  }
0x36: {  	p1 =	seq.s32 s10, $0x1;
	s10 =	sld [smem:$0x3FB6];
	_ =	sdelay $0x3  }
0x37: {  	[smem:$0x3FB6] =	sst s10  }
0x38: {  	s10 =	sld [smem:$0x3FB7]  }
0x39: {  	_ = 	snop;
	(pc) =	sbr.ind lr, $3  }
0x3a: {  	_ = 	snop  }
0x3b: {  	_ = 	snop  }
0x3c: {  	p2 =	seq.s32 s10, $0x1;
	s10 =	sld [smem:$0x3FB6]  }
0x3d: {  	_ =	shalt  }
0x3e: {  	_ =	shalt  }
0x3f: {  	_ =	shalt  }
0x40: {  	_ =	shalt  }
0x41: {  	_ =	shalt  }
0x42: {  	_ =	shalt  }
0x43: {  	_ =	shalt  }
0x44: {  	_ =	shalt  }
0x45: {  	_ =	shalt  }
0x46: {  	_ =	shalt  }
0x47: {  	_ =	shalt  }
0x48: {  	_ =	shalt  }
0x49: {  	_ =	shalt  }
0x4a: {  	_ =	shalt  }
0x4b: {  	_ =	shalt  }
0x4c: {  	_ =	shalt  }
0x4d: {  	_ =	shalt  }
0x4e: {  	_ =	shalt  }
0x4f: {  	_ =	shalt  }
0x50: {  	_ =	shalt  }
0x51: {  	_ =	shalt  }
0x52: {  	_ =	shalt  }
0x53: {  	_ =	shalt  }
0x54: {  	_ =	shalt  }
0x55: {  	_ =	shalt  }
0x56: {  	_ =	shalt  }
0x57: {  	_ =	shalt  }
0x58: {  	_ =	shalt  }
0x59: {  	_ =	shalt  }
0x5a: {  	_ =	shalt  }
0x5b: {  	_ =	shalt  }
0x5c: {  	_ =	shalt  }
0x5d: {  	_ =	shalt  }
0x5e: {  	_ =	shalt  }
0x5f: {  	_ =	shalt  }
0x60: {  	_ =	shalt  }
0x61: {  	_ =	shalt  }
0x62: {  	_ =	shalt  }
0x63: {  	_ =	shalt  }
0x64: {  	_ =	shalt  }
0x65: {  	_ =	shalt  }
0x66: {  	_ =	shalt  }
0x67: {  	_ =	shalt  }
0x68: {  	_ =	shalt  }
0x69: {  	_ =	shalt  }
0x6a: {  	_ =	shalt  }
0x6b: {  	_ =	shalt  }
0x6c: {  	_ =	shalt  }
0x6d: {  	_ =	shalt  }
0x6e: {  	_ =	shalt  }
0x6f: {  	_ =	shalt  }
0x70: {  	_ =	shalt  }
0x71: {  	_ =	shalt  }
0x72: {  	_ =	shalt  }
0x73: {  	_ =	shalt  }
0x74: {  	_ =	shalt  }
0x75: {  	_ =	shalt  }
0x76: {  	_ =	shalt  }
0x77: {  	_ =	shalt  }
0x78: {  	_ =	shalt  }
0x79: {  	_ =	shalt  }
0x7a: {  	_ =	shalt  }
0x7b: {  	_ =	shalt  }
0x7c: {  	_ =	shalt  }
0x7d: {  	_ =	shalt  }
0x7e: {  	_ =	shalt  }
0x7f: {  	_ =	shalt  }
0x80: {  	_ =	shalt  }
0x81: {  	_ =	shalt  }
0x82: {  	_ =	shalt  }
0x83: {  	_ =	shalt  }
0x84: {  	_ =	shalt  }
0x85: {  	_ =	shalt  }
0x86: {  	_ =	shalt  }
0x87: {  	_ =	shalt  }
.Lfunc_end0:
.L_simem_size_0:
called_computation.1_lowered:
.L_overlay_start_0:
0x88: {  	s2 =	sld [smem:$0x3FD9]  }
0x89: {  	s3 =	sld [smem:$0x3FFE];
	_ =	sdelay $0x1  }
0x8a: {  	s1 =	srdreg.scid  }
0x8b: {  	s0 =	sand.u32 $0x1, s1  }
0x8c: {  	s17 =	sshll.u32 s0, $0xA;
	s2 =	sadd.s32 s3, s2  }
0x8d: {  	s2 =	sadd.s32 s2, s17  }
0x8e: {  	[smem:$0x3FC2] =	sst s2  }
0x8f: {  	_ = 	snop  }
0x90: {  	s2 =	sld [smem:$0x3FC9]  }
0x91: {  	s18 =	sld [smem:$0x3FC8]  }
0x92: {  	s4 =	sld [smem:$0x3FD0];
	(tm) =	ssettm $0x1  }
0x93: {  	s5 =	sld [smem:$0x3FFB];
	_ =	sdelay $0x3  }
0x94: {  	_ =	strace s5  }
0x95: {  	s5 =	sld [smem:$0x3FFC];
	_ =	sdelay $0x3  }
0x96: {  	_ =	strace s5  }
0x97: {  	s5 =	sld [smem:$0x3FFD];
	_ =	sdelay $0x3  }
0x98: {  	_ =	strace s5  }
0x99: {  	_ =	strace $0x8FFFFFFF  }
0x9a: {  	s19 =	sld [smem:$0x3FDB];
	_ =	sdelay $0x1  }
0x9b: {  	s6 =	simm.s32 $_scs_section_size  }
0x9c: {  	s7 =	simm.s32 $_size__tile_overlayer_lowered;
	s8 =	simm.s32 $_tile_overlayer_lowered  }
0x9d: {  	s22 =	simm.s32 $0x1BFF;
	s21 =	sshll.u32 s8, $0x1;
	s5 =	sadd.s32 s6, s19  }
0x9e: {  	s9 =	simm.s32 $0x0;
	s20 =	sshll.u32 s7, $0x1;
	s7 =	sadd.s32 s21, s5  }
0x9f: {  	[timem:s9], [sflag:s22] =	dma.local [hbm:s7], s20  }
0xa0: {  	_ =	swait.ge [sflag:s22], s20  }
0xa1: {  	s6 =	ssub.s32 $0x0, s20;
	[sflag:s22] =	ssyncset.done $0x0  }
0xa2: {  	[sflag:s22] =	ssyncadd.s32 s6;
	_ =	sdelay $0x1  }
0xa3: {  	s23 =	simm.s32 $0x1B8B  }
0xa4: {  	_ =	swait.ge [sflag:s23], $0x1  }
0xa5: {  	[sflag:s23] =	ssyncset.done $0x0  }
0xa6: {  	s25 =	simm.s32 $0x1B8E;
	s24 =	sld [smem:$0x3FFE];
	[sflag:s23] =	ssyncadd.s32 $0xFFFFFFFF  }
0xa7: {  	s26 =	simm.s32 $execute0_lowered;
	[smem:$0x3FD2] =	sst s25  }
0xa8: {  	s7 =	sshll.u32 s26, $0x1;
	_ =	strace $0x80000049;
	[dreg:$0x1] =	wrdreg $0xFFFFFFFF  }
0xa9: {  	s28 =	simm.s32 $_size_execute0_lowered;
	s5 =	sadd.s32 s5, s7;
	[dreg:$0x0] =	wrdreg $0x0  }
0xaa: {  	s7 =	sshll.u32 s28, $0x1;
	[dreg:$0x2] =	wrdreg s5  }
0xab: {  	[dreg:$0x3] =	wrdreg s7  }
0xac: {  	[dreg:$0x4] =	wrdreg $0xC0  }
0xad: {  	_ =	task [dreg:s9], $0x5FFFF  }
0xae: {  	[dreg:$0x1] =	wrdreg $0xFFFFFFFF  }
0xaf: {  	[dreg:$0x0] =	wrdreg $0x60  }
0xb0: {  	[dreg:$0x2] =	wrdreg s2  }
0xb1: {  	[dreg:$0x3] =	wrdreg s18  }
0xb2: {  	[dreg:$0x4] =	wrdreg s24  }
0xb3: {  	[dreg:$0x5] =	wrdreg s4  }
0xb4: {  	[dreg:$0x6] =	wrdreg $0x9  }
0xb5: {  	_ =	task.clear_ibuf [dreg:s9], $0x7FFFF;
	_ =	strace $0x90000049  }
0xb6: {  	s29 =	simm.s32 $0x9;
	_ =	strace $0x8000004B  }
0xb7: {  	_ =	swait.ge [sflag:s29], $0x1  }
0xb8: {  	[sflag:s29] =	ssyncadd.s32 $0xFFFFFFFF  }
0xb9: {  	_ =	strace $0x9000004B  }
0xba: {  	_ =	sfence  }
0xbb: {  	s30 =	sld [smem:$0x0];
	_ =	sdelay $0x2  }
0xbc: {  	s31 =	sshll.u32 s1, $0xD;
	s1 =	sshrl.u32 s1, $0x2  }
0xbd: {  	s3 =	sand.u32 $0x4000, s31;
	s1 =	sadd.s32 s1, s30  }
0xbe: {  	s0 =	sor.u32 s3, s0;
	s1 =	sshll.u32 s1, $0x11  }
0xbf: {  	s0 =	sor.u32 s1, s0  }
0xc0: {  	s0 =	sadd.s32 $0x8F2B, s0  }
0xc1: {  	[sflag:s0] =	ssyncadd.remote.s32 $0x1  }
0xc2: {  	_ =	sfence.sel $0xFFFF  }
0xc3: {  	[dreg:$0x0] =	wrdreg $0xFFFFFFFF;
	(pc) =	sbr.abs _section_cstart, $3  }
0xc4: {  	[dreg:$0x1] =	wrdreg $0xFFFFFFFF  }
0xc5: {  	_ =	task.clear_ibuf [dreg:s9], $0x2FFFF;
	_ =	strace $0x9FFFFFFF  }
0xc6: {  	(tm) =	ssettm $0x7FFFFFFF  }
0xc7: {  	_ =	shalt  }
tec
execute0_lowered:
.L_overlay_start_1:
0x0: {  	(tag) =	ssettag $0x1  }
0x1: {  	s5 =	rddreg [dreg:$0x0]  }
0x2: {  	s6 =	rddreg [dreg:$0x1]  }
0x3: {  	s7 =	rddreg [dreg:$0x2]  }
0x4: {  	s8 =	rddreg [dreg:$0x3]  }
0x5: {  	s2 =	simm.s32 $0x0;
	s3 =	srdreg.scid;
	s1 =	stileid.u32  }
0x6: {  	s12 =	simm.s32 $0x800;
	s13 =	simm.s32 $0x80;
	s14 =	simm.s32 $0x400  }
0x7: {  	s15 =	simm.s32 $0x600;
	s16 =	simm.s32 $0x480;
	s17 =	simm.s32 $0x280  }
0x8: {  	s18 =	simm.s32 $0x680;
	s19 =	simm.s32 $0x100;
	s20 =	simm.s32 $0x500  }
0x9: {  	s21 =	simm.s32 $0x300;
	s22 =	simm.s32 $0x700;
	s23 =	simm.s32 $0x180  }
0xa: {  	s24 =	simm.s32 $0x580;
	s25 =	simm.s32 $0x380;
	s26 =	simm.s32 $0x780  }
0xb: {  	s28 =	simm.s32 $0x1;
	s29 =	simm.s32 $0x0;
	[smem:$0x7FF] =	sst s2  }
0xc: {  	s3 =	sand.u32 $0x1, s3;
	s4 =	sshll.u32 s1, $0x7;
	_ =	strace $0x8000004A  }
0xd: {  	s9 =	sshll.u32 s3, $0x6;
	s10 =	ssub.s32 $0x2, s3;
	s3 =	sadd.s32 $0xA00, s7  }
0xe: {  	s9 =	sor.u32 s9, s4;
	s11 =	sshrl.u32 s10, $0x1;
	s4 =	sadd.s32 $0x1F400, s7  }
0xf: {  	s7 =	sadd.s32 s9, s7;
	s10 =	ssub.s32 s10, s11;
	s5 =	sadd.s32 s5, s9  }
0x10: {  	s6 =	sadd.s32 s6, s9;
	s8 =	sadd.s32 s8, s9;
	s11 =	simm.s32 $0x200  }
0x11: {  	s7 =	sadd.s32 $0x200, s7;
	s9 =	smax.u32 s10, $0x1;
	s10 =	simm.s32 $0x2  }
.LBB2_1:
0x12: {  	[tilespmem:s2], [sflag:$0x2] =	stream.linear.gather [hbm4b:s5+s2], $0x200, $0x38;
	[tilespmem:$0xA00] =	vst v63  }
0x13: {  	_ =	swait.ge [sflag:s10], $0x200  }
0x14: {  	[sflag:s10] =	ssyncset.done $0x0  }
0x15: {  	[sflag:s10] =	ssyncadd.s32 $0xFFFFFE00  }
0x16: {  	[tilespmem:s11], [sflag:$0x2] =	stream.linear.gather [hbm4b:s6+s2], $0x200, $0x38;
	[tilespmem:$0xA00] =	vst v63  }
0x17: {  	_ =	swait.ge [sflag:s10], $0x200  }
0x18: {  	[sflag:s10] =	ssyncset.done $0x0  }
0x19: {  	[sflag:s10] =	ssyncadd.s32 $0xFFFFFE00  }
0x1a: {  	[tilespmem:s12], [sflag:$0x2] =	stream.linear.gather [hbm4b:s7+s2], $0x200, $0x38;
	[tilespmem:$0xA00] =	vst v63  }
0x1b: {  	_ =	swait.ge [sflag:s10], $0x200  }
0x1c: {  	[sflag:s10] =	ssyncset.done $0x0  }
0x1d: {  	[sflag:s10] =	ssyncadd.s32 $0xFFFFFE00  }
0x1e: {  	[tilespmem:s14], [sflag:$0x1] =	stream.indirect.gather [hbm4b:s3+s13], $0x1, s2, s13, $0xb8;
	[tilespmem:$0xA00] =	vst v63  }
0x1f: {  	_ = 	snop  }
0x20: {  	[tilespmem:s15], [sflag:$0x1] =	stream.indirect.gather [hbm4b:s4+s13], $0x1, s11, s13, $0xb8;
	[tilespmem:$0xA00] =	vst v63  }
0x21: {  	_ = 	snop  }
0x22: {  	[tilespmem:s16], [sflag:$0x1] =	stream.indirect.gather [hbm4b:s3+s13], $0x1, s13, s13, $0xb8;
	[tilespmem:$0xA00] =	vst v63  }
0x23: {  	_ = 	snop  }
0x24: {  	[tilespmem:s18], [sflag:$0x1] =	stream.indirect.gather [hbm4b:s4+s13], $0x1, s17, s13, $0xb8;
	[tilespmem:$0xA00] =	vst v63  }
0x25: {  	_ = 	snop  }
0x26: {  	[tilespmem:s20], [sflag:$0x1] =	stream.indirect.gather [hbm4b:s3+s13], $0x1, s19, s13, $0xb8;
	[tilespmem:$0xA00] =	vst v63  }
0x27: {  	_ = 	snop  }
0x28: {  	[tilespmem:s22], [sflag:$0x1] =	stream.indirect.gather [hbm4b:s4+s13], $0x1, s21, s13, $0xb8;
	[tilespmem:$0xA00] =	vst v63  }
0x29: {  	_ = 	snop  }
0x2a: {  	[tilespmem:s24], [sflag:$0x1] =	stream.indirect.gather [hbm4b:s3+s13], $0x1, s23, s13, $0xb8;
	[tilespmem:$0xA00] =	vst v63  }
0x2b: {  	_ = 	snop  }
0x2c: {  	[tilespmem:s26], [sflag:$0x1] =	stream.indirect.gather [hbm4b:s4+s13], $0x1, s25, s13, $0xb8;
	[tilespmem:$0xA00] =	vst v63  }
0x2d: {  	_ =	swait.ge [sflag:s28], $0x80  }
0x2e: {  	[sflag:s28] =	ssyncset.done $0x0  }
0x2f: {  	[sflag:s28] =	ssyncadd.s32 $0xFFFFFF80  }
0x30: {  	_ =	swait.ge [sflag:s28], $0x80  }
0x31: {  	[sflag:s28] =	ssyncset.done $0x0  }
0x32: {  	[sflag:s28] =	ssyncadd.s32 $0xFFFFFF80  }
0x33: {  	_ =	swait.ge [sflag:s28], $0x80  }
0x34: {  	[sflag:s28] =	ssyncset.done $0x0  }
0x35: {  	[sflag:s28] =	ssyncadd.s32 $0xFFFFFF80  }
0x36: {  	_ =	swait.ge [sflag:s28], $0x80  }
0x37: {  	[sflag:s28] =	ssyncset.done $0x0  }
0x38: {  	[sflag:s28] =	ssyncadd.s32 $0xFFFFFF80  }
0x39: {  	_ =	swait.ge [sflag:s28], $0x80  }
0x3a: {  	[sflag:s28] =	ssyncset.done $0x0  }
0x3b: {  	[sflag:s28] =	ssyncadd.s32 $0xFFFFFF80  }
0x3c: {  	_ =	swait.ge [sflag:s28], $0x80  }
0x3d: {  	[sflag:s28] =	ssyncset.done $0x0  }
0x3e: {  	[sflag:s28] =	ssyncadd.s32 $0xFFFFFF80  }
0x3f: {  	_ =	swait.ge [sflag:s28], $0x80  }
0x40: {  	[sflag:s28] =	ssyncset.done $0x0  }
0x41: {  	[sflag:s28] =	ssyncadd.s32 $0xFFFFFF80  }
0x42: {  	_ =	swait.ge [sflag:s28], $0x80  }
0x43: {  	[sflag:s28] =	ssyncset.done $0x0  }
0x44: {  	s30 =	simm.s32 $0x0;
	[sflag:s28] =	ssyncadd.s32 $0xFFFFFF80  }
0x45: {  	s31 =	simm.s32 $0x40;
	v0 =	vld [tilespmem:s30+$0x400]  }
.LBB2_2:
0x46: {  	p0 =	sne.s32 s31, $0x7C0;
	v1 =	vld [tilespmem:s30+$0x800];
	_ =	sdelay $0x1  }
0x47: {  	v2 =	vld [tilespmem:s30+$0x600];
	_ =	sdelay $0x2  }
0x48: {  	v0 =	vadd.f32 v0, v1;
	_ =	sdelay $0x1  }
0x49: {  	v0 =	vadd.f32 v2, v0;
	_ =	sdelay $0x1  }
0x4a: {  	v0 =	vsub.f32 $0.0e+00, v0;
	_ =	sdelay $0x1  }
0x4b: {  	v0 =	vmul.f32 $1.442695020e+00, v0;
	_ =	sdelay $0x1  }
0x4c: {  	(erf) = vpow2.f32 v0;
	_ =	sdelay $0x8  }
0x4d: {  	v0 =	vpop (erf)  }
0x4e: {  	v0 =	vadd.f32 $1.000000000e+00, v0;
	_ =	sdelay $0x1  }
0x4f: {  	(erf) = vrcp.f32 v0;
	_ =	sdelay $0x8  }
0x50: {  	v0 =	vpop (erf)  }
.Ltmp0:
0x51: {  	v0 =	vmul.f32 $4.000000000e+00, v0;
	(pc) =	sbr.rel @p0 .LBB2_2-.Ltmp0, $4  }
0x52: {  	_ = 	snop  }
0x53: {  	v1 =	vadd.f32 $1.000000000e+00, v0  }
0x54: {  	s0 =	sshra.s32 s31, $0x2  }
0x55: {  	s31 =	sadd.s32 $0x40, s31;
	v0 =	vld [tilespmem:s0+$0x400];
	[tilespmem:s30+$0x800] =	vst v1;
	s30 =	smov.u32 s0  }
0x56: {  	v1 =	vld [tilespmem:s30+$0x800];
	_ =	sdelay $0x1  }
0x57: {  	v2 =	vld [tilespmem:s30+$0x600];
	_ =	sdelay $0x2  }
0x58: {  	v0 =	vadd.f32 v0, v1;
	_ =	sdelay $0x1  }
0x59: {  	v0 =	vadd.f32 v2, v0;
	_ =	sdelay $0x1  }
0x5a: {  	v0 =	vsub.f32 $0.0e+00, v0;
	_ =	sdelay $0x1  }
0x5b: {  	v0 =	vmul.f32 $1.442695020e+00, v0;
	_ =	sdelay $0x1  }
0x5c: {  	(erf) = vpow2.f32 v0;
	_ =	sdelay $0x8  }
0x5d: {  	v0 =	vpop (erf)  }
0x5e: {  	v0 =	vadd.f32 $1.000000000e+00, v0;
	_ =	sdelay $0x1  }
0x5f: {  	(erf) = vrcp.f32 v0;
	_ =	sdelay $0x8  }
0x60: {  	v0 =	vpop (erf)  }
0x61: {  	v0 =	vmul.f32 $4.000000000e+00, v0;
	_ =	sdelay $0x1  }
0x62: {  	s29 =	sadd.s32 $0x1, s29;
	v0 =	vadd.f32 $1.000000000e+00, v0  }
0x63: {  	p0 =	sne.s32 s29, s9  }
.Ltmp1:
0x64: {  	[tilespmem:s30+$0x800] =	vst v0;
	(pc) =	sbr.rel @p0 .LBB2_1-.Ltmp1, $4  }
0x65: {  	[hbm4b:s8+s2] =	stream.linear.scatter [tilespmem:s12], [sflag:$0x2], $0x200, $0x38;
	[tilespmem:$0xA00] =	vst v63  }
0x66: {  	_ =	swait.ge [sflag:s10], $0x200  }
0x67: {  	[sflag:s10] =	ssyncset.done $0x0  }
0x68: {  	[sflag:s10] =	ssyncadd.s32 $0xFFFFFE00  }
0x69: {  	_ =	sfence.sel $0x180000  }
0x6a: {  	[bflag:$0x0] =	sbarrier.arrive $0xFFFF  }
0x6b: {  	_ =	strace $0x9000004A  }
0x6c: {  	[bflag:$0x2] =	sbarrier.arrive $0xFFFF  }
0x6d: {  	p0 =	sne.s32 s1, $0x0;
	s0 =	rddreg [dreg:$0x4]  }
0x6e: {  	s0 =	sadd.s32 @!p0 $0x100000, s0  }
0x6f: {  	[sflag:s0] =	ssyncadd.tile.s32 @!p0 $0x1;
	_ =	shalt  }
.Lfunc_end2:
_tile_overlayer_lowered:
.L_overlay_start_2:
0x70: {  	(tag) =	ssettag $0x2  }
0x71: {  	s0 =	rddreg [dreg:$0x0];
	s2 =	stileid.u32  }
0x72: {  	s1 =	rddreg [dreg:$0x1];
	p0 =	sne.s32 s2, $0x0  }
0x73: {  	s3 =	rddreg [dreg:$0x2];
	[bflag:$0x3] =	sbarrier.arrive $0xFFFF;
	s2 =	simm.s32 @!p0 $0x1C02  }
0x74: {  	[timem:s3], [sflag:s2] =	dma.local @!p0 [hbm:s0], s1  }
0x75: {  	s0 =	simm.s32 @!p0 $0x2  }
0x76: {  	_ =	swait.ge @!p0 [sflag:s0], s1  }
0x77: {  	s1 =	ssub.s32 @!p0 $0x0, s1;
	[sflag:s0] =	ssyncset.done @!p0 $0x0  }
0x78: {  	[sflag:s0] =	ssyncadd.s32 @!p0 s1  }
0x79: {  	[bflag:$0x3] =	sbarrier.arrive $0xFFFF  }
0x7a: {  	_ =	shalt  }

</sc_bundles>
